<compile_context>
chip_gen: v7x
topology: tpu7x:2x2x1
jax: 0.10.2.dev20260603
libtpu: 0.0.44.dev20260713+nightly
codegen_flags: <defaults>
</compile_context>

<pallas_src>
import functools

import jax
import jax.numpy as jnp
from jax import lax
from jax.experimental import pallas as pl
from jax.experimental.pallas import tpu as pltpu
from jax.experimental.pallas import tpu_sc as plsc

B, P, H, D_OUT = 128, 576, 1024, 4096
NSC = 64
NC, NS = 2, 16
NW = NC * NS
SPW = max(NSC // NW, 1)
CHUNK = 24
NBUF = 4
NMASK = P // 16
NSLICE = H // 16


def _pool_body(seg_hbm, feat_hbm, out_hbm, mask_v, idx_v, acc_v,
               stage_v, sem0, sem1, sem2, sem3):
    sems = (sem0, sem1, sem2, sem3)
    wid = lax.axis_index("s") * NC + lax.axis_index("c")
    base_b = wid * SPW

    pltpu.sync_copy(seg_hbm.at[pl.ds(base_b * P, SPW * P)], mask_v)

    zero16i = jnp.zeros((16,), jnp.int32)
    zero16f = jnp.zeros((16,), jnp.float32)
    iota = lax.iota(jnp.int32, 16)

    def init_body(c, carry):
        idx_v[pl.ds(c * 16, 16)] = zero16i
        return carry

    lax.fori_loop(0, NMASK + 1, init_body, jnp.int32(0))

    def sample_body(s, carry):
        b = base_b + s

        def comp_body(c, off):
            m_i = mask_v[pl.ds(s * P + c * 16, 16)]
            m = m_i != 0
            vals = (b * P + c * 16) + iota
            ps = m_i
            for d in (1, 2, 4, 8):
                shifted = ps.at[jnp.maximum(iota - d, 0)].get(
                    mode="promise_in_bounds")
                ps = ps + jnp.where(iota >= d, shifted, 0)
            pos = jnp.where(m, off + ps - 1, P + iota)
            plsc.store_scatter(idx_v, [pos], vals)
            return off + ps[15]

        n_sel = lax.fori_loop(0, NMASK, comp_body, jnp.int32(0))
        denom = jnp.maximum(n_sel, 1).astype(jnp.float32)
        inv_v = jnp.ones((16,), jnp.float32) / jnp.full((16,), denom)

        def zacc_body(k, carry2):
            acc_v[pl.ds(k * 16, 16)] = zero16f
            return carry2

        lax.fori_loop(0, NSLICE, zacc_body, jnp.int32(0))

        nfull = n_sel // CHUNK
        rem = n_sel - nfull * CHUNK
        nch = nfull + jnp.where(rem > 0, 1, 0)

        def fire(ch, j):
            pltpu.async_copy(
                feat_hbm.at[idx_v.at[pl.ds(ch * CHUNK, CHUNK)]],
                stage_v.at[j], sems[j])

        for j in range(NBUF):
            @pl.when(j < nch)
            def _(j=j):
                fire(jnp.int32(j), j)

        def process(ch, j):
            @pl.when(ch < nfull)
            def _():
                def k_body(k, carry3):
                    for kk in range(2):
                        sl = pl.ds((k * 2 + kk) * 16, 16)
                        t = [stage_v[j, r, sl] + stage_v[j, r + 1, sl]
                             for r in range(0, CHUNK, 2)]
                        while len(t) > 1:
                            nxt = [t[i] + t[i + 1]
                                   for i in range(0, len(t) - 1, 2)]
                            if len(t) % 2:
                                nxt.append(t[-1])
                            t = nxt
                        plsc.addupdate(acc_v.at[sl], t[0])
                    return carry3

                lax.fori_loop(0, NSLICE // 2, k_body, jnp.int32(0))

            @pl.when(ch == nfull)
            def _():
                def row_body(r, carry3):
                    def k2_body(k, carry4):
                        sl = pl.ds(k * 16, 16)
                        plsc.addupdate(acc_v.at[sl], stage_v[j, r, sl])
                        return carry4

                    lax.fori_loop(0, NSLICE, k2_body, jnp.int32(0))
                    return carry3

                lax.fori_loop(0, rem, row_body, jnp.int32(0))

        ngrp = (nch + (NBUF - 1)) // NBUF

        def grp_body(g, carry2):
            for j in range(NBUF):
                ch = g * NBUF + j

                @pl.when(ch < nch)
                def _(ch=ch, j=j):
                    pltpu.make_async_copy(
                        feat_hbm.at[idx_v.at[pl.ds(0, CHUNK)]],
                        stage_v.at[j], sems[j]).wait()
                    process(ch, j)

                    @pl.when(ch + NBUF < nch)
                    def _(ch=ch, j=j):
                        fire(ch + NBUF, j)
            return carry2

        lax.fori_loop(0, ngrp, grp_body, jnp.int32(0))

        def scale_body(k, carry2):
            sl = pl.ds(k * 16, 16)
            acc_v[sl] = acc_v[sl] * inv_v
            return carry2

        lax.fori_loop(0, NSLICE, scale_body, jnp.int32(0))
        pltpu.sync_copy(acc_v, out_hbm.at[b])
        return carry

    lax.fori_loop(0, SPW, sample_body, jnp.int32(0))


def _sc_pool(seg_i32, feat_flat):
    mesh = plsc.VectorSubcoreMesh(core_axis_name="c", subcore_axis_name="s",
                                  num_cores=NC, num_subcores=NS)
    f = pl.kernel(
        _pool_body,
        out_type=jax.ShapeDtypeStruct((NSC, H), jnp.float32),
        mesh=mesh,
        compiler_params=pltpu.CompilerParams(needs_layout_passes=False),
        scratch_types=[
            pltpu.VMEM((SPW * P,), jnp.int32),
            pltpu.VMEM((P + 16,), jnp.int32),
            pltpu.VMEM((H,), jnp.float32),
            pltpu.VMEM((NBUF, CHUNK, H), jnp.float32),
            pltpu.SemaphoreType.DMA,
            pltpu.SemaphoreType.DMA,
            pltpu.SemaphoreType.DMA,
            pltpu.SemaphoreType.DMA,
        ],
    )
    return f(seg_i32, feat_flat)


BT = 4


def _tcpool_kernel(seg_ref, feat_ref, o_ref):
    m = seg_ref[:, 0, :]
    cnt = jnp.sum(m, axis=1, keepdims=True)
    cnt = jnp.where(cnt > 0, cnt, jnp.float32(1.0))
    s = jnp.sum(feat_ref[...] * m[:, :, None], axis=1)
    o_ref[:, 0, :] = s / cnt


def _tc_pool(seg_f32, image_features):
    return pl.pallas_call(
        _tcpool_kernel,
        grid=((B - NSC) // BT,),
        in_specs=[
            pl.BlockSpec((BT, 1, P), lambda j: (NSC // BT + j, 0, 0)),
            pl.BlockSpec((BT, P, H), lambda j: (NSC // BT + j, 0, 0)),
        ],
        out_specs=pl.BlockSpec((BT, 1, H), lambda j: (j, 0, 0)),
        out_shape=jax.ShapeDtypeStruct((B - NSC, 1, H), jnp.float32),
    )(seg_f32.reshape(B, 1, P), image_features).reshape(B - NSC, H)


def _mm_kernel(x_ref, w_ref, b_ref, o_ref):
    o_ref[...] = jnp.dot(x_ref[...], w_ref[...],
                         preferred_element_type=jnp.float32) + b_ref[...]


def _tc_project(pooled, W, bias):
    BN = 1024
    return pl.pallas_call(
        _mm_kernel,
        grid=(D_OUT // BN,),
        in_specs=[
            pl.BlockSpec((B, H), lambda j: (0, 0)),
            pl.BlockSpec((H, BN), lambda j: (0, j)),
            pl.BlockSpec((1, BN), lambda j: (0, j)),
        ],
        out_specs=pl.BlockSpec((B, BN), lambda j: (0, j)),
        out_shape=jax.ShapeDtypeStruct((B, D_OUT), jnp.float32),
    )(pooled, W, bias.reshape(1, D_OUT))


@jax.jit
def kernel(segmentations, image_features, W, b):
    seg_i32 = segmentations.reshape(B * P).astype(jnp.int32)
    seg_f32 = segmentations.astype(jnp.float32)
    feat_flat = image_features.reshape(B * P, H)
    if NSC:
        pooled_sc = _sc_pool(seg_i32, feat_flat)
        pooled_tc = _tc_pool(seg_f32, image_features)
        pooled = jnp.concatenate([pooled_sc, pooled_tc], axis=0)
    else:
        pooled = _tc_pool(seg_f32, image_features)
    return _tc_project(pooled, W, b)

# --- scband reference (transcript-rebuilt; emitter-appended) ---
"""Pipeline reference for scband-object-encoder-80229989089359 (READ-ONLY COPY).

The authoritative reference and input builder live on the scoring server;
editing this copy changes nothing except your own understanding.
"""

import jax, jax.numpy as jnp
import numpy as np

B, P, H, D_OUT = 128, 576, 1024, 4096

def setup_inputs(seed: int = 0) -> dict:
    key = jax.random.key(seed)
    k1, k2, k3, k4 = jax.random.split(key, 4)
    segmentations = jax.random.randint(k1, (B, P), 0, 2).astype(jnp.bool_)
    image_features = jax.random.normal(k2, (B, P, H), dtype=jnp.float32)
    # projector params (nn.Linear(1024, 4096)); torch Linear init scale
    bound = 1.0 / np.sqrt(H)
    W = jax.random.uniform(k3, (H, D_OUT), minval=-bound, maxval=bound, dtype=jnp.float32)
    b = jax.random.uniform(k4, (D_OUT,), minval=-bound, maxval=bound, dtype=jnp.float32)
    return {"segmentations": segmentations, "image_features": image_features, "W": W, "b": b}

def reference(segmentations, image_features, W, b):
    # Faithful to torch forward: selecting features[i][seg[i]] then pad_sequence +
    # attention_mask derived from lengths, followed by masked sum / count, is
    # mathematically identical to a masked mean over the patch axis, since the
    # attention mask covers exactly the `lengths[i]` selected (True) positions.
    mask = segmentations.astype(image_features.dtype)[:, :, None]  # [B, P, 1]
    sum_embeddings = jnp.sum(image_features * mask, axis=1)        # [B, H]
    sum_mask = jnp.sum(mask, axis=1)                               # [B, 1]
    sum_mask = jnp.where(sum_mask == 0, jnp.ones_like(sum_mask), sum_mask)
    pooled_output = sum_embeddings / sum_mask                      # [B, H]
    return pooled_output @ W + b                                   # [B, 4096]

if __name__ == "__main__":
    import jax
    _d = setup_inputs()
    print(jax.jit(kernel)(*tuple(_d.values())))

</pallas_src>

<mosaic_0001>
#map = affine_map<(d0, d1) -> (0)>
#map1 = affine_map<(d0, d1) -> (0, 0)>
module attributes {stable_mosaic.version = 14 : i64} {
  func.func @_pool_body(%arg0: i32, %arg1: i32, %arg2: memref<73728xi32, #tpu.memory_space<hbm>>, %arg3: memref<73728x1024xf32, #tpu.memory_space<hbm>>, %arg4: memref<64x1024xf32, #tpu.memory_space<hbm>>, %arg5: memref<1152xi32, #tpu.memory_space<vmem>>, %arg6: memref<592xi32, #tpu.memory_space<vmem>>, %arg7: memref<1024xf32, #tpu.memory_space<vmem>>, %arg8: memref<4x24x1024xf32, #tpu.memory_space<vmem>>, %arg9: memref<!tpu.dma_semaphore, #tpu.memory_space<semaphore_mem>>, %arg10: memref<!tpu.dma_semaphore, #tpu.memory_space<semaphore_mem>>, %arg11: memref<!tpu.dma_semaphore, #tpu.memory_space<semaphore_mem>>, %arg12: memref<!tpu.dma_semaphore, #tpu.memory_space<semaphore_mem>>) attributes {dimension_semantics = [#tpu.dimension_semantics<core_parallel>, #tpu.dimension_semantics<subcore_parallel>], iteration_bounds = array<i64: 2, 16>, scalar_prefetch = 0 : i64, scratch_operands = 8 : i64, tpu.core_type = #tpu.core_type<sc_vector_subcore>, window_params = [{transform_indices = #map}, {transform_indices = #map1}, {transform_indices = #map1}]} {
    %mul3A = arith.constant 2 : i32
    %mul3A_0 = arith.muli %arg1, %mul3A : i32
    %add3A = arith.addi %mul3A_0, %arg0 : i32
    %mul3A_1 = arith.constant 2 : i32
    %mul3A_2 = arith.muli %add3A, %mul3A_1 : i32
    %mul3A_3 = arith.constant 576 : i32
    %mul3A_4 = arith.muli %mul3A_2, %mul3A_3 : i32
    "tpu.region"() ({
      %run_scoped3A = tpu.sem_alloc : memref<!tpu.dma_semaphore, #tpu.memory_space<semaphore_mem>>
      %dma_start3A = tpu.memref_slice %arg2[%mul3A_4] : memref<73728xi32, #tpu.memory_space<hbm>> -> memref<1152xi32, #tpu.memory_space<hbm>>
      %dma_start3A_19 = tpu.memref_slice %arg2[%mul3A_4] : memref<73728xi32, #tpu.memory_space<hbm>> -> memref<1152xi32, #tpu.memory_space<hbm>>
      tpu.enqueue_dma source(%dma_start3A_19 : memref<1152xi32, #tpu.memory_space<hbm>>) target(%arg5 : memref<1152xi32, #tpu.memory_space<vmem>>) target_semaphore(%run_scoped3A : memref<!tpu.dma_semaphore, #tpu.memory_space<semaphore_mem>>)
      %dma_wait3A = tpu.memref_slice %arg2[%mul3A_4] : memref<73728xi32, #tpu.memory_space<hbm>> -> memref<1152xi32, #tpu.memory_space<hbm>>
      %dma_wait3A_20 = tpu.memref_slice %arg2[%mul3A_4] : memref<73728xi32, #tpu.memory_space<hbm>> -> memref<1152xi32, #tpu.memory_space<hbm>>
      tpu.wait_dma2 semaphore(%run_scoped3A : memref<!tpu.dma_semaphore, #tpu.memory_space<semaphore_mem>>) src(%dma_wait3A_20 : memref<1152xi32, #tpu.memory_space<hbm>>) dst(%arg5 : memref<1152xi32, #tpu.memory_space<vmem>>)
      tpu.yield
    }) : () -> ()
    %broadcast_in_dim3A = arith.constant 0 : i32
    %broadcast_in_dim3A_5 = vector.broadcast %broadcast_in_dim3A : i32 to vector<16xi32>
    %broadcast_in_dim3A_6 = arith.constant 0.000000e+00 : f32
    %broadcast_in_dim3A_7 = vector.broadcast %broadcast_in_dim3A_6 : f32 to vector<16xf32>
    %iota3A = tpu.iota {dimensions = array<i32: 0>} : vector<16xi32>
    %scan3A = arith.constant 0 : i32
    %scan3A_8 = arith.constant 0 : i32
    %scan3A_9 = arith.constant 37 : i32
    %scan3A_10 = arith.addi %scan3A_8, %scan3A_9 : i32
    %scan3A_11 = arith.constant 1 : i32
    scf.for %scan3A_19 = %scan3A_8 to %scan3A_10 step %scan3A_11  : i32 {
      %mul3A_20 = arith.constant 16 : i32
      %mul3A_21 = arith.muli %scan3A_19, %mul3A_20 : i32
      %swap3A = arith.index_cast %mul3A_21 : i32 to index
      %swap3A_22 = tpu.vector_load %arg6[%swap3A] {strides = array<i32>} : memref<592xi32, #tpu.memory_space<vmem>>, vector<16xi32>,
      tpu.vector_store %arg6[%swap3A], %broadcast_in_dim3A_5 {strides = array<i32>} : memref<592xi32, #tpu.memory_space<vmem>>, vector<16xi32>,
    }
    %scan3A_12 = arith.constant 37 : i32
    %scan3A_13 = arith.constant 0 : i32
    %scan3A_14 = arith.constant 0 : i32
    %scan3A_15 = arith.constant 2 : i32
    %scan3A_16 = arith.addi %scan3A_14, %scan3A_15 : i32
    %scan3A_17 = arith.constant 1 : i32
    scf.for %scan3A_19 = %scan3A_14 to %scan3A_16 step %scan3A_17  : i32 {
      %add3A_20 = arith.addi %mul3A_2, %scan3A_19 : i32
      %scan3A_21 = arith.constant 0 : i32
      %scan3A_22 = arith.constant 0 : i32
      %scan3A_23 = arith.constant 36 : i32
      %scan3A_24 = arith.addi %scan3A_22, %scan3A_23 : i32
      %scan3A_25 = arith.constant 1 : i32
      %scan3A_26 = scf.for %scan3A_123 = %scan3A_22 to %scan3A_24 step %scan3A_25 iter_args(%scan3A_124 = %scan3A_21) -> (i32)  : i32 {
        %mul3A_125 = arith.constant 576 : i32
        %mul3A_126 = arith.muli %scan3A_19, %mul3A_125 : i32
        %mul3A_127 = arith.constant 16 : i32
        %mul3A_128 = arith.muli %scan3A_123, %mul3A_127 : i32
        %add3A_129 = arith.addi %mul3A_126, %mul3A_128 : i32
        %get3A = arith.index_cast %add3A_129 : i32 to index
        %get3A_130 = tpu.vector_load %arg5[%get3A] {strides = array<i32>} : memref<1152xi32, #tpu.memory_space<vmem>>, vector<16xi32>,
        %ne3A_131 = arith.constant 0 : i32
        %ne3A_132 = vector.broadcast %ne3A_131 : i32 to vector<16xi32>
        %ne3A_133 = arith.cmpi ne, %get3A_130, %ne3A_132 : vector<16xi32>
        %mul3A_134 = arith.constant 576 : i32
        %mul3A_135 = arith.muli %add3A_20, %mul3A_134 : i32
        %mul3A_136 = arith.constant 16 : i32
        %mul3A_137 = arith.muli %scan3A_123, %mul3A_136 : i32
        %add3A_138 = arith.addi %mul3A_135, %mul3A_137 : i32
        %add3A_139 = vector.broadcast %add3A_138 : i32 to vector<16xi32>
        %add3A_140 = arith.addi %add3A_139, %iota3A : vector<16xi32>
        %sub3A_141 = arith.constant 1 : i32
        %sub3A_142 = vector.broadcast %sub3A_141 : i32 to vector<16xi32>
        %sub3A_143 = arith.subi %iota3A, %sub3A_142 : vector<16xi32>
        %max3A_144 = arith.constant 0 : i32
        %max3A_145 = vector.broadcast %max3A_144 : i32 to vector<16xi32>
        %max3A_146 = arith.maxsi %sub3A_143, %max3A_145 : vector<16xi32>
        %lt3A = arith.constant 0 : i32
        %lt3A_147 = vector.broadcast %lt3A : i32 to vector<16xi32>
        %lt3A_148 = arith.cmpi slt, %max3A_146, %lt3A_147 : vector<16xi32>
        %add3A_149 = arith.constant 16 : i32
        %add3A_150 = vector.broadcast %add3A_149 : i32 to vector<16xi32>
        %add3A_151 = arith.addi %max3A_146, %add3A_150 : vector<16xi32>
        %select_n3A_152 = arith.select %lt3A_148, %add3A_151, %max3A_146 : vector<16xi1>, vector<16xi32>
        %broadcast_in_dim3A_153 = vector.shape_cast %select_n3A_152 : vector<16xi32> to vector<16x1xi32>
        %gather3A = vector.shape_cast %broadcast_in_dim3A_153 : vector<16x1xi32> to vector<16xi32>
        %gather3A_154 = tpu.dynamic_gather %get3A_130[%gather3A] in [0] : vector<16xi32>, vector<16xi32> -> vector<16xi32>
        %ge3A = arith.constant 1 : i32
        %ge3A_155 = vector.broadcast %ge3A : i32 to vector<16xi32>
        %ge3A_156 = arith.cmpi sge, %iota3A, %ge3A_155 : vector<16xi32>
        %jit3A_157 = arith.constant 0 : i32
        %broadcast_in_dim3A_158 = vector.broadcast %jit3A_157 : i32 to vector<16xi32>
        %select_n3A_159 = arith.select %ge3A_156, %gather3A_154, %broadcast_in_dim3A_158 : vector<16xi1>, vector<16xi32>
        %add3A_160 = arith.addi %get3A_130, %select_n3A_159 : vector<16xi32>
        %sub3A_161 = arith.constant 2 : i32
        %sub3A_162 = vector.broadcast %sub3A_161 : i32 to vector<16xi32>
        %sub3A_163 = arith.subi %iota3A, %sub3A_162 : vector<16xi32>
        %max3A_164 = arith.constant 0 : i32
        %max3A_165 = vector.broadcast %max3A_164 : i32 to vector<16xi32>
        %max3A_166 = arith.maxsi %sub3A_163, %max3A_165 : vector<16xi32>
        %lt3A_167 = arith.constant 0 : i32
        %lt3A_168 = vector.broadcast %lt3A_167 : i32 to vector<16xi32>
        %lt3A_169 = arith.cmpi slt, %max3A_166, %lt3A_168 : vector<16xi32>
        %add3A_170 = arith.constant 16 : i32
        %add3A_171 = vector.broadcast %add3A_170 : i32 to vector<16xi32>
        %add3A_172 = arith.addi %max3A_166, %add3A_171 : vector<16xi32>
        %select_n3A_173 = arith.select %lt3A_169, %add3A_172, %max3A_166 : vector<16xi1>, vector<16xi32>
        %broadcast_in_dim3A_174 = vector.shape_cast %select_n3A_173 : vector<16xi32> to vector<16x1xi32>
        %gather3A_175 = vector.shape_cast %broadcast_in_dim3A_174 : vector<16x1xi32> to vector<16xi32>
        %gather3A_176 = tpu.dynamic_gather %add3A_160[%gather3A_175] in [0] : vector<16xi32>, vector<16xi32> -> vector<16xi32>
        %ge3A_177 = arith.constant 2 : i32
        %ge3A_178 = vector.broadcast %ge3A_177 : i32 to vector<16xi32>
        %ge3A_179 = arith.cmpi sge, %iota3A, %ge3A_178 : vector<16xi32>
        %jit3A_180 = arith.constant 0 : i32
        %broadcast_in_dim3A_181 = vector.broadcast %jit3A_180 : i32 to vector<16xi32>
        %select_n3A_182 = arith.select %ge3A_179, %gather3A_176, %broadcast_in_dim3A_181 : vector<16xi1>, vector<16xi32>
        %add3A_183 = arith.addi %add3A_160, %select_n3A_182 : vector<16xi32>
        %sub3A_184 = arith.constant 4 : i32
        %sub3A_185 = vector.broadcast %sub3A_184 : i32 to vector<16xi32>
        %sub3A_186 = arith.subi %iota3A, %sub3A_185 : vector<16xi32>
        %max3A_187 = arith.constant 0 : i32
        %max3A_188 = vector.broadcast %max3A_187 : i32 to vector<16xi32>
        %max3A_189 = arith.maxsi %sub3A_186, %max3A_188 : vector<16xi32>
        %lt3A_190 = arith.constant 0 : i32
        %lt3A_191 = vector.broadcast %lt3A_190 : i32 to vector<16xi32>
        %lt3A_192 = arith.cmpi slt, %max3A_189, %lt3A_191 : vector<16xi32>
        %add3A_193 = arith.constant 16 : i32
        %add3A_194 = vector.broadcast %add3A_193 : i32 to vector<16xi32>
        %add3A_195 = arith.addi %max3A_189, %add3A_194 : vector<16xi32>
        %select_n3A_196 = arith.select %lt3A_192, %add3A_195, %max3A_189 : vector<16xi1>, vector<16xi32>
        %broadcast_in_dim3A_197 = vector.shape_cast %select_n3A_196 : vector<16xi32> to vector<16x1xi32>
        %gather3A_198 = vector.shape_cast %broadcast_in_dim3A_197 : vector<16x1xi32> to vector<16xi32>
        %gather3A_199 = tpu.dynamic_gather %add3A_183[%gather3A_198] in [0] : vector<16xi32>, vector<16xi32> -> vector<16xi32>
        %ge3A_200 = arith.constant 4 : i32
        %ge3A_201 = vector.broadcast %ge3A_200 : i32 to vector<16xi32>
        %ge3A_202 = arith.cmpi sge, %iota3A, %ge3A_201 : vector<16xi32>
        %jit3A_203 = arith.constant 0 : i32
        %broadcast_in_dim3A_204 = vector.broadcast %jit3A_203 : i32 to vector<16xi32>
        %select_n3A_205 = arith.select %ge3A_202, %gather3A_199, %broadcast_in_dim3A_204 : vector<16xi1>, vector<16xi32>
        %add3A_206 = arith.addi %add3A_183, %select_n3A_205 : vector<16xi32>
        %sub3A_207 = arith.constant 8 : i32
        %sub3A_208 = vector.broadcast %sub3A_207 : i32 to vector<16xi32>
        %sub3A_209 = arith.subi %iota3A, %sub3A_208 : vector<16xi32>
        %max3A_210 = arith.constant 0 : i32
        %max3A_211 = vector.broadcast %max3A_210 : i32 to vector<16xi32>
        %max3A_212 = arith.maxsi %sub3A_209, %max3A_211 : vector<16xi32>
        %lt3A_213 = arith.constant 0 : i32
        %lt3A_214 = vector.broadcast %lt3A_213 : i32 to vector<16xi32>
        %lt3A_215 = arith.cmpi slt, %max3A_212, %lt3A_214 : vector<16xi32>
        %add3A_216 = arith.constant 16 : i32
        %add3A_217 = vector.broadcast %add3A_216 : i32 to vector<16xi32>
        %add3A_218 = arith.addi %max3A_212, %add3A_217 : vector<16xi32>
        %select_n3A_219 = arith.select %lt3A_215, %add3A_218, %max3A_212 : vector<16xi1>, vector<16xi32>
        %broadcast_in_dim3A_220 = vector.shape_cast %select_n3A_219 : vector<16xi32> to vector<16x1xi32>
        %gather3A_221 = vector.shape_cast %broadcast_in_dim3A_220 : vector<16x1xi32> to vector<16xi32>
        %gather3A_222 = tpu.dynamic_gather %add3A_206[%gather3A_221] in [0] : vector<16xi32>, vector<16xi32> -> vector<16xi32>
        %ge3A_223 = arith.constant 8 : i32
        %ge3A_224 = vector.broadcast %ge3A_223 : i32 to vector<16xi32>
        %ge3A_225 = arith.cmpi sge, %iota3A, %ge3A_224 : vector<16xi32>
        %jit3A_226 = arith.constant 0 : i32
        %broadcast_in_dim3A_227 = vector.broadcast %jit3A_226 : i32 to vector<16xi32>
        %select_n3A_228 = arith.select %ge3A_225, %gather3A_222, %broadcast_in_dim3A_227 : vector<16xi1>, vector<16xi32>
        %add3A_229 = arith.addi %add3A_206, %select_n3A_228 : vector<16xi32>
        %add3A_230 = vector.broadcast %scan3A_124 : i32 to vector<16xi32>
        %add3A_231 = arith.addi %add3A_230, %add3A_229 : vector<16xi32>
        %sub3A_232 = arith.constant 1 : i32
        %sub3A_233 = vector.broadcast %sub3A_232 : i32 to vector<16xi32>
        %sub3A_234 = arith.subi %add3A_231, %sub3A_233 : vector<16xi32>
        %add3A_235 = arith.constant 576 : i32
        %add3A_236 = vector.broadcast %add3A_235 : i32 to vector<16xi32>
        %add3A_237 = arith.addi %add3A_236, %iota3A : vector<16xi32>
        %select_n3A_238 = arith.select %ne3A_133, %sub3A_234, %add3A_237 : vector<16xi1>, vector<16xi32>
        tpu.vector_store_idx %arg6[%select_n3A_238], %add3A_140 : memref<592xi32, #tpu.memory_space<vmem>>[vector<16xi32>], vector<16xi32>,
        %slice3A = vector.extract_strided_slice %add3A_229 {offsets = [15], sizes = [1], strides = [1]} : vector<16xi32> to vector<1xi32>
        %squeeze3A = vector.extract %slice3A[0] : i32 from vector<1xi32>
        %add3A_239 = arith.addi %scan3A_124, %squeeze3A : i32
        scf.yield %add3A_239 : i32
      }
      %scan3A_27 = arith.constant 36 : i32
      %max3A = arith.constant 1 : i32
      %max3A_28 = arith.maxsi %scan3A_26, %max3A : i32
      %convert_element_type3A = arith.sitofp %max3A_28 : i32 to f32
      %broadcast_in_dim3A_29 = arith.constant 1.000000e+00 : f32
      %broadcast_in_dim3A_30 = vector.broadcast %broadcast_in_dim3A_29 : f32 to vector<16xf32>
      %broadcast_in_dim3A_31 = vector.broadcast %convert_element_type3A : f32 to vector<16xf32>
      %div3A = arith.divf %broadcast_in_dim3A_30, %broadcast_in_dim3A_31 : vector<16xf32>
      %scan3A_32 = arith.constant 0 : i32
      %scan3A_33 = arith.constant 0 : i32
      %scan3A_34 = arith.constant 64 : i32
      %scan3A_35 = arith.addi %scan3A_33, %scan3A_34 : i32
      %scan3A_36 = arith.constant 1 : i32
      scf.for %scan3A_123 = %scan3A_33 to %scan3A_35 step %scan3A_36  : i32 {
        %mul3A_124 = arith.constant 16 : i32
        %mul3A_125 = arith.muli %scan3A_123, %mul3A_124 : i32
        %swap3A = arith.index_cast %mul3A_125 : i32 to index
        %swap3A_126 = tpu.vector_load %arg7[%swap3A] {strides = array<i32>} : memref<1024xf32, #tpu.memory_space<vmem>>, vector<16xf32>,
        tpu.vector_store %arg7[%swap3A], %broadcast_in_dim3A_7 {strides = array<i32>} : memref<1024xf32, #tpu.memory_space<vmem>>, vector<16xf32>,
      }
      %scan3A_37 = arith.constant 64 : i32
      %jit3A = arith.constant 24 : i32
      %div3A_38 = arith.divsi %scan3A_26, %jit3A : i32
      %sign3A = arith.constant 0 : i32
      %sign3A_39 = arith.cmpi sgt, %scan3A_26, %sign3A : i32
      %sign3A_40 = arith.extui %sign3A_39 : i1 to i32
      %sign3A_41 = arith.constant 0 : i32
      %sign3A_42 = arith.cmpi slt, %scan3A_26, %sign3A_41 : i32
      %sign3A_43 = arith.extui %sign3A_42 : i1 to i32
      %sign3A_44 = arith.subi %sign3A_40, %sign3A_43 : i32
      %sign3A_45 = arith.constant 0 : i32
      %sign3A_46 = arith.cmpi sgt, %jit3A, %sign3A_45 : i32
      %sign3A_47 = arith.extui %sign3A_46 : i1 to i32
      %sign3A_48 = arith.constant 0 : i32
      %sign3A_49 = arith.cmpi slt, %jit3A, %sign3A_48 : i32
      %sign3A_50 = arith.extui %sign3A_49 : i1 to i32
      %sign3A_51 = arith.subi %sign3A_47, %sign3A_50 : i32
      %ne3A = arith.cmpi ne, %sign3A_44, %sign3A_51 : i32
      %rem3A = arith.remsi %scan3A_26, %jit3A : i32
      %ne3A_52 = arith.constant 0 : i32
      %ne3A_53 = arith.cmpi ne, %rem3A, %ne3A_52 : i32
      %and3A = arith.andi %ne3A, %ne3A_53 : i1
      %sub3A = arith.constant 1 : i32
      %sub3A_54 = arith.subi %div3A_38, %sub3A : i32
      %select_n3A = arith.select %and3A, %sub3A_54, %div3A_38 : i32
      %mul3A_55 = arith.constant 24 : i32
      %mul3A_56 = arith.muli %select_n3A, %mul3A_55 : i32
      %sub3A_57 = arith.subi %scan3A_26, %mul3A_56 : i32
      %gt3A = arith.constant 0 : i32
      %gt3A_58 = arith.cmpi sgt, %sub3A_57, %gt3A : i32
      %jit3A_59 = arith.constant 1 : i32
      %jit3A_60 = arith.constant 0 : i32
      %select_n3A_61 = arith.select %gt3A_58, %jit3A_59, %jit3A_60 : i32
      %add3A_62 = arith.addi %select_n3A, %select_n3A_61 : i32
      %gt3A_63 = arith.constant 0 : i32
      %gt3A_64 = arith.cmpi sgt, %add3A_62, %gt3A_63 : i32
      %convert_element_type3A_65 = arith.extui %gt3A_64 : i1 to i32
      %cond3A = arith.constant 0 : i32
      %cond3A_66 = arith.cmpi ne, %convert_element_type3A_65, %cond3A : i32
      scf.if %cond3A_66 {
        %mul3A_123 = arith.constant 0 : i32
        %mul3A_124 = arith.constant 24 : i32
        %mul3A_125 = arith.muli %mul3A_123, %mul3A_124 : i32
        %dma_start3A = arith.constant 0 : i32
        %dma_start3A_126 = arith.constant 0 : i32
        %dma_start3A_127 = arith.constant 0 : i32
        %dma_start3A_128 = tpu.memref_slice %arg8[%dma_start3A, %dma_start3A_126, %dma_start3A_127] : memref<4x24x1024xf32, #tpu.memory_space<vmem>> -> memref<1x24x1024xf32, #tpu.memory_space<vmem>>
        %dma_start3A_129 = tpu.memref_squeeze %dma_start3A_128 : memref<1x24x1024xf32, #tpu.memory_space<vmem>> -> memref<24x1024xf32, #tpu.memory_space<vmem>>
        %dma_start3A_130 = tpu.memref_slice %arg6[%mul3A_125] : memref<592xi32, #tpu.memory_space<vmem>> -> memref<24xi32, #tpu.memory_space<vmem>>
        %dma_start3A_131 = arith.constant 0 : i32
        %dma_start3A_132 = arith.constant 0 : i32
        %dma_start3A_133 = tpu.memref_slice %arg3[%dma_start3A_131, %dma_start3A_132] : memref<73728x1024xf32, #tpu.memory_space<hbm>> -> memref<73728x1024xf32, #tpu.memory_space<hbm>>
        tpu.enqueue_indirect_dma source(%dma_start3A_133 : memref<73728x1024xf32, #tpu.memory_space<hbm>>) target(%dma_start3A_129 : memref<24x1024xf32, #tpu.memory_space<vmem>>) offsets(%dma_start3A_130 : memref<24xi32, #tpu.memory_space<vmem>>) semaphore(%arg9 : memref<!tpu.dma_semaphore, #tpu.memory_space<semaphore_mem>>)
      } else {
      }
      %gt3A_67 = arith.constant 1 : i32
      %gt3A_68 = arith.cmpi sgt, %add3A_62, %gt3A_67 : i32
      %convert_element_type3A_69 = arith.extui %gt3A_68 : i1 to i32
      %cond3A_70 = arith.constant 0 : i32
      %cond3A_71 = arith.cmpi ne, %convert_element_type3A_69, %cond3A_70 : i32
      scf.if %cond3A_71 {
        %mul3A_123 = arith.constant 1 : i32
        %mul3A_124 = arith.constant 24 : i32
        %mul3A_125 = arith.muli %mul3A_123, %mul3A_124 : i32
        %dma_start3A = arith.constant 1 : i32
        %dma_start3A_126 = arith.constant 0 : i32
        %dma_start3A_127 = arith.constant 0 : i32
        %dma_start3A_128 = tpu.memref_slice %arg8[%dma_start3A, %dma_start3A_126, %dma_start3A_127] : memref<4x24x1024xf32, #tpu.memory_space<vmem>> -> memref<1x24x1024xf32, #tpu.memory_space<vmem>>
        %dma_start3A_129 = tpu.memref_squeeze %dma_start3A_128 : memref<1x24x1024xf32, #tpu.memory_space<vmem>> -> memref<24x1024xf32, #tpu.memory_space<vmem>>
        %dma_start3A_130 = tpu.memref_slice %arg6[%mul3A_125] : memref<592xi32, #tpu.memory_space<vmem>> -> memref<24xi32, #tpu.memory_space<vmem>>
        %dma_start3A_131 = arith.constant 0 : i32
        %dma_start3A_132 = arith.constant 0 : i32
        %dma_start3A_133 = tpu.memref_slice %arg3[%dma_start3A_131, %dma_start3A_132] : memref<73728x1024xf32, #tpu.memory_space<hbm>> -> memref<73728x1024xf32, #tpu.memory_space<hbm>>
        tpu.enqueue_indirect_dma source(%dma_start3A_133 : memref<73728x1024xf32, #tpu.memory_space<hbm>>) target(%dma_start3A_129 : memref<24x1024xf32, #tpu.memory_space<vmem>>) offsets(%dma_start3A_130 : memref<24xi32, #tpu.memory_space<vmem>>) semaphore(%arg10 : memref<!tpu.dma_semaphore, #tpu.memory_space<semaphore_mem>>)
      } else {
      }
      %gt3A_72 = arith.constant 2 : i32
      %gt3A_73 = arith.cmpi sgt, %add3A_62, %gt3A_72 : i32
      %convert_element_type3A_74 = arith.extui %gt3A_73 : i1 to i32
      %cond3A_75 = arith.constant 0 : i32
      %cond3A_76 = arith.cmpi ne, %convert_element_type3A_74, %cond3A_75 : i32
      scf.if %cond3A_76 {
        %mul3A_123 = arith.constant 2 : i32
        %mul3A_124 = arith.constant 24 : i32
        %mul3A_125 = arith.muli %mul3A_123, %mul3A_124 : i32
        %dma_start3A = arith.constant 2 : i32
        %dma_start3A_126 = arith.constant 0 : i32
        %dma_start3A_127 = arith.constant 0 : i32
        %dma_start3A_128 = tpu.memref_slice %arg8[%dma_start3A, %dma_start3A_126, %dma_start3A_127] : memref<4x24x1024xf32, #tpu.memory_space<vmem>> -> memref<1x24x1024xf32, #tpu.memory_space<vmem>>
        %dma_start3A_129 = tpu.memref_squeeze %dma_start3A_128 : memref<1x24x1024xf32, #tpu.memory_space<vmem>> -> memref<24x1024xf32, #tpu.memory_space<vmem>>
        %dma_start3A_130 = tpu.memref_slice %arg6[%mul3A_125] : memref<592xi32, #tpu.memory_space<vmem>> -> memref<24xi32, #tpu.memory_space<vmem>>
        %dma_start3A_131 = arith.constant 0 : i32
        %dma_start3A_132 = arith.constant 0 : i32
        %dma_start3A_133 = tpu.memref_slice %arg3[%dma_start3A_131, %dma_start3A_132] : memref<73728x1024xf32, #tpu.memory_space<hbm>> -> memref<73728x1024xf32, #tpu.memory_space<hbm>>
        tpu.enqueue_indirect_dma source(%dma_start3A_133 : memref<73728x1024xf32, #tpu.memory_space<hbm>>) target(%dma_start3A_129 : memref<24x1024xf32, #tpu.memory_space<vmem>>) offsets(%dma_start3A_130 : memref<24xi32, #tpu.memory_space<vmem>>) semaphore(%arg11 : memref<!tpu.dma_semaphore, #tpu.memory_space<semaphore_mem>>)
      } else {
      }
      %gt3A_77 = arith.constant 3 : i32
      %gt3A_78 = arith.cmpi sgt, %add3A_62, %gt3A_77 : i32
      %convert_element_type3A_79 = arith.extui %gt3A_78 : i1 to i32
      %cond3A_80 = arith.constant 0 : i32
      %cond3A_81 = arith.cmpi ne, %convert_element_type3A_79, %cond3A_80 : i32
      scf.if %cond3A_81 {
        %mul3A_123 = arith.constant 3 : i32
        %mul3A_124 = arith.constant 24 : i32
        %mul3A_125 = arith.muli %mul3A_123, %mul3A_124 : i32
        %dma_start3A = arith.constant 3 : i32
        %dma_start3A_126 = arith.constant 0 : i32
        %dma_start3A_127 = arith.constant 0 : i32
        %dma_start3A_128 = tpu.memref_slice %arg8[%dma_start3A, %dma_start3A_126, %dma_start3A_127] : memref<4x24x1024xf32, #tpu.memory_space<vmem>> -> memref<1x24x1024xf32, #tpu.memory_space<vmem>>
        %dma_start3A_129 = tpu.memref_squeeze %dma_start3A_128 : memref<1x24x1024xf32, #tpu.memory_space<vmem>> -> memref<24x1024xf32, #tpu.memory_space<vmem>>
        %dma_start3A_130 = tpu.memref_slice %arg6[%mul3A_125] : memref<592xi32, #tpu.memory_space<vmem>> -> memref<24xi32, #tpu.memory_space<vmem>>
        %dma_start3A_131 = arith.constant 0 : i32
        %dma_start3A_132 = arith.constant 0 : i32
        %dma_start3A_133 = tpu.memref_slice %arg3[%dma_start3A_131, %dma_start3A_132] : memref<73728x1024xf32, #tpu.memory_space<hbm>> -> memref<73728x1024xf32, #tpu.memory_space<hbm>>
        tpu.enqueue_indirect_dma source(%dma_start3A_133 : memref<73728x1024xf32, #tpu.memory_space<hbm>>) target(%dma_start3A_129 : memref<24x1024xf32, #tpu.memory_space<vmem>>) offsets(%dma_start3A_130 : memref<24xi32, #tpu.memory_space<vmem>>) semaphore(%arg12 : memref<!tpu.dma_semaphore, #tpu.memory_space<semaphore_mem>>)
      } else {
      }
      %add3A_82 = arith.constant 3 : i32
      %add3A_83 = arith.addi %add3A_62, %add3A_82 : i32
      %jit3A_84 = arith.constant 4 : i32
      %div3A_85 = arith.divsi %add3A_83, %jit3A_84 : i32
      %sign3A_86 = arith.constant 0 : i32
      %sign3A_87 = arith.cmpi sgt, %add3A_83, %sign3A_86 : i32
      %sign3A_88 = arith.extui %sign3A_87 : i1 to i32
      %sign3A_89 = arith.constant 0 : i32
      %sign3A_90 = arith.cmpi slt, %add3A_83, %sign3A_89 : i32
      %sign3A_91 = arith.extui %sign3A_90 : i1 to i32
      %sign3A_92 = arith.subi %sign3A_88, %sign3A_91 : i32
      %sign3A_93 = arith.constant 0 : i32
      %sign3A_94 = arith.cmpi sgt, %jit3A_84, %sign3A_93 : i32
      %sign3A_95 = arith.extui %sign3A_94 : i1 to i32
      %sign3A_96 = arith.constant 0 : i32
      %sign3A_97 = arith.cmpi slt, %jit3A_84, %sign3A_96 : i32
      %sign3A_98 = arith.extui %sign3A_97 : i1 to i32
      %sign3A_99 = arith.subi %sign3A_95, %sign3A_98 : i32
      %ne3A_100 = arith.cmpi ne, %sign3A_92, %sign3A_99 : i32
      %rem3A_101 = arith.remsi %add3A_83, %jit3A_84 : i32
      %ne3A_102 = arith.constant 0 : i32
      %ne3A_103 = arith.cmpi ne, %rem3A_101, %ne3A_102 : i32
      %and3A_104 = arith.andi %ne3A_100, %ne3A_103 : i1
      %sub3A_105 = arith.constant 1 : i32
      %sub3A_106 = arith.subi %div3A_85, %sub3A_105 : i32
      %select_n3A_107 = arith.select %and3A_104, %sub3A_106, %div3A_85 : i32
      %while3A = arith.constant 0 : i32
      %while3A_108 = arith.constant 0 : i32
      %while3A_109 = arith.subi %select_n3A_107, %while3A_108 : i32
      %while3A_110 = arith.addi %while3A_108, %while3A_109 : i32
      %while3A_111 = arith.constant 1 : i32
      %while3A_112 = arith.divsi %while3A_109, %while3A_111 : i32
      %while3A_113 = arith.muli %while3A_112, %while3A_111 : i32
      %while3A_114 = arith.addi %while3A_108, %while3A_113 : i32
      %while3A_115 = arith.constant 1 : i32
      scf.for %while3A_123 = %while3A_108 to %while3A_114 step %while3A_115  : i32 {
        %mul3A_124 = arith.constant 4 : i32
        %mul3A_125 = arith.muli %while3A_123, %mul3A_124 : i32
        %add3A_126 = arith.constant 0 : i32
        %add3A_127 = arith.addi %mul3A_125, %add3A_126 : i32
        %lt3A = arith.cmpi slt, %add3A_127, %add3A_62 : i32
        %convert_element_type3A_128 = arith.extui %lt3A : i1 to i32
        %cond3A_129 = arith.constant 0 : i32
        %cond3A_130 = arith.cmpi ne, %convert_element_type3A_128, %cond3A_129 : i32
        scf.if %cond3A_130 {
          %dma_wait3A = arith.constant 0 : i32
          %dma_wait3A_155 = arith.constant 0 : i32
          %dma_wait3A_156 = arith.constant 0 : i32
          %dma_wait3A_157 = tpu.memref_slice %arg8[%dma_wait3A, %dma_wait3A_155, %dma_wait3A_156] : memref<4x24x1024xf32, #tpu.memory_space<vmem>> -> memref<1x24x1024xf32, #tpu.memory_space<vmem>>
          %dma_wait3A_158 = tpu.memref_squeeze %dma_wait3A_157 : memref<1x24x1024xf32, #tpu.memory_space<vmem>> -> memref<24x1024xf32, #tpu.memory_space<vmem>>
          %dma_wait3A_159 = arith.constant 0 : i32
          %dma_wait3A_160 = tpu.memref_slice %arg6[%dma_wait3A_159] : memref<592xi32, #tpu.memory_space<vmem>> -> memref<24xi32, #tpu.memory_space<vmem>>
          %dma_wait3A_161 = arith.constant 0 : i32
          %dma_wait3A_162 = arith.constant 0 : i32
          %dma_wait3A_163 = tpu.memref_slice %arg3[%dma_wait3A_161, %dma_wait3A_162] : memref<73728x1024xf32, #tpu.memory_space<hbm>> -> memref<73728x1024xf32, #tpu.memory_space<hbm>>
          tpu.wait_indirect_dma semaphore(%arg9 : memref<!tpu.dma_semaphore, #tpu.memory_space<semaphore_mem>>) src(%dma_wait3A_163 : memref<73728x1024xf32, #tpu.memory_space<hbm>>) dst(%dma_wait3A_158 : memref<24x1024xf32, #tpu.memory_space<vmem>>)
          %lt3A_164 = arith.cmpi slt, %add3A_127, %select_n3A : i32
          %convert_element_type3A_165 = arith.extui %lt3A_164 : i1 to i32
          %cond3A_166 = arith.constant 0 : i32
          %cond3A_167 = arith.cmpi ne, %convert_element_type3A_165, %cond3A_166 : i32
          scf.if %cond3A_167 {
            %scan3A_177 = arith.constant 0 : i32
            %scan3A_178 = arith.constant 0 : i32
            %scan3A_179 = arith.constant 32 : i32
            %scan3A_180 = arith.addi %scan3A_178, %scan3A_179 : i32
            %scan3A_181 = arith.constant 1 : i32
            scf.for %scan3A_183 = %scan3A_178 to %scan3A_180 step %scan3A_181  : i32 {
              %mul3A_184 = arith.constant 2 : i32
              %mul3A_185 = arith.muli %scan3A_183, %mul3A_184 : i32
              %add3A_186 = arith.constant 0 : i32
              %add3A_187 = arith.addi %mul3A_185, %add3A_186 : i32
              %mul3A_188 = arith.constant 16 : i32
              %mul3A_189 = arith.muli %add3A_187, %mul3A_188 : i32
              %get3A = arith.constant 0 : i32
              %get3A_190 = arith.constant 0 : i32
              %get3A_191 = arith.index_cast %get3A : i32 to index
              %get3A_192 = arith.index_cast %get3A_190 : i32 to index
              %get3A_193 = arith.index_cast %mul3A_189 : i32 to index
              %get3A_194 = tpu.vector_load %arg8[%get3A_191, %get3A_192, %get3A_193] {strides = array<i32>} : memref<4x24x1024xf32, #tpu.memory_space<vmem>>, vector<16xf32>,
              %get3A_195 = arith.constant 0 : i32
              %get3A_196 = arith.constant 1 : i32
              %get3A_197 = arith.index_cast %get3A_195 : i32 to index
              %get3A_198 = arith.index_cast %get3A_196 : i32 to index
              %get3A_199 = arith.index_cast %mul3A_189 : i32 to index
              %get3A_200 = tpu.vector_load %arg8[%get3A_197, %get3A_198, %get3A_199] {strides = array<i32>} : memref<4x24x1024xf32, #tpu.memory_space<vmem>>, vector<16xf32>,
              %add3A_201 = arith.addf %get3A_194, %get3A_200 : vector<16xf32>
              %get3A_202 = arith.constant 0 : i32
              %get3A_203 = arith.constant 2 : i32
              %get3A_204 = arith.index_cast %get3A_202 : i32 to index
              %get3A_205 = arith.index_cast %get3A_203 : i32 to index
              %get3A_206 = arith.index_cast %mul3A_189 : i32 to index
              %get3A_207 = tpu.vector_load %arg8[%get3A_204, %get3A_205, %get3A_206] {strides = array<i32>} : memref<4x24x1024xf32, #tpu.memory_space<vmem>>, vector<16xf32>,
              %get3A_208 = arith.constant 0 : i32
              %get3A_209 = arith.constant 3 : i32
              %get3A_210 = arith.index_cast %get3A_208 : i32 to index
              %get3A_211 = arith.index_cast %get3A_209 : i32 to index
              %get3A_212 = arith.index_cast %mul3A_189 : i32 to index
              %get3A_213 = tpu.vector_load %arg8[%get3A_210, %get3A_211, %get3A_212] {strides = array<i32>} : memref<4x24x1024xf32, #tpu.memory_space<vmem>>, vector<16xf32>,
              %add3A_214 = arith.addf %get3A_207, %get3A_213 : vector<16xf32>
              %get3A_215 = arith.constant 0 : i32
              %get3A_216 = arith.constant 4 : i32
              %get3A_217 = arith.index_cast %get3A_215 : i32 to index
              %get3A_218 = arith.index_cast %get3A_216 : i32 to index
              %get3A_219 = arith.index_cast %mul3A_189 : i32 to index
              %get3A_220 = tpu.vector_load %arg8[%get3A_217, %get3A_218, %get3A_219] {strides = array<i32>} : memref<4x24x1024xf32, #tpu.memory_space<vmem>>, vector<16xf32>,
              %get3A_221 = arith.constant 0 : i32
              %get3A_222 = arith.constant 5 : i32
              %get3A_223 = arith.index_cast %get3A_221 : i32 to index
              %get3A_224 = arith.index_cast %get3A_222 : i32 to index
              %get3A_225 = arith.index_cast %mul3A_189 : i32 to index
              %get3A_226 = tpu.vector_load %arg8[%get3A_223, %get3A_224, %get3A_225] {strides = array<i32>} : memref<4x24x1024xf32, #tpu.memory_space<vmem>>, vector<16xf32>,
              %add3A_227 = arith.addf %get3A_220, %get3A_226 : vector<16xf32>
              %get3A_228 = arith.constant 0 : i32
              %get3A_229 = arith.constant 6 : i32
              %get3A_230 = arith.index_cast %get3A_228 : i32 to index
              %get3A_231 = arith.index_cast %get3A_229 : i32 to index
              %get3A_232 = arith.index_cast %mul3A_189 : i32 to index
              %get3A_233 = tpu.vector_load %arg8[%get3A_230, %get3A_231, %get3A_232] {strides = array<i32>} : memref<4x24x1024xf32, #tpu.memory_space<vmem>>, vector<16xf32>,
              %get3A_234 = arith.constant 0 : i32
              %get3A_235 = arith.constant 7 : i32
              %get3A_236 = arith.index_cast %get3A_234 : i32 to index
              %get3A_237 = arith.index_cast %get3A_235 : i32 to index
              %get3A_238 = arith.index_cast %mul3A_189 : i32 to index
              %get3A_239 = tpu.vector_load %arg8[%get3A_236, %get3A_237, %get3A_238] {strides = array<i32>} : memref<4x24x1024xf32, #tpu.memory_space<vmem>>, vector<16xf32>,
              %add3A_240 = arith.addf %get3A_233, %get3A_239 : vector<16xf32>
              %get3A_241 = arith.constant 0 : i32
              %get3A_242 = arith.constant 8 : i32
              %get3A_243 = arith.index_cast %get3A_241 : i32 to index
              %get3A_244 = arith.index_cast %get3A_242 : i32 to index
              %get3A_245 = arith.index_cast %mul3A_189 : i32 to index
              %get3A_246 = tpu.vector_load %arg8[%get3A_243, %get3A_244, %get3A_245] {strides = array<i32>} : memref<4x24x1024xf32, #tpu.memory_space<vmem>>, vector<16xf32>,
              %get3A_247 = arith.constant 0 : i32
              %get3A_248 = arith.constant 9 : i32
              %get3A_249 = arith.index_cast %get3A_247 : i32 to index
              %get3A_250 = arith.index_cast %get3A_248 : i32 to index
              %get3A_251 = arith.index_cast %mul3A_189 : i32 to index
              %get3A_252 = tpu.vector_load %arg8[%get3A_249, %get3A_250, %get3A_251] {strides = array<i32>} : memref<4x24x1024xf32, #tpu.memory_space<vmem>>, vector<16xf32>,
              %add3A_253 = arith.addf %get3A_246, %get3A_252 : vector<16xf32>
              %get3A_254 = arith.constant 0 : i32
              %get3A_255 = arith.constant 10 : i32
              %get3A_256 = arith.index_cast %get3A_254 : i32 to index
              %get3A_257 = arith.index_cast %get3A_255 : i32 to index
              %get3A_258 = arith.index_cast %mul3A_189 : i32 to index
              %get3A_259 = tpu.vector_load %arg8[%get3A_256, %get3A_257, %get3A_258] {strides = array<i32>} : memref<4x24x1024xf32, #tpu.memory_space<vmem>>, vector<16xf32>,
              %get3A_260 = arith.constant 0 : i32
              %get3A_261 = arith.constant 11 : i32
              %get3A_262 = arith.index_cast %get3A_260 : i32 to index
              %get3A_263 = arith.index_cast %get3A_261 : i32 to index
              %get3A_264 = arith.index_cast %mul3A_189 : i32 to index
              %get3A_265 = tpu.vector_load %arg8[%get3A_262, %get3A_263, %get3A_264] {strides = array<i32>} : memref<4x24x1024xf32, #tpu.memory_space<vmem>>, vector<16xf32>,
              %add3A_266 = arith.addf %get3A_259, %get3A_265 : vector<16xf32>
              %get3A_267 = arith.constant 0 : i32
              %get3A_268 = arith.constant 12 : i32
              %get3A_269 = arith.index_cast %get3A_267 : i32 to index
              %get3A_270 = arith.index_cast %get3A_268 : i32 to index
              %get3A_271 = arith.index_cast %mul3A_189 : i32 to index
              %get3A_272 = tpu.vector_load %arg8[%get3A_269, %get3A_270, %get3A_271] {strides = array<i32>} : memref<4x24x1024xf32, #tpu.memory_space<vmem>>, vector<16xf32>,
              %get3A_273 = arith.constant 0 : i32
              %get3A_274 = arith.constant 13 : i32
              %get3A_275 = arith.index_cast %get3A_273 : i32 to index
              %get3A_276 = arith.index_cast %get3A_274 : i32 to index
              %get3A_277 = arith.index_cast %mul3A_189 : i32 to index
              %get3A_278 = tpu.vector_load %arg8[%get3A_275, %get3A_276, %get3A_277] {strides = array<i32>} : memref<4x24x1024xf32, #tpu.memory_space<vmem>>, vector<16xf32>,
              %add3A_279 = arith.addf %get3A_272, %get3A_278 : vector<16xf32>
              %get3A_280 = arith.constant 0 : i32
              %get3A_281 = arith.constant 14 : i32
              %get3A_282 = arith.index_cast %get3A_280 : i32 to index
              %get3A_283 = arith.index_cast %get3A_281 : i32 to index
              %get3A_284 = arith.index_cast %mul3A_189 : i32 to index
              %get3A_285 = tpu.vector_load %arg8[%get3A_282, %get3A_283, %get3A_284] {strides = array<i32>} : memref<4x24x1024xf32, #tpu.memory_space<vmem>>, vector<16xf32>,
              %get3A_286 = arith.constant 0 : i32
              %get3A_287 = arith.constant 15 : i32
              %get3A_288 = arith.index_cast %get3A_286 : i32 to index
              %get3A_289 = arith.index_cast %get3A_287 : i32 to index
              %get3A_290 = arith.index_cast %mul3A_189 : i32 to index
              %get3A_291 = tpu.vector_load %arg8[%get3A_288, %get3A_289, %get3A_290] {strides = array<i32>} : memref<4x24x1024xf32, #tpu.memory_space<vmem>>, vector<16xf32>,
              %add3A_292 = arith.addf %get3A_285, %get3A_291 : vector<16xf32>
              %get3A_293 = arith.constant 0 : i32
              %get3A_294 = arith.constant 16 : i32
              %get3A_295 = arith.index_cast %get3A_293 : i32 to index
              %get3A_296 = arith.index_cast %get3A_294 : i32 to index
              %get3A_297 = arith.index_cast %mul3A_189 : i32 to index
              %get3A_298 = tpu.vector_load %arg8[%get3A_295, %get3A_296, %get3A_297] {strides = array<i32>} : memref<4x24x1024xf32, #tpu.memory_space<vmem>>, vector<16xf32>,
              %get3A_299 = arith.constant 0 : i32
              %get3A_300 = arith.constant 17 : i32
              %get3A_301 = arith.index_cast %get3A_299 : i32 to index
              %get3A_302 = arith.index_cast %get3A_300 : i32 to index
              %get3A_303 = arith.index_cast %mul3A_189 : i32 to index
              %get3A_304 = tpu.vector_load %arg8[%get3A_301, %get3A_302, %get3A_303] {strides = array<i32>} : memref<4x24x1024xf32, #tpu.memory_space<vmem>>, vector<16xf32>,
              %add3A_305 = arith.addf %get3A_298, %get3A_304 : vector<16xf32>
              %get3A_306 = arith.constant 0 : i32
              %get3A_307 = arith.constant 18 : i32
              %get3A_308 = arith.index_cast %get3A_306 : i32 to index
              %get3A_309 = arith.index_cast %get3A_307 : i32 to index
              %get3A_310 = arith.index_cast %mul3A_189 : i32 to index
              %get3A_311 = tpu.vector_load %arg8[%get3A_308, %get3A_309, %get3A_310] {strides = array<i32>} : memref<4x24x1024xf32, #tpu.memory_space<vmem>>, vector<16xf32>,
              %get3A_312 = arith.constant 0 : i32
              %get3A_313 = arith.constant 19 : i32
              %get3A_314 = arith.index_cast %get3A_312 : i32 to index
              %get3A_315 = arith.index_cast %get3A_313 : i32 to index
              %get3A_316 = arith.index_cast %mul3A_189 : i32 to index
              %get3A_317 = tpu.vector_load %arg8[%get3A_314, %get3A_315, %get3A_316] {strides = array<i32>} : memref<4x24x1024xf32, #tpu.memory_space<vmem>>, vector<16xf32>,
              %add3A_318 = arith.addf %get3A_311, %get3A_317 : vector<16xf32>
              %get3A_319 = arith.constant 0 : i32
              %get3A_320 = arith.constant 20 : i32
              %get3A_321 = arith.index_cast %get3A_319 : i32 to index
              %get3A_322 = arith.index_cast %get3A_320 : i32 to index
              %get3A_323 = arith.index_cast %mul3A_189 : i32 to index
              %get3A_324 = tpu.vector_load %arg8[%get3A_321, %get3A_322, %get3A_323] {strides = array<i32>} : memref<4x24x1024xf32, #tpu.memory_space<vmem>>, vector<16xf32>,
              %get3A_325 = arith.constant 0 : i32
              %get3A_326 = arith.constant 21 : i32
              %get3A_327 = arith.index_cast %get3A_325 : i32 to index
              %get3A_328 = arith.index_cast %get3A_326 : i32 to index
              %get3A_329 = arith.index_cast %mul3A_189 : i32 to index
              %get3A_330 = tpu.vector_load %arg8[%get3A_327, %get3A_328, %get3A_329] {strides = array<i32>} : memref<4x24x1024xf32, #tpu.memory_space<vmem>>, vector<16xf32>,
              %add3A_331 = arith.addf %get3A_324, %get3A_330 : vector<16xf32>
              %get3A_332 = arith.constant 0 : i32
              %get3A_333 = arith.constant 22 : i32
              %get3A_334 = arith.index_cast %get3A_332 : i32 to index
              %get3A_335 = arith.index_cast %get3A_333 : i32 to index
              %get3A_336 = arith.index_cast %mul3A_189 : i32 to index
              %get3A_337 = tpu.vector_load %arg8[%get3A_334, %get3A_335, %get3A_336] {strides = array<i32>} : memref<4x24x1024xf32, #tpu.memory_space<vmem>>, vector<16xf32>,
              %get3A_338 = arith.constant 0 : i32
              %get3A_339 = arith.constant 23 : i32
              %get3A_340 = arith.index_cast %get3A_338 : i32 to index
              %get3A_341 = arith.index_cast %get3A_339 : i32 to index
              %get3A_342 = arith.index_cast %mul3A_189 : i32 to index
              %get3A_343 = tpu.vector_load %arg8[%get3A_340, %get3A_341, %get3A_342] {strides = array<i32>} : memref<4x24x1024xf32, #tpu.memory_space<vmem>>, vector<16xf32>,
              %add3A_344 = arith.addf %get3A_337, %get3A_343 : vector<16xf32>
              %add3A_345 = arith.addf %add3A_201, %add3A_214 : vector<16xf32>
              %add3A_346 = arith.addf %add3A_227, %add3A_240 : vector<16xf32>
              %add3A_347 = arith.addf %add3A_253, %add3A_266 : vector<16xf32>
              %add3A_348 = arith.addf %add3A_279, %add3A_292 : vector<16xf32>
              %add3A_349 = arith.addf %add3A_305, %add3A_318 : vector<16xf32>
              %add3A_350 = arith.addf %add3A_331, %add3A_344 : vector<16xf32>
              %add3A_351 = arith.addf %add3A_345, %add3A_346 : vector<16xf32>
              %add3A_352 = arith.addf %add3A_347, %add3A_348 : vector<16xf32>
              %add3A_353 = arith.addf %add3A_349, %add3A_350 : vector<16xf32>
              %add3A_354 = arith.addf %add3A_351, %add3A_352 : vector<16xf32>
              %add3A_355 = arith.addf %add3A_354, %add3A_353 : vector<16xf32>
              %swap3A = arith.index_cast %mul3A_189 : i32 to index
              %swap3A_356 = tpu.vector_load %arg7[%swap3A] {strides = array<i32>} : memref<1024xf32, #tpu.memory_space<vmem>>, vector<16xf32>,
              tpu.vector_store %arg7[%swap3A], %add3A_355 {add = true, strides = array<i32>} : memref<1024xf32, #tpu.memory_space<vmem>>, vector<16xf32>,
              %mul3A_357 = arith.constant 2 : i32
              %mul3A_358 = arith.muli %scan3A_183, %mul3A_357 : i32
              %add3A_359 = arith.constant 1 : i32
              %add3A_360 = arith.addi %mul3A_358, %add3A_359 : i32
              %mul3A_361 = arith.constant 16 : i32
              %mul3A_362 = arith.muli %add3A_360, %mul3A_361 : i32
              %get3A_363 = arith.constant 0 : i32
              %get3A_364 = arith.constant 0 : i32
              %get3A_365 = arith.index_cast %get3A_363 : i32 to index
              %get3A_366 = arith.index_cast %get3A_364 : i32 to index
              %get3A_367 = arith.index_cast %mul3A_362 : i32 to index
              %get3A_368 = tpu.vector_load %arg8[%get3A_365, %get3A_366, %get3A_367] {strides = array<i32>} : memref<4x24x1024xf32, #tpu.memory_space<vmem>>, vector<16xf32>,
              %get3A_369 = arith.constant 0 : i32
              %get3A_370 = arith.constant 1 : i32
              %get3A_371 = arith.index_cast %get3A_369 : i32 to index
              %get3A_372 = arith.index_cast %get3A_370 : i32 to index
              %get3A_373 = arith.index_cast %mul3A_362 : i32 to index
              %get3A_374 = tpu.vector_load %arg8[%get3A_371, %get3A_372, %get3A_373] {strides = array<i32>} : memref<4x24x1024xf32, #tpu.memory_space<vmem>>, vector<16xf32>,
              %add3A_375 = arith.addf %get3A_368, %get3A_374 : vector<16xf32>
              %get3A_376 = arith.constant 0 : i32
              %get3A_377 = arith.constant 2 : i32
              %get3A_378 = arith.index_cast %get3A_376 : i32 to index
              %get3A_379 = arith.index_cast %get3A_377 : i32 to index
              %get3A_380 = arith.index_cast %mul3A_362 : i32 to index
              %get3A_381 = tpu.vector_load %arg8[%get3A_378, %get3A_379, %get3A_380] {strides = array<i32>} : memref<4x24x1024xf32, #tpu.memory_space<vmem>>, vector<16xf32>,
              %get3A_382 = arith.constant 0 : i32
              %get3A_383 = arith.constant 3 : i32
              %get3A_384 = arith.index_cast %get3A_382 : i32 to index
              %get3A_385 = arith.index_cast %get3A_383 : i32 to index
              %get3A_386 = arith.index_cast %mul3A_362 : i32 to index
              %get3A_387 = tpu.vector_load %arg8[%get3A_384, %get3A_385, %get3A_386] {strides = array<i32>} : memref<4x24x1024xf32, #tpu.memory_space<vmem>>, vector<16xf32>,
              %add3A_388 = arith.addf %get3A_381, %get3A_387 : vector<16xf32>
              %get3A_389 = arith.constant 0 : i32
              %get3A_390 = arith.constant 4 : i32
              %get3A_391 = arith.index_cast %get3A_389 : i32 to index
              %get3A_392 = arith.index_cast %get3A_390 : i32 to index
              %get3A_393 = arith.index_cast %mul3A_362 : i32 to index
              %get3A_394 = tpu.vector_load %arg8[%get3A_391, %get3A_392, %get3A_393] {strides = array<i32>} : memref<4x24x1024xf32, #tpu.memory_space<vmem>>, vector<16xf32>,
              %get3A_395 = arith.constant 0 : i32
              %get3A_396 = arith.constant 5 : i32
              %get3A_397 = arith.index_cast %get3A_395 : i32 to index
              %get3A_398 = arith.index_cast %get3A_396 : i32 to index
              %get3A_399 = arith.index_cast %mul3A_362 : i32 to index
              %get3A_400 = tpu.vector_load %arg8[%get3A_397, %get3A_398, %get3A_399] {strides = array<i32>} : memref<4x24x1024xf32, #tpu.memory_space<vmem>>, vector<16xf32>,
              %add3A_401 = arith.addf %get3A_394, %get3A_400 : vector<16xf32>
              %get3A_402 = arith.constant 0 : i32
              %get3A_403 = arith.constant 6 : i32
              %get3A_404 = arith.index_cast %get3A_402 : i32 to index
              %get3A_405 = arith.index_cast %get3A_403 : i32 to index
              %get3A_406 = arith.index_cast %mul3A_362 : i32 to index
              %get3A_407 = tpu.vector_load %arg8[%get3A_404, %get3A_405, %get3A_406] {strides = array<i32>} : memref<4x24x1024xf32, #tpu.memory_space<vmem>>, vector<16xf32>,
              %get3A_408 = arith.constant 0 : i32
              %get3A_409 = arith.constant 7 : i32
              %get3A_410 = arith.index_cast %get3A_408 : i32 to index
              %get3A_411 = arith.index_cast %get3A_409 : i32 to index
              %get3A_412 = arith.index_cast %mul3A_362 : i32 to index
              %get3A_413 = tpu.vector_load %arg8[%get3A_410, %get3A_411, %get3A_412] {strides = array<i32>} : memref<4x24x1024xf32, #tpu.memory_space<vmem>>, vector<16xf32>,
              %add3A_414 = arith.addf %get3A_407, %get3A_413 : vector<16xf32>
              %get3A_415 = arith.constant 0 : i32
              %get3A_416 = arith.constant 8 : i32
              %get3A_417 = arith.index_cast %get3A_415 : i32 to index
              %get3A_418 = arith.index_cast %get3A_416 : i32 to index
              %get3A_419 = arith.index_cast %mul3A_362 : i32 to index
              %get3A_420 = tpu.vector_load %arg8[%get3A_417, %get3A_418, %get3A_419] {strides = array<i32>} : memref<4x24x1024xf32, #tpu.memory_space<vmem>>, vector<16xf32>,
              %get3A_421 = arith.constant 0 : i32
              %get3A_422 = arith.constant 9 : i32
              %get3A_423 = arith.index_cast %get3A_421 : i32 to index
              %get3A_424 = arith.index_cast %get3A_422 : i32 to index
              %get3A_425 = arith.index_cast %mul3A_362 : i32 to index
              %get3A_426 = tpu.vector_load %arg8[%get3A_423, %get3A_424, %get3A_425] {strides = array<i32>} : memref<4x24x1024xf32, #tpu.memory_space<vmem>>, vector<16xf32>,
              %add3A_427 = arith.addf %get3A_420, %get3A_426 : vector<16xf32>
              %get3A_428 = arith.constant 0 : i32
              %get3A_429 = arith.constant 10 : i32
              %get3A_430 = arith.index_cast %get3A_428 : i32 to index
              %get3A_431 = arith.index_cast %get3A_429 : i32 to index
              %get3A_432 = arith.index_cast %mul3A_362 : i32 to index
              %get3A_433 = tpu.vector_load %arg8[%get3A_430, %get3A_431, %get3A_432] {strides = array<i32>} : memref<4x24x1024xf32, #tpu.memory_space<vmem>>, vector<16xf32>,
              %get3A_434 = arith.constant 0 : i32
              %get3A_435 = arith.constant 11 : i32
              %get3A_436 = arith.index_cast %get3A_434 : i32 to index
              %get3A_437 = arith.index_cast %get3A_435 : i32 to index
              %get3A_438 = arith.index_cast %mul3A_362 : i32 to index
              %get3A_439 = tpu.vector_load %arg8[%get3A_436, %get3A_437, %get3A_438] {strides = array<i32>} : memref<4x24x1024xf32, #tpu.memory_space<vmem>>, vector<16xf32>,
              %add3A_440 = arith.addf %get3A_433, %get3A_439 : vector<16xf32>
              %get3A_441 = arith.constant 0 : i32
              %get3A_442 = arith.constant 12 : i32
              %get3A_443 = arith.index_cast %get3A_441 : i32 to index
              %get3A_444 = arith.index_cast %get3A_442 : i32 to index
              %get3A_445 = arith.index_cast %mul3A_362 : i32 to index
              %get3A_446 = tpu.vector_load %arg8[%get3A_443, %get3A_444, %get3A_445] {strides = array<i32>} : memref<4x24x1024xf32, #tpu.memory_space<vmem>>, vector<16xf32>,
              %get3A_447 = arith.constant 0 : i32
              %get3A_448 = arith.constant 13 : i32
              %get3A_449 = arith.index_cast %get3A_447 : i32 to index
              %get3A_450 = arith.index_cast %get3A_448 : i32 to index
              %get3A_451 = arith.index_cast %mul3A_362 : i32 to index
              %get3A_452 = tpu.vector_load %arg8[%get3A_449, %get3A_450, %get3A_451] {strides = array<i32>} : memref<4x24x1024xf32, #tpu.memory_space<vmem>>, vector<16xf32>,
              %add3A_453 = arith.addf %get3A_446, %get3A_452 : vector<16xf32>
              %get3A_454 = arith.constant 0 : i32
              %get3A_455 = arith.constant 14 : i32
              %get3A_456 = arith.index_cast %get3A_454 : i32 to index
              %get3A_457 = arith.index_cast %get3A_455 : i32 to index
              %get3A_458 = arith.index_cast %mul3A_362 : i32 to index
              %get3A_459 = tpu.vector_load %arg8[%get3A_456, %get3A_457, %get3A_458] {strides = array<i32>} : memref<4x24x1024xf32, #tpu.memory_space<vmem>>, vector<16xf32>,
              %get3A_460 = arith.constant 0 : i32
              %get3A_461 = arith.constant 15 : i32
              %get3A_462 = arith.index_cast %get3A_460 : i32 to index
              %get3A_463 = arith.index_cast %get3A_461 : i32 to index
              %get3A_464 = arith.index_cast %mul3A_362 : i32 to index
              %get3A_465 = tpu.vector_load %arg8[%get3A_462, %get3A_463, %get3A_464] {strides = array<i32>} : memref<4x24x1024xf32, #tpu.memory_space<vmem>>, vector<16xf32>,
              %add3A_466 = arith.addf %get3A_459, %get3A_465 : vector<16xf32>
              %get3A_467 = arith.constant 0 : i32
              %get3A_468 = arith.constant 16 : i32
              %get3A_469 = arith.index_cast %get3A_467 : i32 to index
              %get3A_470 = arith.index_cast %get3A_468 : i32 to index
              %get3A_471 = arith.index_cast %mul3A_362 : i32 to index
              %get3A_472 = tpu.vector_load %arg8[%get3A_469, %get3A_470, %get3A_471] {strides = array<i32>} : memref<4x24x1024xf32, #tpu.memory_space<vmem>>, vector<16xf32>,
              %get3A_473 = arith.constant 0 : i32
              %get3A_474 = arith.constant 17 : i32
              %get3A_475 = arith.index_cast %get3A_473 : i32 to index
              %get3A_476 = arith.index_cast %get3A_474 : i32 to index
              %get3A_477 = arith.index_cast %mul3A_362 : i32 to index
              %get3A_478 = tpu.vector_load %arg8[%get3A_475, %get3A_476, %get3A_477] {strides = array<i32>} : memref<4x24x1024xf32, #tpu.memory_space<vmem>>, vector<16xf32>,
              %add3A_479 = arith.addf %get3A_472, %get3A_478 : vector<16xf32>
              %get3A_480 = arith.constant 0 : i32
              %get3A_481 = arith.constant 18 : i32
              %get3A_482 = arith.index_cast %get3A_480 : i32 to index
              %get3A_483 = arith.index_cast %get3A_481 : i32 to index
              %get3A_484 = arith.index_cast %mul3A_362 : i32 to index
              %get3A_485 = tpu.vector_load %arg8[%get3A_482, %get3A_483, %get3A_484] {strides = array<i32>} : memref<4x24x1024xf32, #tpu.memory_space<vmem>>, vector<16xf32>,
              %get3A_486 = arith.constant 0 : i32
              %get3A_487 = arith.constant 19 : i32
              %get3A_488 = arith.index_cast %get3A_486 : i32 to index
              %get3A_489 = arith.index_cast %get3A_487 : i32 to index
              %get3A_490 = arith.index_cast %mul3A_362 : i32 to index
              %get3A_491 = tpu.vector_load %arg8[%get3A_488, %get3A_489, %get3A_490] {strides = array<i32>} : memref<4x24x1024xf32, #tpu.memory_space<vmem>>, vector<16xf32>,
              %add3A_492 = arith.addf %get3A_485, %get3A_491 : vector<16xf32>
              %get3A_493 = arith.constant 0 : i32
              %get3A_494 = arith.constant 20 : i32
              %get3A_495 = arith.index_cast %get3A_493 : i32 to index
              %get3A_496 = arith.index_cast %get3A_494 : i32 to index
              %get3A_497 = arith.index_cast %mul3A_362 : i32 to index
              %get3A_498 = tpu.vector_load %arg8[%get3A_495, %get3A_496, %get3A_497] {strides = array<i32>} : memref<4x24x1024xf32, #tpu.memory_space<vmem>>, vector<16xf32>,
              %get3A_499 = arith.constant 0 : i32
              %get3A_500 = arith.constant 21 : i32
              %get3A_501 = arith.index_cast %get3A_499 : i32 to index
              %get3A_502 = arith.index_cast %get3A_500 : i32 to index
              %get3A_503 = arith.index_cast %mul3A_362 : i32 to index
              %get3A_504 = tpu.vector_load %arg8[%get3A_501, %get3A_502, %get3A_503] {strides = array<i32>} : memref<4x24x1024xf32, #tpu.memory_space<vmem>>, vector<16xf32>,
              %add3A_505 = arith.addf %get3A_498, %get3A_504 : vector<16xf32>
              %get3A_506 = arith.constant 0 : i32
              %get3A_507 = arith.constant 22 : i32
              %get3A_508 = arith.index_cast %get3A_506 : i32 to index
              %get3A_509 = arith.index_cast %get3A_507 : i32 to index
              %get3A_510 = arith.index_cast %mul3A_362 : i32 to index
              %get3A_511 = tpu.vector_load %arg8[%get3A_508, %get3A_509, %get3A_510] {strides = array<i32>} : memref<4x24x1024xf32, #tpu.memory_space<vmem>>, vector<16xf32>,
              %get3A_512 = arith.constant 0 : i32
              %get3A_513 = arith.constant 23 : i32
              %get3A_514 = arith.index_cast %get3A_512 : i32 to index
              %get3A_515 = arith.index_cast %get3A_513 : i32 to index
              %get3A_516 = arith.index_cast %mul3A_362 : i32 to index
              %get3A_517 = tpu.vector_load %arg8[%get3A_514, %get3A_515, %get3A_516] {strides = array<i32>} : memref<4x24x1024xf32, #tpu.memory_space<vmem>>, vector<16xf32>,
              %add3A_518 = arith.addf %get3A_511, %get3A_517 : vector<16xf32>
              %add3A_519 = arith.addf %add3A_375, %add3A_388 : vector<16xf32>
              %add3A_520 = arith.addf %add3A_401, %add3A_414 : vector<16xf32>
              %add3A_521 = arith.addf %add3A_427, %add3A_440 : vector<16xf32>
              %add3A_522 = arith.addf %add3A_453, %add3A_466 : vector<16xf32>
              %add3A_523 = arith.addf %add3A_479, %add3A_492 : vector<16xf32>
              %add3A_524 = arith.addf %add3A_505, %add3A_518 : vector<16xf32>
              %add3A_525 = arith.addf %add3A_519, %add3A_520 : vector<16xf32>
              %add3A_526 = arith.addf %add3A_521, %add3A_522 : vector<16xf32>
              %add3A_527 = arith.addf %add3A_523, %add3A_524 : vector<16xf32>
              %add3A_528 = arith.addf %add3A_525, %add3A_526 : vector<16xf32>
              %add3A_529 = arith.addf %add3A_528, %add3A_527 : vector<16xf32>
              %swap3A_530 = arith.index_cast %mul3A_362 : i32 to index
              %swap3A_531 = tpu.vector_load %arg7[%swap3A_530] {strides = array<i32>} : memref<1024xf32, #tpu.memory_space<vmem>>, vector<16xf32>,
              tpu.vector_store %arg7[%swap3A_530], %add3A_529 {add = true, strides = array<i32>} : memref<1024xf32, #tpu.memory_space<vmem>>, vector<16xf32>,
            }
            %scan3A_182 = arith.constant 32 : i32
          } else {
          }
          %eq3A = arith.cmpi eq, %add3A_127, %select_n3A : i32
          %convert_element_type3A_168 = arith.extui %eq3A : i1 to i32
          %cond3A_169 = arith.constant 0 : i32
          %cond3A_170 = arith.cmpi ne, %convert_element_type3A_168, %cond3A_169 : i32
          scf.if %cond3A_170 {
            %while3A_177 = arith.constant 0 : i32
            %while3A_178 = arith.constant 0 : i32
            %while3A_179 = arith.subi %sub3A_57, %while3A_178 : i32
            %while3A_180 = arith.addi %while3A_178, %while3A_179 : i32
            %while3A_181 = arith.constant 1 : i32
            %while3A_182 = arith.divsi %while3A_179, %while3A_181 : i32
            %while3A_183 = arith.muli %while3A_182, %while3A_181 : i32
            %while3A_184 = arith.addi %while3A_178, %while3A_183 : i32
            %while3A_185 = arith.constant 1 : i32
            scf.for %while3A_187 = %while3A_178 to %while3A_184 step %while3A_185  : i32 {
              %scan3A_188 = arith.constant 0 : i32
              %scan3A_189 = arith.constant 0 : i32
              %scan3A_190 = arith.constant 64 : i32
              %scan3A_191 = arith.addi %scan3A_189, %scan3A_190 : i32
              %scan3A_192 = arith.constant 1 : i32
              scf.for %scan3A_194 = %scan3A_189 to %scan3A_191 step %scan3A_192  : i32 {
                %mul3A_195 = arith.constant 16 : i32
                %mul3A_196 = arith.muli %scan3A_194, %mul3A_195 : i32
                %get3A = arith.constant 0 : i32
                %get3A_197 = arith.index_cast %get3A : i32 to index
                %get3A_198 = arith.index_cast %while3A_187 : i32 to index
                %get3A_199 = arith.index_cast %mul3A_196 : i32 to index
                %get3A_200 = tpu.vector_load %arg8[%get3A_197, %get3A_198, %get3A_199] {strides = array<i32>} : memref<4x24x1024xf32, #tpu.memory_space<vmem>>, vector<16xf32>,
                %swap3A = arith.index_cast %mul3A_196 : i32 to index
                %swap3A_201 = tpu.vector_load %arg7[%swap3A] {strides = array<i32>} : memref<1024xf32, #tpu.memory_space<vmem>>, vector<16xf32>,
                tpu.vector_store %arg7[%swap3A], %get3A_200 {add = true, strides = array<i32>} : memref<1024xf32, #tpu.memory_space<vmem>>, vector<16xf32>,
              }
              %scan3A_193 = arith.constant 64 : i32
            }
            %while3A_186 = arith.constant 1 : i32
            scf.for %while3A_187 = %while3A_184 to %while3A_180 step %while3A_186  : i32 {
              %scan3A_188 = arith.constant 0 : i32
              %scan3A_189 = arith.constant 0 : i32
              %scan3A_190 = arith.constant 64 : i32
              %scan3A_191 = arith.addi %scan3A_189, %scan3A_190 : i32
              %scan3A_192 = arith.constant 1 : i32
              scf.for %scan3A_194 = %scan3A_189 to %scan3A_191 step %scan3A_192  : i32 {
                %mul3A_195 = arith.constant 16 : i32
                %mul3A_196 = arith.muli %scan3A_194, %mul3A_195 : i32
                %get3A = arith.constant 0 : i32
                %get3A_197 = arith.index_cast %get3A : i32 to index
                %get3A_198 = arith.index_cast %while3A_187 : i32 to index
                %get3A_199 = arith.index_cast %mul3A_196 : i32 to index
                %get3A_200 = tpu.vector_load %arg8[%get3A_197, %get3A_198, %get3A_199] {strides = array<i32>} : memref<4x24x1024xf32, #tpu.memory_space<vmem>>, vector<16xf32>,
                %swap3A = arith.index_cast %mul3A_196 : i32 to index
                %swap3A_201 = tpu.vector_load %arg7[%swap3A] {strides = array<i32>} : memref<1024xf32, #tpu.memory_space<vmem>>, vector<16xf32>,
                tpu.vector_store %arg7[%swap3A], %get3A_200 {add = true, strides = array<i32>} : memref<1024xf32, #tpu.memory_space<vmem>>, vector<16xf32>,
              }
              %scan3A_193 = arith.constant 64 : i32
            }
          } else {
          }
          %add3A_171 = arith.constant 4 : i32
          %add3A_172 = arith.addi %add3A_127, %add3A_171 : i32
          %lt3A_173 = arith.cmpi slt, %add3A_172, %add3A_62 : i32
          %convert_element_type3A_174 = arith.extui %lt3A_173 : i1 to i32
          %cond3A_175 = arith.constant 0 : i32
          %cond3A_176 = arith.cmpi ne, %convert_element_type3A_174, %cond3A_175 : i32
          scf.if %cond3A_176 {
            %add3A_177 = arith.constant 4 : i32
            %add3A_178 = arith.addi %add3A_127, %add3A_177 : i32
            %mul3A_179 = arith.constant 24 : i32
            %mul3A_180 = arith.muli %add3A_178, %mul3A_179 : i32
            %dma_start3A = arith.constant 0 : i32
            %dma_start3A_181 = arith.constant 0 : i32
            %dma_start3A_182 = arith.constant 0 : i32
            %dma_start3A_183 = tpu.memref_slice %arg8[%dma_start3A, %dma_start3A_181, %dma_start3A_182] : memref<4x24x1024xf32, #tpu.memory_space<vmem>> -> memref<1x24x1024xf32, #tpu.memory_space<vmem>>
            %dma_start3A_184 = tpu.memref_squeeze %dma_start3A_183 : memref<1x24x1024xf32, #tpu.memory_space<vmem>> -> memref<24x1024xf32, #tpu.memory_space<vmem>>
            %dma_start3A_185 = tpu.memref_slice %arg6[%mul3A_180] : memref<592xi32, #tpu.memory_space<vmem>> -> memref<24xi32, #tpu.memory_space<vmem>>
            %dma_start3A_186 = arith.constant 0 : i32
            %dma_start3A_187 = arith.constant 0 : i32
            %dma_start3A_188 = tpu.memref_slice %arg3[%dma_start3A_186, %dma_start3A_187] : memref<73728x1024xf32, #tpu.memory_space<hbm>> -> memref<73728x1024xf32, #tpu.memory_space<hbm>>
            tpu.enqueue_indirect_dma source(%dma_start3A_188 : memref<73728x1024xf32, #tpu.memory_space<hbm>>) target(%dma_start3A_184 : memref<24x1024xf32, #tpu.memory_space<vmem>>) offsets(%dma_start3A_185 : memref<24xi32, #tpu.memory_space<vmem>>) semaphore(%arg9 : memref<!tpu.dma_semaphore, #tpu.memory_space<semaphore_mem>>)
          } else {
          }
        } else {
        }
        %mul3A_131 = arith.constant 4 : i32
        %mul3A_132 = arith.muli %while3A_123, %mul3A_131 : i32
        %add3A_133 = arith.constant 1 : i32
        %add3A_134 = arith.addi %mul3A_132, %add3A_133 : i32
        %lt3A_135 = arith.cmpi slt, %add3A_134, %add3A_62 : i32
        %convert_element_type3A_136 = arith.extui %lt3A_135 : i1 to i32
        %cond3A_137 = arith.constant 0 : i32
        %cond3A_138 = arith.cmpi ne, %convert_element_type3A_136, %cond3A_137 : i32
        scf.if %cond3A_138 {
          %dma_wait3A = arith.constant 1 : i32
          %dma_wait3A_155 = arith.constant 0 : i32
          %dma_wait3A_156 = arith.constant 0 : i32
          %dma_wait3A_157 = tpu.memref_slice %arg8[%dma_wait3A, %dma_wait3A_155, %dma_wait3A_156] : memref<4x24x1024xf32, #tpu.memory_space<vmem>> -> memref<1x24x1024xf32, #tpu.memory_space<vmem>>
          %dma_wait3A_158 = tpu.memref_squeeze %dma_wait3A_157 : memref<1x24x1024xf32, #tpu.memory_space<vmem>> -> memref<24x1024xf32, #tpu.memory_space<vmem>>
          %dma_wait3A_159 = arith.constant 0 : i32
          %dma_wait3A_160 = tpu.memref_slice %arg6[%dma_wait3A_159] : memref<592xi32, #tpu.memory_space<vmem>> -> memref<24xi32, #tpu.memory_space<vmem>>
          %dma_wait3A_161 = arith.constant 0 : i32
          %dma_wait3A_162 = arith.constant 0 : i32
          %dma_wait3A_163 = tpu.memref_slice %arg3[%dma_wait3A_161, %dma_wait3A_162] : memref<73728x1024xf32, #tpu.memory_space<hbm>> -> memref<73728x1024xf32, #tpu.memory_space<hbm>>
          tpu.wait_indirect_dma semaphore(%arg10 : memref<!tpu.dma_semaphore, #tpu.memory_space<semaphore_mem>>) src(%dma_wait3A_163 : memref<73728x1024xf32, #tpu.memory_space<hbm>>) dst(%dma_wait3A_158 : memref<24x1024xf32, #tpu.memory_space<vmem>>)
          %lt3A_164 = arith.cmpi slt, %add3A_134, %select_n3A : i32
          %convert_element_type3A_165 = arith.extui %lt3A_164 : i1 to i32
          %cond3A_166 = arith.constant 0 : i32
          %cond3A_167 = arith.cmpi ne, %convert_element_type3A_165, %cond3A_166 : i32
          scf.if %cond3A_167 {
            %scan3A_177 = arith.constant 0 : i32
            %scan3A_178 = arith.constant 0 : i32
            %scan3A_179 = arith.constant 32 : i32
            %scan3A_180 = arith.addi %scan3A_178, %scan3A_179 : i32
            %scan3A_181 = arith.constant 1 : i32
            scf.for %scan3A_183 = %scan3A_178 to %scan3A_180 step %scan3A_181  : i32 {
              %mul3A_184 = arith.constant 2 : i32
              %mul3A_185 = arith.muli %scan3A_183, %mul3A_184 : i32
              %add3A_186 = arith.constant 0 : i32
              %add3A_187 = arith.addi %mul3A_185, %add3A_186 : i32
              %mul3A_188 = arith.constant 16 : i32
              %mul3A_189 = arith.muli %add3A_187, %mul3A_188 : i32
              %get3A = arith.constant 1 : i32
              %get3A_190 = arith.constant 0 : i32
              %get3A_191 = arith.index_cast %get3A : i32 to index
              %get3A_192 = arith.index_cast %get3A_190 : i32 to index
              %get3A_193 = arith.index_cast %mul3A_189 : i32 to index
              %get3A_194 = tpu.vector_load %arg8[%get3A_191, %get3A_192, %get3A_193] {strides = array<i32>} : memref<4x24x1024xf32, #tpu.memory_space<vmem>>, vector<16xf32>,
              %get3A_195 = arith.constant 1 : i32
              %get3A_196 = arith.constant 1 : i32
              %get3A_197 = arith.index_cast %get3A_195 : i32 to index
              %get3A_198 = arith.index_cast %get3A_196 : i32 to index
              %get3A_199 = arith.index_cast %mul3A_189 : i32 to index
              %get3A_200 = tpu.vector_load %arg8[%get3A_197, %get3A_198, %get3A_199] {strides = array<i32>} : memref<4x24x1024xf32, #tpu.memory_space<vmem>>, vector<16xf32>,
              %add3A_201 = arith.addf %get3A_194, %get3A_200 : vector<16xf32>
              %get3A_202 = arith.constant 1 : i32
              %get3A_203 = arith.constant 2 : i32
              %get3A_204 = arith.index_cast %get3A_202 : i32 to index
              %get3A_205 = arith.index_cast %get3A_203 : i32 to index
              %get3A_206 = arith.index_cast %mul3A_189 : i32 to index
              %get3A_207 = tpu.vector_load %arg8[%get3A_204, %get3A_205, %get3A_206] {strides = array<i32>} : memref<4x24x1024xf32, #tpu.memory_space<vmem>>, vector<16xf32>,
              %get3A_208 = arith.constant 1 : i32
              %get3A_209 = arith.constant 3 : i32
              %get3A_210 = arith.index_cast %get3A_208 : i32 to index
              %get3A_211 = arith.index_cast %get3A_209 : i32 to index
              %get3A_212 = arith.index_cast %mul3A_189 : i32 to index
              %get3A_213 = tpu.vector_load %arg8[%get3A_210, %get3A_211, %get3A_212] {strides = array<i32>} : memref<4x24x1024xf32, #tpu.memory_space<vmem>>, vector<16xf32>,
              %add3A_214 = arith.addf %get3A_207, %get3A_213 : vector<16xf32>
              %get3A_215 = arith.constant 1 : i32
              %get3A_216 = arith.constant 4 : i32
              %get3A_217 = arith.index_cast %get3A_215 : i32 to index
              %get3A_218 = arith.index_cast %get3A_216 : i32 to index
              %get3A_219 = arith.index_cast %mul3A_189 : i32 to index
              %get3A_220 = tpu.vector_load %arg8[%get3A_217, %get3A_218, %get3A_219] {strides = array<i32>} : memref<4x24x1024xf32, #tpu.memory_space<vmem>>, vector<16xf32>,
              %get3A_221 = arith.constant 1 : i32
              %get3A_222 = arith.constant 5 : i32
              %get3A_223 = arith.index_cast %get3A_221 : i32 to index
              %get3A_224 = arith.index_cast %get3A_222 : i32 to index
              %get3A_225 = arith.index_cast %mul3A_189 : i32 to index
              %get3A_226 = tpu.vector_load %arg8[%get3A_223, %get3A_224, %get3A_225] {strides = array<i32>} : memref<4x24x1024xf32, #tpu.memory_space<vmem>>, vector<16xf32>,
              %add3A_227 = arith.addf %get3A_220, %get3A_226 : vector<16xf32>
              %get3A_228 = arith.constant 1 : i32
              %get3A_229 = arith.constant 6 : i32
              %get3A_230 = arith.index_cast %get3A_228 : i32 to index
              %get3A_231 = arith.index_cast %get3A_229 : i32 to index
              %get3A_232 = arith.index_cast %mul3A_189 : i32 to index
              %get3A_233 = tpu.vector_load %arg8[%get3A_230, %get3A_231, %get3A_232] {strides = array<i32>} : memref<4x24x1024xf32, #tpu.memory_space<vmem>>, vector<16xf32>,
              %get3A_234 = arith.constant 1 : i32
              %get3A_235 = arith.constant 7 : i32
              %get3A_236 = arith.index_cast %get3A_234 : i32 to index
              %get3A_237 = arith.index_cast %get3A_235 : i32 to index
              %get3A_238 = arith.index_cast %mul3A_189 : i32 to index
              %get3A_239 = tpu.vector_load %arg8[%get3A_236, %get3A_237, %get3A_238] {strides = array<i32>} : memref<4x24x1024xf32, #tpu.memory_space<vmem>>, vector<16xf32>,
              %add3A_240 = arith.addf %get3A_233, %get3A_239 : vector<16xf32>
              %get3A_241 = arith.constant 1 : i32
              %get3A_242 = arith.constant 8 : i32
              %get3A_243 = arith.index_cast %get3A_241 : i32 to index
              %get3A_244 = arith.index_cast %get3A_242 : i32 to index
              %get3A_245 = arith.index_cast %mul3A_189 : i32 to index
              %get3A_246 = tpu.vector_load %arg8[%get3A_243, %get3A_244, %get3A_245] {strides = array<i32>} : memref<4x24x1024xf32, #tpu.memory_space<vmem>>, vector<16xf32>,
              %get3A_247 = arith.constant 1 : i32
              %get3A_248 = arith.constant 9 : i32
              %get3A_249 = arith.index_cast %get3A_247 : i32 to index
              %get3A_250 = arith.index_cast %get3A_248 : i32 to index
              %get3A_251 = arith.index_cast %mul3A_189 : i32 to index
              %get3A_252 = tpu.vector_load %arg8[%get3A_249, %get3A_250, %get3A_251] {strides = array<i32>} : memref<4x24x1024xf32, #tpu.memory_space<vmem>>, vector<16xf32>,
              %add3A_253 = arith.addf %get3A_246, %get3A_252 : vector<16xf32>
              %get3A_254 = arith.constant 1 : i32
              %get3A_255 = arith.constant 10 : i32
              %get3A_256 = arith.index_cast %get3A_254 : i32 to index
              %get3A_257 = arith.index_cast %get3A_255 : i32 to index
              %get3A_258 = arith.index_cast %mul3A_189 : i32 to index
              %get3A_259 = tpu.vector_load %arg8[%get3A_256, %get3A_257, %get3A_258] {strides = array<i32>} : memref<4x24x1024xf32, #tpu.memory_space<vmem>>, vector<16xf32>,
              %get3A_260 = arith.constant 1 : i32
              %get3A_261 = arith.constant 11 : i32
              %get3A_262 = arith.index_cast %get3A_260 : i32 to index
              %get3A_263 = arith.index_cast %get3A_261 : i32 to index
              %get3A_264 = arith.index_cast %mul3A_189 : i32 to index
              %get3A_265 = tpu.vector_load %arg8[%get3A_262, %get3A_263, %get3A_264] {strides = array<i32>} : memref<4x24x1024xf32, #tpu.memory_space<vmem>>, vector<16xf32>,
              %add3A_266 = arith.addf %get3A_259, %get3A_265 : vector<16xf32>
              %get3A_267 = arith.constant 1 : i32
              %get3A_268 = arith.constant 12 : i32
              %get3A_269 = arith.index_cast %get3A_267 : i32 to index
              %get3A_270 = arith.index_cast %get3A_268 : i32 to index
              %get3A_271 = arith.index_cast %mul3A_189 : i32 to index
              %get3A_272 = tpu.vector_load %arg8[%get3A_269, %get3A_270, %get3A_271] {strides = array<i32>} : memref<4x24x1024xf32, #tpu.memory_space<vmem>>, vector<16xf32>,
              %get3A_273 = arith.constant 1 : i32
              %get3A_274 = arith.constant 13 : i32
              %get3A_275 = arith.index_cast %get3A_273 : i32 to index
              %get3A_276 = arith.index_cast %get3A_274 : i32 to index
              %get3A_277 = arith.index_cast %mul3A_189 : i32 to index
              %get3A_278 = tpu.vector_load %arg8[%get3A_275, %get3A_276, %get3A_277] {strides = array<i32>} : memref<4x24x1024xf32, #tpu.memory_space<vmem>>, vector<16xf32>,
              %add3A_279 = arith.addf %get3A_272, %get3A_278 : vector<16xf32>
              %get3A_280 = arith.constant 1 : i32
              %get3A_281 = arith.constant 14 : i32
              %get3A_282 = arith.index_cast %get3A_280 : i32 to index
              %get3A_283 = arith.index_cast %get3A_281 : i32 to index
              %get3A_284 = arith.index_cast %mul3A_189 : i32 to index
              %get3A_285 = tpu.vector_load %arg8[%get3A_282, %get3A_283, %get3A_284] {strides = array<i32>} : memref<4x24x1024xf32, #tpu.memory_space<vmem>>, vector<16xf32>,
              %get3A_286 = arith.constant 1 : i32
              %get3A_287 = arith.constant 15 : i32
              %get3A_288 = arith.index_cast %get3A_286 : i32 to index
              %get3A_289 = arith.index_cast %get3A_287 : i32 to index
              %get3A_290 = arith.index_cast %mul3A_189 : i32 to index
              %get3A_291 = tpu.vector_load %arg8[%get3A_288, %get3A_289, %get3A_290] {strides = array<i32>} : memref<4x24x1024xf32, #tpu.memory_space<vmem>>, vector<16xf32>,
              %add3A_292 = arith.addf %get3A_285, %get3A_291 : vector<16xf32>
              %get3A_293 = arith.constant 1 : i32
              %get3A_294 = arith.constant 16 : i32
              %get3A_295 = arith.index_cast %get3A_293 : i32 to index
              %get3A_296 = arith.index_cast %get3A_294 : i32 to index
              %get3A_297 = arith.index_cast %mul3A_189 : i32 to index
              %get3A_298 = tpu.vector_load %arg8[%get3A_295, %get3A_296, %get3A_297] {strides = array<i32>} : memref<4x24x1024xf32, #tpu.memory_space<vmem>>, vector<16xf32>,
              %get3A_299 = arith.constant 1 : i32
              %get3A_300 = arith.constant 17 : i32
              %get3A_301 = arith.index_cast %get3A_299 : i32 to index
              %get3A_302 = arith.index_cast %get3A_300 : i32 to index
              %get3A_303 = arith.index_cast %mul3A_189 : i32 to index
              %get3A_304 = tpu.vector_load %arg8[%get3A_301, %get3A_302, %get3A_303] {strides = array<i32>} : memref<4x24x1024xf32, #tpu.memory_space<vmem>>, vector<16xf32>,
              %add3A_305 = arith.addf %get3A_298, %get3A_304 : vector<16xf32>
              %get3A_306 = arith.constant 1 : i32
              %get3A_307 = arith.constant 18 : i32
              %get3A_308 = arith.index_cast %get3A_306 : i32 to index
              %get3A_309 = arith.index_cast %get3A_307 : i32 to index
              %get3A_310 = arith.index_cast %mul3A_189 : i32 to index
              %get3A_311 = tpu.vector_load %arg8[%get3A_308, %get3A_309, %get3A_310] {strides = array<i32>} : memref<4x24x1024xf32, #tpu.memory_space<vmem>>, vector<16xf32>,
              %get3A_312 = arith.constant 1 : i32
              %get3A_313 = arith.constant 19 : i32
              %get3A_314 = arith.index_cast %get3A_312 : i32 to index
              %get3A_315 = arith.index_cast %get3A_313 : i32 to index
              %get3A_316 = arith.index_cast %mul3A_189 : i32 to index
              %get3A_317 = tpu.vector_load %arg8[%get3A_314, %get3A_315, %get3A_316] {strides = array<i32>} : memref<4x24x1024xf32, #tpu.memory_space<vmem>>, vector<16xf32>,
              %add3A_318 = arith.addf %get3A_311, %get3A_317 : vector<16xf32>
              %get3A_319 = arith.constant 1 : i32
              %get3A_320 = arith.constant 20 : i32
              %get3A_321 = arith.index_cast %get3A_319 : i32 to index
              %get3A_322 = arith.index_cast %get3A_320 : i32 to index
              %get3A_323 = arith.index_cast %mul3A_189 : i32 to index
              %get3A_324 = tpu.vector_load %arg8[%get3A_321, %get3A_322, %get3A_323] {strides = array<i32>} : memref<4x24x1024xf32, #tpu.memory_space<vmem>>, vector<16xf32>,
              %get3A_325 = arith.constant 1 : i32
              %get3A_326 = arith.constant 21 : i32
              %get3A_327 = arith.index_cast %get3A_325 : i32 to index
              %get3A_328 = arith.index_cast %get3A_326 : i32 to index
              %get3A_329 = arith.index_cast %mul3A_189 : i32 to index
              %get3A_330 = tpu.vector_load %arg8[%get3A_327, %get3A_328, %get3A_329] {strides = array<i32>} : memref<4x24x1024xf32, #tpu.memory_space<vmem>>, vector<16xf32>,
              %add3A_331 = arith.addf %get3A_324, %get3A_330 : vector<16xf32>
              %get3A_332 = arith.constant 1 : i32
              %get3A_333 = arith.constant 22 : i32
              %get3A_334 = arith.index_cast %get3A_332 : i32 to index
              %get3A_335 = arith.index_cast %get3A_333 : i32 to index
              %get3A_336 = arith.index_cast %mul3A_189 : i32 to index
              %get3A_337 = tpu.vector_load %arg8[%get3A_334, %get3A_335, %get3A_336] {strides = array<i32>} : memref<4x24x1024xf32, #tpu.memory_space<vmem>>, vector<16xf32>,
              %get3A_338 = arith.constant 1 : i32
              %get3A_339 = arith.constant 23 : i32
              %get3A_340 = arith.index_cast %get3A_338 : i32 to index
              %get3A_341 = arith.index_cast %get3A_339 : i32 to index
              %get3A_342 = arith.index_cast %mul3A_189 : i32 to index
              %get3A_343 = tpu.vector_load %arg8[%get3A_340, %get3A_341, %get3A_342] {strides = array<i32>} : memref<4x24x1024xf32, #tpu.memory_space<vmem>>, vector<16xf32>,
              %add3A_344 = arith.addf %get3A_337, %get3A_343 : vector<16xf32>
              %add3A_345 = arith.addf %add3A_201, %add3A_214 : vector<16xf32>
              %add3A_346 = arith.addf %add3A_227, %add3A_240 : vector<16xf32>
              %add3A_347 = arith.addf %add3A_253, %add3A_266 : vector<16xf32>
              %add3A_348 = arith.addf %add3A_279, %add3A_292 : vector<16xf32>
              %add3A_349 = arith.addf %add3A_305, %add3A_318 : vector<16xf32>
              %add3A_350 = arith.addf %add3A_331, %add3A_344 : vector<16xf32>
              %add3A_351 = arith.addf %add3A_345, %add3A_346 : vector<16xf32>
              %add3A_352 = arith.addf %add3A_347, %add3A_348 : vector<16xf32>
              %add3A_353 = arith.addf %add3A_349, %add3A_350 : vector<16xf32>
              %add3A_354 = arith.addf %add3A_351, %add3A_352 : vector<16xf32>
              %add3A_355 = arith.addf %add3A_354, %add3A_353 : vector<16xf32>
              %swap3A = arith.index_cast %mul3A_189 : i32 to index
              %swap3A_356 = tpu.vector_load %arg7[%swap3A] {strides = array<i32>} : memref<1024xf32, #tpu.memory_space<vmem>>, vector<16xf32>,
              tpu.vector_store %arg7[%swap3A], %add3A_355 {add = true, strides = array<i32>} : memref<1024xf32, #tpu.memory_space<vmem>>, vector<16xf32>,
              %mul3A_357 = arith.constant 2 : i32
              %mul3A_358 = arith.muli %scan3A_183, %mul3A_357 : i32
              %add3A_359 = arith.constant 1 : i32
              %add3A_360 = arith.addi %mul3A_358, %add3A_359 : i32
              %mul3A_361 = arith.constant 16 : i32
              %mul3A_362 = arith.muli %add3A_360, %mul3A_361 : i32
              %get3A_363 = arith.constant 1 : i32
              %get3A_364 = arith.constant 0 : i32
              %get3A_365 = arith.index_cast %get3A_363 : i32 to index
              %get3A_366 = arith.index_cast %get3A_364 : i32 to index
              %get3A_367 = arith.index_cast %mul3A_362 : i32 to index
              %get3A_368 = tpu.vector_load %arg8[%get3A_365, %get3A_366, %get3A_367] {strides = array<i32>} : memref<4x24x1024xf32, #tpu.memory_space<vmem>>, vector<16xf32>,
              %get3A_369 = arith.constant 1 : i32
              %get3A_370 = arith.constant 1 : i32
              %get3A_371 = arith.index_cast %get3A_369 : i32 to index
              %get3A_372 = arith.index_cast %get3A_370 : i32 to index
              %get3A_373 = arith.index_cast %mul3A_362 : i32 to index
              %get3A_374 = tpu.vector_load %arg8[%get3A_371, %get3A_372, %get3A_373] {strides = array<i32>} : memref<4x24x1024xf32, #tpu.memory_space<vmem>>, vector<16xf32>,
              %add3A_375 = arith.addf %get3A_368, %get3A_374 : vector<16xf32>
              %get3A_376 = arith.constant 1 : i32
              %get3A_377 = arith.constant 2 : i32
              %get3A_378 = arith.index_cast %get3A_376 : i32 to index
              %get3A_379 = arith.index_cast %get3A_377 : i32 to index
              %get3A_380 = arith.index_cast %mul3A_362 : i32 to index
              %get3A_381 = tpu.vector_load %arg8[%get3A_378, %get3A_379, %get3A_380] {strides = array<i32>} : memref<4x24x1024xf32, #tpu.memory_space<vmem>>, vector<16xf32>,
              %get3A_382 = arith.constant 1 : i32
              %get3A_383 = arith.constant 3 : i32
              %get3A_384 = arith.index_cast %get3A_382 : i32 to index
              %get3A_385 = arith.index_cast %get3A_383 : i32 to index
              %get3A_386 = arith.index_cast %mul3A_362 : i32 to index
              %get3A_387 = tpu.vector_load %arg8[%get3A_384, %get3A_385, %get3A_386] {strides = array<i32>} : memref<4x24x1024xf32, #tpu.memory_space<vmem>>, vector<16xf32>,
              %add3A_388 = arith.addf %get3A_381, %get3A_387 : vector<16xf32>
              %get3A_389 = arith.constant 1 : i32
              %get3A_390 = arith.constant 4 : i32
              %get3A_391 = arith.index_cast %get3A_389 : i32 to index
              %get3A_392 = arith.index_cast %get3A_390 : i32 to index
              %get3A_393 = arith.index_cast %mul3A_362 : i32 to index
              %get3A_394 = tpu.vector_load %arg8[%get3A_391, %get3A_392, %get3A_393] {strides = array<i32>} : memref<4x24x1024xf32, #tpu.memory_space<vmem>>, vector<16xf32>,
              %get3A_395 = arith.constant 1 : i32
              %get3A_396 = arith.constant 5 : i32
              %get3A_397 = arith.index_cast %get3A_395 : i32 to index
              %get3A_398 = arith.index_cast %get3A_396 : i32 to index
              %get3A_399 = arith.index_cast %mul3A_362 : i32 to index
              %get3A_400 = tpu.vector_load %arg8[%get3A_397, %get3A_398, %get3A_399] {strides = array<i32>} : memref<4x24x1024xf32, #tpu.memory_space<vmem>>, vector<16xf32>,
              %add3A_401 = arith.addf %get3A_394, %get3A_400 : vector<16xf32>
              %get3A_402 = arith.constant 1 : i32
              %get3A_403 = arith.constant 6 : i32
              %get3A_404 = arith.index_cast %get3A_402 : i32 to index
              %get3A_405 = arith.index_cast %get3A_403 : i32 to index
              %get3A_406 = arith.index_cast %mul3A_362 : i32 to index
              %get3A_407 = tpu.vector_load %arg8[%get3A_404, %get3A_405, %get3A_406] {strides = array<i32>} : memref<4x24x1024xf32, #tpu.memory_space<vmem>>, vector<16xf32>,
              %get3A_408 = arith.constant 1 : i32
              %get3A_409 = arith.constant 7 : i32
              %get3A_410 = arith.index_cast %get3A_408 : i32 to index
              %get3A_411 = arith.index_cast %get3A_409 : i32 to index
              %get3A_412 = arith.index_cast %mul3A_362 : i32 to index
              %get3A_413 = tpu.vector_load %arg8[%get3A_410, %get3A_411, %get3A_412] {strides = array<i32>} : memref<4x24x1024xf32, #tpu.memory_space<vmem>>, vector<16xf32>,
              %add3A_414 = arith.addf %get3A_407, %get3A_413 : vector<16xf32>
              %get3A_415 = arith.constant 1 : i32
              %get3A_416 = arith.constant 8 : i32
              %get3A_417 = arith.index_cast %get3A_415 : i32 to index
              %get3A_418 = arith.index_cast %get3A_416 : i32 to index
              %get3A_419 = arith.index_cast %mul3A_362 : i32 to index
              %get3A_420 = tpu.vector_load %arg8[%get3A_417, %get3A_418, %get3A_419] {strides = array<i32>} : memref<4x24x1024xf32, #tpu.memory_space<vmem>>, vector<16xf32>,
              %get3A_421 = arith.constant 1 : i32
              %get3A_422 = arith.constant 9 : i32
              %get3A_423 = arith.index_cast %get3A_421 : i32 to index
              %get3A_424 = arith.index_cast %get3A_422 : i32 to index
              %get3A_425 = arith.index_cast %mul3A_362 : i32 to index
              %get3A_426 = tpu.vector_load %arg8[%get3A_423, %get3A_424, %get3A_425] {strides = array<i32>} : memref<4x24x1024xf32, #tpu.memory_space<vmem>>, vector<16xf32>,
              %add3A_427 = arith.addf %get3A_420, %get3A_426 : vector<16xf32>
              %get3A_428 = arith.constant 1 : i32
              %get3A_429 = arith.constant 10 : i32
              %get3A_430 = arith.index_cast %get3A_428 : i32 to index
              %get3A_431 = arith.index_cast %get3A_429 : i32 to index
              %get3A_432 = arith.index_cast %mul3A_362 : i32 to index
              %get3A_433 = tpu.vector_load %arg8[%get3A_430, %get3A_431, %get3A_432] {strides = array<i32>} : memref<4x24x1024xf32, #tpu.memory_space<vmem>>, vector<16xf32>,
              %get3A_434 = arith.constant 1 : i32
              %get3A_435 = arith.constant 11 : i32
              %get3A_436 = arith.index_cast %get3A_434 : i32 to index
              %get3A_437 = arith.index_cast %get3A_435 : i32 to index
              %get3A_438 = arith.index_cast %mul3A_362 : i32 to index
              %get3A_439 = tpu.vector_load %arg8[%get3A_436, %get3A_437, %get3A_438] {strides = array<i32>} : memref<4x24x1024xf32, #tpu.memory_space<vmem>>, vector<16xf32>,
              %add3A_440 = arith.addf %get3A_433, %get3A_439 : vector<16xf32>
              %get3A_441 = arith.constant 1 : i32
              %get3A_442 = arith.constant 12 : i32
              %get3A_443 = arith.index_cast %get3A_441 : i32 to index
              %get3A_444 = arith.index_cast %get3A_442 : i32 to index
              %get3A_445 = arith.index_cast %mul3A_362 : i32 to index
              %get3A_446 = tpu.vector_load %arg8[%get3A_443, %get3A_444, %get3A_445] {strides = array<i32>} : memref<4x24x1024xf32, #tpu.memory_space<vmem>>, vector<16xf32>,
              %get3A_447 = arith.constant 1 : i32
              %get3A_448 = arith.constant 13 : i32
              %get3A_449 = arith.index_cast %get3A_447 : i32 to index
              %get3A_450 = arith.index_cast %get3A_448 : i32 to index
              %get3A_451 = arith.index_cast %mul3A_362 : i32 to index
              %get3A_452 = tpu.vector_load %arg8[%get3A_449, %get3A_450, %get3A_451] {strides = array<i32>} : memref<4x24x1024xf32, #tpu.memory_space<vmem>>, vector<16xf32>,
              %add3A_453 = arith.addf %get3A_446, %get3A_452 : vector<16xf32>
              %get3A_454 = arith.constant 1 : i32
              %get3A_455 = arith.constant 14 : i32
              %get3A_456 = arith.index_cast %get3A_454 : i32 to index
              %get3A_457 = arith.index_cast %get3A_455 : i32 to index
              %get3A_458 = arith.index_cast %mul3A_362 : i32 to index
              %get3A_459 = tpu.vector_load %arg8[%get3A_456, %get3A_457, %get3A_458] {strides = array<i32>} : memref<4x24x1024xf32, #tpu.memory_space<vmem>>, vector<16xf32>,
              %get3A_460 = arith.constant 1 : i32
              %get3A_461 = arith.constant 15 : i32
              %get3A_462 = arith.index_cast %get3A_460 : i32 to index
              %get3A_463 = arith.index_cast %get3A_461 : i32 to index
              %get3A_464 = arith.index_cast %mul3A_362 : i32 to index
              %get3A_465 = tpu.vector_load %arg8[%get3A_462, %get3A_463, %get3A_464] {strides = array<i32>} : memref<4x24x1024xf32, #tpu.memory_space<vmem>>, vector<16xf32>,
              %add3A_466 = arith.addf %get3A_459, %get3A_465 : vector<16xf32>
              %get3A_467 = arith.constant 1 : i32
              %get3A_468 = arith.constant 16 : i32
              %get3A_469 = arith.index_cast %get3A_467 : i32 to index
              %get3A_470 = arith.index_cast %get3A_468 : i32 to index
              %get3A_471 = arith.index_cast %mul3A_362 : i32 to index
              %get3A_472 = tpu.vector_load %arg8[%get3A_469, %get3A_470, %get3A_471] {strides = array<i32>} : memref<4x24x1024xf32, #tpu.memory_space<vmem>>, vector<16xf32>,
              %get3A_473 = arith.constant 1 : i32
              %get3A_474 = arith.constant 17 : i32
              %get3A_475 = arith.index_cast %get3A_473 : i32 to index
              %get3A_476 = arith.index_cast %get3A_474 : i32 to index
              %get3A_477 = arith.index_cast %mul3A_362 : i32 to index
              %get3A_478 = tpu.vector_load %arg8[%get3A_475, %get3A_476, %get3A_477] {strides = array<i32>} : memref<4x24x1024xf32, #tpu.memory_space<vmem>>, vector<16xf32>,
              %add3A_479 = arith.addf %get3A_472, %get3A_478 : vector<16xf32>
              %get3A_480 = arith.constant 1 : i32
              %get3A_481 = arith.constant 18 : i32
              %get3A_482 = arith.index_cast %get3A_480 : i32 to index
              %get3A_483 = arith.index_cast %get3A_481 : i32 to index
              %get3A_484 = arith.index_cast %mul3A_362 : i32 to index
              %get3A_485 = tpu.vector_load %arg8[%get3A_482, %get3A_483, %get3A_484] {strides = array<i32>} : memref<4x24x1024xf32, #tpu.memory_space<vmem>>, vector<16xf32>,
              %get3A_486 = arith.constant 1 : i32
              %get3A_487 = arith.constant 19 : i32
              %get3A_488 = arith.index_cast %get3A_486 : i32 to index
              %get3A_489 = arith.index_cast %get3A_487 : i32 to index
              %get3A_490 = arith.index_cast %mul3A_362 : i32 to index
              %get3A_491 = tpu.vector_load %arg8[%get3A_488, %get3A_489, %get3A_490] {strides = array<i32>} : memref<4x24x1024xf32, #tpu.memory_space<vmem>>, vector<16xf32>,
              %add3A_492 = arith.addf %get3A_485, %get3A_491 : vector<16xf32>
              %get3A_493 = arith.constant 1 : i32
              %get3A_494 = arith.constant 20 : i32
              %get3A_495 = arith.index_cast %get3A_493 : i32 to index
              %get3A_496 = arith.index_cast %get3A_494 : i32 to index
              %get3A_497 = arith.index_cast %mul3A_362 : i32 to index
              %get3A_498 = tpu.vector_load %arg8[%get3A_495, %get3A_496, %get3A_497] {strides = array<i32>} : memref<4x24x1024xf32, #tpu.memory_space<vmem>>, vector<16xf32>,
              %get3A_499 = arith.constant 1 : i32
              %get3A_500 = arith.constant 21 : i32
              %get3A_501 = arith.index_cast %get3A_499 : i32 to index
              %get3A_502 = arith.index_cast %get3A_500 : i32 to index
              %get3A_503 = arith.index_cast %mul3A_362 : i32 to index
              %get3A_504 = tpu.vector_load %arg8[%get3A_501, %get3A_502, %get3A_503] {strides = array<i32>} : memref<4x24x1024xf32, #tpu.memory_space<vmem>>, vector<16xf32>,
              %add3A_505 = arith.addf %get3A_498, %get3A_504 : vector<16xf32>
              %get3A_506 = arith.constant 1 : i32
              %get3A_507 = arith.constant 22 : i32
              %get3A_508 = arith.index_cast %get3A_506 : i32 to index
              %get3A_509 = arith.index_cast %get3A_507 : i32 to index
              %get3A_510 = arith.index_cast %mul3A_362 : i32 to index
              %get3A_511 = tpu.vector_load %arg8[%get3A_508, %get3A_509, %get3A_510] {strides = array<i32>} : memref<4x24x1024xf32, #tpu.memory_space<vmem>>, vector<16xf32>,
              %get3A_512 = arith.constant 1 : i32
              %get3A_513 = arith.constant 23 : i32
              %get3A_514 = arith.index_cast %get3A_512 : i32 to index
              %get3A_515 = arith.index_cast %get3A_513 : i32 to index
              %get3A_516 = arith.index_cast %mul3A_362 : i32 to index
              %get3A_517 = tpu.vector_load %arg8[%get3A_514, %get3A_515, %get3A_516] {strides = array<i32>} : memref<4x24x1024xf32, #tpu.memory_space<vmem>>, vector<16xf32>,
              %add3A_518 = arith.addf %get3A_511, %get3A_517 : vector<16xf32>
              %add3A_519 = arith.addf %add3A_375, %add3A_388 : vector<16xf32>
              %add3A_520 = arith.addf %add3A_401, %add3A_414 : vector<16xf32>
              %add3A_521 = arith.addf %add3A_427, %add3A_440 : vector<16xf32>
              %add3A_522 = arith.addf %add3A_453, %add3A_466 : vector<16xf32>
              %add3A_523 = arith.addf %add3A_479, %add3A_492 : vector<16xf32>
              %add3A_524 = arith.addf %add3A_505, %add3A_518 : vector<16xf32>
              %add3A_525 = arith.addf %add3A_519, %add3A_520 : vector<16xf32>
              %add3A_526 = arith.addf %add3A_521, %add3A_522 : vector<16xf32>
              %add3A_527 = arith.addf %add3A_523, %add3A_524 : vector<16xf32>
              %add3A_528 = arith.addf %add3A_525, %add3A_526 : vector<16xf32>
              %add3A_529 = arith.addf %add3A_528, %add3A_527 : vector<16xf32>
              %swap3A_530 = arith.index_cast %mul3A_362 : i32 to index
              %swap3A_531 = tpu.vector_load %arg7[%swap3A_530] {strides = array<i32>} : memref<1024xf32, #tpu.memory_space<vmem>>, vector<16xf32>,
              tpu.vector_store %arg7[%swap3A_530], %add3A_529 {add = true, strides = array<i32>} : memref<1024xf32, #tpu.memory_space<vmem>>, vector<16xf32>,
            }
            %scan3A_182 = arith.constant 32 : i32
          } else {
          }
          %eq3A = arith.cmpi eq, %add3A_134, %select_n3A : i32
          %convert_element_type3A_168 = arith.extui %eq3A : i1 to i32
          %cond3A_169 = arith.constant 0 : i32
          %cond3A_170 = arith.cmpi ne, %convert_element_type3A_168, %cond3A_169 : i32
          scf.if %cond3A_170 {
            %while3A_177 = arith.constant 0 : i32
            %while3A_178 = arith.constant 0 : i32
            %while3A_179 = arith.subi %sub3A_57, %while3A_178 : i32
            %while3A_180 = arith.addi %while3A_178, %while3A_179 : i32
            %while3A_181 = arith.constant 1 : i32
            %while3A_182 = arith.divsi %while3A_179, %while3A_181 : i32
            %while3A_183 = arith.muli %while3A_182, %while3A_181 : i32
            %while3A_184 = arith.addi %while3A_178, %while3A_183 : i32
            %while3A_185 = arith.constant 1 : i32
            scf.for %while3A_187 = %while3A_178 to %while3A_184 step %while3A_185  : i32 {
              %scan3A_188 = arith.constant 0 : i32
              %scan3A_189 = arith.constant 0 : i32
              %scan3A_190 = arith.constant 64 : i32
              %scan3A_191 = arith.addi %scan3A_189, %scan3A_190 : i32
              %scan3A_192 = arith.constant 1 : i32
              scf.for %scan3A_194 = %scan3A_189 to %scan3A_191 step %scan3A_192  : i32 {
                %mul3A_195 = arith.constant 16 : i32
                %mul3A_196 = arith.muli %scan3A_194, %mul3A_195 : i32
                %get3A = arith.constant 1 : i32
                %get3A_197 = arith.index_cast %get3A : i32 to index
                %get3A_198 = arith.index_cast %while3A_187 : i32 to index
                %get3A_199 = arith.index_cast %mul3A_196 : i32 to index
                %get3A_200 = tpu.vector_load %arg8[%get3A_197, %get3A_198, %get3A_199] {strides = array<i32>} : memref<4x24x1024xf32, #tpu.memory_space<vmem>>, vector<16xf32>,
                %swap3A = arith.index_cast %mul3A_196 : i32 to index
                %swap3A_201 = tpu.vector_load %arg7[%swap3A] {strides = array<i32>} : memref<1024xf32, #tpu.memory_space<vmem>>, vector<16xf32>,
                tpu.vector_store %arg7[%swap3A], %get3A_200 {add = true, strides = array<i32>} : memref<1024xf32, #tpu.memory_space<vmem>>, vector<16xf32>,
              }
              %scan3A_193 = arith.constant 64 : i32
            }
            %while3A_186 = arith.constant 1 : i32
            scf.for %while3A_187 = %while3A_184 to %while3A_180 step %while3A_186  : i32 {
              %scan3A_188 = arith.constant 0 : i32
              %scan3A_189 = arith.constant 0 : i32
              %scan3A_190 = arith.constant 64 : i32
              %scan3A_191 = arith.addi %scan3A_189, %scan3A_190 : i32
              %scan3A_192 = arith.constant 1 : i32
              scf.for %scan3A_194 = %scan3A_189 to %scan3A_191 step %scan3A_192  : i32 {
                %mul3A_195 = arith.constant 16 : i32
                %mul3A_196 = arith.muli %scan3A_194, %mul3A_195 : i32
                %get3A = arith.constant 1 : i32
                %get3A_197 = arith.index_cast %get3A : i32 to index
                %get3A_198 = arith.index_cast %while3A_187 : i32 to index
                %get3A_199 = arith.index_cast %mul3A_196 : i32 to index
                %get3A_200 = tpu.vector_load %arg8[%get3A_197, %get3A_198, %get3A_199] {strides = array<i32>} : memref<4x24x1024xf32, #tpu.memory_space<vmem>>, vector<16xf32>,
                %swap3A = arith.index_cast %mul3A_196 : i32 to index
                %swap3A_201 = tpu.vector_load %arg7[%swap3A] {strides = array<i32>} : memref<1024xf32, #tpu.memory_space<vmem>>, vector<16xf32>,
                tpu.vector_store %arg7[%swap3A], %get3A_200 {add = true, strides = array<i32>} : memref<1024xf32, #tpu.memory_space<vmem>>, vector<16xf32>,
              }
              %scan3A_193 = arith.constant 64 : i32
            }
          } else {
          }
          %add3A_171 = arith.constant 4 : i32
          %add3A_172 = arith.addi %add3A_134, %add3A_171 : i32
          %lt3A_173 = arith.cmpi slt, %add3A_172, %add3A_62 : i32
          %convert_element_type3A_174 = arith.extui %lt3A_173 : i1 to i32
          %cond3A_175 = arith.constant 0 : i32
          %cond3A_176 = arith.cmpi ne, %convert_element_type3A_174, %cond3A_175 : i32
          scf.if %cond3A_176 {
            %add3A_177 = arith.constant 4 : i32
            %add3A_178 = arith.addi %add3A_134, %add3A_177 : i32
            %mul3A_179 = arith.constant 24 : i32
            %mul3A_180 = arith.muli %add3A_178, %mul3A_179 : i32
            %dma_start3A = arith.constant 1 : i32
            %dma_start3A_181 = arith.constant 0 : i32
            %dma_start3A_182 = arith.constant 0 : i32
            %dma_start3A_183 = tpu.memref_slice %arg8[%dma_start3A, %dma_start3A_181, %dma_start3A_182] : memref<4x24x1024xf32, #tpu.memory_space<vmem>> -> memref<1x24x1024xf32, #tpu.memory_space<vmem>>
            %dma_start3A_184 = tpu.memref_squeeze %dma_start3A_183 : memref<1x24x1024xf32, #tpu.memory_space<vmem>> -> memref<24x1024xf32, #tpu.memory_space<vmem>>
            %dma_start3A_185 = tpu.memref_slice %arg6[%mul3A_180] : memref<592xi32, #tpu.memory_space<vmem>> -> memref<24xi32, #tpu.memory_space<vmem>>
            %dma_start3A_186 = arith.constant 0 : i32
            %dma_start3A_187 = arith.constant 0 : i32
            %dma_start3A_188 = tpu.memref_slice %arg3[%dma_start3A_186, %dma_start3A_187] : memref<73728x1024xf32, #tpu.memory_space<hbm>> -> memref<73728x1024xf32, #tpu.memory_space<hbm>>
            tpu.enqueue_indirect_dma source(%dma_start3A_188 : memref<73728x1024xf32, #tpu.memory_space<hbm>>) target(%dma_start3A_184 : memref<24x1024xf32, #tpu.memory_space<vmem>>) offsets(%dma_start3A_185 : memref<24xi32, #tpu.memory_space<vmem>>) semaphore(%arg10 : memref<!tpu.dma_semaphore, #tpu.memory_space<semaphore_mem>>)
          } else {
          }
        } else {
        }
        %mul3A_139 = arith.constant 4 : i32
        %mul3A_140 = arith.muli %while3A_123, %mul3A_139 : i32
        %add3A_141 = arith.constant 2 : i32
        %add3A_142 = arith.addi %mul3A_140, %add3A_141 : i32
        %lt3A_143 = arith.cmpi slt, %add3A_142, %add3A_62 : i32
        %convert_element_type3A_144 = arith.extui %lt3A_143 : i1 to i32
        %cond3A_145 = arith.constant 0 : i32
        %cond3A_146 = arith.cmpi ne, %convert_element_type3A_144, %cond3A_145 : i32
        scf.if %cond3A_146 {
          %dma_wait3A = arith.constant 2 : i32
          %dma_wait3A_155 = arith.constant 0 : i32
          %dma_wait3A_156 = arith.constant 0 : i32
          %dma_wait3A_157 = tpu.memref_slice %arg8[%dma_wait3A, %dma_wait3A_155, %dma_wait3A_156] : memref<4x24x1024xf32, #tpu.memory_space<vmem>> -> memref<1x24x1024xf32, #tpu.memory_space<vmem>>
          %dma_wait3A_158 = tpu.memref_squeeze %dma_wait3A_157 : memref<1x24x1024xf32, #tpu.memory_space<vmem>> -> memref<24x1024xf32, #tpu.memory_space<vmem>>
          %dma_wait3A_159 = arith.constant 0 : i32
          %dma_wait3A_160 = tpu.memref_slice %arg6[%dma_wait3A_159] : memref<592xi32, #tpu.memory_space<vmem>> -> memref<24xi32, #tpu.memory_space<vmem>>
          %dma_wait3A_161 = arith.constant 0 : i32
          %dma_wait3A_162 = arith.constant 0 : i32
          %dma_wait3A_163 = tpu.memref_slice %arg3[%dma_wait3A_161, %dma_wait3A_162] : memref<73728x1024xf32, #tpu.memory_space<hbm>> -> memref<73728x1024xf32, #tpu.memory_space<hbm>>
          tpu.wait_indirect_dma semaphore(%arg11 : memref<!tpu.dma_semaphore, #tpu.memory_space<semaphore_mem>>) src(%dma_wait3A_163 : memref<73728x1024xf32, #tpu.memory_space<hbm>>) dst(%dma_wait3A_158 : memref<24x1024xf32, #tpu.memory_space<vmem>>)
          %lt3A_164 = arith.cmpi slt, %add3A_142, %select_n3A : i32
          %convert_element_type3A_165 = arith.extui %lt3A_164 : i1 to i32
          %cond3A_166 = arith.constant 0 : i32
          %cond3A_167 = arith.cmpi ne, %convert_element_type3A_165, %cond3A_166 : i32
          scf.if %cond3A_167 {
            %scan3A_177 = arith.constant 0 : i32
            %scan3A_178 = arith.constant 0 : i32
            %scan3A_179 = arith.constant 32 : i32
            %scan3A_180 = arith.addi %scan3A_178, %scan3A_179 : i32
            %scan3A_181 = arith.constant 1 : i32
            scf.for %scan3A_183 = %scan3A_178 to %scan3A_180 step %scan3A_181  : i32 {
              %mul3A_184 = arith.constant 2 : i32
              %mul3A_185 = arith.muli %scan3A_183, %mul3A_184 : i32
              %add3A_186 = arith.constant 0 : i32
              %add3A_187 = arith.addi %mul3A_185, %add3A_186 : i32
              %mul3A_188 = arith.constant 16 : i32
              %mul3A_189 = arith.muli %add3A_187, %mul3A_188 : i32
              %get3A = arith.constant 2 : i32
              %get3A_190 = arith.constant 0 : i32
              %get3A_191 = arith.index_cast %get3A : i32 to index
              %get3A_192 = arith.index_cast %get3A_190 : i32 to index
              %get3A_193 = arith.index_cast %mul3A_189 : i32 to index
              %get3A_194 = tpu.vector_load %arg8[%get3A_191, %get3A_192, %get3A_193] {strides = array<i32>} : memref<4x24x1024xf32, #tpu.memory_space<vmem>>, vector<16xf32>,
              %get3A_195 = arith.constant 2 : i32
              %get3A_196 = arith.constant 1 : i32
              %get3A_197 = arith.index_cast %get3A_195 : i32 to index
              %get3A_198 = arith.index_cast %get3A_196 : i32 to index
              %get3A_199 = arith.index_cast %mul3A_189 : i32 to index
              %get3A_200 = tpu.vector_load %arg8[%get3A_197, %get3A_198, %get3A_199] {strides = array<i32>} : memref<4x24x1024xf32, #tpu.memory_space<vmem>>, vector<16xf32>,
              %add3A_201 = arith.addf %get3A_194, %get3A_200 : vector<16xf32>
              %get3A_202 = arith.constant 2 : i32
              %get3A_203 = arith.constant 2 : i32
              %get3A_204 = arith.index_cast %get3A_202 : i32 to index
              %get3A_205 = arith.index_cast %get3A_203 : i32 to index
              %get3A_206 = arith.index_cast %mul3A_189 : i32 to index
              %get3A_207 = tpu.vector_load %arg8[%get3A_204, %get3A_205, %get3A_206] {strides = array<i32>} : memref<4x24x1024xf32, #tpu.memory_space<vmem>>, vector<16xf32>,
              %get3A_208 = arith.constant 2 : i32
              %get3A_209 = arith.constant 3 : i32
              %get3A_210 = arith.index_cast %get3A_208 : i32 to index
              %get3A_211 = arith.index_cast %get3A_209 : i32 to index
              %get3A_212 = arith.index_cast %mul3A_189 : i32 to index
              %get3A_213 = tpu.vector_load %arg8[%get3A_210, %get3A_211, %get3A_212] {strides = array<i32>} : memref<4x24x1024xf32, #tpu.memory_space<vmem>>, vector<16xf32>,
              %add3A_214 = arith.addf %get3A_207, %get3A_213 : vector<16xf32>
              %get3A_215 = arith.constant 2 : i32
              %get3A_216 = arith.constant 4 : i32
              %get3A_217 = arith.index_cast %get3A_215 : i32 to index
              %get3A_218 = arith.index_cast %get3A_216 : i32 to index
              %get3A_219 = arith.index_cast %mul3A_189 : i32 to index
              %get3A_220 = tpu.vector_load %arg8[%get3A_217, %get3A_218, %get3A_219] {strides = array<i32>} : memref<4x24x1024xf32, #tpu.memory_space<vmem>>, vector<16xf32>,
              %get3A_221 = arith.constant 2 : i32
              %get3A_222 = arith.constant 5 : i32
              %get3A_223 = arith.index_cast %get3A_221 : i32 to index
              %get3A_224 = arith.index_cast %get3A_222 : i32 to index
              %get3A_225 = arith.index_cast %mul3A_189 : i32 to index
              %get3A_226 = tpu.vector_load %arg8[%get3A_223, %get3A_224, %get3A_225] {strides = array<i32>} : memref<4x24x1024xf32, #tpu.memory_space<vmem>>, vector<16xf32>,
              %add3A_227 = arith.addf %get3A_220, %get3A_226 : vector<16xf32>
              %get3A_228 = arith.constant 2 : i32
              %get3A_229 = arith.constant 6 : i32
              %get3A_230 = arith.index_cast %get3A_228 : i32 to index
              %get3A_231 = arith.index_cast %get3A_229 : i32 to index
              %get3A_232 = arith.index_cast %mul3A_189 : i32 to index
              %get3A_233 = tpu.vector_load %arg8[%get3A_230, %get3A_231, %get3A_232] {strides = array<i32>} : memref<4x24x1024xf32, #tpu.memory_space<vmem>>, vector<16xf32>,
              %get3A_234 = arith.constant 2 : i32
              %get3A_235 = arith.constant 7 : i32
              %get3A_236 = arith.index_cast %get3A_234 : i32 to index
              %get3A_237 = arith.index_cast %get3A_235 : i32 to index
              %get3A_238 = arith.index_cast %mul3A_189 : i32 to index
              %get3A_239 = tpu.vector_load %arg8[%get3A_236, %get3A_237, %get3A_238] {strides = array<i32>} : memref<4x24x1024xf32, #tpu.memory_space<vmem>>, vector<16xf32>,
              %add3A_240 = arith.addf %get3A_233, %get3A_239 : vector<16xf32>
              %get3A_241 = arith.constant 2 : i32
              %get3A_242 = arith.constant 8 : i32
              %get3A_243 = arith.index_cast %get3A_241 : i32 to index
              %get3A_244 = arith.index_cast %get3A_242 : i32 to index
              %get3A_245 = arith.index_cast %mul3A_189 : i32 to index
              %get3A_246 = tpu.vector_load %arg8[%get3A_243, %get3A_244, %get3A_245] {strides = array<i32>} : memref<4x24x1024xf32, #tpu.memory_space<vmem>>, vector<16xf32>,
              %get3A_247 = arith.constant 2 : i32
              %get3A_248 = arith.constant 9 : i32
              %get3A_249 = arith.index_cast %get3A_247 : i32 to index
              %get3A_250 = arith.index_cast %get3A_248 : i32 to index
              %get3A_251 = arith.index_cast %mul3A_189 : i32 to index
              %get3A_252 = tpu.vector_load %arg8[%get3A_249, %get3A_250, %get3A_251] {strides = array<i32>} : memref<4x24x1024xf32, #tpu.memory_space<vmem>>, vector<16xf32>,
              %add3A_253 = arith.addf %get3A_246, %get3A_252 : vector<16xf32>
              %get3A_254 = arith.constant 2 : i32
              %get3A_255 = arith.constant 10 : i32
              %get3A_256 = arith.index_cast %get3A_254 : i32 to index
              %get3A_257 = arith.index_cast %get3A_255 : i32 to index
              %get3A_258 = arith.index_cast %mul3A_189 : i32 to index
              %get3A_259 = tpu.vector_load %arg8[%get3A_256, %get3A_257, %get3A_258] {strides = array<i32>} : memref<4x24x1024xf32, #tpu.memory_space<vmem>>, vector<16xf32>,
              %get3A_260 = arith.constant 2 : i32
              %get3A_261 = arith.constant 11 : i32
              %get3A_262 = arith.index_cast %get3A_260 : i32 to index
              %get3A_263 = arith.index_cast %get3A_261 : i32 to index
              %get3A_264 = arith.index_cast %mul3A_189 : i32 to index
              %get3A_265 = tpu.vector_load %arg8[%get3A_262, %get3A_263, %get3A_264] {strides = array<i32>} : memref<4x24x1024xf32, #tpu.memory_space<vmem>>, vector<16xf32>,
              %add3A_266 = arith.addf %get3A_259, %get3A_265 : vector<16xf32>
              %get3A_267 = arith.constant 2 : i32
              %get3A_268 = arith.constant 12 : i32
              %get3A_269 = arith.index_cast %get3A_267 : i32 to index
              %get3A_270 = arith.index_cast %get3A_268 : i32 to index
              %get3A_271 = arith.index_cast %mul3A_189 : i32 to index
              %get3A_272 = tpu.vector_load %arg8[%get3A_269, %get3A_270, %get3A_271] {strides = array<i32>} : memref<4x24x1024xf32, #tpu.memory_space<vmem>>, vector<16xf32>,
              %get3A_273 = arith.constant 2 : i32
              %get3A_274 = arith.constant 13 : i32
              %get3A_275 = arith.index_cast %get3A_273 : i32 to index
              %get3A_276 = arith.index_cast %get3A_274 : i32 to index
              %get3A_277 = arith.index_cast %mul3A_189 : i32 to index
              %get3A_278 = tpu.vector_load %arg8[%get3A_275, %get3A_276, %get3A_277] {strides = array<i32>} : memref<4x24x1024xf32, #tpu.memory_space<vmem>>, vector<16xf32>,
              %add3A_279 = arith.addf %get3A_272, %get3A_278 : vector<16xf32>
              %get3A_280 = arith.constant 2 : i32
              %get3A_281 = arith.constant 14 : i32
              %get3A_282 = arith.index_cast %get3A_280 : i32 to index
              %get3A_283 = arith.index_cast %get3A_281 : i32 to index
              %get3A_284 = arith.index_cast %mul3A_189 : i32 to index
              %get3A_285 = tpu.vector_load %arg8[%get3A_282, %get3A_283, %get3A_284] {strides = array<i32>} : memref<4x24x1024xf32, #tpu.memory_space<vmem>>, vector<16xf32>,
              %get3A_286 = arith.constant 2 : i32
              %get3A_287 = arith.constant 15 : i32
              %get3A_288 = arith.index_cast %get3A_286 : i32 to index
              %get3A_289 = arith.index_cast %get3A_287 : i32 to index
              %get3A_290 = arith.index_cast %mul3A_189 : i32 to index
              %get3A_291 = tpu.vector_load %arg8[%get3A_288, %get3A_289, %get3A_290] {strides = array<i32>} : memref<4x24x1024xf32, #tpu.memory_space<vmem>>, vector<16xf32>,
              %add3A_292 = arith.addf %get3A_285, %get3A_291 : vector<16xf32>
              %get3A_293 = arith.constant 2 : i32
              %get3A_294 = arith.constant 16 : i32
              %get3A_295 = arith.index_cast %get3A_293 : i32 to index
              %get3A_296 = arith.index_cast %get3A_294 : i32 to index
              %get3A_297 = arith.index_cast %mul3A_189 : i32 to index
              %get3A_298 = tpu.vector_load %arg8[%get3A_295, %get3A_296, %get3A_297] {strides = array<i32>} : memref<4x24x1024xf32, #tpu.memory_space<vmem>>, vector<16xf32>,
              %get3A_299 = arith.constant 2 : i32
              %get3A_300 = arith.constant 17 : i32
              %get3A_301 = arith.index_cast %get3A_299 : i32 to index
              %get3A_302 = arith.index_cast %get3A_300 : i32 to index
              %get3A_303 = arith.index_cast %mul3A_189 : i32 to index
              %get3A_304 = tpu.vector_load %arg8[%get3A_301, %get3A_302, %get3A_303] {strides = array<i32>} : memref<4x24x1024xf32, #tpu.memory_space<vmem>>, vector<16xf32>,
              %add3A_305 = arith.addf %get3A_298, %get3A_304 : vector<16xf32>
              %get3A_306 = arith.constant 2 : i32
              %get3A_307 = arith.constant 18 : i32
              %get3A_308 = arith.index_cast %get3A_306 : i32 to index
              %get3A_309 = arith.index_cast %get3A_307 : i32 to index
              %get3A_310 = arith.index_cast %mul3A_189 : i32 to index
              %get3A_311 = tpu.vector_load %arg8[%get3A_308, %get3A_309, %get3A_310] {strides = array<i32>} : memref<4x24x1024xf32, #tpu.memory_space<vmem>>, vector<16xf32>,
              %get3A_312 = arith.constant 2 : i32
              %get3A_313 = arith.constant 19 : i32
              %get3A_314 = arith.index_cast %get3A_312 : i32 to index
              %get3A_315 = arith.index_cast %get3A_313 : i32 to index
              %get3A_316 = arith.index_cast %mul3A_189 : i32 to index
              %get3A_317 = tpu.vector_load %arg8[%get3A_314, %get3A_315, %get3A_316] {strides = array<i32>} : memref<4x24x1024xf32, #tpu.memory_space<vmem>>, vector<16xf32>,
              %add3A_318 = arith.addf %get3A_311, %get3A_317 : vector<16xf32>
              %get3A_319 = arith.constant 2 : i32
              %get3A_320 = arith.constant 20 : i32
              %get3A_321 = arith.index_cast %get3A_319 : i32 to index
              %get3A_322 = arith.index_cast %get3A_320 : i32 to index
              %get3A_323 = arith.index_cast %mul3A_189 : i32 to index
              %get3A_324 = tpu.vector_load %arg8[%get3A_321, %get3A_322, %get3A_323] {strides = array<i32>} : memref<4x24x1024xf32, #tpu.memory_space<vmem>>, vector<16xf32>,
              %get3A_325 = arith.constant 2 : i32
              %get3A_326 = arith.constant 21 : i32
              %get3A_327 = arith.index_cast %get3A_325 : i32 to index
              %get3A_328 = arith.index_cast %get3A_326 : i32 to index
              %get3A_329 = arith.index_cast %mul3A_189 : i32 to index
              %get3A_330 = tpu.vector_load %arg8[%get3A_327, %get3A_328, %get3A_329] {strides = array<i32>} : memref<4x24x1024xf32, #tpu.memory_space<vmem>>, vector<16xf32>,
              %add3A_331 = arith.addf %get3A_324, %get3A_330 : vector<16xf32>
              %get3A_332 = arith.constant 2 : i32
              %get3A_333 = arith.constant 22 : i32
              %get3A_334 = arith.index_cast %get3A_332 : i32 to index
              %get3A_335 = arith.index_cast %get3A_333 : i32 to index
              %get3A_336 = arith.index_cast %mul3A_189 : i32 to index
              %get3A_337 = tpu.vector_load %arg8[%get3A_334, %get3A_335, %get3A_336] {strides = array<i32>} : memref<4x24x1024xf32, #tpu.memory_space<vmem>>, vector<16xf32>,
              %get3A_338 = arith.constant 2 : i32
              %get3A_339 = arith.constant 23 : i32
              %get3A_340 = arith.index_cast %get3A_338 : i32 to index
              %get3A_341 = arith.index_cast %get3A_339 : i32 to index
              %get3A_342 = arith.index_cast %mul3A_189 : i32 to index
              %get3A_343 = tpu.vector_load %arg8[%get3A_340, %get3A_341, %get3A_342] {strides = array<i32>} : memref<4x24x1024xf32, #tpu.memory_space<vmem>>, vector<16xf32>,
              %add3A_344 = arith.addf %get3A_337, %get3A_343 : vector<16xf32>
              %add3A_345 = arith.addf %add3A_201, %add3A_214 : vector<16xf32>
              %add3A_346 = arith.addf %add3A_227, %add3A_240 : vector<16xf32>
              %add3A_347 = arith.addf %add3A_253, %add3A_266 : vector<16xf32>
              %add3A_348 = arith.addf %add3A_279, %add3A_292 : vector<16xf32>
              %add3A_349 = arith.addf %add3A_305, %add3A_318 : vector<16xf32>
              %add3A_350 = arith.addf %add3A_331, %add3A_344 : vector<16xf32>
              %add3A_351 = arith.addf %add3A_345, %add3A_346 : vector<16xf32>
              %add3A_352 = arith.addf %add3A_347, %add3A_348 : vector<16xf32>
              %add3A_353 = arith.addf %add3A_349, %add3A_350 : vector<16xf32>
              %add3A_354 = arith.addf %add3A_351, %add3A_352 : vector<16xf32>
              %add3A_355 = arith.addf %add3A_354, %add3A_353 : vector<16xf32>
              %swap3A = arith.index_cast %mul3A_189 : i32 to index
              %swap3A_356 = tpu.vector_load %arg7[%swap3A] {strides = array<i32>} : memref<1024xf32, #tpu.memory_space<vmem>>, vector<16xf32>,
              tpu.vector_store %arg7[%swap3A], %add3A_355 {add = true, strides = array<i32>} : memref<1024xf32, #tpu.memory_space<vmem>>, vector<16xf32>,
              %mul3A_357 = arith.constant 2 : i32
              %mul3A_358 = arith.muli %scan3A_183, %mul3A_357 : i32
              %add3A_359 = arith.constant 1 : i32
              %add3A_360 = arith.addi %mul3A_358, %add3A_359 : i32
              %mul3A_361 = arith.constant 16 : i32
              %mul3A_362 = arith.muli %add3A_360, %mul3A_361 : i32
              %get3A_363 = arith.constant 2 : i32
              %get3A_364 = arith.constant 0 : i32
              %get3A_365 = arith.index_cast %get3A_363 : i32 to index
              %get3A_366 = arith.index_cast %get3A_364 : i32 to index
              %get3A_367 = arith.index_cast %mul3A_362 : i32 to index
              %get3A_368 = tpu.vector_load %arg8[%get3A_365, %get3A_366, %get3A_367] {strides = array<i32>} : memref<4x24x1024xf32, #tpu.memory_space<vmem>>, vector<16xf32>,
              %get3A_369 = arith.constant 2 : i32
              %get3A_370 = arith.constant 1 : i32
              %get3A_371 = arith.index_cast %get3A_369 : i32 to index
              %get3A_372 = arith.index_cast %get3A_370 : i32 to index
              %get3A_373 = arith.index_cast %mul3A_362 : i32 to index
              %get3A_374 = tpu.vector_load %arg8[%get3A_371, %get3A_372, %get3A_373] {strides = array<i32>} : memref<4x24x1024xf32, #tpu.memory_space<vmem>>, vector<16xf32>,
              %add3A_375 = arith.addf %get3A_368, %get3A_374 : vector<16xf32>
              %get3A_376 = arith.constant 2 : i32
              %get3A_377 = arith.constant 2 : i32
              %get3A_378 = arith.index_cast %get3A_376 : i32 to index
              %get3A_379 = arith.index_cast %get3A_377 : i32 to index
              %get3A_380 = arith.index_cast %mul3A_362 : i32 to index
              %get3A_381 = tpu.vector_load %arg8[%get3A_378, %get3A_379, %get3A_380] {strides = array<i32>} : memref<4x24x1024xf32, #tpu.memory_space<vmem>>, vector<16xf32>,
              %get3A_382 = arith.constant 2 : i32
              %get3A_383 = arith.constant 3 : i32
              %get3A_384 = arith.index_cast %get3A_382 : i32 to index
              %get3A_385 = arith.index_cast %get3A_383 : i32 to index
              %get3A_386 = arith.index_cast %mul3A_362 : i32 to index
              %get3A_387 = tpu.vector_load %arg8[%get3A_384, %get3A_385, %get3A_386] {strides = array<i32>} : memref<4x24x1024xf32, #tpu.memory_space<vmem>>, vector<16xf32>,
              %add3A_388 = arith.addf %get3A_381, %get3A_387 : vector<16xf32>
              %get3A_389 = arith.constant 2 : i32
              %get3A_390 = arith.constant 4 : i32
              %get3A_391 = arith.index_cast %get3A_389 : i32 to index
              %get3A_392 = arith.index_cast %get3A_390 : i32 to index
              %get3A_393 = arith.index_cast %mul3A_362 : i32 to index
              %get3A_394 = tpu.vector_load %arg8[%get3A_391, %get3A_392, %get3A_393] {strides = array<i32>} : memref<4x24x1024xf32, #tpu.memory_space<vmem>>, vector<16xf32>,
              %get3A_395 = arith.constant 2 : i32
              %get3A_396 = arith.constant 5 : i32
              %get3A_397 = arith.index_cast %get3A_395 : i32 to index
              %get3A_398 = arith.index_cast %get3A_396 : i32 to index
              %get3A_399 = arith.index_cast %mul3A_362 : i32 to index
              %get3A_400 = tpu.vector_load %arg8[%get3A_397, %get3A_398, %get3A_399] {strides = array<i32>} : memref<4x24x1024xf32, #tpu.memory_space<vmem>>, vector<16xf32>,
              %add3A_401 = arith.addf %get3A_394, %get3A_400 : vector<16xf32>
              %get3A_402 = arith.constant 2 : i32
              %get3A_403 = arith.constant 6 : i32
              %get3A_404 = arith.index_cast %get3A_402 : i32 to index
              %get3A_405 = arith.index_cast %get3A_403 : i32 to index
              %get3A_406 = arith.index_cast %mul3A_362 : i32 to index
              %get3A_407 = tpu.vector_load %arg8[%get3A_404, %get3A_405, %get3A_406] {strides = array<i32>} : memref<4x24x1024xf32, #tpu.memory_space<vmem>>, vector<16xf32>,
              %get3A_408 = arith.constant 2 : i32
              %get3A_409 = arith.constant 7 : i32
              %get3A_410 = arith.index_cast %get3A_408 : i32 to index
              %get3A_411 = arith.index_cast %get3A_409 : i32 to index
              %get3A_412 = arith.index_cast %mul3A_362 : i32 to index
              %get3A_413 = tpu.vector_load %arg8[%get3A_410, %get3A_411, %get3A_412] {strides = array<i32>} : memref<4x24x1024xf32, #tpu.memory_space<vmem>>, vector<16xf32>,
              %add3A_414 = arith.addf %get3A_407, %get3A_413 : vector<16xf32>
              %get3A_415 = arith.constant 2 : i32
              %get3A_416 = arith.constant 8 : i32
              %get3A_417 = arith.index_cast %get3A_415 : i32 to index
              %get3A_418 = arith.index_cast %get3A_416 : i32 to index
              %get3A_419 = arith.index_cast %mul3A_362 : i32 to index
              %get3A_420 = tpu.vector_load %arg8[%get3A_417, %get3A_418, %get3A_419] {strides = array<i32>} : memref<4x24x1024xf32, #tpu.memory_space<vmem>>, vector<16xf32>,
              %get3A_421 = arith.constant 2 : i32
              %get3A_422 = arith.constant 9 : i32
              %get3A_423 = arith.index_cast %get3A_421 : i32 to index
              %get3A_424 = arith.index_cast %get3A_422 : i32 to index
              %get3A_425 = arith.index_cast %mul3A_362 : i32 to index
              %get3A_426 = tpu.vector_load %arg8[%get3A_423, %get3A_424, %get3A_425] {strides = array<i32>} : memref<4x24x1024xf32, #tpu.memory_space<vmem>>, vector<16xf32>,
              %add3A_427 = arith.addf %get3A_420, %get3A_426 : vector<16xf32>
              %get3A_428 = arith.constant 2 : i32
              %get3A_429 = arith.constant 10 : i32
              %get3A_430 = arith.index_cast %get3A_428 : i32 to index
              %get3A_431 = arith.index_cast %get3A_429 : i32 to index
              %get3A_432 = arith.index_cast %mul3A_362 : i32 to index
              %get3A_433 = tpu.vector_load %arg8[%get3A_430, %get3A_431, %get3A_432] {strides = array<i32>} : memref<4x24x1024xf32, #tpu.memory_space<vmem>>, vector<16xf32>,
              %get3A_434 = arith.constant 2 : i32
              %get3A_435 = arith.constant 11 : i32
              %get3A_436 = arith.index_cast %get3A_434 : i32 to index
              %get3A_437 = arith.index_cast %get3A_435 : i32 to index
              %get3A_438 = arith.index_cast %mul3A_362 : i32 to index
              %get3A_439 = tpu.vector_load %arg8[%get3A_436, %get3A_437, %get3A_438] {strides = array<i32>} : memref<4x24x1024xf32, #tpu.memory_space<vmem>>, vector<16xf32>,
              %add3A_440 = arith.addf %get3A_433, %get3A_439 : vector<16xf32>
              %get3A_441 = arith.constant 2 : i32
              %get3A_442 = arith.constant 12 : i32
              %get3A_443 = arith.index_cast %get3A_441 : i32 to index
              %get3A_444 = arith.index_cast %get3A_442 : i32 to index
              %get3A_445 = arith.index_cast %mul3A_362 : i32 to index
              %get3A_446 = tpu.vector_load %arg8[%get3A_443, %get3A_444, %get3A_445] {strides = array<i32>} : memref<4x24x1024xf32, #tpu.memory_space<vmem>>, vector<16xf32>,
              %get3A_447 = arith.constant 2 : i32
              %get3A_448 = arith.constant 13 : i32
              %get3A_449 = arith.index_cast %get3A_447 : i32 to index
              %get3A_450 = arith.index_cast %get3A_448 : i32 to index
              %get3A_451 = arith.index_cast %mul3A_362 : i32 to index
              %get3A_452 = tpu.vector_load %arg8[%get3A_449, %get3A_450, %get3A_451] {strides = array<i32>} : memref<4x24x1024xf32, #tpu.memory_space<vmem>>, vector<16xf32>,
              %add3A_453 = arith.addf %get3A_446, %get3A_452 : vector<16xf32>
              %get3A_454 = arith.constant 2 : i32
              %get3A_455 = arith.constant 14 : i32
              %get3A_456 = arith.index_cast %get3A_454 : i32 to index
              %get3A_457 = arith.index_cast %get3A_455 : i32 to index
              %get3A_458 = arith.index_cast %mul3A_362 : i32 to index
              %get3A_459 = tpu.vector_load %arg8[%get3A_456, %get3A_457, %get3A_458] {strides = array<i32>} : memref<4x24x1024xf32, #tpu.memory_space<vmem>>, vector<16xf32>,
              %get3A_460 = arith.constant 2 : i32
              %get3A_461 = arith.constant 15 : i32
              %get3A_462 = arith.index_cast %get3A_460 : i32 to index
              %get3A_463 = arith.index_cast %get3A_461 : i32 to index
              %get3A_464 = arith.index_cast %mul3A_362 : i32 to index
              %get3A_465 = tpu.vector_load %arg8[%get3A_462, %get3A_463, %get3A_464] {strides = array<i32>} : memref<4x24x1024xf32, #tpu.memory_space<vmem>>, vector<16xf32>,
              %add3A_466 = arith.addf %get3A_459, %get3A_465 : vector<16xf32>
              %get3A_467 = arith.constant 2 : i32
              %get3A_468 = arith.constant 16 : i32
              %get3A_469 = arith.index_cast %get3A_467 : i32 to index
              %get3A_470 = arith.index_cast %get3A_468 : i32 to index
              %get3A_471 = arith.index_cast %mul3A_362 : i32 to index
              %get3A_472 = tpu.vector_load %arg8[%get3A_469, %get3A_470, %get3A_471] {strides = array<i32>} : memref<4x24x1024xf32, #tpu.memory_space<vmem>>, vector<16xf32>,
              %get3A_473 = arith.constant 2 : i32
              %get3A_474 = arith.constant 17 : i32
              %get3A_475 = arith.index_cast %get3A_473 : i32 to index
              %get3A_476 = arith.index_cast %get3A_474 : i32 to index
              %get3A_477 = arith.index_cast %mul3A_362 : i32 to index
              %get3A_478 = tpu.vector_load %arg8[%get3A_475, %get3A_476, %get3A_477] {strides = array<i32>} : memref<4x24x1024xf32, #tpu.memory_space<vmem>>, vector<16xf32>,
              %add3A_479 = arith.addf %get3A_472, %get3A_478 : vector<16xf32>
              %get3A_480 = arith.constant 2 : i32
              %get3A_481 = arith.constant 18 : i32
              %get3A_482 = arith.index_cast %get3A_480 : i32 to index
              %get3A_483 = arith.index_cast %get3A_481 : i32 to index
              %get3A_484 = arith.index_cast %mul3A_362 : i32 to index
              %get3A_485 = tpu.vector_load %arg8[%get3A_482, %get3A_483, %get3A_484] {strides = array<i32>} : memref<4x24x1024xf32, #tpu.memory_space<vmem>>, vector<16xf32>,
              %get3A_486 = arith.constant 2 : i32
              %get3A_487 = arith.constant 19 : i32
              %get3A_488 = arith.index_cast %get3A_486 : i32 to index
              %get3A_489 = arith.index_cast %get3A_487 : i32 to index
              %get3A_490 = arith.index_cast %mul3A_362 : i32 to index
              %get3A_491 = tpu.vector_load %arg8[%get3A_488, %get3A_489, %get3A_490] {strides = array<i32>} : memref<4x24x1024xf32, #tpu.memory_space<vmem>>, vector<16xf32>,
              %add3A_492 = arith.addf %get3A_485, %get3A_491 : vector<16xf32>
              %get3A_493 = arith.constant 2 : i32
              %get3A_494 = arith.constant 20 : i32
              %get3A_495 = arith.index_cast %get3A_493 : i32 to index
              %get3A_496 = arith.index_cast %get3A_494 : i32 to index
              %get3A_497 = arith.index_cast %mul3A_362 : i32 to index
              %get3A_498 = tpu.vector_load %arg8[%get3A_495, %get3A_496, %get3A_497] {strides = array<i32>} : memref<4x24x1024xf32, #tpu.memory_space<vmem>>, vector<16xf32>,
              %get3A_499 = arith.constant 2 : i32
              %get3A_500 = arith.constant 21 : i32
              %get3A_501 = arith.index_cast %get3A_499 : i32 to index
              %get3A_502 = arith.index_cast %get3A_500 : i32 to index
              %get3A_503 = arith.index_cast %mul3A_362 : i32 to index
              %get3A_504 = tpu.vector_load %arg8[%get3A_501, %get3A_502, %get3A_503] {strides = array<i32>} : memref<4x24x1024xf32, #tpu.memory_space<vmem>>, vector<16xf32>,
              %add3A_505 = arith.addf %get3A_498, %get3A_504 : vector<16xf32>
              %get3A_506 = arith.constant 2 : i32
              %get3A_507 = arith.constant 22 : i32
              %get3A_508 = arith.index_cast %get3A_506 : i32 to index
              %get3A_509 = arith.index_cast %get3A_507 : i32 to index
              %get3A_510 = arith.index_cast %mul3A_362 : i32 to index
              %get3A_511 = tpu.vector_load %arg8[%get3A_508, %get3A_509, %get3A_510] {strides = array<i32>} : memref<4x24x1024xf32, #tpu.memory_space<vmem>>, vector<16xf32>,
              %get3A_512 = arith.constant 2 : i32
              %get3A_513 = arith.constant 23 : i32
              %get3A_514 = arith.index_cast %get3A_512 : i32 to index
              %get3A_515 = arith.index_cast %get3A_513 : i32 to index
              %get3A_516 = arith.index_cast %mul3A_362 : i32 to index
              %get3A_517 = tpu.vector_load %arg8[%get3A_514, %get3A_515, %get3A_516] {strides = array<i32>} : memref<4x24x1024xf32, #tpu.memory_space<vmem>>, vector<16xf32>,
              %add3A_518 = arith.addf %get3A_511, %get3A_517 : vector<16xf32>
              %add3A_519 = arith.addf %add3A_375, %add3A_388 : vector<16xf32>
              %add3A_520 = arith.addf %add3A_401, %add3A_414 : vector<16xf32>
              %add3A_521 = arith.addf %add3A_427, %add3A_440 : vector<16xf32>
              %add3A_522 = arith.addf %add3A_453, %add3A_466 : vector<16xf32>
              %add3A_523 = arith.addf %add3A_479, %add3A_492 : vector<16xf32>
              %add3A_524 = arith.addf %add3A_505, %add3A_518 : vector<16xf32>
              %add3A_525 = arith.addf %add3A_519, %add3A_520 : vector<16xf32>
              %add3A_526 = arith.addf %add3A_521, %add3A_522 : vector<16xf32>
              %add3A_527 = arith.addf %add3A_523, %add3A_524 : vector<16xf32>
              %add3A_528 = arith.addf %add3A_525, %add3A_526 : vector<16xf32>
              %add3A_529 = arith.addf %add3A_528, %add3A_527 : vector<16xf32>
              %swap3A_530 = arith.index_cast %mul3A_362 : i32 to index
              %swap3A_531 = tpu.vector_load %arg7[%swap3A_530] {strides = array<i32>} : memref<1024xf32, #tpu.memory_space<vmem>>, vector<16xf32>,
              tpu.vector_store %arg7[%swap3A_530], %add3A_529 {add = true, strides = array<i32>} : memref<1024xf32, #tpu.memory_space<vmem>>, vector<16xf32>,
            }
            %scan3A_182 = arith.constant 32 : i32
          } else {
          }
          %eq3A = arith.cmpi eq, %add3A_142, %select_n3A : i32
          %convert_element_type3A_168 = arith.extui %eq3A : i1 to i32
          %cond3A_169 = arith.constant 0 : i32
          %cond3A_170 = arith.cmpi ne, %convert_element_type3A_168, %cond3A_169 : i32
          scf.if %cond3A_170 {
            %while3A_177 = arith.constant 0 : i32
            %while3A_178 = arith.constant 0 : i32
            %while3A_179 = arith.subi %sub3A_57, %while3A_178 : i32
            %while3A_180 = arith.addi %while3A_178, %while3A_179 : i32
            %while3A_181 = arith.constant 1 : i32
            %while3A_182 = arith.divsi %while3A_179, %while3A_181 : i32
            %while3A_183 = arith.muli %while3A_182, %while3A_181 : i32
            %while3A_184 = arith.addi %while3A_178, %while3A_183 : i32
            %while3A_185 = arith.constant 1 : i32
            scf.for %while3A_187 = %while3A_178 to %while3A_184 step %while3A_185  : i32 {
              %scan3A_188 = arith.constant 0 : i32
              %scan3A_189 = arith.constant 0 : i32
              %scan3A_190 = arith.constant 64 : i32
              %scan3A_191 = arith.addi %scan3A_189, %scan3A_190 : i32
              %scan3A_192 = arith.constant 1 : i32
              scf.for %scan3A_194 = %scan3A_189 to %scan3A_191 step %scan3A_192  : i32 {
                %mul3A_195 = arith.constant 16 : i32
                %mul3A_196 = arith.muli %scan3A_194, %mul3A_195 : i32
                %get3A = arith.constant 2 : i32
                %get3A_197 = arith.index_cast %get3A : i32 to index
                %get3A_198 = arith.index_cast %while3A_187 : i32 to index
                %get3A_199 = arith.index_cast %mul3A_196 : i32 to index
                %get3A_200 = tpu.vector_load %arg8[%get3A_197, %get3A_198, %get3A_199] {strides = array<i32>} : memref<4x24x1024xf32, #tpu.memory_space<vmem>>, vector<16xf32>,
                %swap3A = arith.index_cast %mul3A_196 : i32 to index
                %swap3A_201 = tpu.vector_load %arg7[%swap3A] {strides = array<i32>} : memref<1024xf32, #tpu.memory_space<vmem>>, vector<16xf32>,
                tpu.vector_store %arg7[%swap3A], %get3A_200 {add = true, strides = array<i32>} : memref<1024xf32, #tpu.memory_space<vmem>>, vector<16xf32>,
              }
              %scan3A_193 = arith.constant 64 : i32
            }
            %while3A_186 = arith.constant 1 : i32
            scf.for %while3A_187 = %while3A_184 to %while3A_180 step %while3A_186  : i32 {
              %scan3A_188 = arith.constant 0 : i32
              %scan3A_189 = arith.constant 0 : i32
              %scan3A_190 = arith.constant 64 : i32
              %scan3A_191 = arith.addi %scan3A_189, %scan3A_190 : i32
              %scan3A_192 = arith.constant 1 : i32
              scf.for %scan3A_194 = %scan3A_189 to %scan3A_191 step %scan3A_192  : i32 {
                %mul3A_195 = arith.constant 16 : i32
                %mul3A_196 = arith.muli %scan3A_194, %mul3A_195 : i32
                %get3A = arith.constant 2 : i32
                %get3A_197 = arith.index_cast %get3A : i32 to index
                %get3A_198 = arith.index_cast %while3A_187 : i32 to index
                %get3A_199 = arith.index_cast %mul3A_196 : i32 to index
                %get3A_200 = tpu.vector_load %arg8[%get3A_197, %get3A_198, %get3A_199] {strides = array<i32>} : memref<4x24x1024xf32, #tpu.memory_space<vmem>>, vector<16xf32>,
                %swap3A = arith.index_cast %mul3A_196 : i32 to index
                %swap3A_201 = tpu.vector_load %arg7[%swap3A] {strides = array<i32>} : memref<1024xf32, #tpu.memory_space<vmem>>, vector<16xf32>,
                tpu.vector_store %arg7[%swap3A], %get3A_200 {add = true, strides = array<i32>} : memref<1024xf32, #tpu.memory_space<vmem>>, vector<16xf32>,
              }
              %scan3A_193 = arith.constant 64 : i32
            }
          } else {
          }
          %add3A_171 = arith.constant 4 : i32
          %add3A_172 = arith.addi %add3A_142, %add3A_171 : i32
          %lt3A_173 = arith.cmpi slt, %add3A_172, %add3A_62 : i32
          %convert_element_type3A_174 = arith.extui %lt3A_173 : i1 to i32
          %cond3A_175 = arith.constant 0 : i32
          %cond3A_176 = arith.cmpi ne, %convert_element_type3A_174, %cond3A_175 : i32
          scf.if %cond3A_176 {
            %add3A_177 = arith.constant 4 : i32
            %add3A_178 = arith.addi %add3A_142, %add3A_177 : i32
            %mul3A_179 = arith.constant 24 : i32
            %mul3A_180 = arith.muli %add3A_178, %mul3A_179 : i32
            %dma_start3A = arith.constant 2 : i32
            %dma_start3A_181 = arith.constant 0 : i32
            %dma_start3A_182 = arith.constant 0 : i32
            %dma_start3A_183 = tpu.memref_slice %arg8[%dma_start3A, %dma_start3A_181, %dma_start3A_182] : memref<4x24x1024xf32, #tpu.memory_space<vmem>> -> memref<1x24x1024xf32, #tpu.memory_space<vmem>>
            %dma_start3A_184 = tpu.memref_squeeze %dma_start3A_183 : memref<1x24x1024xf32, #tpu.memory_space<vmem>> -> memref<24x1024xf32, #tpu.memory_space<vmem>>
            %dma_start3A_185 = tpu.memref_slice %arg6[%mul3A_180] : memref<592xi32, #tpu.memory_space<vmem>> -> memref<24xi32, #tpu.memory_space<vmem>>
            %dma_start3A_186 = arith.constant 0 : i32
            %dma_start3A_187 = arith.constant 0 : i32
            %dma_start3A_188 = tpu.memref_slice %arg3[%dma_start3A_186, %dma_start3A_187] : memref<73728x1024xf32, #tpu.memory_space<hbm>> -> memref<73728x1024xf32, #tpu.memory_space<hbm>>
            tpu.enqueue_indirect_dma source(%dma_start3A_188 : memref<73728x1024xf32, #tpu.memory_space<hbm>>) target(%dma_start3A_184 : memref<24x1024xf32, #tpu.memory_space<vmem>>) offsets(%dma_start3A_185 : memref<24xi32, #tpu.memory_space<vmem>>) semaphore(%arg11 : memref<!tpu.dma_semaphore, #tpu.memory_space<semaphore_mem>>)
          } else {
          }
        } else {
        }
        %mul3A_147 = arith.constant 4 : i32
        %mul3A_148 = arith.muli %while3A_123, %mul3A_147 : i32
        %add3A_149 = arith.constant 3 : i32
        %add3A_150 = arith.addi %mul3A_148, %add3A_149 : i32
        %lt3A_151 = arith.cmpi slt, %add3A_150, %add3A_62 : i32
        %convert_element_type3A_152 = arith.extui %lt3A_151 : i1 to i32
        %cond3A_153 = arith.constant 0 : i32
        %cond3A_154 = arith.cmpi ne, %convert_element_type3A_152, %cond3A_153 : i32
        scf.if %cond3A_154 {
          %dma_wait3A = arith.constant 3 : i32
          %dma_wait3A_155 = arith.constant 0 : i32
          %dma_wait3A_156 = arith.constant 0 : i32
          %dma_wait3A_157 = tpu.memref_slice %arg8[%dma_wait3A, %dma_wait3A_155, %dma_wait3A_156] : memref<4x24x1024xf32, #tpu.memory_space<vmem>> -> memref<1x24x1024xf32, #tpu.memory_space<vmem>>
          %dma_wait3A_158 = tpu.memref_squeeze %dma_wait3A_157 : memref<1x24x1024xf32, #tpu.memory_space<vmem>> -> memref<24x1024xf32, #tpu.memory_space<vmem>>
          %dma_wait3A_159 = arith.constant 0 : i32
          %dma_wait3A_160 = tpu.memref_slice %arg6[%dma_wait3A_159] : memref<592xi32, #tpu.memory_space<vmem>> -> memref<24xi32, #tpu.memory_space<vmem>>
          %dma_wait3A_161 = arith.constant 0 : i32
          %dma_wait3A_162 = arith.constant 0 : i32
          %dma_wait3A_163 = tpu.memref_slice %arg3[%dma_wait3A_161, %dma_wait3A_162] : memref<73728x1024xf32, #tpu.memory_space<hbm>> -> memref<73728x1024xf32, #tpu.memory_space<hbm>>
          tpu.wait_indirect_dma semaphore(%arg12 : memref<!tpu.dma_semaphore, #tpu.memory_space<semaphore_mem>>) src(%dma_wait3A_163 : memref<73728x1024xf32, #tpu.memory_space<hbm>>) dst(%dma_wait3A_158 : memref<24x1024xf32, #tpu.memory_space<vmem>>)
          %lt3A_164 = arith.cmpi slt, %add3A_150, %select_n3A : i32
          %convert_element_type3A_165 = arith.extui %lt3A_164 : i1 to i32
          %cond3A_166 = arith.constant 0 : i32
          %cond3A_167 = arith.cmpi ne, %convert_element_type3A_165, %cond3A_166 : i32
          scf.if %cond3A_167 {
            %scan3A_177 = arith.constant 0 : i32
            %scan3A_178 = arith.constant 0 : i32
            %scan3A_179 = arith.constant 32 : i32
            %scan3A_180 = arith.addi %scan3A_178, %scan3A_179 : i32
            %scan3A_181 = arith.constant 1 : i32
            scf.for %scan3A_183 = %scan3A_178 to %scan3A_180 step %scan3A_181  : i32 {
              %mul3A_184 = arith.constant 2 : i32
              %mul3A_185 = arith.muli %scan3A_183, %mul3A_184 : i32
              %add3A_186 = arith.constant 0 : i32
              %add3A_187 = arith.addi %mul3A_185, %add3A_186 : i32
              %mul3A_188 = arith.constant 16 : i32
              %mul3A_189 = arith.muli %add3A_187, %mul3A_188 : i32
              %get3A = arith.constant 3 : i32
              %get3A_190 = arith.constant 0 : i32
              %get3A_191 = arith.index_cast %get3A : i32 to index
              %get3A_192 = arith.index_cast %get3A_190 : i32 to index
              %get3A_193 = arith.index_cast %mul3A_189 : i32 to index
              %get3A_194 = tpu.vector_load %arg8[%get3A_191, %get3A_192, %get3A_193] {strides = array<i32>} : memref<4x24x1024xf32, #tpu.memory_space<vmem>>, vector<16xf32>,
              %get3A_195 = arith.constant 3 : i32
              %get3A_196 = arith.constant 1 : i32
              %get3A_197 = arith.index_cast %get3A_195 : i32 to index
              %get3A_198 = arith.index_cast %get3A_196 : i32 to index
              %get3A_199 = arith.index_cast %mul3A_189 : i32 to index
              %get3A_200 = tpu.vector_load %arg8[%get3A_197, %get3A_198, %get3A_199] {strides = array<i32>} : memref<4x24x1024xf32, #tpu.memory_space<vmem>>, vector<16xf32>,
              %add3A_201 = arith.addf %get3A_194, %get3A_200 : vector<16xf32>
              %get3A_202 = arith.constant 3 : i32
              %get3A_203 = arith.constant 2 : i32
              %get3A_204 = arith.index_cast %get3A_202 : i32 to index
              %get3A_205 = arith.index_cast %get3A_203 : i32 to index
              %get3A_206 = arith.index_cast %mul3A_189 : i32 to index
              %get3A_207 = tpu.vector_load %arg8[%get3A_204, %get3A_205, %get3A_206] {strides = array<i32>} : memref<4x24x1024xf32, #tpu.memory_space<vmem>>, vector<16xf32>,
              %get3A_208 = arith.constant 3 : i32
              %get3A_209 = arith.constant 3 : i32
              %get3A_210 = arith.index_cast %get3A_208 : i32 to index
              %get3A_211 = arith.index_cast %get3A_209 : i32 to index
              %get3A_212 = arith.index_cast %mul3A_189 : i32 to index
              %get3A_213 = tpu.vector_load %arg8[%get3A_210, %get3A_211, %get3A_212] {strides = array<i32>} : memref<4x24x1024xf32, #tpu.memory_space<vmem>>, vector<16xf32>,
              %add3A_214 = arith.addf %get3A_207, %get3A_213 : vector<16xf32>
              %get3A_215 = arith.constant 3 : i32
              %get3A_216 = arith.constant 4 : i32
              %get3A_217 = arith.index_cast %get3A_215 : i32 to index
              %get3A_218 = arith.index_cast %get3A_216 : i32 to index
              %get3A_219 = arith.index_cast %mul3A_189 : i32 to index
              %get3A_220 = tpu.vector_load %arg8[%get3A_217, %get3A_218, %get3A_219] {strides = array<i32>} : memref<4x24x1024xf32, #tpu.memory_space<vmem>>, vector<16xf32>,
              %get3A_221 = arith.constant 3 : i32
              %get3A_222 = arith.constant 5 : i32
              %get3A_223 = arith.index_cast %get3A_221 : i32 to index
              %get3A_224 = arith.index_cast %get3A_222 : i32 to index
              %get3A_225 = arith.index_cast %mul3A_189 : i32 to index
              %get3A_226 = tpu.vector_load %arg8[%get3A_223, %get3A_224, %get3A_225] {strides = array<i32>} : memref<4x24x1024xf32, #tpu.memory_space<vmem>>, vector<16xf32>,
              %add3A_227 = arith.addf %get3A_220, %get3A_226 : vector<16xf32>
              %get3A_228 = arith.constant 3 : i32
              %get3A_229 = arith.constant 6 : i32
              %get3A_230 = arith.index_cast %get3A_228 : i32 to index
              %get3A_231 = arith.index_cast %get3A_229 : i32 to index
              %get3A_232 = arith.index_cast %mul3A_189 : i32 to index
              %get3A_233 = tpu.vector_load %arg8[%get3A_230, %get3A_231, %get3A_232] {strides = array<i32>} : memref<4x24x1024xf32, #tpu.memory_space<vmem>>, vector<16xf32>,
              %get3A_234 = arith.constant 3 : i32
              %get3A_235 = arith.constant 7 : i32
              %get3A_236 = arith.index_cast %get3A_234 : i32 to index
              %get3A_237 = arith.index_cast %get3A_235 : i32 to index
              %get3A_238 = arith.index_cast %mul3A_189 : i32 to index
              %get3A_239 = tpu.vector_load %arg8[%get3A_236, %get3A_237, %get3A_238] {strides = array<i32>} : memref<4x24x1024xf32, #tpu.memory_space<vmem>>, vector<16xf32>,
              %add3A_240 = arith.addf %get3A_233, %get3A_239 : vector<16xf32>
              %get3A_241 = arith.constant 3 : i32
              %get3A_242 = arith.constant 8 : i32
              %get3A_243 = arith.index_cast %get3A_241 : i32 to index
              %get3A_244 = arith.index_cast %get3A_242 : i32 to index
              %get3A_245 = arith.index_cast %mul3A_189 : i32 to index
              %get3A_246 = tpu.vector_load %arg8[%get3A_243, %get3A_244, %get3A_245] {strides = array<i32>} : memref<4x24x1024xf32, #tpu.memory_space<vmem>>, vector<16xf32>,
              %get3A_247 = arith.constant 3 : i32
              %get3A_248 = arith.constant 9 : i32
              %get3A_249 = arith.index_cast %get3A_247 : i32 to index
              %get3A_250 = arith.index_cast %get3A_248 : i32 to index
              %get3A_251 = arith.index_cast %mul3A_189 : i32 to index
              %get3A_252 = tpu.vector_load %arg8[%get3A_249, %get3A_250, %get3A_251] {strides = array<i32>} : memref<4x24x1024xf32, #tpu.memory_space<vmem>>, vector<16xf32>,
              %add3A_253 = arith.addf %get3A_246, %get3A_252 : vector<16xf32>
              %get3A_254 = arith.constant 3 : i32
              %get3A_255 = arith.constant 10 : i32
              %get3A_256 = arith.index_cast %get3A_254 : i32 to index
              %get3A_257 = arith.index_cast %get3A_255 : i32 to index
              %get3A_258 = arith.index_cast %mul3A_189 : i32 to index
              %get3A_259 = tpu.vector_load %arg8[%get3A_256, %get3A_257, %get3A_258] {strides = array<i32>} : memref<4x24x1024xf32, #tpu.memory_space<vmem>>, vector<16xf32>,
              %get3A_260 = arith.constant 3 : i32
              %get3A_261 = arith.constant 11 : i32
              %get3A_262 = arith.index_cast %get3A_260 : i32 to index
              %get3A_263 = arith.index_cast %get3A_261 : i32 to index
              %get3A_264 = arith.index_cast %mul3A_189 : i32 to index
              %get3A_265 = tpu.vector_load %arg8[%get3A_262, %get3A_263, %get3A_264] {strides = array<i32>} : memref<4x24x1024xf32, #tpu.memory_space<vmem>>, vector<16xf32>,
              %add3A_266 = arith.addf %get3A_259, %get3A_265 : vector<16xf32>
              %get3A_267 = arith.constant 3 : i32
              %get3A_268 = arith.constant 12 : i32
              %get3A_269 = arith.index_cast %get3A_267 : i32 to index
              %get3A_270 = arith.index_cast %get3A_268 : i32 to index
              %get3A_271 = arith.index_cast %mul3A_189 : i32 to index
              %get3A_272 = tpu.vector_load %arg8[%get3A_269, %get3A_270, %get3A_271] {strides = array<i32>} : memref<4x24x1024xf32, #tpu.memory_space<vmem>>, vector<16xf32>,
              %get3A_273 = arith.constant 3 : i32
              %get3A_274 = arith.constant 13 : i32
              %get3A_275 = arith.index_cast %get3A_273 : i32 to index
              %get3A_276 = arith.index_cast %get3A_274 : i32 to index
              %get3A_277 = arith.index_cast %mul3A_189 : i32 to index
              %get3A_278 = tpu.vector_load %arg8[%get3A_275, %get3A_276, %get3A_277] {strides = array<i32>} : memref<4x24x1024xf32, #tpu.memory_space<vmem>>, vector<16xf32>,
              %add3A_279 = arith.addf %get3A_272, %get3A_278 : vector<16xf32>
              %get3A_280 = arith.constant 3 : i32
              %get3A_281 = arith.constant 14 : i32
              %get3A_282 = arith.index_cast %get3A_280 : i32 to index
              %get3A_283 = arith.index_cast %get3A_281 : i32 to index
              %get3A_284 = arith.index_cast %mul3A_189 : i32 to index
              %get3A_285 = tpu.vector_load %arg8[%get3A_282, %get3A_283, %get3A_284] {strides = array<i32>} : memref<4x24x1024xf32, #tpu.memory_space<vmem>>, vector<16xf32>,
              %get3A_286 = arith.constant 3 : i32
              %get3A_287 = arith.constant 15 : i32
              %get3A_288 = arith.index_cast %get3A_286 : i32 to index
              %get3A_289 = arith.index_cast %get3A_287 : i32 to index
              %get3A_290 = arith.index_cast %mul3A_189 : i32 to index
              %get3A_291 = tpu.vector_load %arg8[%get3A_288, %get3A_289, %get3A_290] {strides = array<i32>} : memref<4x24x1024xf32, #tpu.memory_space<vmem>>, vector<16xf32>,
              %add3A_292 = arith.addf %get3A_285, %get3A_291 : vector<16xf32>
              %get3A_293 = arith.constant 3 : i32
              %get3A_294 = arith.constant 16 : i32
              %get3A_295 = arith.index_cast %get3A_293 : i32 to index
              %get3A_296 = arith.index_cast %get3A_294 : i32 to index
              %get3A_297 = arith.index_cast %mul3A_189 : i32 to index
              %get3A_298 = tpu.vector_load %arg8[%get3A_295, %get3A_296, %get3A_297] {strides = array<i32>} : memref<4x24x1024xf32, #tpu.memory_space<vmem>>, vector<16xf32>,
              %get3A_299 = arith.constant 3 : i32
              %get3A_300 = arith.constant 17 : i32
              %get3A_301 = arith.index_cast %get3A_299 : i32 to index
              %get3A_302 = arith.index_cast %get3A_300 : i32 to index
              %get3A_303 = arith.index_cast %mul3A_189 : i32 to index
              %get3A_304 = tpu.vector_load %arg8[%get3A_301, %get3A_302, %get3A_303] {strides = array<i32>} : memref<4x24x1024xf32, #tpu.memory_space<vmem>>, vector<16xf32>,
              %add3A_305 = arith.addf %get3A_298, %get3A_304 : vector<16xf32>
              %get3A_306 = arith.constant 3 : i32
              %get3A_307 = arith.constant 18 : i32
              %get3A_308 = arith.index_cast %get3A_306 : i32 to index
              %get3A_309 = arith.index_cast %get3A_307 : i32 to index
              %get3A_310 = arith.index_cast %mul3A_189 : i32 to index
              %get3A_311 = tpu.vector_load %arg8[%get3A_308, %get3A_309, %get3A_310] {strides = array<i32>} : memref<4x24x1024xf32, #tpu.memory_space<vmem>>, vector<16xf32>,
              %get3A_312 = arith.constant 3 : i32
              %get3A_313 = arith.constant 19 : i32
              %get3A_314 = arith.index_cast %get3A_312 : i32 to index
              %get3A_315 = arith.index_cast %get3A_313 : i32 to index
              %get3A_316 = arith.index_cast %mul3A_189 : i32 to index
              %get3A_317 = tpu.vector_load %arg8[%get3A_314, %get3A_315, %get3A_316] {strides = array<i32>} : memref<4x24x1024xf32, #tpu.memory_space<vmem>>, vector<16xf32>,
              %add3A_318 = arith.addf %get3A_311, %get3A_317 : vector<16xf32>
              %get3A_319 = arith.constant 3 : i32
              %get3A_320 = arith.constant 20 : i32
              %get3A_321 = arith.index_cast %get3A_319 : i32 to index
              %get3A_322 = arith.index_cast %get3A_320 : i32 to index
              %get3A_323 = arith.index_cast %mul3A_189 : i32 to index
              %get3A_324 = tpu.vector_load %arg8[%get3A_321, %get3A_322, %get3A_323] {strides = array<i32>} : memref<4x24x1024xf32, #tpu.memory_space<vmem>>, vector<16xf32>,
              %get3A_325 = arith.constant 3 : i32
              %get3A_326 = arith.constant 21 : i32
              %get3A_327 = arith.index_cast %get3A_325 : i32 to index
              %get3A_328 = arith.index_cast %get3A_326 : i32 to index
              %get3A_329 = arith.index_cast %mul3A_189 : i32 to index
              %get3A_330 = tpu.vector_load %arg8[%get3A_327, %get3A_328, %get3A_329] {strides = array<i32>} : memref<4x24x1024xf32, #tpu.memory_space<vmem>>, vector<16xf32>,
              %add3A_331 = arith.addf %get3A_324, %get3A_330 : vector<16xf32>
              %get3A_332 = arith.constant 3 : i32
              %get3A_333 = arith.constant 22 : i32
              %get3A_334 = arith.index_cast %get3A_332 : i32 to index
              %get3A_335 = arith.index_cast %get3A_333 : i32 to index
              %get3A_336 = arith.index_cast %mul3A_189 : i32 to index
              %get3A_337 = tpu.vector_load %arg8[%get3A_334, %get3A_335, %get3A_336] {strides = array<i32>} : memref<4x24x1024xf32, #tpu.memory_space<vmem>>, vector<16xf32>,
              %get3A_338 = arith.constant 3 : i32
              %get3A_339 = arith.constant 23 : i32
              %get3A_340 = arith.index_cast %get3A_338 : i32 to index
              %get3A_341 = arith.index_cast %get3A_339 : i32 to index
              %get3A_342 = arith.index_cast %mul3A_189 : i32 to index
              %get3A_343 = tpu.vector_load %arg8[%get3A_340, %get3A_341, %get3A_342] {strides = array<i32>} : memref<4x24x1024xf32, #tpu.memory_space<vmem>>, vector<16xf32>,
              %add3A_344 = arith.addf %get3A_337, %get3A_343 : vector<16xf32>
              %add3A_345 = arith.addf %add3A_201, %add3A_214 : vector<16xf32>
              %add3A_346 = arith.addf %add3A_227, %add3A_240 : vector<16xf32>
              %add3A_347 = arith.addf %add3A_253, %add3A_266 : vector<16xf32>
              %add3A_348 = arith.addf %add3A_279, %add3A_292 : vector<16xf32>
              %add3A_349 = arith.addf %add3A_305, %add3A_318 : vector<16xf32>
              %add3A_350 = arith.addf %add3A_331, %add3A_344 : vector<16xf32>
              %add3A_351 = arith.addf %add3A_345, %add3A_346 : vector<16xf32>
              %add3A_352 = arith.addf %add3A_347, %add3A_348 : vector<16xf32>
              %add3A_353 = arith.addf %add3A_349, %add3A_350 : vector<16xf32>
              %add3A_354 = arith.addf %add3A_351, %add3A_352 : vector<16xf32>
              %add3A_355 = arith.addf %add3A_354, %add3A_353 : vector<16xf32>
              %swap3A = arith.index_cast %mul3A_189 : i32 to index
              %swap3A_356 = tpu.vector_load %arg7[%swap3A] {strides = array<i32>} : memref<1024xf32, #tpu.memory_space<vmem>>, vector<16xf32>,
              tpu.vector_store %arg7[%swap3A], %add3A_355 {add = true, strides = array<i32>} : memref<1024xf32, #tpu.memory_space<vmem>>, vector<16xf32>,
              %mul3A_357 = arith.constant 2 : i32
              %mul3A_358 = arith.muli %scan3A_183, %mul3A_357 : i32
              %add3A_359 = arith.constant 1 : i32
              %add3A_360 = arith.addi %mul3A_358, %add3A_359 : i32
              %mul3A_361 = arith.constant 16 : i32
              %mul3A_362 = arith.muli %add3A_360, %mul3A_361 : i32
              %get3A_363 = arith.constant 3 : i32
              %get3A_364 = arith.constant 0 : i32
              %get3A_365 = arith.index_cast %get3A_363 : i32 to index
              %get3A_366 = arith.index_cast %get3A_364 : i32 to index
              %get3A_367 = arith.index_cast %mul3A_362 : i32 to index
              %get3A_368 = tpu.vector_load %arg8[%get3A_365, %get3A_366, %get3A_367] {strides = array<i32>} : memref<4x24x1024xf32, #tpu.memory_space<vmem>>, vector<16xf32>,
              %get3A_369 = arith.constant 3 : i32
              %get3A_370 = arith.constant 1 : i32
              %get3A_371 = arith.index_cast %get3A_369 : i32 to index
              %get3A_372 = arith.index_cast %get3A_370 : i32 to index
              %get3A_373 = arith.index_cast %mul3A_362 : i32 to index
              %get3A_374 = tpu.vector_load %arg8[%get3A_371, %get3A_372, %get3A_373] {strides = array<i32>} : memref<4x24x1024xf32, #tpu.memory_space<vmem>>, vector<16xf32>,
              %add3A_375 = arith.addf %get3A_368, %get3A_374 : vector<16xf32>
              %get3A_376 = arith.constant 3 : i32
              %get3A_377 = arith.constant 2 : i32
              %get3A_378 = arith.index_cast %get3A_376 : i32 to index
              %get3A_379 = arith.index_cast %get3A_377 : i32 to index
              %get3A_380 = arith.index_cast %mul3A_362 : i32 to index
              %get3A_381 = tpu.vector_load %arg8[%get3A_378, %get3A_379, %get3A_380] {strides = array<i32>} : memref<4x24x1024xf32, #tpu.memory_space<vmem>>, vector<16xf32>,
              %get3A_382 = arith.constant 3 : i32
              %get3A_383 = arith.constant 3 : i32
              %get3A_384 = arith.index_cast %get3A_382 : i32 to index
              %get3A_385 = arith.index_cast %get3A_383 : i32 to index
              %get3A_386 = arith.index_cast %mul3A_362 : i32 to index
              %get3A_387 = tpu.vector_load %arg8[%get3A_384, %get3A_385, %get3A_386] {strides = array<i32>} : memref<4x24x1024xf32, #tpu.memory_space<vmem>>, vector<16xf32>,
              %add3A_388 = arith.addf %get3A_381, %get3A_387 : vector<16xf32>
              %get3A_389 = arith.constant 3 : i32
              %get3A_390 = arith.constant 4 : i32
              %get3A_391 = arith.index_cast %get3A_389 : i32 to index
              %get3A_392 = arith.index_cast %get3A_390 : i32 to index
              %get3A_393 = arith.index_cast %mul3A_362 : i32 to index
              %get3A_394 = tpu.vector_load %arg8[%get3A_391, %get3A_392, %get3A_393] {strides = array<i32>} : memref<4x24x1024xf32, #tpu.memory_space<vmem>>, vector<16xf32>,
              %get3A_395 = arith.constant 3 : i32
              %get3A_396 = arith.constant 5 : i32
              %get3A_397 = arith.index_cast %get3A_395 : i32 to index
              %get3A_398 = arith.index_cast %get3A_396 : i32 to index
              %get3A_399 = arith.index_cast %mul3A_362 : i32 to index
              %get3A_400 = tpu.vector_load %arg8[%get3A_397, %get3A_398, %get3A_399] {strides = array<i32>} : memref<4x24x1024xf32, #tpu.memory_space<vmem>>, vector<16xf32>,
              %add3A_401 = arith.addf %get3A_394, %get3A_400 : vector<16xf32>
              %get3A_402 = arith.constant 3 : i32
              %get3A_403 = arith.constant 6 : i32
              %get3A_404 = arith.index_cast %get3A_402 : i32 to index
              %get3A_405 = arith.index_cast %get3A_403 : i32 to index
              %get3A_406 = arith.index_cast %mul3A_362 : i32 to index
              %get3A_407 = tpu.vector_load %arg8[%get3A_404, %get3A_405, %get3A_406] {strides = array<i32>} : memref<4x24x1024xf32, #tpu.memory_space<vmem>>, vector<16xf32>,
              %get3A_408 = arith.constant 3 : i32
              %get3A_409 = arith.constant 7 : i32
              %get3A_410 = arith.index_cast %get3A_408 : i32 to index
              %get3A_411 = arith.index_cast %get3A_409 : i32 to index
              %get3A_412 = arith.index_cast %mul3A_362 : i32 to index
              %get3A_413 = tpu.vector_load %arg8[%get3A_410, %get3A_411, %get3A_412] {strides = array<i32>} : memref<4x24x1024xf32, #tpu.memory_space<vmem>>, vector<16xf32>,
              %add3A_414 = arith.addf %get3A_407, %get3A_413 : vector<16xf32>
              %get3A_415 = arith.constant 3 : i32
              %get3A_416 = arith.constant 8 : i32
              %get3A_417 = arith.index_cast %get3A_415 : i32 to index
              %get3A_418 = arith.index_cast %get3A_416 : i32 to index
              %get3A_419 = arith.index_cast %mul3A_362 : i32 to index
              %get3A_420 = tpu.vector_load %arg8[%get3A_417, %get3A_418, %get3A_419] {strides = array<i32>} : memref<4x24x1024xf32, #tpu.memory_space<vmem>>, vector<16xf32>,
              %get3A_421 = arith.constant 3 : i32
              %get3A_422 = arith.constant 9 : i32
              %get3A_423 = arith.index_cast %get3A_421 : i32 to index
              %get3A_424 = arith.index_cast %get3A_422 : i32 to index
              %get3A_425 = arith.index_cast %mul3A_362 : i32 to index
              %get3A_426 = tpu.vector_load %arg8[%get3A_423, %get3A_424, %get3A_425] {strides = array<i32>} : memref<4x24x1024xf32, #tpu.memory_space<vmem>>, vector<16xf32>,
              %add3A_427 = arith.addf %get3A_420, %get3A_426 : vector<16xf32>
              %get3A_428 = arith.constant 3 : i32
              %get3A_429 = arith.constant 10 : i32
              %get3A_430 = arith.index_cast %get3A_428 : i32 to index
              %get3A_431 = arith.index_cast %get3A_429 : i32 to index
              %get3A_432 = arith.index_cast %mul3A_362 : i32 to index
              %get3A_433 = tpu.vector_load %arg8[%get3A_430, %get3A_431, %get3A_432] {strides = array<i32>} : memref<4x24x1024xf32, #tpu.memory_space<vmem>>, vector<16xf32>,
              %get3A_434 = arith.constant 3 : i32
              %get3A_435 = arith.constant 11 : i32
              %get3A_436 = arith.index_cast %get3A_434 : i32 to index
              %get3A_437 = arith.index_cast %get3A_435 : i32 to index
              %get3A_438 = arith.index_cast %mul3A_362 : i32 to index
              %get3A_439 = tpu.vector_load %arg8[%get3A_436, %get3A_437, %get3A_438] {strides = array<i32>} : memref<4x24x1024xf32, #tpu.memory_space<vmem>>, vector<16xf32>,
              %add3A_440 = arith.addf %get3A_433, %get3A_439 : vector<16xf32>
              %get3A_441 = arith.constant 3 : i32
              %get3A_442 = arith.constant 12 : i32
              %get3A_443 = arith.index_cast %get3A_441 : i32 to index
              %get3A_444 = arith.index_cast %get3A_442 : i32 to index
              %get3A_445 = arith.index_cast %mul3A_362 : i32 to index
              %get3A_446 = tpu.vector_load %arg8[%get3A_443, %get3A_444, %get3A_445] {strides = array<i32>} : memref<4x24x1024xf32, #tpu.memory_space<vmem>>, vector<16xf32>,
              %get3A_447 = arith.constant 3 : i32
              %get3A_448 = arith.constant 13 : i32
              %get3A_449 = arith.index_cast %get3A_447 : i32 to index
              %get3A_450 = arith.index_cast %get3A_448 : i32 to index
              %get3A_451 = arith.index_cast %mul3A_362 : i32 to index
              %get3A_452 = tpu.vector_load %arg8[%get3A_449, %get3A_450, %get3A_451] {strides = array<i32>} : memref<4x24x1024xf32, #tpu.memory_space<vmem>>, vector<16xf32>,
              %add3A_453 = arith.addf %get3A_446, %get3A_452 : vector<16xf32>
              %get3A_454 = arith.constant 3 : i32
              %get3A_455 = arith.constant 14 : i32
              %get3A_456 = arith.index_cast %get3A_454 : i32 to index
              %get3A_457 = arith.index_cast %get3A_455 : i32 to index
              %get3A_458 = arith.index_cast %mul3A_362 : i32 to index
              %get3A_459 = tpu.vector_load %arg8[%get3A_456, %get3A_457, %get3A_458] {strides = array<i32>} : memref<4x24x1024xf32, #tpu.memory_space<vmem>>, vector<16xf32>,
              %get3A_460 = arith.constant 3 : i32
              %get3A_461 = arith.constant 15 : i32
              %get3A_462 = arith.index_cast %get3A_460 : i32 to index
              %get3A_463 = arith.index_cast %get3A_461 : i32 to index
              %get3A_464 = arith.index_cast %mul3A_362 : i32 to index
              %get3A_465 = tpu.vector_load %arg8[%get3A_462, %get3A_463, %get3A_464] {strides = array<i32>} : memref<4x24x1024xf32, #tpu.memory_space<vmem>>, vector<16xf32>,
              %add3A_466 = arith.addf %get3A_459, %get3A_465 : vector<16xf32>
              %get3A_467 = arith.constant 3 : i32
              %get3A_468 = arith.constant 16 : i32
              %get3A_469 = arith.index_cast %get3A_467 : i32 to index
              %get3A_470 = arith.index_cast %get3A_468 : i32 to index
              %get3A_471 = arith.index_cast %mul3A_362 : i32 to index
              %get3A_472 = tpu.vector_load %arg8[%get3A_469, %get3A_470, %get3A_471] {strides = array<i32>} : memref<4x24x1024xf32, #tpu.memory_space<vmem>>, vector<16xf32>,
              %get3A_473 = arith.constant 3 : i32
              %get3A_474 = arith.constant 17 : i32
              %get3A_475 = arith.index_cast %get3A_473 : i32 to index
              %get3A_476 = arith.index_cast %get3A_474 : i32 to index
              %get3A_477 = arith.index_cast %mul3A_362 : i32 to index
              %get3A_478 = tpu.vector_load %arg8[%get3A_475, %get3A_476, %get3A_477] {strides = array<i32>} : memref<4x24x1024xf32, #tpu.memory_space<vmem>>, vector<16xf32>,
              %add3A_479 = arith.addf %get3A_472, %get3A_478 : vector<16xf32>
              %get3A_480 = arith.constant 3 : i32
              %get3A_481 = arith.constant 18 : i32
              %get3A_482 = arith.index_cast %get3A_480 : i32 to index
              %get3A_483 = arith.index_cast %get3A_481 : i32 to index
              %get3A_484 = arith.index_cast %mul3A_362 : i32 to index
              %get3A_485 = tpu.vector_load %arg8[%get3A_482, %get3A_483, %get3A_484] {strides = array<i32>} : memref<4x24x1024xf32, #tpu.memory_space<vmem>>, vector<16xf32>,
              %get3A_486 = arith.constant 3 : i32
              %get3A_487 = arith.constant 19 : i32
              %get3A_488 = arith.index_cast %get3A_486 : i32 to index
              %get3A_489 = arith.index_cast %get3A_487 : i32 to index
              %get3A_490 = arith.index_cast %mul3A_362 : i32 to index
              %get3A_491 = tpu.vector_load %arg8[%get3A_488, %get3A_489, %get3A_490] {strides = array<i32>} : memref<4x24x1024xf32, #tpu.memory_space<vmem>>, vector<16xf32>,
              %add3A_492 = arith.addf %get3A_485, %get3A_491 : vector<16xf32>
              %get3A_493 = arith.constant 3 : i32
              %get3A_494 = arith.constant 20 : i32
              %get3A_495 = arith.index_cast %get3A_493 : i32 to index
              %get3A_496 = arith.index_cast %get3A_494 : i32 to index
              %get3A_497 = arith.index_cast %mul3A_362 : i32 to index
              %get3A_498 = tpu.vector_load %arg8[%get3A_495, %get3A_496, %get3A_497] {strides = array<i32>} : memref<4x24x1024xf32, #tpu.memory_space<vmem>>, vector<16xf32>,
              %get3A_499 = arith.constant 3 : i32
              %get3A_500 = arith.constant 21 : i32
              %get3A_501 = arith.index_cast %get3A_499 : i32 to index
              %get3A_502 = arith.index_cast %get3A_500 : i32 to index
              %get3A_503 = arith.index_cast %mul3A_362 : i32 to index
              %get3A_504 = tpu.vector_load %arg8[%get3A_501, %get3A_502, %get3A_503] {strides = array<i32>} : memref<4x24x1024xf32, #tpu.memory_space<vmem>>, vector<16xf32>,
              %add3A_505 = arith.addf %get3A_498, %get3A_504 : vector<16xf32>
              %get3A_506 = arith.constant 3 : i32
              %get3A_507 = arith.constant 22 : i32
              %get3A_508 = arith.index_cast %get3A_506 : i32 to index
              %get3A_509 = arith.index_cast %get3A_507 : i32 to index
              %get3A_510 = arith.index_cast %mul3A_362 : i32 to index
              %get3A_511 = tpu.vector_load %arg8[%get3A_508, %get3A_509, %get3A_510] {strides = array<i32>} : memref<4x24x1024xf32, #tpu.memory_space<vmem>>, vector<16xf32>,
              %get3A_512 = arith.constant 3 : i32
              %get3A_513 = arith.constant 23 : i32
              %get3A_514 = arith.index_cast %get3A_512 : i32 to index
              %get3A_515 = arith.index_cast %get3A_513 : i32 to index
              %get3A_516 = arith.index_cast %mul3A_362 : i32 to index
              %get3A_517 = tpu.vector_load %arg8[%get3A_514, %get3A_515, %get3A_516] {strides = array<i32>} : memref<4x24x1024xf32, #tpu.memory_space<vmem>>, vector<16xf32>,
              %add3A_518 = arith.addf %get3A_511, %get3A_517 : vector<16xf32>
              %add3A_519 = arith.addf %add3A_375, %add3A_388 : vector<16xf32>
              %add3A_520 = arith.addf %add3A_401, %add3A_414 : vector<16xf32>
              %add3A_521 = arith.addf %add3A_427, %add3A_440 : vector<16xf32>
              %add3A_522 = arith.addf %add3A_453, %add3A_466 : vector<16xf32>
              %add3A_523 = arith.addf %add3A_479, %add3A_492 : vector<16xf32>
              %add3A_524 = arith.addf %add3A_505, %add3A_518 : vector<16xf32>
              %add3A_525 = arith.addf %add3A_519, %add3A_520 : vector<16xf32>
              %add3A_526 = arith.addf %add3A_521, %add3A_522 : vector<16xf32>
              %add3A_527 = arith.addf %add3A_523, %add3A_524 : vector<16xf32>
              %add3A_528 = arith.addf %add3A_525, %add3A_526 : vector<16xf32>
              %add3A_529 = arith.addf %add3A_528, %add3A_527 : vector<16xf32>
              %swap3A_530 = arith.index_cast %mul3A_362 : i32 to index
              %swap3A_531 = tpu.vector_load %arg7[%swap3A_530] {strides = array<i32>} : memref<1024xf32, #tpu.memory_space<vmem>>, vector<16xf32>,
              tpu.vector_store %arg7[%swap3A_530], %add3A_529 {add = true, strides = array<i32>} : memref<1024xf32, #tpu.memory_space<vmem>>, vector<16xf32>,
            }
            %scan3A_182 = arith.constant 32 : i32
          } else {
          }
          %eq3A = arith.cmpi eq, %add3A_150, %select_n3A : i32
          %convert_element_type3A_168 = arith.extui %eq3A : i1 to i32
          %cond3A_169 = arith.constant 0 : i32
          %cond3A_170 = arith.cmpi ne, %convert_element_type3A_168, %cond3A_169 : i32
          scf.if %cond3A_170 {
            %while3A_177 = arith.constant 0 : i32
            %while3A_178 = arith.constant 0 : i32
            %while3A_179 = arith.subi %sub3A_57, %while3A_178 : i32
            %while3A_180 = arith.addi %while3A_178, %while3A_179 : i32
            %while3A_181 = arith.constant 1 : i32
            %while3A_182 = arith.divsi %while3A_179, %while3A_181 : i32
            %while3A_183 = arith.muli %while3A_182, %while3A_181 : i32
            %while3A_184 = arith.addi %while3A_178, %while3A_183 : i32
            %while3A_185 = arith.constant 1 : i32
            scf.for %while3A_187 = %while3A_178 to %while3A_184 step %while3A_185  : i32 {
              %scan3A_188 = arith.constant 0 : i32
              %scan3A_189 = arith.constant 0 : i32
              %scan3A_190 = arith.constant 64 : i32
              %scan3A_191 = arith.addi %scan3A_189, %scan3A_190 : i32
              %scan3A_192 = arith.constant 1 : i32
              scf.for %scan3A_194 = %scan3A_189 to %scan3A_191 step %scan3A_192  : i32 {
                %mul3A_195 = arith.constant 16 : i32
                %mul3A_196 = arith.muli %scan3A_194, %mul3A_195 : i32
                %get3A = arith.constant 3 : i32
                %get3A_197 = arith.index_cast %get3A : i32 to index
                %get3A_198 = arith.index_cast %while3A_187 : i32 to index
                %get3A_199 = arith.index_cast %mul3A_196 : i32 to index
                %get3A_200 = tpu.vector_load %arg8[%get3A_197, %get3A_198, %get3A_199] {strides = array<i32>} : memref<4x24x1024xf32, #tpu.memory_space<vmem>>, vector<16xf32>,
                %swap3A = arith.index_cast %mul3A_196 : i32 to index
                %swap3A_201 = tpu.vector_load %arg7[%swap3A] {strides = array<i32>} : memref<1024xf32, #tpu.memory_space<vmem>>, vector<16xf32>,
                tpu.vector_store %arg7[%swap3A], %get3A_200 {add = true, strides = array<i32>} : memref<1024xf32, #tpu.memory_space<vmem>>, vector<16xf32>,
              }
              %scan3A_193 = arith.constant 64 : i32
            }
            %while3A_186 = arith.constant 1 : i32
            scf.for %while3A_187 = %while3A_184 to %while3A_180 step %while3A_186  : i32 {
              %scan3A_188 = arith.constant 0 : i32
              %scan3A_189 = arith.constant 0 : i32
              %scan3A_190 = arith.constant 64 : i32
              %scan3A_191 = arith.addi %scan3A_189, %scan3A_190 : i32
              %scan3A_192 = arith.constant 1 : i32
              scf.for %scan3A_194 = %scan3A_189 to %scan3A_191 step %scan3A_192  : i32 {
                %mul3A_195 = arith.constant 16 : i32
                %mul3A_196 = arith.muli %scan3A_194, %mul3A_195 : i32
                %get3A = arith.constant 3 : i32
                %get3A_197 = arith.index_cast %get3A : i32 to index
                %get3A_198 = arith.index_cast %while3A_187 : i32 to index
                %get3A_199 = arith.index_cast %mul3A_196 : i32 to index
                %get3A_200 = tpu.vector_load %arg8[%get3A_197, %get3A_198, %get3A_199] {strides = array<i32>} : memref<4x24x1024xf32, #tpu.memory_space<vmem>>, vector<16xf32>,
                %swap3A = arith.index_cast %mul3A_196 : i32 to index
                %swap3A_201 = tpu.vector_load %arg7[%swap3A] {strides = array<i32>} : memref<1024xf32, #tpu.memory_space<vmem>>, vector<16xf32>,
                tpu.vector_store %arg7[%swap3A], %get3A_200 {add = true, strides = array<i32>} : memref<1024xf32, #tpu.memory_space<vmem>>, vector<16xf32>,
              }
              %scan3A_193 = arith.constant 64 : i32
            }
          } else {
          }
          %add3A_171 = arith.constant 4 : i32
          %add3A_172 = arith.addi %add3A_150, %add3A_171 : i32
          %lt3A_173 = arith.cmpi slt, %add3A_172, %add3A_62 : i32
          %convert_element_type3A_174 = arith.extui %lt3A_173 : i1 to i32
          %cond3A_175 = arith.constant 0 : i32
          %cond3A_176 = arith.cmpi ne, %convert_element_type3A_174, %cond3A_175 : i32
          scf.if %cond3A_176 {
            %add3A_177 = arith.constant 4 : i32
            %add3A_178 = arith.addi %add3A_150, %add3A_177 : i32
            %mul3A_179 = arith.constant 24 : i32
            %mul3A_180 = arith.muli %add3A_178, %mul3A_179 : i32
            %dma_start3A = arith.constant 3 : i32
            %dma_start3A_181 = arith.constant 0 : i32
            %dma_start3A_182 = arith.constant 0 : i32
            %dma_start3A_183 = tpu.memref_slice %arg8[%dma_start3A, %dma_start3A_181, %dma_start3A_182] : memref<4x24x1024xf32, #tpu.memory_space<vmem>> -> memref<1x24x1024xf32, #tpu.memory_space<vmem>>
            %dma_start3A_184 = tpu.memref_squeeze %dma_start3A_183 : memref<1x24x1024xf32, #tpu.memory_space<vmem>> -> memref<24x1024xf32, #tpu.memory_space<vmem>>
            %dma_start3A_185 = tpu.memref_slice %arg6[%mul3A_180] : memref<592xi32, #tpu.memory_space<vmem>> -> memref<24xi32, #tpu.memory_space<vmem>>
            %dma_start3A_186 = arith.constant 0 : i32
            %dma_start3A_187 = arith.constant 0 : i32
            %dma_start3A_188 = tpu.memref_slice %arg3[%dma_start3A_186, %dma_start3A_187] : memref<73728x1024xf32, #tpu.memory_space<hbm>> -> memref<73728x1024xf32, #tpu.memory_space<hbm>>
            tpu.enqueue_indirect_dma source(%dma_start3A_188 : memref<73728x1024xf32, #tpu.memory_space<hbm>>) target(%dma_start3A_184 : memref<24x1024xf32, #tpu.memory_space<vmem>>) offsets(%dma_start3A_185 : memref<24xi32, #tpu.memory_space<vmem>>) semaphore(%arg12 : memref<!tpu.dma_semaphore, #tpu.memory_space<semaphore_mem>>)
          } else {
          }
        } else {
        }
      }
      %while3A_116 = arith.constant 1 : i32
      scf.for %while3A_123 = %while3A_114 to %while3A_110 step %while3A_116  : i32 {
        %mul3A_124 = arith.constant 4 : i32
        %mul3A_125 = arith.muli %while3A_123, %mul3A_124 : i32
        %add3A_126 = arith.constant 0 : i32
        %add3A_127 = arith.addi %mul3A_125, %add3A_126 : i32
        %lt3A = arith.cmpi slt, %add3A_127, %add3A_62 : i32
        %convert_element_type3A_128 = arith.extui %lt3A : i1 to i32
        %cond3A_129 = arith.constant 0 : i32
        %cond3A_130 = arith.cmpi ne, %convert_element_type3A_128, %cond3A_129 : i32
        scf.if %cond3A_130 {
          %dma_wait3A = arith.constant 0 : i32
          %dma_wait3A_155 = arith.constant 0 : i32
          %dma_wait3A_156 = arith.constant 0 : i32
          %dma_wait3A_157 = tpu.memref_slice %arg8[%dma_wait3A, %dma_wait3A_155, %dma_wait3A_156] : memref<4x24x1024xf32, #tpu.memory_space<vmem>> -> memref<1x24x1024xf32, #tpu.memory_space<vmem>>
          %dma_wait3A_158 = tpu.memref_squeeze %dma_wait3A_157 : memref<1x24x1024xf32, #tpu.memory_space<vmem>> -> memref<24x1024xf32, #tpu.memory_space<vmem>>
          %dma_wait3A_159 = arith.constant 0 : i32
          %dma_wait3A_160 = tpu.memref_slice %arg6[%dma_wait3A_159] : memref<592xi32, #tpu.memory_space<vmem>> -> memref<24xi32, #tpu.memory_space<vmem>>
          %dma_wait3A_161 = arith.constant 0 : i32
          %dma_wait3A_162 = arith.constant 0 : i32
          %dma_wait3A_163 = tpu.memref_slice %arg3[%dma_wait3A_161, %dma_wait3A_162] : memref<73728x1024xf32, #tpu.memory_space<hbm>> -> memref<73728x1024xf32, #tpu.memory_space<hbm>>
          tpu.wait_indirect_dma semaphore(%arg9 : memref<!tpu.dma_semaphore, #tpu.memory_space<semaphore_mem>>) src(%dma_wait3A_163 : memref<73728x1024xf32, #tpu.memory_space<hbm>>) dst(%dma_wait3A_158 : memref<24x1024xf32, #tpu.memory_space<vmem>>)
          %lt3A_164 = arith.cmpi slt, %add3A_127, %select_n3A : i32
          %convert_element_type3A_165 = arith.extui %lt3A_164 : i1 to i32
          %cond3A_166 = arith.constant 0 : i32
          %cond3A_167 = arith.cmpi ne, %convert_element_type3A_165, %cond3A_166 : i32
          scf.if %cond3A_167 {
            %scan3A_177 = arith.constant 0 : i32
            %scan3A_178 = arith.constant 0 : i32
            %scan3A_179 = arith.constant 32 : i32
            %scan3A_180 = arith.addi %scan3A_178, %scan3A_179 : i32
            %scan3A_181 = arith.constant 1 : i32
            scf.for %scan3A_183 = %scan3A_178 to %scan3A_180 step %scan3A_181  : i32 {
              %mul3A_184 = arith.constant 2 : i32
              %mul3A_185 = arith.muli %scan3A_183, %mul3A_184 : i32
              %add3A_186 = arith.constant 0 : i32
              %add3A_187 = arith.addi %mul3A_185, %add3A_186 : i32
              %mul3A_188 = arith.constant 16 : i32
              %mul3A_189 = arith.muli %add3A_187, %mul3A_188 : i32
              %get3A = arith.constant 0 : i32
              %get3A_190 = arith.constant 0 : i32
              %get3A_191 = arith.index_cast %get3A : i32 to index
              %get3A_192 = arith.index_cast %get3A_190 : i32 to index
              %get3A_193 = arith.index_cast %mul3A_189 : i32 to index
              %get3A_194 = tpu.vector_load %arg8[%get3A_191, %get3A_192, %get3A_193] {strides = array<i32>} : memref<4x24x1024xf32, #tpu.memory_space<vmem>>, vector<16xf32>,
              %get3A_195 = arith.constant 0 : i32
              %get3A_196 = arith.constant 1 : i32
              %get3A_197 = arith.index_cast %get3A_195 : i32 to index
              %get3A_198 = arith.index_cast %get3A_196 : i32 to index
              %get3A_199 = arith.index_cast %mul3A_189 : i32 to index
              %get3A_200 = tpu.vector_load %arg8[%get3A_197, %get3A_198, %get3A_199] {strides = array<i32>} : memref<4x24x1024xf32, #tpu.memory_space<vmem>>, vector<16xf32>,
              %add3A_201 = arith.addf %get3A_194, %get3A_200 : vector<16xf32>
              %get3A_202 = arith.constant 0 : i32
              %get3A_203 = arith.constant 2 : i32
              %get3A_204 = arith.index_cast %get3A_202 : i32 to index
              %get3A_205 = arith.index_cast %get3A_203 : i32 to index
              %get3A_206 = arith.index_cast %mul3A_189 : i32 to index
              %get3A_207 = tpu.vector_load %arg8[%get3A_204, %get3A_205, %get3A_206] {strides = array<i32>} : memref<4x24x1024xf32, #tpu.memory_space<vmem>>, vector<16xf32>,
              %get3A_208 = arith.constant 0 : i32
              %get3A_209 = arith.constant 3 : i32
              %get3A_210 = arith.index_cast %get3A_208 : i32 to index
              %get3A_211 = arith.index_cast %get3A_209 : i32 to index
              %get3A_212 = arith.index_cast %mul3A_189 : i32 to index
              %get3A_213 = tpu.vector_load %arg8[%get3A_210, %get3A_211, %get3A_212] {strides = array<i32>} : memref<4x24x1024xf32, #tpu.memory_space<vmem>>, vector<16xf32>,
              %add3A_214 = arith.addf %get3A_207, %get3A_213 : vector<16xf32>
              %get3A_215 = arith.constant 0 : i32
              %get3A_216 = arith.constant 4 : i32
              %get3A_217 = arith.index_cast %get3A_215 : i32 to index
              %get3A_218 = arith.index_cast %get3A_216 : i32 to index
              %get3A_219 = arith.index_cast %mul3A_189 : i32 to index
              %get3A_220 = tpu.vector_load %arg8[%get3A_217, %get3A_218, %get3A_219] {strides = array<i32>} : memref<4x24x1024xf32, #tpu.memory_space<vmem>>, vector<16xf32>,
              %get3A_221 = arith.constant 0 : i32
              %get3A_222 = arith.constant 5 : i32
              %get3A_223 = arith.index_cast %get3A_221 : i32 to index
              %get3A_224 = arith.index_cast %get3A_222 : i32 to index
              %get3A_225 = arith.index_cast %mul3A_189 : i32 to index
              %get3A_226 = tpu.vector_load %arg8[%get3A_223, %get3A_224, %get3A_225] {strides = array<i32>} : memref<4x24x1024xf32, #tpu.memory_space<vmem>>, vector<16xf32>,
              %add3A_227 = arith.addf %get3A_220, %get3A_226 : vector<16xf32>
              %get3A_228 = arith.constant 0 : i32
              %get3A_229 = arith.constant 6 : i32
              %get3A_230 = arith.index_cast %get3A_228 : i32 to index
              %get3A_231 = arith.index_cast %get3A_229 : i32 to index
              %get3A_232 = arith.index_cast %mul3A_189 : i32 to index
              %get3A_233 = tpu.vector_load %arg8[%get3A_230, %get3A_231, %get3A_232] {strides = array<i32>} : memref<4x24x1024xf32, #tpu.memory_space<vmem>>, vector<16xf32>,
              %get3A_234 = arith.constant 0 : i32
              %get3A_235 = arith.constant 7 : i32
              %get3A_236 = arith.index_cast %get3A_234 : i32 to index
              %get3A_237 = arith.index_cast %get3A_235 : i32 to index
              %get3A_238 = arith.index_cast %mul3A_189 : i32 to index
              %get3A_239 = tpu.vector_load %arg8[%get3A_236, %get3A_237, %get3A_238] {strides = array<i32>} : memref<4x24x1024xf32, #tpu.memory_space<vmem>>, vector<16xf32>,
              %add3A_240 = arith.addf %get3A_233, %get3A_239 : vector<16xf32>
              %get3A_241 = arith.constant 0 : i32
              %get3A_242 = arith.constant 8 : i32
              %get3A_243 = arith.index_cast %get3A_241 : i32 to index
              %get3A_244 = arith.index_cast %get3A_242 : i32 to index
              %get3A_245 = arith.index_cast %mul3A_189 : i32 to index
              %get3A_246 = tpu.vector_load %arg8[%get3A_243, %get3A_244, %get3A_245] {strides = array<i32>} : memref<4x24x1024xf32, #tpu.memory_space<vmem>>, vector<16xf32>,
              %get3A_247 = arith.constant 0 : i32
              %get3A_248 = arith.constant 9 : i32
              %get3A_249 = arith.index_cast %get3A_247 : i32 to index
              %get3A_250 = arith.index_cast %get3A_248 : i32 to index
              %get3A_251 = arith.index_cast %mul3A_189 : i32 to index
              %get3A_252 = tpu.vector_load %arg8[%get3A_249, %get3A_250, %get3A_251] {strides = array<i32>} : memref<4x24x1024xf32, #tpu.memory_space<vmem>>, vector<16xf32>,
              %add3A_253 = arith.addf %get3A_246, %get3A_252 : vector<16xf32>
              %get3A_254 = arith.constant 0 : i32
              %get3A_255 = arith.constant 10 : i32
              %get3A_256 = arith.index_cast %get3A_254 : i32 to index
              %get3A_257 = arith.index_cast %get3A_255 : i32 to index
              %get3A_258 = arith.index_cast %mul3A_189 : i32 to index
              %get3A_259 = tpu.vector_load %arg8[%get3A_256, %get3A_257, %get3A_258] {strides = array<i32>} : memref<4x24x1024xf32, #tpu.memory_space<vmem>>, vector<16xf32>,
              %get3A_260 = arith.constant 0 : i32
              %get3A_261 = arith.constant 11 : i32
              %get3A_262 = arith.index_cast %get3A_260 : i32 to index
              %get3A_263 = arith.index_cast %get3A_261 : i32 to index
              %get3A_264 = arith.index_cast %mul3A_189 : i32 to index
              %get3A_265 = tpu.vector_load %arg8[%get3A_262, %get3A_263, %get3A_264] {strides = array<i32>} : memref<4x24x1024xf32, #tpu.memory_space<vmem>>, vector<16xf32>,
              %add3A_266 = arith.addf %get3A_259, %get3A_265 : vector<16xf32>
              %get3A_267 = arith.constant 0 : i32
              %get3A_268 = arith.constant 12 : i32
              %get3A_269 = arith.index_cast %get3A_267 : i32 to index
              %get3A_270 = arith.index_cast %get3A_268 : i32 to index
              %get3A_271 = arith.index_cast %mul3A_189 : i32 to index
              %get3A_272 = tpu.vector_load %arg8[%get3A_269, %get3A_270, %get3A_271] {strides = array<i32>} : memref<4x24x1024xf32, #tpu.memory_space<vmem>>, vector<16xf32>,
              %get3A_273 = arith.constant 0 : i32
              %get3A_274 = arith.constant 13 : i32
              %get3A_275 = arith.index_cast %get3A_273 : i32 to index
              %get3A_276 = arith.index_cast %get3A_274 : i32 to index
              %get3A_277 = arith.index_cast %mul3A_189 : i32 to index
              %get3A_278 = tpu.vector_load %arg8[%get3A_275, %get3A_276, %get3A_277] {strides = array<i32>} : memref<4x24x1024xf32, #tpu.memory_space<vmem>>, vector<16xf32>,
              %add3A_279 = arith.addf %get3A_272, %get3A_278 : vector<16xf32>
              %get3A_280 = arith.constant 0 : i32
              %get3A_281 = arith.constant 14 : i32
              %get3A_282 = arith.index_cast %get3A_280 : i32 to index
              %get3A_283 = arith.index_cast %get3A_281 : i32 to index
              %get3A_284 = arith.index_cast %mul3A_189 : i32 to index
              %get3A_285 = tpu.vector_load %arg8[%get3A_282, %get3A_283, %get3A_284] {strides = array<i32>} : memref<4x24x1024xf32, #tpu.memory_space<vmem>>, vector<16xf32>,
              %get3A_286 = arith.constant 0 : i32
              %get3A_287 = arith.constant 15 : i32
              %get3A_288 = arith.index_cast %get3A_286 : i32 to index
              %get3A_289 = arith.index_cast %get3A_287 : i32 to index
              %get3A_290 = arith.index_cast %mul3A_189 : i32 to index
              %get3A_291 = tpu.vector_load %arg8[%get3A_288, %get3A_289, %get3A_290] {strides = array<i32>} : memref<4x24x1024xf32, #tpu.memory_space<vmem>>, vector<16xf32>,
              %add3A_292 = arith.addf %get3A_285, %get3A_291 : vector<16xf32>
              %get3A_293 = arith.constant 0 : i32
              %get3A_294 = arith.constant 16 : i32
              %get3A_295 = arith.index_cast %get3A_293 : i32 to index
              %get3A_296 = arith.index_cast %get3A_294 : i32 to index
              %get3A_297 = arith.index_cast %mul3A_189 : i32 to index
              %get3A_298 = tpu.vector_load %arg8[%get3A_295, %get3A_296, %get3A_297] {strides = array<i32>} : memref<4x24x1024xf32, #tpu.memory_space<vmem>>, vector<16xf32>,
              %get3A_299 = arith.constant 0 : i32
              %get3A_300 = arith.constant 17 : i32
              %get3A_301 = arith.index_cast %get3A_299 : i32 to index
              %get3A_302 = arith.index_cast %get3A_300 : i32 to index
              %get3A_303 = arith.index_cast %mul3A_189 : i32 to index
              %get3A_304 = tpu.vector_load %arg8[%get3A_301, %get3A_302, %get3A_303] {strides = array<i32>} : memref<4x24x1024xf32, #tpu.memory_space<vmem>>, vector<16xf32>,
              %add3A_305 = arith.addf %get3A_298, %get3A_304 : vector<16xf32>
              %get3A_306 = arith.constant 0 : i32
              %get3A_307 = arith.constant 18 : i32
              %get3A_308 = arith.index_cast %get3A_306 : i32 to index
              %get3A_309 = arith.index_cast %get3A_307 : i32 to index
              %get3A_310 = arith.index_cast %mul3A_189 : i32 to index
              %get3A_311 = tpu.vector_load %arg8[%get3A_308, %get3A_309, %get3A_310] {strides = array<i32>} : memref<4x24x1024xf32, #tpu.memory_space<vmem>>, vector<16xf32>,
              %get3A_312 = arith.constant 0 : i32
              %get3A_313 = arith.constant 19 : i32
              %get3A_314 = arith.index_cast %get3A_312 : i32 to index
              %get3A_315 = arith.index_cast %get3A_313 : i32 to index
              %get3A_316 = arith.index_cast %mul3A_189 : i32 to index
              %get3A_317 = tpu.vector_load %arg8[%get3A_314, %get3A_315, %get3A_316] {strides = array<i32>} : memref<4x24x1024xf32, #tpu.memory_space<vmem>>, vector<16xf32>,
              %add3A_318 = arith.addf %get3A_311, %get3A_317 : vector<16xf32>
              %get3A_319 = arith.constant 0 : i32
              %get3A_320 = arith.constant 20 : i32
              %get3A_321 = arith.index_cast %get3A_319 : i32 to index
              %get3A_322 = arith.index_cast %get3A_320 : i32 to index
              %get3A_323 = arith.index_cast %mul3A_189 : i32 to index
              %get3A_324 = tpu.vector_load %arg8[%get3A_321, %get3A_322, %get3A_323] {strides = array<i32>} : memref<4x24x1024xf32, #tpu.memory_space<vmem>>, vector<16xf32>,
              %get3A_325 = arith.constant 0 : i32
              %get3A_326 = arith.constant 21 : i32
              %get3A_327 = arith.index_cast %get3A_325 : i32 to index
              %get3A_328 = arith.index_cast %get3A_326 : i32 to index
              %get3A_329 = arith.index_cast %mul3A_189 : i32 to index
              %get3A_330 = tpu.vector_load %arg8[%get3A_327, %get3A_328, %get3A_329] {strides = array<i32>} : memref<4x24x1024xf32, #tpu.memory_space<vmem>>, vector<16xf32>,
              %add3A_331 = arith.addf %get3A_324, %get3A_330 : vector<16xf32>
              %get3A_332 = arith.constant 0 : i32
              %get3A_333 = arith.constant 22 : i32
              %get3A_334 = arith.index_cast %get3A_332 : i32 to index
              %get3A_335 = arith.index_cast %get3A_333 : i32 to index
              %get3A_336 = arith.index_cast %mul3A_189 : i32 to index
              %get3A_337 = tpu.vector_load %arg8[%get3A_334, %get3A_335, %get3A_336] {strides = array<i32>} : memref<4x24x1024xf32, #tpu.memory_space<vmem>>, vector<16xf32>,
              %get3A_338 = arith.constant 0 : i32
              %get3A_339 = arith.constant 23 : i32
              %get3A_340 = arith.index_cast %get3A_338 : i32 to index
              %get3A_341 = arith.index_cast %get3A_339 : i32 to index
              %get3A_342 = arith.index_cast %mul3A_189 : i32 to index
              %get3A_343 = tpu.vector_load %arg8[%get3A_340, %get3A_341, %get3A_342] {strides = array<i32>} : memref<4x24x1024xf32, #tpu.memory_space<vmem>>, vector<16xf32>,
              %add3A_344 = arith.addf %get3A_337, %get3A_343 : vector<16xf32>
              %add3A_345 = arith.addf %add3A_201, %add3A_214 : vector<16xf32>
              %add3A_346 = arith.addf %add3A_227, %add3A_240 : vector<16xf32>
              %add3A_347 = arith.addf %add3A_253, %add3A_266 : vector<16xf32>
              %add3A_348 = arith.addf %add3A_279, %add3A_292 : vector<16xf32>
              %add3A_349 = arith.addf %add3A_305, %add3A_318 : vector<16xf32>
              %add3A_350 = arith.addf %add3A_331, %add3A_344 : vector<16xf32>
              %add3A_351 = arith.addf %add3A_345, %add3A_346 : vector<16xf32>
              %add3A_352 = arith.addf %add3A_347, %add3A_348 : vector<16xf32>
              %add3A_353 = arith.addf %add3A_349, %add3A_350 : vector<16xf32>
              %add3A_354 = arith.addf %add3A_351, %add3A_352 : vector<16xf32>
              %add3A_355 = arith.addf %add3A_354, %add3A_353 : vector<16xf32>
              %swap3A = arith.index_cast %mul3A_189 : i32 to index
              %swap3A_356 = tpu.vector_load %arg7[%swap3A] {strides = array<i32>} : memref<1024xf32, #tpu.memory_space<vmem>>, vector<16xf32>,
              tpu.vector_store %arg7[%swap3A], %add3A_355 {add = true, strides = array<i32>} : memref<1024xf32, #tpu.memory_space<vmem>>, vector<16xf32>,
              %mul3A_357 = arith.constant 2 : i32
              %mul3A_358 = arith.muli %scan3A_183, %mul3A_357 : i32
              %add3A_359 = arith.constant 1 : i32
              %add3A_360 = arith.addi %mul3A_358, %add3A_359 : i32
              %mul3A_361 = arith.constant 16 : i32
              %mul3A_362 = arith.muli %add3A_360, %mul3A_361 : i32
              %get3A_363 = arith.constant 0 : i32
              %get3A_364 = arith.constant 0 : i32
              %get3A_365 = arith.index_cast %get3A_363 : i32 to index
              %get3A_366 = arith.index_cast %get3A_364 : i32 to index
              %get3A_367 = arith.index_cast %mul3A_362 : i32 to index
              %get3A_368 = tpu.vector_load %arg8[%get3A_365, %get3A_366, %get3A_367] {strides = array<i32>} : memref<4x24x1024xf32, #tpu.memory_space<vmem>>, vector<16xf32>,
              %get3A_369 = arith.constant 0 : i32
              %get3A_370 = arith.constant 1 : i32
              %get3A_371 = arith.index_cast %get3A_369 : i32 to index
              %get3A_372 = arith.index_cast %get3A_370 : i32 to index
              %get3A_373 = arith.index_cast %mul3A_362 : i32 to index
              %get3A_374 = tpu.vector_load %arg8[%get3A_371, %get3A_372, %get3A_373] {strides = array<i32>} : memref<4x24x1024xf32, #tpu.memory_space<vmem>>, vector<16xf32>,
              %add3A_375 = arith.addf %get3A_368, %get3A_374 : vector<16xf32>
              %get3A_376 = arith.constant 0 : i32
              %get3A_377 = arith.constant 2 : i32
              %get3A_378 = arith.index_cast %get3A_376 : i32 to index
              %get3A_379 = arith.index_cast %get3A_377 : i32 to index
              %get3A_380 = arith.index_cast %mul3A_362 : i32 to index
              %get3A_381 = tpu.vector_load %arg8[%get3A_378, %get3A_379, %get3A_380] {strides = array<i32>} : memref<4x24x1024xf32, #tpu.memory_space<vmem>>, vector<16xf32>,
              %get3A_382 = arith.constant 0 : i32
              %get3A_383 = arith.constant 3 : i32
              %get3A_384 = arith.index_cast %get3A_382 : i32 to index
              %get3A_385 = arith.index_cast %get3A_383 : i32 to index
              %get3A_386 = arith.index_cast %mul3A_362 : i32 to index
              %get3A_387 = tpu.vector_load %arg8[%get3A_384, %get3A_385, %get3A_386] {strides = array<i32>} : memref<4x24x1024xf32, #tpu.memory_space<vmem>>, vector<16xf32>,
              %add3A_388 = arith.addf %get3A_381, %get3A_387 : vector<16xf32>
              %get3A_389 = arith.constant 0 : i32
              %get3A_390 = arith.constant 4 : i32
              %get3A_391 = arith.index_cast %get3A_389 : i32 to index
              %get3A_392 = arith.index_cast %get3A_390 : i32 to index
              %get3A_393 = arith.index_cast %mul3A_362 : i32 to index
              %get3A_394 = tpu.vector_load %arg8[%get3A_391, %get3A_392, %get3A_393] {strides = array<i32>} : memref<4x24x1024xf32, #tpu.memory_space<vmem>>, vector<16xf32>,
              %get3A_395 = arith.constant 0 : i32
              %get3A_396 = arith.constant 5 : i32
              %get3A_397 = arith.index_cast %get3A_395 : i32 to index
              %get3A_398 = arith.index_cast %get3A_396 : i32 to index
              %get3A_399 = arith.index_cast %mul3A_362 : i32 to index
              %get3A_400 = tpu.vector_load %arg8[%get3A_397, %get3A_398, %get3A_399] {strides = array<i32>} : memref<4x24x1024xf32, #tpu.memory_space<vmem>>, vector<16xf32>,
              %add3A_401 = arith.addf %get3A_394, %get3A_400 : vector<16xf32>
              %get3A_402 = arith.constant 0 : i32
              %get3A_403 = arith.constant 6 : i32
              %get3A_404 = arith.index_cast %get3A_402 : i32 to index
              %get3A_405 = arith.index_cast %get3A_403 : i32 to index
              %get3A_406 = arith.index_cast %mul3A_362 : i32 to index
              %get3A_407 = tpu.vector_load %arg8[%get3A_404, %get3A_405, %get3A_406] {strides = array<i32>} : memref<4x24x1024xf32, #tpu.memory_space<vmem>>, vector<16xf32>,
              %get3A_408 = arith.constant 0 : i32
              %get3A_409 = arith.constant 7 : i32
              %get3A_410 = arith.index_cast %get3A_408 : i32 to index
              %get3A_411 = arith.index_cast %get3A_409 : i32 to index
              %get3A_412 = arith.index_cast %mul3A_362 : i32 to index
              %get3A_413 = tpu.vector_load %arg8[%get3A_410, %get3A_411, %get3A_412] {strides = array<i32>} : memref<4x24x1024xf32, #tpu.memory_space<vmem>>, vector<16xf32>,
              %add3A_414 = arith.addf %get3A_407, %get3A_413 : vector<16xf32>
              %get3A_415 = arith.constant 0 : i32
              %get3A_416 = arith.constant 8 : i32
              %get3A_417 = arith.index_cast %get3A_415 : i32 to index
              %get3A_418 = arith.index_cast %get3A_416 : i32 to index
              %get3A_419 = arith.index_cast %mul3A_362 : i32 to index
              %get3A_420 = tpu.vector_load %arg8[%get3A_417, %get3A_418, %get3A_419] {strides = array<i32>} : memref<4x24x1024xf32, #tpu.memory_space<vmem>>, vector<16xf32>,
              %get3A_421 = arith.constant 0 : i32
              %get3A_422 = arith.constant 9 : i32
              %get3A_423 = arith.index_cast %get3A_421 : i32 to index
              %get3A_424 = arith.index_cast %get3A_422 : i32 to index
              %get3A_425 = arith.index_cast %mul3A_362 : i32 to index
              %get3A_426 = tpu.vector_load %arg8[%get3A_423, %get3A_424, %get3A_425] {strides = array<i32>} : memref<4x24x1024xf32, #tpu.memory_space<vmem>>, vector<16xf32>,
              %add3A_427 = arith.addf %get3A_420, %get3A_426 : vector<16xf32>
              %get3A_428 = arith.constant 0 : i32
              %get3A_429 = arith.constant 10 : i32
              %get3A_430 = arith.index_cast %get3A_428 : i32 to index
              %get3A_431 = arith.index_cast %get3A_429 : i32 to index
              %get3A_432 = arith.index_cast %mul3A_362 : i32 to index
              %get3A_433 = tpu.vector_load %arg8[%get3A_430, %get3A_431, %get3A_432] {strides = array<i32>} : memref<4x24x1024xf32, #tpu.memory_space<vmem>>, vector<16xf32>,
              %get3A_434 = arith.constant 0 : i32
              %get3A_435 = arith.constant 11 : i32
              %get3A_436 = arith.index_cast %get3A_434 : i32 to index
              %get3A_437 = arith.index_cast %get3A_435 : i32 to index
              %get3A_438 = arith.index_cast %mul3A_362 : i32 to index
              %get3A_439 = tpu.vector_load %arg8[%get3A_436, %get3A_437, %get3A_438] {strides = array<i32>} : memref<4x24x1024xf32, #tpu.memory_space<vmem>>, vector<16xf32>,
              %add3A_440 = arith.addf %get3A_433, %get3A_439 : vector<16xf32>
              %get3A_441 = arith.constant 0 : i32
              %get3A_442 = arith.constant 12 : i32
              %get3A_443 = arith.index_cast %get3A_441 : i32 to index
              %get3A_444 = arith.index_cast %get3A_442 : i32 to index
              %get3A_445 = arith.index_cast %mul3A_362 : i32 to index
              %get3A_446 = tpu.vector_load %arg8[%get3A_443, %get3A_444, %get3A_445] {strides = array<i32>} : memref<4x24x1024xf32, #tpu.memory_space<vmem>>, vector<16xf32>,
              %get3A_447 = arith.constant 0 : i32
              %get3A_448 = arith.constant 13 : i32
              %get3A_449 = arith.index_cast %get3A_447 : i32 to index
              %get3A_450 = arith.index_cast %get3A_448 : i32 to index
              %get3A_451 = arith.index_cast %mul3A_362 : i32 to index
              %get3A_452 = tpu.vector_load %arg8[%get3A_449, %get3A_450, %get3A_451] {strides = array<i32>} : memref<4x24x1024xf32, #tpu.memory_space<vmem>>, vector<16xf32>,
              %add3A_453 = arith.addf %get3A_446, %get3A_452 : vector<16xf32>
              %get3A_454 = arith.constant 0 : i32
              %get3A_455 = arith.constant 14 : i32
              %get3A_456 = arith.index_cast %get3A_454 : i32 to index
              %get3A_457 = arith.index_cast %get3A_455 : i32 to index
              %get3A_458 = arith.index_cast %mul3A_362 : i32 to index
              %get3A_459 = tpu.vector_load %arg8[%get3A_456, %get3A_457, %get3A_458] {strides = array<i32>} : memref<4x24x1024xf32, #tpu.memory_space<vmem>>, vector<16xf32>,
              %get3A_460 = arith.constant 0 : i32
              %get3A_461 = arith.constant 15 : i32
              %get3A_462 = arith.index_cast %get3A_460 : i32 to index
              %get3A_463 = arith.index_cast %get3A_461 : i32 to index
              %get3A_464 = arith.index_cast %mul3A_362 : i32 to index
              %get3A_465 = tpu.vector_load %arg8[%get3A_462, %get3A_463, %get3A_464] {strides = array<i32>} : memref<4x24x1024xf32, #tpu.memory_space<vmem>>, vector<16xf32>,
              %add3A_466 = arith.addf %get3A_459, %get3A_465 : vector<16xf32>
              %get3A_467 = arith.constant 0 : i32
              %get3A_468 = arith.constant 16 : i32
              %get3A_469 = arith.index_cast %get3A_467 : i32 to index
              %get3A_470 = arith.index_cast %get3A_468 : i32 to index
              %get3A_471 = arith.index_cast %mul3A_362 : i32 to index
              %get3A_472 = tpu.vector_load %arg8[%get3A_469, %get3A_470, %get3A_471] {strides = array<i32>} : memref<4x24x1024xf32, #tpu.memory_space<vmem>>, vector<16xf32>,
              %get3A_473 = arith.constant 0 : i32
              %get3A_474 = arith.constant 17 : i32
              %get3A_475 = arith.index_cast %get3A_473 : i32 to index
              %get3A_476 = arith.index_cast %get3A_474 : i32 to index
              %get3A_477 = arith.index_cast %mul3A_362 : i32 to index
              %get3A_478 = tpu.vector_load %arg8[%get3A_475, %get3A_476, %get3A_477] {strides = array<i32>} : memref<4x24x1024xf32, #tpu.memory_space<vmem>>, vector<16xf32>,
              %add3A_479 = arith.addf %get3A_472, %get3A_478 : vector<16xf32>
              %get3A_480 = arith.constant 0 : i32
              %get3A_481 = arith.constant 18 : i32
              %get3A_482 = arith.index_cast %get3A_480 : i32 to index
              %get3A_483 = arith.index_cast %get3A_481 : i32 to index
              %get3A_484 = arith.index_cast %mul3A_362 : i32 to index
              %get3A_485 = tpu.vector_load %arg8[%get3A_482, %get3A_483, %get3A_484] {strides = array<i32>} : memref<4x24x1024xf32, #tpu.memory_space<vmem>>, vector<16xf32>,
              %get3A_486 = arith.constant 0 : i32
              %get3A_487 = arith.constant 19 : i32
              %get3A_488 = arith.index_cast %get3A_486 : i32 to index
              %get3A_489 = arith.index_cast %get3A_487 : i32 to index
              %get3A_490 = arith.index_cast %mul3A_362 : i32 to index
              %get3A_491 = tpu.vector_load %arg8[%get3A_488, %get3A_489, %get3A_490] {strides = array<i32>} : memref<4x24x1024xf32, #tpu.memory_space<vmem>>, vector<16xf32>,
              %add3A_492 = arith.addf %get3A_485, %get3A_491 : vector<16xf32>
              %get3A_493 = arith.constant 0 : i32
              %get3A_494 = arith.constant 20 : i32
              %get3A_495 = arith.index_cast %get3A_493 : i32 to index
              %get3A_496 = arith.index_cast %get3A_494 : i32 to index
              %get3A_497 = arith.index_cast %mul3A_362 : i32 to index
              %get3A_498 = tpu.vector_load %arg8[%get3A_495, %get3A_496, %get3A_497] {strides = array<i32>} : memref<4x24x1024xf32, #tpu.memory_space<vmem>>, vector<16xf32>,
              %get3A_499 = arith.constant 0 : i32
              %get3A_500 = arith.constant 21 : i32
              %get3A_501 = arith.index_cast %get3A_499 : i32 to index
              %get3A_502 = arith.index_cast %get3A_500 : i32 to index
              %get3A_503 = arith.index_cast %mul3A_362 : i32 to index
              %get3A_504 = tpu.vector_load %arg8[%get3A_501, %get3A_502, %get3A_503] {strides = array<i32>} : memref<4x24x1024xf32, #tpu.memory_space<vmem>>, vector<16xf32>,
              %add3A_505 = arith.addf %get3A_498, %get3A_504 : vector<16xf32>
              %get3A_506 = arith.constant 0 : i32
              %get3A_507 = arith.constant 22 : i32
              %get3A_508 = arith.index_cast %get3A_506 : i32 to index
              %get3A_509 = arith.index_cast %get3A_507 : i32 to index
              %get3A_510 = arith.index_cast %mul3A_362 : i32 to index
              %get3A_511 = tpu.vector_load %arg8[%get3A_508, %get3A_509, %get3A_510] {strides = array<i32>} : memref<4x24x1024xf32, #tpu.memory_space<vmem>>, vector<16xf32>,
              %get3A_512 = arith.constant 0 : i32
              %get3A_513 = arith.constant 23 : i32
              %get3A_514 = arith.index_cast %get3A_512 : i32 to index
              %get3A_515 = arith.index_cast %get3A_513 : i32 to index
              %get3A_516 = arith.index_cast %mul3A_362 : i32 to index
              %get3A_517 = tpu.vector_load %arg8[%get3A_514, %get3A_515, %get3A_516] {strides = array<i32>} : memref<4x24x1024xf32, #tpu.memory_space<vmem>>, vector<16xf32>,
              %add3A_518 = arith.addf %get3A_511, %get3A_517 : vector<16xf32>
              %add3A_519 = arith.addf %add3A_375, %add3A_388 : vector<16xf32>
              %add3A_520 = arith.addf %add3A_401, %add3A_414 : vector<16xf32>
              %add3A_521 = arith.addf %add3A_427, %add3A_440 : vector<16xf32>
              %add3A_522 = arith.addf %add3A_453, %add3A_466 : vector<16xf32>
              %add3A_523 = arith.addf %add3A_479, %add3A_492 : vector<16xf32>
              %add3A_524 = arith.addf %add3A_505, %add3A_518 : vector<16xf32>
              %add3A_525 = arith.addf %add3A_519, %add3A_520 : vector<16xf32>
              %add3A_526 = arith.addf %add3A_521, %add3A_522 : vector<16xf32>
              %add3A_527 = arith.addf %add3A_523, %add3A_524 : vector<16xf32>
              %add3A_528 = arith.addf %add3A_525, %add3A_526 : vector<16xf32>
              %add3A_529 = arith.addf %add3A_528, %add3A_527 : vector<16xf32>
              %swap3A_530 = arith.index_cast %mul3A_362 : i32 to index
              %swap3A_531 = tpu.vector_load %arg7[%swap3A_530] {strides = array<i32>} : memref<1024xf32, #tpu.memory_space<vmem>>, vector<16xf32>,
              tpu.vector_store %arg7[%swap3A_530], %add3A_529 {add = true, strides = array<i32>} : memref<1024xf32, #tpu.memory_space<vmem>>, vector<16xf32>,
            }
            %scan3A_182 = arith.constant 32 : i32
          } else {
          }
          %eq3A = arith.cmpi eq, %add3A_127, %select_n3A : i32
          %convert_element_type3A_168 = arith.extui %eq3A : i1 to i32
          %cond3A_169 = arith.constant 0 : i32
          %cond3A_170 = arith.cmpi ne, %convert_element_type3A_168, %cond3A_169 : i32
          scf.if %cond3A_170 {
            %while3A_177 = arith.constant 0 : i32
            %while3A_178 = arith.constant 0 : i32
            %while3A_179 = arith.subi %sub3A_57, %while3A_178 : i32
            %while3A_180 = arith.addi %while3A_178, %while3A_179 : i32
            %while3A_181 = arith.constant 1 : i32
            %while3A_182 = arith.divsi %while3A_179, %while3A_181 : i32
            %while3A_183 = arith.muli %while3A_182, %while3A_181 : i32
            %while3A_184 = arith.addi %while3A_178, %while3A_183 : i32
            %while3A_185 = arith.constant 1 : i32
            scf.for %while3A_187 = %while3A_178 to %while3A_184 step %while3A_185  : i32 {
              %scan3A_188 = arith.constant 0 : i32
              %scan3A_189 = arith.constant 0 : i32
              %scan3A_190 = arith.constant 64 : i32
              %scan3A_191 = arith.addi %scan3A_189, %scan3A_190 : i32
              %scan3A_192 = arith.constant 1 : i32
              scf.for %scan3A_194 = %scan3A_189 to %scan3A_191 step %scan3A_192  : i32 {
                %mul3A_195 = arith.constant 16 : i32
                %mul3A_196 = arith.muli %scan3A_194, %mul3A_195 : i32
                %get3A = arith.constant 0 : i32
                %get3A_197 = arith.index_cast %get3A : i32 to index
                %get3A_198 = arith.index_cast %while3A_187 : i32 to index
                %get3A_199 = arith.index_cast %mul3A_196 : i32 to index
                %get3A_200 = tpu.vector_load %arg8[%get3A_197, %get3A_198, %get3A_199] {strides = array<i32>} : memref<4x24x1024xf32, #tpu.memory_space<vmem>>, vector<16xf32>,
                %swap3A = arith.index_cast %mul3A_196 : i32 to index
                %swap3A_201 = tpu.vector_load %arg7[%swap3A] {strides = array<i32>} : memref<1024xf32, #tpu.memory_space<vmem>>, vector<16xf32>,
                tpu.vector_store %arg7[%swap3A], %get3A_200 {add = true, strides = array<i32>} : memref<1024xf32, #tpu.memory_space<vmem>>, vector<16xf32>,
              }
              %scan3A_193 = arith.constant 64 : i32
            }
            %while3A_186 = arith.constant 1 : i32
            scf.for %while3A_187 = %while3A_184 to %while3A_180 step %while3A_186  : i32 {
              %scan3A_188 = arith.constant 0 : i32
              %scan3A_189 = arith.constant 0 : i32
              %scan3A_190 = arith.constant 64 : i32
              %scan3A_191 = arith.addi %scan3A_189, %scan3A_190 : i32
              %scan3A_192 = arith.constant 1 : i32
              scf.for %scan3A_194 = %scan3A_189 to %scan3A_191 step %scan3A_192  : i32 {
                %mul3A_195 = arith.constant 16 : i32
                %mul3A_196 = arith.muli %scan3A_194, %mul3A_195 : i32
                %get3A = arith.constant 0 : i32
                %get3A_197 = arith.index_cast %get3A : i32 to index
                %get3A_198 = arith.index_cast %while3A_187 : i32 to index
                %get3A_199 = arith.index_cast %mul3A_196 : i32 to index
                %get3A_200 = tpu.vector_load %arg8[%get3A_197, %get3A_198, %get3A_199] {strides = array<i32>} : memref<4x24x1024xf32, #tpu.memory_space<vmem>>, vector<16xf32>,
                %swap3A = arith.index_cast %mul3A_196 : i32 to index
                %swap3A_201 = tpu.vector_load %arg7[%swap3A] {strides = array<i32>} : memref<1024xf32, #tpu.memory_space<vmem>>, vector<16xf32>,
                tpu.vector_store %arg7[%swap3A], %get3A_200 {add = true, strides = array<i32>} : memref<1024xf32, #tpu.memory_space<vmem>>, vector<16xf32>,
              }
              %scan3A_193 = arith.constant 64 : i32
            }
          } else {
          }
          %add3A_171 = arith.constant 4 : i32
          %add3A_172 = arith.addi %add3A_127, %add3A_171 : i32
          %lt3A_173 = arith.cmpi slt, %add3A_172, %add3A_62 : i32
          %convert_element_type3A_174 = arith.extui %lt3A_173 : i1 to i32
          %cond3A_175 = arith.constant 0 : i32
          %cond3A_176 = arith.cmpi ne, %convert_element_type3A_174, %cond3A_175 : i32
          scf.if %cond3A_176 {
            %add3A_177 = arith.constant 4 : i32
            %add3A_178 = arith.addi %add3A_127, %add3A_177 : i32
            %mul3A_179 = arith.constant 24 : i32
            %mul3A_180 = arith.muli %add3A_178, %mul3A_179 : i32
            %dma_start3A = arith.constant 0 : i32
            %dma_start3A_181 = arith.constant 0 : i32
            %dma_start3A_182 = arith.constant 0 : i32
            %dma_start3A_183 = tpu.memref_slice %arg8[%dma_start3A, %dma_start3A_181, %dma_start3A_182] : memref<4x24x1024xf32, #tpu.memory_space<vmem>> -> memref<1x24x1024xf32, #tpu.memory_space<vmem>>
            %dma_start3A_184 = tpu.memref_squeeze %dma_start3A_183 : memref<1x24x1024xf32, #tpu.memory_space<vmem>> -> memref<24x1024xf32, #tpu.memory_space<vmem>>
            %dma_start3A_185 = tpu.memref_slice %arg6[%mul3A_180] : memref<592xi32, #tpu.memory_space<vmem>> -> memref<24xi32, #tpu.memory_space<vmem>>
            %dma_start3A_186 = arith.constant 0 : i32
            %dma_start3A_187 = arith.constant 0 : i32
            %dma_start3A_188 = tpu.memref_slice %arg3[%dma_start3A_186, %dma_start3A_187] : memref<73728x1024xf32, #tpu.memory_space<hbm>> -> memref<73728x1024xf32, #tpu.memory_space<hbm>>
            tpu.enqueue_indirect_dma source(%dma_start3A_188 : memref<73728x1024xf32, #tpu.memory_space<hbm>>) target(%dma_start3A_184 : memref<24x1024xf32, #tpu.memory_space<vmem>>) offsets(%dma_start3A_185 : memref<24xi32, #tpu.memory_space<vmem>>) semaphore(%arg9 : memref<!tpu.dma_semaphore, #tpu.memory_space<semaphore_mem>>)
          } else {
          }
        } else {
        }
        %mul3A_131 = arith.constant 4 : i32
        %mul3A_132 = arith.muli %while3A_123, %mul3A_131 : i32
        %add3A_133 = arith.constant 1 : i32
        %add3A_134 = arith.addi %mul3A_132, %add3A_133 : i32
        %lt3A_135 = arith.cmpi slt, %add3A_134, %add3A_62 : i32
        %convert_element_type3A_136 = arith.extui %lt3A_135 : i1 to i32
        %cond3A_137 = arith.constant 0 : i32
        %cond3A_138 = arith.cmpi ne, %convert_element_type3A_136, %cond3A_137 : i32
        scf.if %cond3A_138 {
          %dma_wait3A = arith.constant 1 : i32
          %dma_wait3A_155 = arith.constant 0 : i32
          %dma_wait3A_156 = arith.constant 0 : i32
          %dma_wait3A_157 = tpu.memref_slice %arg8[%dma_wait3A, %dma_wait3A_155, %dma_wait3A_156] : memref<4x24x1024xf32, #tpu.memory_space<vmem>> -> memref<1x24x1024xf32, #tpu.memory_space<vmem>>
          %dma_wait3A_158 = tpu.memref_squeeze %dma_wait3A_157 : memref<1x24x1024xf32, #tpu.memory_space<vmem>> -> memref<24x1024xf32, #tpu.memory_space<vmem>>
          %dma_wait3A_159 = arith.constant 0 : i32
          %dma_wait3A_160 = tpu.memref_slice %arg6[%dma_wait3A_159] : memref<592xi32, #tpu.memory_space<vmem>> -> memref<24xi32, #tpu.memory_space<vmem>>
          %dma_wait3A_161 = arith.constant 0 : i32
          %dma_wait3A_162 = arith.constant 0 : i32
          %dma_wait3A_163 = tpu.memref_slice %arg3[%dma_wait3A_161, %dma_wait3A_162] : memref<73728x1024xf32, #tpu.memory_space<hbm>> -> memref<73728x1024xf32, #tpu.memory_space<hbm>>
          tpu.wait_indirect_dma semaphore(%arg10 : memref<!tpu.dma_semaphore, #tpu.memory_space<semaphore_mem>>) src(%dma_wait3A_163 : memref<73728x1024xf32, #tpu.memory_space<hbm>>) dst(%dma_wait3A_158 : memref<24x1024xf32, #tpu.memory_space<vmem>>)
          %lt3A_164 = arith.cmpi slt, %add3A_134, %select_n3A : i32
          %convert_element_type3A_165 = arith.extui %lt3A_164 : i1 to i32
          %cond3A_166 = arith.constant 0 : i32
          %cond3A_167 = arith.cmpi ne, %convert_element_type3A_165, %cond3A_166 : i32
          scf.if %cond3A_167 {
            %scan3A_177 = arith.constant 0 : i32
            %scan3A_178 = arith.constant 0 : i32
            %scan3A_179 = arith.constant 32 : i32
            %scan3A_180 = arith.addi %scan3A_178, %scan3A_179 : i32
            %scan3A_181 = arith.constant 1 : i32
            scf.for %scan3A_183 = %scan3A_178 to %scan3A_180 step %scan3A_181  : i32 {
              %mul3A_184 = arith.constant 2 : i32
              %mul3A_185 = arith.muli %scan3A_183, %mul3A_184 : i32
              %add3A_186 = arith.constant 0 : i32
              %add3A_187 = arith.addi %mul3A_185, %add3A_186 : i32
              %mul3A_188 = arith.constant 16 : i32
              %mul3A_189 = arith.muli %add3A_187, %mul3A_188 : i32
              %get3A = arith.constant 1 : i32
              %get3A_190 = arith.constant 0 : i32
              %get3A_191 = arith.index_cast %get3A : i32 to index
              %get3A_192 = arith.index_cast %get3A_190 : i32 to index
              %get3A_193 = arith.index_cast %mul3A_189 : i32 to index
              %get3A_194 = tpu.vector_load %arg8[%get3A_191, %get3A_192, %get3A_193] {strides = array<i32>} : memref<4x24x1024xf32, #tpu.memory_space<vmem>>, vector<16xf32>,
              %get3A_195 = arith.constant 1 : i32
              %get3A_196 = arith.constant 1 : i32
              %get3A_197 = arith.index_cast %get3A_195 : i32 to index
              %get3A_198 = arith.index_cast %get3A_196 : i32 to index
              %get3A_199 = arith.index_cast %mul3A_189 : i32 to index
              %get3A_200 = tpu.vector_load %arg8[%get3A_197, %get3A_198, %get3A_199] {strides = array<i32>} : memref<4x24x1024xf32, #tpu.memory_space<vmem>>, vector<16xf32>,
              %add3A_201 = arith.addf %get3A_194, %get3A_200 : vector<16xf32>
              %get3A_202 = arith.constant 1 : i32
              %get3A_203 = arith.constant 2 : i32
              %get3A_204 = arith.index_cast %get3A_202 : i32 to index
              %get3A_205 = arith.index_cast %get3A_203 : i32 to index
              %get3A_206 = arith.index_cast %mul3A_189 : i32 to index
              %get3A_207 = tpu.vector_load %arg8[%get3A_204, %get3A_205, %get3A_206] {strides = array<i32>} : memref<4x24x1024xf32, #tpu.memory_space<vmem>>, vector<16xf32>,
              %get3A_208 = arith.constant 1 : i32
              %get3A_209 = arith.constant 3 : i32
              %get3A_210 = arith.index_cast %get3A_208 : i32 to index
              %get3A_211 = arith.index_cast %get3A_209 : i32 to index
              %get3A_212 = arith.index_cast %mul3A_189 : i32 to index
              %get3A_213 = tpu.vector_load %arg8[%get3A_210, %get3A_211, %get3A_212] {strides = array<i32>} : memref<4x24x1024xf32, #tpu.memory_space<vmem>>, vector<16xf32>,
              %add3A_214 = arith.addf %get3A_207, %get3A_213 : vector<16xf32>
              %get3A_215 = arith.constant 1 : i32
              %get3A_216 = arith.constant 4 : i32
              %get3A_217 = arith.index_cast %get3A_215 : i32 to index
              %get3A_218 = arith.index_cast %get3A_216 : i32 to index
              %get3A_219 = arith.index_cast %mul3A_189 : i32 to index
              %get3A_220 = tpu.vector_load %arg8[%get3A_217, %get3A_218, %get3A_219] {strides = array<i32>} : memref<4x24x1024xf32, #tpu.memory_space<vmem>>, vector<16xf32>,
              %get3A_221 = arith.constant 1 : i32
              %get3A_222 = arith.constant 5 : i32
              %get3A_223 = arith.index_cast %get3A_221 : i32 to index
              %get3A_224 = arith.index_cast %get3A_222 : i32 to index
              %get3A_225 = arith.index_cast %mul3A_189 : i32 to index
              %get3A_226 = tpu.vector_load %arg8[%get3A_223, %get3A_224, %get3A_225] {strides = array<i32>} : memref<4x24x1024xf32, #tpu.memory_space<vmem>>, vector<16xf32>,
              %add3A_227 = arith.addf %get3A_220, %get3A_226 : vector<16xf32>
              %get3A_228 = arith.constant 1 : i32
              %get3A_229 = arith.constant 6 : i32
              %get3A_230 = arith.index_cast %get3A_228 : i32 to index
              %get3A_231 = arith.index_cast %get3A_229 : i32 to index
              %get3A_232 = arith.index_cast %mul3A_189 : i32 to index
              %get3A_233 = tpu.vector_load %arg8[%get3A_230, %get3A_231, %get3A_232] {strides = array<i32>} : memref<4x24x1024xf32, #tpu.memory_space<vmem>>, vector<16xf32>,
              %get3A_234 = arith.constant 1 : i32
              %get3A_235 = arith.constant 7 : i32
              %get3A_236 = arith.index_cast %get3A_234 : i32 to index
              %get3A_237 = arith.index_cast %get3A_235 : i32 to index
              %get3A_238 = arith.index_cast %mul3A_189 : i32 to index
              %get3A_239 = tpu.vector_load %arg8[%get3A_236, %get3A_237, %get3A_238] {strides = array<i32>} : memref<4x24x1024xf32, #tpu.memory_space<vmem>>, vector<16xf32>,
              %add3A_240 = arith.addf %get3A_233, %get3A_239 : vector<16xf32>
              %get3A_241 = arith.constant 1 : i32
              %get3A_242 = arith.constant 8 : i32
              %get3A_243 = arith.index_cast %get3A_241 : i32 to index
              %get3A_244 = arith.index_cast %get3A_242 : i32 to index
              %get3A_245 = arith.index_cast %mul3A_189 : i32 to index
              %get3A_246 = tpu.vector_load %arg8[%get3A_243, %get3A_244, %get3A_245] {strides = array<i32>} : memref<4x24x1024xf32, #tpu.memory_space<vmem>>, vector<16xf32>,
              %get3A_247 = arith.constant 1 : i32
              %get3A_248 = arith.constant 9 : i32
              %get3A_249 = arith.index_cast %get3A_247 : i32 to index
              %get3A_250 = arith.index_cast %get3A_248 : i32 to index
              %get3A_251 = arith.index_cast %mul3A_189 : i32 to index
              %get3A_252 = tpu.vector_load %arg8[%get3A_249, %get3A_250, %get3A_251] {strides = array<i32>} : memref<4x24x1024xf32, #tpu.memory_space<vmem>>, vector<16xf32>,
              %add3A_253 = arith.addf %get3A_246, %get3A_252 : vector<16xf32>
              %get3A_254 = arith.constant 1 : i32
              %get3A_255 = arith.constant 10 : i32
              %get3A_256 = arith.index_cast %get3A_254 : i32 to index
              %get3A_257 = arith.index_cast %get3A_255 : i32 to index
              %get3A_258 = arith.index_cast %mul3A_189 : i32 to index
              %get3A_259 = tpu.vector_load %arg8[%get3A_256, %get3A_257, %get3A_258] {strides = array<i32>} : memref<4x24x1024xf32, #tpu.memory_space<vmem>>, vector<16xf32>,
              %get3A_260 = arith.constant 1 : i32
              %get3A_261 = arith.constant 11 : i32
              %get3A_262 = arith.index_cast %get3A_260 : i32 to index
              %get3A_263 = arith.index_cast %get3A_261 : i32 to index
              %get3A_264 = arith.index_cast %mul3A_189 : i32 to index
              %get3A_265 = tpu.vector_load %arg8[%get3A_262, %get3A_263, %get3A_264] {strides = array<i32>} : memref<4x24x1024xf32, #tpu.memory_space<vmem>>, vector<16xf32>,
              %add3A_266 = arith.addf %get3A_259, %get3A_265 : vector<16xf32>
              %get3A_267 = arith.constant 1 : i32
              %get3A_268 = arith.constant 12 : i32
              %get3A_269 = arith.index_cast %get3A_267 : i32 to index
              %get3A_270 = arith.index_cast %get3A_268 : i32 to index
              %get3A_271 = arith.index_cast %mul3A_189 : i32 to index
              %get3A_272 = tpu.vector_load %arg8[%get3A_269, %get3A_270, %get3A_271] {strides = array<i32>} : memref<4x24x1024xf32, #tpu.memory_space<vmem>>, vector<16xf32>,
              %get3A_273 = arith.constant 1 : i32
              %get3A_274 = arith.constant 13 : i32
              %get3A_275 = arith.index_cast %get3A_273 : i32 to index
              %get3A_276 = arith.index_cast %get3A_274 : i32 to index
              %get3A_277 = arith.index_cast %mul3A_189 : i32 to index
              %get3A_278 = tpu.vector_load %arg8[%get3A_275, %get3A_276, %get3A_277] {strides = array<i32>} : memref<4x24x1024xf32, #tpu.memory_space<vmem>>, vector<16xf32>,
              %add3A_279 = arith.addf %get3A_272, %get3A_278 : vector<16xf32>
              %get3A_280 = arith.constant 1 : i32
              %get3A_281 = arith.constant 14 : i32
              %get3A_282 = arith.index_cast %get3A_280 : i32 to index
              %get3A_283 = arith.index_cast %get3A_281 : i32 to index
              %get3A_284 = arith.index_cast %mul3A_189 : i32 to index
              %get3A_285 = tpu.vector_load %arg8[%get3A_282, %get3A_283, %get3A_284] {strides = array<i32>} : memref<4x24x1024xf32, #tpu.memory_space<vmem>>, vector<16xf32>,
              %get3A_286 = arith.constant 1 : i32
              %get3A_287 = arith.constant 15 : i32
              %get3A_288 = arith.index_cast %get3A_286 : i32 to index
              %get3A_289 = arith.index_cast %get3A_287 : i32 to index
              %get3A_290 = arith.index_cast %mul3A_189 : i32 to index
              %get3A_291 = tpu.vector_load %arg8[%get3A_288, %get3A_289, %get3A_290] {strides = array<i32>} : memref<4x24x1024xf32, #tpu.memory_space<vmem>>, vector<16xf32>,
              %add3A_292 = arith.addf %get3A_285, %get3A_291 : vector<16xf32>
              %get3A_293 = arith.constant 1 : i32
              %get3A_294 = arith.constant 16 : i32
              %get3A_295 = arith.index_cast %get3A_293 : i32 to index
              %get3A_296 = arith.index_cast %get3A_294 : i32 to index
              %get3A_297 = arith.index_cast %mul3A_189 : i32 to index
              %get3A_298 = tpu.vector_load %arg8[%get3A_295, %get3A_296, %get3A_297] {strides = array<i32>} : memref<4x24x1024xf32, #tpu.memory_space<vmem>>, vector<16xf32>,
              %get3A_299 = arith.constant 1 : i32
              %get3A_300 = arith.constant 17 : i32
              %get3A_301 = arith.index_cast %get3A_299 : i32 to index
              %get3A_302 = arith.index_cast %get3A_300 : i32 to index
              %get3A_303 = arith.index_cast %mul3A_189 : i32 to index
              %get3A_304 = tpu.vector_load %arg8[%get3A_301, %get3A_302, %get3A_303] {strides = array<i32>} : memref<4x24x1024xf32, #tpu.memory_space<vmem>>, vector<16xf32>,
              %add3A_305 = arith.addf %get3A_298, %get3A_304 : vector<16xf32>
              %get3A_306 = arith.constant 1 : i32
              %get3A_307 = arith.constant 18 : i32
              %get3A_308 = arith.index_cast %get3A_306 : i32 to index
              %get3A_309 = arith.index_cast %get3A_307 : i32 to index
              %get3A_310 = arith.index_cast %mul3A_189 : i32 to index
              %get3A_311 = tpu.vector_load %arg8[%get3A_308, %get3A_309, %get3A_310] {strides = array<i32>} : memref<4x24x1024xf32, #tpu.memory_space<vmem>>, vector<16xf32>,
              %get3A_312 = arith.constant 1 : i32
              %get3A_313 = arith.constant 19 : i32
              %get3A_314 = arith.index_cast %get3A_312 : i32 to index
              %get3A_315 = arith.index_cast %get3A_313 : i32 to index
              %get3A_316 = arith.index_cast %mul3A_189 : i32 to index
              %get3A_317 = tpu.vector_load %arg8[%get3A_314, %get3A_315, %get3A_316] {strides = array<i32>} : memref<4x24x1024xf32, #tpu.memory_space<vmem>>, vector<16xf32>,
              %add3A_318 = arith.addf %get3A_311, %get3A_317 : vector<16xf32>
              %get3A_319 = arith.constant 1 : i32
              %get3A_320 = arith.constant 20 : i32
              %get3A_321 = arith.index_cast %get3A_319 : i32 to index
              %get3A_322 = arith.index_cast %get3A_320 : i32 to index
              %get3A_323 = arith.index_cast %mul3A_189 : i32 to index
              %get3A_324 = tpu.vector_load %arg8[%get3A_321, %get3A_322, %get3A_323] {strides = array<i32>} : memref<4x24x1024xf32, #tpu.memory_space<vmem>>, vector<16xf32>,
              %get3A_325 = arith.constant 1 : i32
              %get3A_326 = arith.constant 21 : i32
              %get3A_327 = arith.index_cast %get3A_325 : i32 to index
              %get3A_328 = arith.index_cast %get3A_326 : i32 to index
              %get3A_329 = arith.index_cast %mul3A_189 : i32 to index
              %get3A_330 = tpu.vector_load %arg8[%get3A_327, %get3A_328, %get3A_329] {strides = array<i32>} : memref<4x24x1024xf32, #tpu.memory_space<vmem>>, vector<16xf32>,
              %add3A_331 = arith.addf %get3A_324, %get3A_330 : vector<16xf32>
              %get3A_332 = arith.constant 1 : i32
              %get3A_333 = arith.constant 22 : i32
              %get3A_334 = arith.index_cast %get3A_332 : i32 to index
              %get3A_335 = arith.index_cast %get3A_333 : i32 to index
              %get3A_336 = arith.index_cast %mul3A_189 : i32 to index
              %get3A_337 = tpu.vector_load %arg8[%get3A_334, %get3A_335, %get3A_336] {strides = array<i32>} : memref<4x24x1024xf32, #tpu.memory_space<vmem>>, vector<16xf32>,
              %get3A_338 = arith.constant 1 : i32
              %get3A_339 = arith.constant 23 : i32
              %get3A_340 = arith.index_cast %get3A_338 : i32 to index
              %get3A_341 = arith.index_cast %get3A_339 : i32 to index
              %get3A_342 = arith.index_cast %mul3A_189 : i32 to index
              %get3A_343 = tpu.vector_load %arg8[%get3A_340, %get3A_341, %get3A_342] {strides = array<i32>} : memref<4x24x1024xf32, #tpu.memory_space<vmem>>, vector<16xf32>,
              %add3A_344 = arith.addf %get3A_337, %get3A_343 : vector<16xf32>
              %add3A_345 = arith.addf %add3A_201, %add3A_214 : vector<16xf32>
              %add3A_346 = arith.addf %add3A_227, %add3A_240 : vector<16xf32>
              %add3A_347 = arith.addf %add3A_253, %add3A_266 : vector<16xf32>
              %add3A_348 = arith.addf %add3A_279, %add3A_292 : vector<16xf32>
              %add3A_349 = arith.addf %add3A_305, %add3A_318 : vector<16xf32>
              %add3A_350 = arith.addf %add3A_331, %add3A_344 : vector<16xf32>
              %add3A_351 = arith.addf %add3A_345, %add3A_346 : vector<16xf32>
              %add3A_352 = arith.addf %add3A_347, %add3A_348 : vector<16xf32>
              %add3A_353 = arith.addf %add3A_349, %add3A_350 : vector<16xf32>
              %add3A_354 = arith.addf %add3A_351, %add3A_352 : vector<16xf32>
              %add3A_355 = arith.addf %add3A_354, %add3A_353 : vector<16xf32>
              %swap3A = arith.index_cast %mul3A_189 : i32 to index
              %swap3A_356 = tpu.vector_load %arg7[%swap3A] {strides = array<i32>} : memref<1024xf32, #tpu.memory_space<vmem>>, vector<16xf32>,
              tpu.vector_store %arg7[%swap3A], %add3A_355 {add = true, strides = array<i32>} : memref<1024xf32, #tpu.memory_space<vmem>>, vector<16xf32>,
              %mul3A_357 = arith.constant 2 : i32
              %mul3A_358 = arith.muli %scan3A_183, %mul3A_357 : i32
              %add3A_359 = arith.constant 1 : i32
              %add3A_360 = arith.addi %mul3A_358, %add3A_359 : i32
              %mul3A_361 = arith.constant 16 : i32
              %mul3A_362 = arith.muli %add3A_360, %mul3A_361 : i32
              %get3A_363 = arith.constant 1 : i32
              %get3A_364 = arith.constant 0 : i32
              %get3A_365 = arith.index_cast %get3A_363 : i32 to index
              %get3A_366 = arith.index_cast %get3A_364 : i32 to index
              %get3A_367 = arith.index_cast %mul3A_362 : i32 to index
              %get3A_368 = tpu.vector_load %arg8[%get3A_365, %get3A_366, %get3A_367] {strides = array<i32>} : memref<4x24x1024xf32, #tpu.memory_space<vmem>>, vector<16xf32>,
              %get3A_369 = arith.constant 1 : i32
              %get3A_370 = arith.constant 1 : i32
              %get3A_371 = arith.index_cast %get3A_369 : i32 to index
              %get3A_372 = arith.index_cast %get3A_370 : i32 to index
              %get3A_373 = arith.index_cast %mul3A_362 : i32 to index
              %get3A_374 = tpu.vector_load %arg8[%get3A_371, %get3A_372, %get3A_373] {strides = array<i32>} : memref<4x24x1024xf32, #tpu.memory_space<vmem>>, vector<16xf32>,
              %add3A_375 = arith.addf %get3A_368, %get3A_374 : vector<16xf32>
              %get3A_376 = arith.constant 1 : i32
              %get3A_377 = arith.constant 2 : i32
              %get3A_378 = arith.index_cast %get3A_376 : i32 to index
              %get3A_379 = arith.index_cast %get3A_377 : i32 to index
              %get3A_380 = arith.index_cast %mul3A_362 : i32 to index
              %get3A_381 = tpu.vector_load %arg8[%get3A_378, %get3A_379, %get3A_380] {strides = array<i32>} : memref<4x24x1024xf32, #tpu.memory_space<vmem>>, vector<16xf32>,
              %get3A_382 = arith.constant 1 : i32
              %get3A_383 = arith.constant 3 : i32
              %get3A_384 = arith.index_cast %get3A_382 : i32 to index
              %get3A_385 = arith.index_cast %get3A_383 : i32 to index
              %get3A_386 = arith.index_cast %mul3A_362 : i32 to index
              %get3A_387 = tpu.vector_load %arg8[%get3A_384, %get3A_385, %get3A_386] {strides = array<i32>} : memref<4x24x1024xf32, #tpu.memory_space<vmem>>, vector<16xf32>,
              %add3A_388 = arith.addf %get3A_381, %get3A_387 : vector<16xf32>
              %get3A_389 = arith.constant 1 : i32
              %get3A_390 = arith.constant 4 : i32
              %get3A_391 = arith.index_cast %get3A_389 : i32 to index
              %get3A_392 = arith.index_cast %get3A_390 : i32 to index
              %get3A_393 = arith.index_cast %mul3A_362 : i32 to index
              %get3A_394 = tpu.vector_load %arg8[%get3A_391, %get3A_392, %get3A_393] {strides = array<i32>} : memref<4x24x1024xf32, #tpu.memory_space<vmem>>, vector<16xf32>,
              %get3A_395 = arith.constant 1 : i32
              %get3A_396 = arith.constant 5 : i32
              %get3A_397 = arith.index_cast %get3A_395 : i32 to index
              %get3A_398 = arith.index_cast %get3A_396 : i32 to index
              %get3A_399 = arith.index_cast %mul3A_362 : i32 to index
              %get3A_400 = tpu.vector_load %arg8[%get3A_397, %get3A_398, %get3A_399] {strides = array<i32>} : memref<4x24x1024xf32, #tpu.memory_space<vmem>>, vector<16xf32>,
              %add3A_401 = arith.addf %get3A_394, %get3A_400 : vector<16xf32>
              %get3A_402 = arith.constant 1 : i32
              %get3A_403 = arith.constant 6 : i32
              %get3A_404 = arith.index_cast %get3A_402 : i32 to index
              %get3A_405 = arith.index_cast %get3A_403 : i32 to index
              %get3A_406 = arith.index_cast %mul3A_362 : i32 to index
              %get3A_407 = tpu.vector_load %arg8[%get3A_404, %get3A_405, %get3A_406] {strides = array<i32>} : memref<4x24x1024xf32, #tpu.memory_space<vmem>>, vector<16xf32>,
              %get3A_408 = arith.constant 1 : i32
              %get3A_409 = arith.constant 7 : i32
              %get3A_410 = arith.index_cast %get3A_408 : i32 to index
              %get3A_411 = arith.index_cast %get3A_409 : i32 to index
              %get3A_412 = arith.index_cast %mul3A_362 : i32 to index
              %get3A_413 = tpu.vector_load %arg8[%get3A_410, %get3A_411, %get3A_412] {strides = array<i32>} : memref<4x24x1024xf32, #tpu.memory_space<vmem>>, vector<16xf32>,
              %add3A_414 = arith.addf %get3A_407, %get3A_413 : vector<16xf32>
              %get3A_415 = arith.constant 1 : i32
              %get3A_416 = arith.constant 8 : i32
              %get3A_417 = arith.index_cast %get3A_415 : i32 to index
              %get3A_418 = arith.index_cast %get3A_416 : i32 to index
              %get3A_419 = arith.index_cast %mul3A_362 : i32 to index
              %get3A_420 = tpu.vector_load %arg8[%get3A_417, %get3A_418, %get3A_419] {strides = array<i32>} : memref<4x24x1024xf32, #tpu.memory_space<vmem>>, vector<16xf32>,
              %get3A_421 = arith.constant 1 : i32
              %get3A_422 = arith.constant 9 : i32
              %get3A_423 = arith.index_cast %get3A_421 : i32 to index
              %get3A_424 = arith.index_cast %get3A_422 : i32 to index
              %get3A_425 = arith.index_cast %mul3A_362 : i32 to index
              %get3A_426 = tpu.vector_load %arg8[%get3A_423, %get3A_424, %get3A_425] {strides = array<i32>} : memref<4x24x1024xf32, #tpu.memory_space<vmem>>, vector<16xf32>,
              %add3A_427 = arith.addf %get3A_420, %get3A_426 : vector<16xf32>
              %get3A_428 = arith.constant 1 : i32
              %get3A_429 = arith.constant 10 : i32
              %get3A_430 = arith.index_cast %get3A_428 : i32 to index
              %get3A_431 = arith.index_cast %get3A_429 : i32 to index
              %get3A_432 = arith.index_cast %mul3A_362 : i32 to index
              %get3A_433 = tpu.vector_load %arg8[%get3A_430, %get3A_431, %get3A_432] {strides = array<i32>} : memref<4x24x1024xf32, #tpu.memory_space<vmem>>, vector<16xf32>,
              %get3A_434 = arith.constant 1 : i32
              %get3A_435 = arith.constant 11 : i32
              %get3A_436 = arith.index_cast %get3A_434 : i32 to index
              %get3A_437 = arith.index_cast %get3A_435 : i32 to index
              %get3A_438 = arith.index_cast %mul3A_362 : i32 to index
              %get3A_439 = tpu.vector_load %arg8[%get3A_436, %get3A_437, %get3A_438] {strides = array<i32>} : memref<4x24x1024xf32, #tpu.memory_space<vmem>>, vector<16xf32>,
              %add3A_440 = arith.addf %get3A_433, %get3A_439 : vector<16xf32>
              %get3A_441 = arith.constant 1 : i32
              %get3A_442 = arith.constant 12 : i32
              %get3A_443 = arith.index_cast %get3A_441 : i32 to index
              %get3A_444 = arith.index_cast %get3A_442 : i32 to index
              %get3A_445 = arith.index_cast %mul3A_362 : i32 to index
              %get3A_446 = tpu.vector_load %arg8[%get3A_443, %get3A_444, %get3A_445] {strides = array<i32>} : memref<4x24x1024xf32, #tpu.memory_space<vmem>>, vector<16xf32>,
              %get3A_447 = arith.constant 1 : i32
              %get3A_448 = arith.constant 13 : i32
              %get3A_449 = arith.index_cast %get3A_447 : i32 to index
              %get3A_450 = arith.index_cast %get3A_448 : i32 to index
              %get3A_451 = arith.index_cast %mul3A_362 : i32 to index
              %get3A_452 = tpu.vector_load %arg8[%get3A_449, %get3A_450, %get3A_451] {strides = array<i32>} : memref<4x24x1024xf32, #tpu.memory_space<vmem>>, vector<16xf32>,
              %add3A_453 = arith.addf %get3A_446, %get3A_452 : vector<16xf32>
              %get3A_454 = arith.constant 1 : i32
              %get3A_455 = arith.constant 14 : i32
              %get3A_456 = arith.index_cast %get3A_454 : i32 to index
              %get3A_457 = arith.index_cast %get3A_455 : i32 to index
              %get3A_458 = arith.index_cast %mul3A_362 : i32 to index
              %get3A_459 = tpu.vector_load %arg8[%get3A_456, %get3A_457, %get3A_458] {strides = array<i32>} : memref<4x24x1024xf32, #tpu.memory_space<vmem>>, vector<16xf32>,
              %get3A_460 = arith.constant 1 : i32
              %get3A_461 = arith.constant 15 : i32
              %get3A_462 = arith.index_cast %get3A_460 : i32 to index
              %get3A_463 = arith.index_cast %get3A_461 : i32 to index
              %get3A_464 = arith.index_cast %mul3A_362 : i32 to index
              %get3A_465 = tpu.vector_load %arg8[%get3A_462, %get3A_463, %get3A_464] {strides = array<i32>} : memref<4x24x1024xf32, #tpu.memory_space<vmem>>, vector<16xf32>,
              %add3A_466 = arith.addf %get3A_459, %get3A_465 : vector<16xf32>
              %get3A_467 = arith.constant 1 : i32
              %get3A_468 = arith.constant 16 : i32
              %get3A_469 = arith.index_cast %get3A_467 : i32 to index
              %get3A_470 = arith.index_cast %get3A_468 : i32 to index
              %get3A_471 = arith.index_cast %mul3A_362 : i32 to index
              %get3A_472 = tpu.vector_load %arg8[%get3A_469, %get3A_470, %get3A_471] {strides = array<i32>} : memref<4x24x1024xf32, #tpu.memory_space<vmem>>, vector<16xf32>,
              %get3A_473 = arith.constant 1 : i32
              %get3A_474 = arith.constant 17 : i32
              %get3A_475 = arith.index_cast %get3A_473 : i32 to index
              %get3A_476 = arith.index_cast %get3A_474 : i32 to index
              %get3A_477 = arith.index_cast %mul3A_362 : i32 to index
              %get3A_478 = tpu.vector_load %arg8[%get3A_475, %get3A_476, %get3A_477] {strides = array<i32>} : memref<4x24x1024xf32, #tpu.memory_space<vmem>>, vector<16xf32>,
              %add3A_479 = arith.addf %get3A_472, %get3A_478 : vector<16xf32>
              %get3A_480 = arith.constant 1 : i32
              %get3A_481 = arith.constant 18 : i32
              %get3A_482 = arith.index_cast %get3A_480 : i32 to index
              %get3A_483 = arith.index_cast %get3A_481 : i32 to index
              %get3A_484 = arith.index_cast %mul3A_362 : i32 to index
              %get3A_485 = tpu.vector_load %arg8[%get3A_482, %get3A_483, %get3A_484] {strides = array<i32>} : memref<4x24x1024xf32, #tpu.memory_space<vmem>>, vector<16xf32>,
              %get3A_486 = arith.constant 1 : i32
              %get3A_487 = arith.constant 19 : i32
              %get3A_488 = arith.index_cast %get3A_486 : i32 to index
              %get3A_489 = arith.index_cast %get3A_487 : i32 to index
              %get3A_490 = arith.index_cast %mul3A_362 : i32 to index
              %get3A_491 = tpu.vector_load %arg8[%get3A_488, %get3A_489, %get3A_490] {strides = array<i32>} : memref<4x24x1024xf32, #tpu.memory_space<vmem>>, vector<16xf32>,
              %add3A_492 = arith.addf %get3A_485, %get3A_491 : vector<16xf32>
              %get3A_493 = arith.constant 1 : i32
              %get3A_494 = arith.constant 20 : i32
              %get3A_495 = arith.index_cast %get3A_493 : i32 to index
              %get3A_496 = arith.index_cast %get3A_494 : i32 to index
              %get3A_497 = arith.index_cast %mul3A_362 : i32 to index
              %get3A_498 = tpu.vector_load %arg8[%get3A_495, %get3A_496, %get3A_497] {strides = array<i32>} : memref<4x24x1024xf32, #tpu.memory_space<vmem>>, vector<16xf32>,
              %get3A_499 = arith.constant 1 : i32
              %get3A_500 = arith.constant 21 : i32
              %get3A_501 = arith.index_cast %get3A_499 : i32 to index
              %get3A_502 = arith.index_cast %get3A_500 : i32 to index
              %get3A_503 = arith.index_cast %mul3A_362 : i32 to index
              %get3A_504 = tpu.vector_load %arg8[%get3A_501, %get3A_502, %get3A_503] {strides = array<i32>} : memref<4x24x1024xf32, #tpu.memory_space<vmem>>, vector<16xf32>,
              %add3A_505 = arith.addf %get3A_498, %get3A_504 : vector<16xf32>
              %get3A_506 = arith.constant 1 : i32
              %get3A_507 = arith.constant 22 : i32
              %get3A_508 = arith.index_cast %get3A_506 : i32 to index
              %get3A_509 = arith.index_cast %get3A_507 : i32 to index
              %get3A_510 = arith.index_cast %mul3A_362 : i32 to index
              %get3A_511 = tpu.vector_load %arg8[%get3A_508, %get3A_509, %get3A_510] {strides = array<i32>} : memref<4x24x1024xf32, #tpu.memory_space<vmem>>, vector<16xf32>,
              %get3A_512 = arith.constant 1 : i32
              %get3A_513 = arith.constant 23 : i32
              %get3A_514 = arith.index_cast %get3A_512 : i32 to index
              %get3A_515 = arith.index_cast %get3A_513 : i32 to index
              %get3A_516 = arith.index_cast %mul3A_362 : i32 to index
              %get3A_517 = tpu.vector_load %arg8[%get3A_514, %get3A_515, %get3A_516] {strides = array<i32>} : memref<4x24x1024xf32, #tpu.memory_space<vmem>>, vector<16xf32>,
              %add3A_518 = arith.addf %get3A_511, %get3A_517 : vector<16xf32>
              %add3A_519 = arith.addf %add3A_375, %add3A_388 : vector<16xf32>
              %add3A_520 = arith.addf %add3A_401, %add3A_414 : vector<16xf32>
              %add3A_521 = arith.addf %add3A_427, %add3A_440 : vector<16xf32>
              %add3A_522 = arith.addf %add3A_453, %add3A_466 : vector<16xf32>
              %add3A_523 = arith.addf %add3A_479, %add3A_492 : vector<16xf32>
              %add3A_524 = arith.addf %add3A_505, %add3A_518 : vector<16xf32>
              %add3A_525 = arith.addf %add3A_519, %add3A_520 : vector<16xf32>
              %add3A_526 = arith.addf %add3A_521, %add3A_522 : vector<16xf32>
              %add3A_527 = arith.addf %add3A_523, %add3A_524 : vector<16xf32>
              %add3A_528 = arith.addf %add3A_525, %add3A_526 : vector<16xf32>
              %add3A_529 = arith.addf %add3A_528, %add3A_527 : vector<16xf32>
              %swap3A_530 = arith.index_cast %mul3A_362 : i32 to index
              %swap3A_531 = tpu.vector_load %arg7[%swap3A_530] {strides = array<i32>} : memref<1024xf32, #tpu.memory_space<vmem>>, vector<16xf32>,
              tpu.vector_store %arg7[%swap3A_530], %add3A_529 {add = true, strides = array<i32>} : memref<1024xf32, #tpu.memory_space<vmem>>, vector<16xf32>,
            }
            %scan3A_182 = arith.constant 32 : i32
          } else {
          }
          %eq3A = arith.cmpi eq, %add3A_134, %select_n3A : i32
          %convert_element_type3A_168 = arith.extui %eq3A : i1 to i32
          %cond3A_169 = arith.constant 0 : i32
          %cond3A_170 = arith.cmpi ne, %convert_element_type3A_168, %cond3A_169 : i32
          scf.if %cond3A_170 {
            %while3A_177 = arith.constant 0 : i32
            %while3A_178 = arith.constant 0 : i32
            %while3A_179 = arith.subi %sub3A_57, %while3A_178 : i32
            %while3A_180 = arith.addi %while3A_178, %while3A_179 : i32
            %while3A_181 = arith.constant 1 : i32
            %while3A_182 = arith.divsi %while3A_179, %while3A_181 : i32
            %while3A_183 = arith.muli %while3A_182, %while3A_181 : i32
            %while3A_184 = arith.addi %while3A_178, %while3A_183 : i32
            %while3A_185 = arith.constant 1 : i32
            scf.for %while3A_187 = %while3A_178 to %while3A_184 step %while3A_185  : i32 {
              %scan3A_188 = arith.constant 0 : i32
              %scan3A_189 = arith.constant 0 : i32
              %scan3A_190 = arith.constant 64 : i32
              %scan3A_191 = arith.addi %scan3A_189, %scan3A_190 : i32
              %scan3A_192 = arith.constant 1 : i32
              scf.for %scan3A_194 = %scan3A_189 to %scan3A_191 step %scan3A_192  : i32 {
                %mul3A_195 = arith.constant 16 : i32
                %mul3A_196 = arith.muli %scan3A_194, %mul3A_195 : i32
                %get3A = arith.constant 1 : i32
                %get3A_197 = arith.index_cast %get3A : i32 to index
                %get3A_198 = arith.index_cast %while3A_187 : i32 to index
                %get3A_199 = arith.index_cast %mul3A_196 : i32 to index
                %get3A_200 = tpu.vector_load %arg8[%get3A_197, %get3A_198, %get3A_199] {strides = array<i32>} : memref<4x24x1024xf32, #tpu.memory_space<vmem>>, vector<16xf32>,
                %swap3A = arith.index_cast %mul3A_196 : i32 to index
                %swap3A_201 = tpu.vector_load %arg7[%swap3A] {strides = array<i32>} : memref<1024xf32, #tpu.memory_space<vmem>>, vector<16xf32>,
                tpu.vector_store %arg7[%swap3A], %get3A_200 {add = true, strides = array<i32>} : memref<1024xf32, #tpu.memory_space<vmem>>, vector<16xf32>,
              }
              %scan3A_193 = arith.constant 64 : i32
            }
            %while3A_186 = arith.constant 1 : i32
            scf.for %while3A_187 = %while3A_184 to %while3A_180 step %while3A_186  : i32 {
              %scan3A_188 = arith.constant 0 : i32
              %scan3A_189 = arith.constant 0 : i32
              %scan3A_190 = arith.constant 64 : i32
              %scan3A_191 = arith.addi %scan3A_189, %scan3A_190 : i32
              %scan3A_192 = arith.constant 1 : i32
              scf.for %scan3A_194 = %scan3A_189 to %scan3A_191 step %scan3A_192  : i32 {
                %mul3A_195 = arith.constant 16 : i32
                %mul3A_196 = arith.muli %scan3A_194, %mul3A_195 : i32
                %get3A = arith.constant 1 : i32
                %get3A_197 = arith.index_cast %get3A : i32 to index
                %get3A_198 = arith.index_cast %while3A_187 : i32 to index
                %get3A_199 = arith.index_cast %mul3A_196 : i32 to index
                %get3A_200 = tpu.vector_load %arg8[%get3A_197, %get3A_198, %get3A_199] {strides = array<i32>} : memref<4x24x1024xf32, #tpu.memory_space<vmem>>, vector<16xf32>,
                %swap3A = arith.index_cast %mul3A_196 : i32 to index
                %swap3A_201 = tpu.vector_load %arg7[%swap3A] {strides = array<i32>} : memref<1024xf32, #tpu.memory_space<vmem>>, vector<16xf32>,
                tpu.vector_store %arg7[%swap3A], %get3A_200 {add = true, strides = array<i32>} : memref<1024xf32, #tpu.memory_space<vmem>>, vector<16xf32>,
              }
              %scan3A_193 = arith.constant 64 : i32
            }
          } else {
          }
          %add3A_171 = arith.constant 4 : i32
          %add3A_172 = arith.addi %add3A_134, %add3A_171 : i32
          %lt3A_173 = arith.cmpi slt, %add3A_172, %add3A_62 : i32
          %convert_element_type3A_174 = arith.extui %lt3A_173 : i1 to i32
          %cond3A_175 = arith.constant 0 : i32
          %cond3A_176 = arith.cmpi ne, %convert_element_type3A_174, %cond3A_175 : i32
          scf.if %cond3A_176 {
            %add3A_177 = arith.constant 4 : i32
            %add3A_178 = arith.addi %add3A_134, %add3A_177 : i32
            %mul3A_179 = arith.constant 24 : i32
            %mul3A_180 = arith.muli %add3A_178, %mul3A_179 : i32
            %dma_start3A = arith.constant 1 : i32
            %dma_start3A_181 = arith.constant 0 : i32
            %dma_start3A_182 = arith.constant 0 : i32
            %dma_start3A_183 = tpu.memref_slice %arg8[%dma_start3A, %dma_start3A_181, %dma_start3A_182] : memref<4x24x1024xf32, #tpu.memory_space<vmem>> -> memref<1x24x1024xf32, #tpu.memory_space<vmem>>
            %dma_start3A_184 = tpu.memref_squeeze %dma_start3A_183 : memref<1x24x1024xf32, #tpu.memory_space<vmem>> -> memref<24x1024xf32, #tpu.memory_space<vmem>>
            %dma_start3A_185 = tpu.memref_slice %arg6[%mul3A_180] : memref<592xi32, #tpu.memory_space<vmem>> -> memref<24xi32, #tpu.memory_space<vmem>>
            %dma_start3A_186 = arith.constant 0 : i32
            %dma_start3A_187 = arith.constant 0 : i32
            %dma_start3A_188 = tpu.memref_slice %arg3[%dma_start3A_186, %dma_start3A_187] : memref<73728x1024xf32, #tpu.memory_space<hbm>> -> memref<73728x1024xf32, #tpu.memory_space<hbm>>
            tpu.enqueue_indirect_dma source(%dma_start3A_188 : memref<73728x1024xf32, #tpu.memory_space<hbm>>) target(%dma_start3A_184 : memref<24x1024xf32, #tpu.memory_space<vmem>>) offsets(%dma_start3A_185 : memref<24xi32, #tpu.memory_space<vmem>>) semaphore(%arg10 : memref<!tpu.dma_semaphore, #tpu.memory_space<semaphore_mem>>)
          } else {
          }
        } else {
        }
        %mul3A_139 = arith.constant 4 : i32
        %mul3A_140 = arith.muli %while3A_123, %mul3A_139 : i32
        %add3A_141 = arith.constant 2 : i32
        %add3A_142 = arith.addi %mul3A_140, %add3A_141 : i32
        %lt3A_143 = arith.cmpi slt, %add3A_142, %add3A_62 : i32
        %convert_element_type3A_144 = arith.extui %lt3A_143 : i1 to i32
        %cond3A_145 = arith.constant 0 : i32
        %cond3A_146 = arith.cmpi ne, %convert_element_type3A_144, %cond3A_145 : i32
        scf.if %cond3A_146 {
          %dma_wait3A = arith.constant 2 : i32
          %dma_wait3A_155 = arith.constant 0 : i32
          %dma_wait3A_156 = arith.constant 0 : i32
          %dma_wait3A_157 = tpu.memref_slice %arg8[%dma_wait3A, %dma_wait3A_155, %dma_wait3A_156] : memref<4x24x1024xf32, #tpu.memory_space<vmem>> -> memref<1x24x1024xf32, #tpu.memory_space<vmem>>
          %dma_wait3A_158 = tpu.memref_squeeze %dma_wait3A_157 : memref<1x24x1024xf32, #tpu.memory_space<vmem>> -> memref<24x1024xf32, #tpu.memory_space<vmem>>
          %dma_wait3A_159 = arith.constant 0 : i32
          %dma_wait3A_160 = tpu.memref_slice %arg6[%dma_wait3A_159] : memref<592xi32, #tpu.memory_space<vmem>> -> memref<24xi32, #tpu.memory_space<vmem>>
          %dma_wait3A_161 = arith.constant 0 : i32
          %dma_wait3A_162 = arith.constant 0 : i32
          %dma_wait3A_163 = tpu.memref_slice %arg3[%dma_wait3A_161, %dma_wait3A_162] : memref<73728x1024xf32, #tpu.memory_space<hbm>> -> memref<73728x1024xf32, #tpu.memory_space<hbm>>
          tpu.wait_indirect_dma semaphore(%arg11 : memref<!tpu.dma_semaphore, #tpu.memory_space<semaphore_mem>>) src(%dma_wait3A_163 : memref<73728x1024xf32, #tpu.memory_space<hbm>>) dst(%dma_wait3A_158 : memref<24x1024xf32, #tpu.memory_space<vmem>>)
          %lt3A_164 = arith.cmpi slt, %add3A_142, %select_n3A : i32
          %convert_element_type3A_165 = arith.extui %lt3A_164 : i1 to i32
          %cond3A_166 = arith.constant 0 : i32
          %cond3A_167 = arith.cmpi ne, %convert_element_type3A_165, %cond3A_166 : i32
          scf.if %cond3A_167 {
            %scan3A_177 = arith.constant 0 : i32
            %scan3A_178 = arith.constant 0 : i32
            %scan3A_179 = arith.constant 32 : i32
            %scan3A_180 = arith.addi %scan3A_178, %scan3A_179 : i32
            %scan3A_181 = arith.constant 1 : i32
            scf.for %scan3A_183 = %scan3A_178 to %scan3A_180 step %scan3A_181  : i32 {
              %mul3A_184 = arith.constant 2 : i32
              %mul3A_185 = arith.muli %scan3A_183, %mul3A_184 : i32
              %add3A_186 = arith.constant 0 : i32
              %add3A_187 = arith.addi %mul3A_185, %add3A_186 : i32
              %mul3A_188 = arith.constant 16 : i32
              %mul3A_189 = arith.muli %add3A_187, %mul3A_188 : i32
              %get3A = arith.constant 2 : i32
              %get3A_190 = arith.constant 0 : i32
              %get3A_191 = arith.index_cast %get3A : i32 to index
              %get3A_192 = arith.index_cast %get3A_190 : i32 to index
              %get3A_193 = arith.index_cast %mul3A_189 : i32 to index
              %get3A_194 = tpu.vector_load %arg8[%get3A_191, %get3A_192, %get3A_193] {strides = array<i32>} : memref<4x24x1024xf32, #tpu.memory_space<vmem>>, vector<16xf32>,
              %get3A_195 = arith.constant 2 : i32
              %get3A_196 = arith.constant 1 : i32
              %get3A_197 = arith.index_cast %get3A_195 : i32 to index
              %get3A_198 = arith.index_cast %get3A_196 : i32 to index
              %get3A_199 = arith.index_cast %mul3A_189 : i32 to index
              %get3A_200 = tpu.vector_load %arg8[%get3A_197, %get3A_198, %get3A_199] {strides = array<i32>} : memref<4x24x1024xf32, #tpu.memory_space<vmem>>, vector<16xf32>,
              %add3A_201 = arith.addf %get3A_194, %get3A_200 : vector<16xf32>
              %get3A_202 = arith.constant 2 : i32
              %get3A_203 = arith.constant 2 : i32
              %get3A_204 = arith.index_cast %get3A_202 : i32 to index
              %get3A_205 = arith.index_cast %get3A_203 : i32 to index
              %get3A_206 = arith.index_cast %mul3A_189 : i32 to index
              %get3A_207 = tpu.vector_load %arg8[%get3A_204, %get3A_205, %get3A_206] {strides = array<i32>} : memref<4x24x1024xf32, #tpu.memory_space<vmem>>, vector<16xf32>,
              %get3A_208 = arith.constant 2 : i32
              %get3A_209 = arith.constant 3 : i32
              %get3A_210 = arith.index_cast %get3A_208 : i32 to index
              %get3A_211 = arith.index_cast %get3A_209 : i32 to index
              %get3A_212 = arith.index_cast %mul3A_189 : i32 to index
              %get3A_213 = tpu.vector_load %arg8[%get3A_210, %get3A_211, %get3A_212] {strides = array<i32>} : memref<4x24x1024xf32, #tpu.memory_space<vmem>>, vector<16xf32>,
              %add3A_214 = arith.addf %get3A_207, %get3A_213 : vector<16xf32>
              %get3A_215 = arith.constant 2 : i32
              %get3A_216 = arith.constant 4 : i32
              %get3A_217 = arith.index_cast %get3A_215 : i32 to index
              %get3A_218 = arith.index_cast %get3A_216 : i32 to index
              %get3A_219 = arith.index_cast %mul3A_189 : i32 to index
              %get3A_220 = tpu.vector_load %arg8[%get3A_217, %get3A_218, %get3A_219] {strides = array<i32>} : memref<4x24x1024xf32, #tpu.memory_space<vmem>>, vector<16xf32>,
              %get3A_221 = arith.constant 2 : i32
              %get3A_222 = arith.constant 5 : i32
              %get3A_223 = arith.index_cast %get3A_221 : i32 to index
              %get3A_224 = arith.index_cast %get3A_222 : i32 to index
              %get3A_225 = arith.index_cast %mul3A_189 : i32 to index
              %get3A_226 = tpu.vector_load %arg8[%get3A_223, %get3A_224, %get3A_225] {strides = array<i32>} : memref<4x24x1024xf32, #tpu.memory_space<vmem>>, vector<16xf32>,
              %add3A_227 = arith.addf %get3A_220, %get3A_226 : vector<16xf32>
              %get3A_228 = arith.constant 2 : i32
              %get3A_229 = arith.constant 6 : i32
              %get3A_230 = arith.index_cast %get3A_228 : i32 to index
              %get3A_231 = arith.index_cast %get3A_229 : i32 to index
              %get3A_232 = arith.index_cast %mul3A_189 : i32 to index
              %get3A_233 = tpu.vector_load %arg8[%get3A_230, %get3A_231, %get3A_232] {strides = array<i32>} : memref<4x24x1024xf32, #tpu.memory_space<vmem>>, vector<16xf32>,
              %get3A_234 = arith.constant 2 : i32
              %get3A_235 = arith.constant 7 : i32
              %get3A_236 = arith.index_cast %get3A_234 : i32 to index
              %get3A_237 = arith.index_cast %get3A_235 : i32 to index
              %get3A_238 = arith.index_cast %mul3A_189 : i32 to index
              %get3A_239 = tpu.vector_load %arg8[%get3A_236, %get3A_237, %get3A_238] {strides = array<i32>} : memref<4x24x1024xf32, #tpu.memory_space<vmem>>, vector<16xf32>,
              %add3A_240 = arith.addf %get3A_233, %get3A_239 : vector<16xf32>
              %get3A_241 = arith.constant 2 : i32
              %get3A_242 = arith.constant 8 : i32
              %get3A_243 = arith.index_cast %get3A_241 : i32 to index
              %get3A_244 = arith.index_cast %get3A_242 : i32 to index
              %get3A_245 = arith.index_cast %mul3A_189 : i32 to index
              %get3A_246 = tpu.vector_load %arg8[%get3A_243, %get3A_244, %get3A_245] {strides = array<i32>} : memref<4x24x1024xf32, #tpu.memory_space<vmem>>, vector<16xf32>,
              %get3A_247 = arith.constant 2 : i32
              %get3A_248 = arith.constant 9 : i32
              %get3A_249 = arith.index_cast %get3A_247 : i32 to index
              %get3A_250 = arith.index_cast %get3A_248 : i32 to index
              %get3A_251 = arith.index_cast %mul3A_189 : i32 to index
              %get3A_252 = tpu.vector_load %arg8[%get3A_249, %get3A_250, %get3A_251] {strides = array<i32>} : memref<4x24x1024xf32, #tpu.memory_space<vmem>>, vector<16xf32>,
              %add3A_253 = arith.addf %get3A_246, %get3A_252 : vector<16xf32>
              %get3A_254 = arith.constant 2 : i32
              %get3A_255 = arith.constant 10 : i32
              %get3A_256 = arith.index_cast %get3A_254 : i32 to index
              %get3A_257 = arith.index_cast %get3A_255 : i32 to index
              %get3A_258 = arith.index_cast %mul3A_189 : i32 to index
              %get3A_259 = tpu.vector_load %arg8[%get3A_256, %get3A_257, %get3A_258] {strides = array<i32>} : memref<4x24x1024xf32, #tpu.memory_space<vmem>>, vector<16xf32>,
              %get3A_260 = arith.constant 2 : i32
              %get3A_261 = arith.constant 11 : i32
              %get3A_262 = arith.index_cast %get3A_260 : i32 to index
              %get3A_263 = arith.index_cast %get3A_261 : i32 to index
              %get3A_264 = arith.index_cast %mul3A_189 : i32 to index
              %get3A_265 = tpu.vector_load %arg8[%get3A_262, %get3A_263, %get3A_264] {strides = array<i32>} : memref<4x24x1024xf32, #tpu.memory_space<vmem>>, vector<16xf32>,
              %add3A_266 = arith.addf %get3A_259, %get3A_265 : vector<16xf32>
              %get3A_267 = arith.constant 2 : i32
              %get3A_268 = arith.constant 12 : i32
              %get3A_269 = arith.index_cast %get3A_267 : i32 to index
              %get3A_270 = arith.index_cast %get3A_268 : i32 to index
              %get3A_271 = arith.index_cast %mul3A_189 : i32 to index
              %get3A_272 = tpu.vector_load %arg8[%get3A_269, %get3A_270, %get3A_271] {strides = array<i32>} : memref<4x24x1024xf32, #tpu.memory_space<vmem>>, vector<16xf32>,
              %get3A_273 = arith.constant 2 : i32
              %get3A_274 = arith.constant 13 : i32
              %get3A_275 = arith.index_cast %get3A_273 : i32 to index
              %get3A_276 = arith.index_cast %get3A_274 : i32 to index
              %get3A_277 = arith.index_cast %mul3A_189 : i32 to index
              %get3A_278 = tpu.vector_load %arg8[%get3A_275, %get3A_276, %get3A_277] {strides = array<i32>} : memref<4x24x1024xf32, #tpu.memory_space<vmem>>, vector<16xf32>,
              %add3A_279 = arith.addf %get3A_272, %get3A_278 : vector<16xf32>
              %get3A_280 = arith.constant 2 : i32
              %get3A_281 = arith.constant 14 : i32
              %get3A_282 = arith.index_cast %get3A_280 : i32 to index
              %get3A_283 = arith.index_cast %get3A_281 : i32 to index
              %get3A_284 = arith.index_cast %mul3A_189 : i32 to index
              %get3A_285 = tpu.vector_load %arg8[%get3A_282, %get3A_283, %get3A_284] {strides = array<i32>} : memref<4x24x1024xf32, #tpu.memory_space<vmem>>, vector<16xf32>,
              %get3A_286 = arith.constant 2 : i32
              %get3A_287 = arith.constant 15 : i32
              %get3A_288 = arith.index_cast %get3A_286 : i32 to index
              %get3A_289 = arith.index_cast %get3A_287 : i32 to index
              %get3A_290 = arith.index_cast %mul3A_189 : i32 to index
              %get3A_291 = tpu.vector_load %arg8[%get3A_288, %get3A_289, %get3A_290] {strides = array<i32>} : memref<4x24x1024xf32, #tpu.memory_space<vmem>>, vector<16xf32>,
              %add3A_292 = arith.addf %get3A_285, %get3A_291 : vector<16xf32>
              %get3A_293 = arith.constant 2 : i32
              %get3A_294 = arith.constant 16 : i32
              %get3A_295 = arith.index_cast %get3A_293 : i32 to index
              %get3A_296 = arith.index_cast %get3A_294 : i32 to index
              %get3A_297 = arith.index_cast %mul3A_189 : i32 to index
              %get3A_298 = tpu.vector_load %arg8[%get3A_295, %get3A_296, %get3A_297] {strides = array<i32>} : memref<4x24x1024xf32, #tpu.memory_space<vmem>>, vector<16xf32>,
              %get3A_299 = arith.constant 2 : i32
              %get3A_300 = arith.constant 17 : i32
              %get3A_301 = arith.index_cast %get3A_299 : i32 to index
              %get3A_302 = arith.index_cast %get3A_300 : i32 to index
              %get3A_303 = arith.index_cast %mul3A_189 : i32 to index
              %get3A_304 = tpu.vector_load %arg8[%get3A_301, %get3A_302, %get3A_303] {strides = array<i32>} : memref<4x24x1024xf32, #tpu.memory_space<vmem>>, vector<16xf32>,
              %add3A_305 = arith.addf %get3A_298, %get3A_304 : vector<16xf32>
              %get3A_306 = arith.constant 2 : i32
              %get3A_307 = arith.constant 18 : i32
              %get3A_308 = arith.index_cast %get3A_306 : i32 to index
              %get3A_309 = arith.index_cast %get3A_307 : i32 to index
              %get3A_310 = arith.index_cast %mul3A_189 : i32 to index
              %get3A_311 = tpu.vector_load %arg8[%get3A_308, %get3A_309, %get3A_310] {strides = array<i32>} : memref<4x24x1024xf32, #tpu.memory_space<vmem>>, vector<16xf32>,
              %get3A_312 = arith.constant 2 : i32
              %get3A_313 = arith.constant 19 : i32
              %get3A_314 = arith.index_cast %get3A_312 : i32 to index
              %get3A_315 = arith.index_cast %get3A_313 : i32 to index
              %get3A_316 = arith.index_cast %mul3A_189 : i32 to index
              %get3A_317 = tpu.vector_load %arg8[%get3A_314, %get3A_315, %get3A_316] {strides = array<i32>} : memref<4x24x1024xf32, #tpu.memory_space<vmem>>, vector<16xf32>,
              %add3A_318 = arith.addf %get3A_311, %get3A_317 : vector<16xf32>
              %get3A_319 = arith.constant 2 : i32
              %get3A_320 = arith.constant 20 : i32
              %get3A_321 = arith.index_cast %get3A_319 : i32 to index
              %get3A_322 = arith.index_cast %get3A_320 : i32 to index
              %get3A_323 = arith.index_cast %mul3A_189 : i32 to index
              %get3A_324 = tpu.vector_load %arg8[%get3A_321, %get3A_322, %get3A_323] {strides = array<i32>} : memref<4x24x1024xf32, #tpu.memory_space<vmem>>, vector<16xf32>,
              %get3A_325 = arith.constant 2 : i32
              %get3A_326 = arith.constant 21 : i32
              %get3A_327 = arith.index_cast %get3A_325 : i32 to index
              %get3A_328 = arith.index_cast %get3A_326 : i32 to index
              %get3A_329 = arith.index_cast %mul3A_189 : i32 to index
              %get3A_330 = tpu.vector_load %arg8[%get3A_327, %get3A_328, %get3A_329] {strides = array<i32>} : memref<4x24x1024xf32, #tpu.memory_space<vmem>>, vector<16xf32>,
              %add3A_331 = arith.addf %get3A_324, %get3A_330 : vector<16xf32>
              %get3A_332 = arith.constant 2 : i32
              %get3A_333 = arith.constant 22 : i32
              %get3A_334 = arith.index_cast %get3A_332 : i32 to index
              %get3A_335 = arith.index_cast %get3A_333 : i32 to index
              %get3A_336 = arith.index_cast %mul3A_189 : i32 to index
              %get3A_337 = tpu.vector_load %arg8[%get3A_334, %get3A_335, %get3A_336] {strides = array<i32>} : memref<4x24x1024xf32, #tpu.memory_space<vmem>>, vector<16xf32>,
              %get3A_338 = arith.constant 2 : i32
              %get3A_339 = arith.constant 23 : i32
              %get3A_340 = arith.index_cast %get3A_338 : i32 to index
              %get3A_341 = arith.index_cast %get3A_339 : i32 to index
              %get3A_342 = arith.index_cast %mul3A_189 : i32 to index
              %get3A_343 = tpu.vector_load %arg8[%get3A_340, %get3A_341, %get3A_342] {strides = array<i32>} : memref<4x24x1024xf32, #tpu.memory_space<vmem>>, vector<16xf32>,
              %add3A_344 = arith.addf %get3A_337, %get3A_343 : vector<16xf32>
              %add3A_345 = arith.addf %add3A_201, %add3A_214 : vector<16xf32>
              %add3A_346 = arith.addf %add3A_227, %add3A_240 : vector<16xf32>
              %add3A_347 = arith.addf %add3A_253, %add3A_266 : vector<16xf32>
              %add3A_348 = arith.addf %add3A_279, %add3A_292 : vector<16xf32>
              %add3A_349 = arith.addf %add3A_305, %add3A_318 : vector<16xf32>
              %add3A_350 = arith.addf %add3A_331, %add3A_344 : vector<16xf32>
              %add3A_351 = arith.addf %add3A_345, %add3A_346 : vector<16xf32>
              %add3A_352 = arith.addf %add3A_347, %add3A_348 : vector<16xf32>
              %add3A_353 = arith.addf %add3A_349, %add3A_350 : vector<16xf32>
              %add3A_354 = arith.addf %add3A_351, %add3A_352 : vector<16xf32>
              %add3A_355 = arith.addf %add3A_354, %add3A_353 : vector<16xf32>
              %swap3A = arith.index_cast %mul3A_189 : i32 to index
              %swap3A_356 = tpu.vector_load %arg7[%swap3A] {strides = array<i32>} : memref<1024xf32, #tpu.memory_space<vmem>>, vector<16xf32>,
              tpu.vector_store %arg7[%swap3A], %add3A_355 {add = true, strides = array<i32>} : memref<1024xf32, #tpu.memory_space<vmem>>, vector<16xf32>,
              %mul3A_357 = arith.constant 2 : i32
              %mul3A_358 = arith.muli %scan3A_183, %mul3A_357 : i32
              %add3A_359 = arith.constant 1 : i32
              %add3A_360 = arith.addi %mul3A_358, %add3A_359 : i32
              %mul3A_361 = arith.constant 16 : i32
              %mul3A_362 = arith.muli %add3A_360, %mul3A_361 : i32
              %get3A_363 = arith.constant 2 : i32
              %get3A_364 = arith.constant 0 : i32
              %get3A_365 = arith.index_cast %get3A_363 : i32 to index
              %get3A_366 = arith.index_cast %get3A_364 : i32 to index
              %get3A_367 = arith.index_cast %mul3A_362 : i32 to index
              %get3A_368 = tpu.vector_load %arg8[%get3A_365, %get3A_366, %get3A_367] {strides = array<i32>} : memref<4x24x1024xf32, #tpu.memory_space<vmem>>, vector<16xf32>,
              %get3A_369 = arith.constant 2 : i32
              %get3A_370 = arith.constant 1 : i32
              %get3A_371 = arith.index_cast %get3A_369 : i32 to index
              %get3A_372 = arith.index_cast %get3A_370 : i32 to index
              %get3A_373 = arith.index_cast %mul3A_362 : i32 to index
              %get3A_374 = tpu.vector_load %arg8[%get3A_371, %get3A_372, %get3A_373] {strides = array<i32>} : memref<4x24x1024xf32, #tpu.memory_space<vmem>>, vector<16xf32>,
              %add3A_375 = arith.addf %get3A_368, %get3A_374 : vector<16xf32>
              %get3A_376 = arith.constant 2 : i32
              %get3A_377 = arith.constant 2 : i32
              %get3A_378 = arith.index_cast %get3A_376 : i32 to index
              %get3A_379 = arith.index_cast %get3A_377 : i32 to index
              %get3A_380 = arith.index_cast %mul3A_362 : i32 to index
              %get3A_381 = tpu.vector_load %arg8[%get3A_378, %get3A_379, %get3A_380] {strides = array<i32>} : memref<4x24x1024xf32, #tpu.memory_space<vmem>>, vector<16xf32>,
              %get3A_382 = arith.constant 2 : i32
              %get3A_383 = arith.constant 3 : i32
              %get3A_384 = arith.index_cast %get3A_382 : i32 to index
              %get3A_385 = arith.index_cast %get3A_383 : i32 to index
              %get3A_386 = arith.index_cast %mul3A_362 : i32 to index
              %get3A_387 = tpu.vector_load %arg8[%get3A_384, %get3A_385, %get3A_386] {strides = array<i32>} : memref<4x24x1024xf32, #tpu.memory_space<vmem>>, vector<16xf32>,
              %add3A_388 = arith.addf %get3A_381, %get3A_387 : vector<16xf32>
              %get3A_389 = arith.constant 2 : i32
              %get3A_390 = arith.constant 4 : i32
              %get3A_391 = arith.index_cast %get3A_389 : i32 to index
              %get3A_392 = arith.index_cast %get3A_390 : i32 to index
              %get3A_393 = arith.index_cast %mul3A_362 : i32 to index
              %get3A_394 = tpu.vector_load %arg8[%get3A_391, %get3A_392, %get3A_393] {strides = array<i32>} : memref<4x24x1024xf32, #tpu.memory_space<vmem>>, vector<16xf32>,
              %get3A_395 = arith.constant 2 : i32
              %get3A_396 = arith.constant 5 : i32
              %get3A_397 = arith.index_cast %get3A_395 : i32 to index
              %get3A_398 = arith.index_cast %get3A_396 : i32 to index
              %get3A_399 = arith.index_cast %mul3A_362 : i32 to index
              %get3A_400 = tpu.vector_load %arg8[%get3A_397, %get3A_398, %get3A_399] {strides = array<i32>} : memref<4x24x1024xf32, #tpu.memory_space<vmem>>, vector<16xf32>,
              %add3A_401 = arith.addf %get3A_394, %get3A_400 : vector<16xf32>
              %get3A_402 = arith.constant 2 : i32
              %get3A_403 = arith.constant 6 : i32
              %get3A_404 = arith.index_cast %get3A_402 : i32 to index
              %get3A_405 = arith.index_cast %get3A_403 : i32 to index
              %get3A_406 = arith.index_cast %mul3A_362 : i32 to index
              %get3A_407 = tpu.vector_load %arg8[%get3A_404, %get3A_405, %get3A_406] {strides = array<i32>} : memref<4x24x1024xf32, #tpu.memory_space<vmem>>, vector<16xf32>,
              %get3A_408 = arith.constant 2 : i32
              %get3A_409 = arith.constant 7 : i32
              %get3A_410 = arith.index_cast %get3A_408 : i32 to index
              %get3A_411 = arith.index_cast %get3A_409 : i32 to index
              %get3A_412 = arith.index_cast %mul3A_362 : i32 to index
              %get3A_413 = tpu.vector_load %arg8[%get3A_410, %get3A_411, %get3A_412] {strides = array<i32>} : memref<4x24x1024xf32, #tpu.memory_space<vmem>>, vector<16xf32>,
              %add3A_414 = arith.addf %get3A_407, %get3A_413 : vector<16xf32>
              %get3A_415 = arith.constant 2 : i32
              %get3A_416 = arith.constant 8 : i32
              %get3A_417 = arith.index_cast %get3A_415 : i32 to index
              %get3A_418 = arith.index_cast %get3A_416 : i32 to index
              %get3A_419 = arith.index_cast %mul3A_362 : i32 to index
              %get3A_420 = tpu.vector_load %arg8[%get3A_417, %get3A_418, %get3A_419] {strides = array<i32>} : memref<4x24x1024xf32, #tpu.memory_space<vmem>>, vector<16xf32>,
              %get3A_421 = arith.constant 2 : i32
              %get3A_422 = arith.constant 9 : i32
              %get3A_423 = arith.index_cast %get3A_421 : i32 to index
              %get3A_424 = arith.index_cast %get3A_422 : i32 to index
              %get3A_425 = arith.index_cast %mul3A_362 : i32 to index
              %get3A_426 = tpu.vector_load %arg8[%get3A_423, %get3A_424, %get3A_425] {strides = array<i32>} : memref<4x24x1024xf32, #tpu.memory_space<vmem>>, vector<16xf32>,
              %add3A_427 = arith.addf %get3A_420, %get3A_426 : vector<16xf32>
              %get3A_428 = arith.constant 2 : i32
              %get3A_429 = arith.constant 10 : i32
              %get3A_430 = arith.index_cast %get3A_428 : i32 to index
              %get3A_431 = arith.index_cast %get3A_429 : i32 to index
              %get3A_432 = arith.index_cast %mul3A_362 : i32 to index
              %get3A_433 = tpu.vector_load %arg8[%get3A_430, %get3A_431, %get3A_432] {strides = array<i32>} : memref<4x24x1024xf32, #tpu.memory_space<vmem>>, vector<16xf32>,
              %get3A_434 = arith.constant 2 : i32
              %get3A_435 = arith.constant 11 : i32
              %get3A_436 = arith.index_cast %get3A_434 : i32 to index
              %get3A_437 = arith.index_cast %get3A_435 : i32 to index
              %get3A_438 = arith.index_cast %mul3A_362 : i32 to index
              %get3A_439 = tpu.vector_load %arg8[%get3A_436, %get3A_437, %get3A_438] {strides = array<i32>} : memref<4x24x1024xf32, #tpu.memory_space<vmem>>, vector<16xf32>,
              %add3A_440 = arith.addf %get3A_433, %get3A_439 : vector<16xf32>
              %get3A_441 = arith.constant 2 : i32
              %get3A_442 = arith.constant 12 : i32
              %get3A_443 = arith.index_cast %get3A_441 : i32 to index
              %get3A_444 = arith.index_cast %get3A_442 : i32 to index
              %get3A_445 = arith.index_cast %mul3A_362 : i32 to index
              %get3A_446 = tpu.vector_load %arg8[%get3A_443, %get3A_444, %get3A_445] {strides = array<i32>} : memref<4x24x1024xf32, #tpu.memory_space<vmem>>, vector<16xf32>,
              %get3A_447 = arith.constant 2 : i32
              %get3A_448 = arith.constant 13 : i32
              %get3A_449 = arith.index_cast %get3A_447 : i32 to index
              %get3A_450 = arith.index_cast %get3A_448 : i32 to index
              %get3A_451 = arith.index_cast %mul3A_362 : i32 to index
              %get3A_452 = tpu.vector_load %arg8[%get3A_449, %get3A_450, %get3A_451] {strides = array<i32>} : memref<4x24x1024xf32, #tpu.memory_space<vmem>>, vector<16xf32>,
              %add3A_453 = arith.addf %get3A_446, %get3A_452 : vector<16xf32>
              %get3A_454 = arith.constant 2 : i32
              %get3A_455 = arith.constant 14 : i32
              %get3A_456 = arith.index_cast %get3A_454 : i32 to index
              %get3A_457 = arith.index_cast %get3A_455 : i32 to index
              %get3A_458 = arith.index_cast %mul3A_362 : i32 to index
              %get3A_459 = tpu.vector_load %arg8[%get3A_456, %get3A_457, %get3A_458] {strides = array<i32>} : memref<4x24x1024xf32, #tpu.memory_space<vmem>>, vector<16xf32>,
              %get3A_460 = arith.constant 2 : i32
              %get3A_461 = arith.constant 15 : i32
              %get3A_462 = arith.index_cast %get3A_460 : i32 to index
              %get3A_463 = arith.index_cast %get3A_461 : i32 to index
              %get3A_464 = arith.index_cast %mul3A_362 : i32 to index
              %get3A_465 = tpu.vector_load %arg8[%get3A_462, %get3A_463, %get3A_464] {strides = array<i32>} : memref<4x24x1024xf32, #tpu.memory_space<vmem>>, vector<16xf32>,
              %add3A_466 = arith.addf %get3A_459, %get3A_465 : vector<16xf32>
              %get3A_467 = arith.constant 2 : i32
              %get3A_468 = arith.constant 16 : i32
              %get3A_469 = arith.index_cast %get3A_467 : i32 to index
              %get3A_470 = arith.index_cast %get3A_468 : i32 to index
              %get3A_471 = arith.index_cast %mul3A_362 : i32 to index
              %get3A_472 = tpu.vector_load %arg8[%get3A_469, %get3A_470, %get3A_471] {strides = array<i32>} : memref<4x24x1024xf32, #tpu.memory_space<vmem>>, vector<16xf32>,
              %get3A_473 = arith.constant 2 : i32
              %get3A_474 = arith.constant 17 : i32
              %get3A_475 = arith.index_cast %get3A_473 : i32 to index
              %get3A_476 = arith.index_cast %get3A_474 : i32 to index
              %get3A_477 = arith.index_cast %mul3A_362 : i32 to index
              %get3A_478 = tpu.vector_load %arg8[%get3A_475, %get3A_476, %get3A_477] {strides = array<i32>} : memref<4x24x1024xf32, #tpu.memory_space<vmem>>, vector<16xf32>,
              %add3A_479 = arith.addf %get3A_472, %get3A_478 : vector<16xf32>
              %get3A_480 = arith.constant 2 : i32
              %get3A_481 = arith.constant 18 : i32
              %get3A_482 = arith.index_cast %get3A_480 : i32 to index
              %get3A_483 = arith.index_cast %get3A_481 : i32 to index
              %get3A_484 = arith.index_cast %mul3A_362 : i32 to index
              %get3A_485 = tpu.vector_load %arg8[%get3A_482, %get3A_483, %get3A_484] {strides = array<i32>} : memref<4x24x1024xf32, #tpu.memory_space<vmem>>, vector<16xf32>,
              %get3A_486 = arith.constant 2 : i32
              %get3A_487 = arith.constant 19 : i32
              %get3A_488 = arith.index_cast %get3A_486 : i32 to index
              %get3A_489 = arith.index_cast %get3A_487 : i32 to index
              %get3A_490 = arith.index_cast %mul3A_362 : i32 to index
              %get3A_491 = tpu.vector_load %arg8[%get3A_488, %get3A_489, %get3A_490] {strides = array<i32>} : memref<4x24x1024xf32, #tpu.memory_space<vmem>>, vector<16xf32>,
              %add3A_492 = arith.addf %get3A_485, %get3A_491 : vector<16xf32>
              %get3A_493 = arith.constant 2 : i32
              %get3A_494 = arith.constant 20 : i32
              %get3A_495 = arith.index_cast %get3A_493 : i32 to index
              %get3A_496 = arith.index_cast %get3A_494 : i32 to index
              %get3A_497 = arith.index_cast %mul3A_362 : i32 to index
              %get3A_498 = tpu.vector_load %arg8[%get3A_495, %get3A_496, %get3A_497] {strides = array<i32>} : memref<4x24x1024xf32, #tpu.memory_space<vmem>>, vector<16xf32>,
              %get3A_499 = arith.constant 2 : i32
              %get3A_500 = arith.constant 21 : i32
              %get3A_501 = arith.index_cast %get3A_499 : i32 to index
              %get3A_502 = arith.index_cast %get3A_500 : i32 to index
              %get3A_503 = arith.index_cast %mul3A_362 : i32 to index
              %get3A_504 = tpu.vector_load %arg8[%get3A_501, %get3A_502, %get3A_503] {strides = array<i32>} : memref<4x24x1024xf32, #tpu.memory_space<vmem>>, vector<16xf32>,
              %add3A_505 = arith.addf %get3A_498, %get3A_504 : vector<16xf32>
              %get3A_506 = arith.constant 2 : i32
              %get3A_507 = arith.constant 22 : i32
              %get3A_508 = arith.index_cast %get3A_506 : i32 to index
              %get3A_509 = arith.index_cast %get3A_507 : i32 to index
              %get3A_510 = arith.index_cast %mul3A_362 : i32 to index
              %get3A_511 = tpu.vector_load %arg8[%get3A_508, %get3A_509, %get3A_510] {strides = array<i32>} : memref<4x24x1024xf32, #tpu.memory_space<vmem>>, vector<16xf32>,
              %get3A_512 = arith.constant 2 : i32
              %get3A_513 = arith.constant 23 : i32
              %get3A_514 = arith.index_cast %get3A_512 : i32 to index
              %get3A_515 = arith.index_cast %get3A_513 : i32 to index
              %get3A_516 = arith.index_cast %mul3A_362 : i32 to index
              %get3A_517 = tpu.vector_load %arg8[%get3A_514, %get3A_515, %get3A_516] {strides = array<i32>} : memref<4x24x1024xf32, #tpu.memory_space<vmem>>, vector<16xf32>,
              %add3A_518 = arith.addf %get3A_511, %get3A_517 : vector<16xf32>
              %add3A_519 = arith.addf %add3A_375, %add3A_388 : vector<16xf32>
              %add3A_520 = arith.addf %add3A_401, %add3A_414 : vector<16xf32>
              %add3A_521 = arith.addf %add3A_427, %add3A_440 : vector<16xf32>
              %add3A_522 = arith.addf %add3A_453, %add3A_466 : vector<16xf32>
              %add3A_523 = arith.addf %add3A_479, %add3A_492 : vector<16xf32>
              %add3A_524 = arith.addf %add3A_505, %add3A_518 : vector<16xf32>
              %add3A_525 = arith.addf %add3A_519, %add3A_520 : vector<16xf32>
              %add3A_526 = arith.addf %add3A_521, %add3A_522 : vector<16xf32>
              %add3A_527 = arith.addf %add3A_523, %add3A_524 : vector<16xf32>
              %add3A_528 = arith.addf %add3A_525, %add3A_526 : vector<16xf32>
              %add3A_529 = arith.addf %add3A_528, %add3A_527 : vector<16xf32>
              %swap3A_530 = arith.index_cast %mul3A_362 : i32 to index
              %swap3A_531 = tpu.vector_load %arg7[%swap3A_530] {strides = array<i32>} : memref<1024xf32, #tpu.memory_space<vmem>>, vector<16xf32>,
              tpu.vector_store %arg7[%swap3A_530], %add3A_529 {add = true, strides = array<i32>} : memref<1024xf32, #tpu.memory_space<vmem>>, vector<16xf32>,
            }
            %scan3A_182 = arith.constant 32 : i32
          } else {
          }
          %eq3A = arith.cmpi eq, %add3A_142, %select_n3A : i32
          %convert_element_type3A_168 = arith.extui %eq3A : i1 to i32
          %cond3A_169 = arith.constant 0 : i32
          %cond3A_170 = arith.cmpi ne, %convert_element_type3A_168, %cond3A_169 : i32
          scf.if %cond3A_170 {
            %while3A_177 = arith.constant 0 : i32
            %while3A_178 = arith.constant 0 : i32
            %while3A_179 = arith.subi %sub3A_57, %while3A_178 : i32
            %while3A_180 = arith.addi %while3A_178, %while3A_179 : i32
            %while3A_181 = arith.constant 1 : i32
            %while3A_182 = arith.divsi %while3A_179, %while3A_181 : i32
            %while3A_183 = arith.muli %while3A_182, %while3A_181 : i32
            %while3A_184 = arith.addi %while3A_178, %while3A_183 : i32
            %while3A_185 = arith.constant 1 : i32
            scf.for %while3A_187 = %while3A_178 to %while3A_184 step %while3A_185  : i32 {
              %scan3A_188 = arith.constant 0 : i32
              %scan3A_189 = arith.constant 0 : i32
              %scan3A_190 = arith.constant 64 : i32
              %scan3A_191 = arith.addi %scan3A_189, %scan3A_190 : i32
              %scan3A_192 = arith.constant 1 : i32
              scf.for %scan3A_194 = %scan3A_189 to %scan3A_191 step %scan3A_192  : i32 {
                %mul3A_195 = arith.constant 16 : i32
                %mul3A_196 = arith.muli %scan3A_194, %mul3A_195 : i32
                %get3A = arith.constant 2 : i32
                %get3A_197 = arith.index_cast %get3A : i32 to index
                %get3A_198 = arith.index_cast %while3A_187 : i32 to index
                %get3A_199 = arith.index_cast %mul3A_196 : i32 to index
                %get3A_200 = tpu.vector_load %arg8[%get3A_197, %get3A_198, %get3A_199] {strides = array<i32>} : memref<4x24x1024xf32, #tpu.memory_space<vmem>>, vector<16xf32>,
                %swap3A = arith.index_cast %mul3A_196 : i32 to index
                %swap3A_201 = tpu.vector_load %arg7[%swap3A] {strides = array<i32>} : memref<1024xf32, #tpu.memory_space<vmem>>, vector<16xf32>,
                tpu.vector_store %arg7[%swap3A], %get3A_200 {add = true, strides = array<i32>} : memref<1024xf32, #tpu.memory_space<vmem>>, vector<16xf32>,
              }
              %scan3A_193 = arith.constant 64 : i32
            }
            %while3A_186 = arith.constant 1 : i32
            scf.for %while3A_187 = %while3A_184 to %while3A_180 step %while3A_186  : i32 {
              %scan3A_188 = arith.constant 0 : i32
              %scan3A_189 = arith.constant 0 : i32
              %scan3A_190 = arith.constant 64 : i32
              %scan3A_191 = arith.addi %scan3A_189, %scan3A_190 : i32
              %scan3A_192 = arith.constant 1 : i32
              scf.for %scan3A_194 = %scan3A_189 to %scan3A_191 step %scan3A_192  : i32 {
                %mul3A_195 = arith.constant 16 : i32
                %mul3A_196 = arith.muli %scan3A_194, %mul3A_195 : i32
                %get3A = arith.constant 2 : i32
                %get3A_197 = arith.index_cast %get3A : i32 to index
                %get3A_198 = arith.index_cast %while3A_187 : i32 to index
                %get3A_199 = arith.index_cast %mul3A_196 : i32 to index
                %get3A_200 = tpu.vector_load %arg8[%get3A_197, %get3A_198, %get3A_199] {strides = array<i32>} : memref<4x24x1024xf32, #tpu.memory_space<vmem>>, vector<16xf32>,
                %swap3A = arith.index_cast %mul3A_196 : i32 to index
                %swap3A_201 = tpu.vector_load %arg7[%swap3A] {strides = array<i32>} : memref<1024xf32, #tpu.memory_space<vmem>>, vector<16xf32>,
                tpu.vector_store %arg7[%swap3A], %get3A_200 {add = true, strides = array<i32>} : memref<1024xf32, #tpu.memory_space<vmem>>, vector<16xf32>,
              }
              %scan3A_193 = arith.constant 64 : i32
            }
          } else {
          }
          %add3A_171 = arith.constant 4 : i32
          %add3A_172 = arith.addi %add3A_142, %add3A_171 : i32
          %lt3A_173 = arith.cmpi slt, %add3A_172, %add3A_62 : i32
          %convert_element_type3A_174 = arith.extui %lt3A_173 : i1 to i32
          %cond3A_175 = arith.constant 0 : i32
          %cond3A_176 = arith.cmpi ne, %convert_element_type3A_174, %cond3A_175 : i32
          scf.if %cond3A_176 {
            %add3A_177 = arith.constant 4 : i32
            %add3A_178 = arith.addi %add3A_142, %add3A_177 : i32
            %mul3A_179 = arith.constant 24 : i32
            %mul3A_180 = arith.muli %add3A_178, %mul3A_179 : i32
            %dma_start3A = arith.constant 2 : i32
            %dma_start3A_181 = arith.constant 0 : i32
            %dma_start3A_182 = arith.constant 0 : i32
            %dma_start3A_183 = tpu.memref_slice %arg8[%dma_start3A, %dma_start3A_181, %dma_start3A_182] : memref<4x24x1024xf32, #tpu.memory_space<vmem>> -> memref<1x24x1024xf32, #tpu.memory_space<vmem>>
            %dma_start3A_184 = tpu.memref_squeeze %dma_start3A_183 : memref<1x24x1024xf32, #tpu.memory_space<vmem>> -> memref<24x1024xf32, #tpu.memory_space<vmem>>
            %dma_start3A_185 = tpu.memref_slice %arg6[%mul3A_180] : memref<592xi32, #tpu.memory_space<vmem>> -> memref<24xi32, #tpu.memory_space<vmem>>
            %dma_start3A_186 = arith.constant 0 : i32
            %dma_start3A_187 = arith.constant 0 : i32
            %dma_start3A_188 = tpu.memref_slice %arg3[%dma_start3A_186, %dma_start3A_187] : memref<73728x1024xf32, #tpu.memory_space<hbm>> -> memref<73728x1024xf32, #tpu.memory_space<hbm>>
            tpu.enqueue_indirect_dma source(%dma_start3A_188 : memref<73728x1024xf32, #tpu.memory_space<hbm>>) target(%dma_start3A_184 : memref<24x1024xf32, #tpu.memory_space<vmem>>) offsets(%dma_start3A_185 : memref<24xi32, #tpu.memory_space<vmem>>) semaphore(%arg11 : memref<!tpu.dma_semaphore, #tpu.memory_space<semaphore_mem>>)
          } else {
          }
        } else {
        }
        %mul3A_147 = arith.constant 4 : i32
        %mul3A_148 = arith.muli %while3A_123, %mul3A_147 : i32
        %add3A_149 = arith.constant 3 : i32
        %add3A_150 = arith.addi %mul3A_148, %add3A_149 : i32
        %lt3A_151 = arith.cmpi slt, %add3A_150, %add3A_62 : i32
        %convert_element_type3A_152 = arith.extui %lt3A_151 : i1 to i32
        %cond3A_153 = arith.constant 0 : i32
        %cond3A_154 = arith.cmpi ne, %convert_element_type3A_152, %cond3A_153 : i32
        scf.if %cond3A_154 {
          %dma_wait3A = arith.constant 3 : i32
          %dma_wait3A_155 = arith.constant 0 : i32
          %dma_wait3A_156 = arith.constant 0 : i32
          %dma_wait3A_157 = tpu.memref_slice %arg8[%dma_wait3A, %dma_wait3A_155, %dma_wait3A_156] : memref<4x24x1024xf32, #tpu.memory_space<vmem>> -> memref<1x24x1024xf32, #tpu.memory_space<vmem>>
          %dma_wait3A_158 = tpu.memref_squeeze %dma_wait3A_157 : memref<1x24x1024xf32, #tpu.memory_space<vmem>> -> memref<24x1024xf32, #tpu.memory_space<vmem>>
          %dma_wait3A_159 = arith.constant 0 : i32
          %dma_wait3A_160 = tpu.memref_slice %arg6[%dma_wait3A_159] : memref<592xi32, #tpu.memory_space<vmem>> -> memref<24xi32, #tpu.memory_space<vmem>>
          %dma_wait3A_161 = arith.constant 0 : i32
          %dma_wait3A_162 = arith.constant 0 : i32
          %dma_wait3A_163 = tpu.memref_slice %arg3[%dma_wait3A_161, %dma_wait3A_162] : memref<73728x1024xf32, #tpu.memory_space<hbm>> -> memref<73728x1024xf32, #tpu.memory_space<hbm>>
          tpu.wait_indirect_dma semaphore(%arg12 : memref<!tpu.dma_semaphore, #tpu.memory_space<semaphore_mem>>) src(%dma_wait3A_163 : memref<73728x1024xf32, #tpu.memory_space<hbm>>) dst(%dma_wait3A_158 : memref<24x1024xf32, #tpu.memory_space<vmem>>)
          %lt3A_164 = arith.cmpi slt, %add3A_150, %select_n3A : i32
          %convert_element_type3A_165 = arith.extui %lt3A_164 : i1 to i32
          %cond3A_166 = arith.constant 0 : i32
          %cond3A_167 = arith.cmpi ne, %convert_element_type3A_165, %cond3A_166 : i32
          scf.if %cond3A_167 {
            %scan3A_177 = arith.constant 0 : i32
            %scan3A_178 = arith.constant 0 : i32
            %scan3A_179 = arith.constant 32 : i32
            %scan3A_180 = arith.addi %scan3A_178, %scan3A_179 : i32
            %scan3A_181 = arith.constant 1 : i32
            scf.for %scan3A_183 = %scan3A_178 to %scan3A_180 step %scan3A_181  : i32 {
              %mul3A_184 = arith.constant 2 : i32
              %mul3A_185 = arith.muli %scan3A_183, %mul3A_184 : i32
              %add3A_186 = arith.constant 0 : i32
              %add3A_187 = arith.addi %mul3A_185, %add3A_186 : i32
              %mul3A_188 = arith.constant 16 : i32
              %mul3A_189 = arith.muli %add3A_187, %mul3A_188 : i32
              %get3A = arith.constant 3 : i32
              %get3A_190 = arith.constant 0 : i32
              %get3A_191 = arith.index_cast %get3A : i32 to index
              %get3A_192 = arith.index_cast %get3A_190 : i32 to index
              %get3A_193 = arith.index_cast %mul3A_189 : i32 to index
              %get3A_194 = tpu.vector_load %arg8[%get3A_191, %get3A_192, %get3A_193] {strides = array<i32>} : memref<4x24x1024xf32, #tpu.memory_space<vmem>>, vector<16xf32>,
              %get3A_195 = arith.constant 3 : i32
              %get3A_196 = arith.constant 1 : i32
              %get3A_197 = arith.index_cast %get3A_195 : i32 to index
              %get3A_198 = arith.index_cast %get3A_196 : i32 to index
              %get3A_199 = arith.index_cast %mul3A_189 : i32 to index
              %get3A_200 = tpu.vector_load %arg8[%get3A_197, %get3A_198, %get3A_199] {strides = array<i32>} : memref<4x24x1024xf32, #tpu.memory_space<vmem>>, vector<16xf32>,
              %add3A_201 = arith.addf %get3A_194, %get3A_200 : vector<16xf32>
              %get3A_202 = arith.constant 3 : i32
              %get3A_203 = arith.constant 2 : i32
              %get3A_204 = arith.index_cast %get3A_202 : i32 to index
              %get3A_205 = arith.index_cast %get3A_203 : i32 to index
              %get3A_206 = arith.index_cast %mul3A_189 : i32 to index
              %get3A_207 = tpu.vector_load %arg8[%get3A_204, %get3A_205, %get3A_206] {strides = array<i32>} : memref<4x24x1024xf32, #tpu.memory_space<vmem>>, vector<16xf32>,
              %get3A_208 = arith.constant 3 : i32
              %get3A_209 = arith.constant 3 : i32
              %get3A_210 = arith.index_cast %get3A_208 : i32 to index
              %get3A_211 = arith.index_cast %get3A_209 : i32 to index
              %get3A_212 = arith.index_cast %mul3A_189 : i32 to index
              %get3A_213 = tpu.vector_load %arg8[%get3A_210, %get3A_211, %get3A_212] {strides = array<i32>} : memref<4x24x1024xf32, #tpu.memory_space<vmem>>, vector<16xf32>,
              %add3A_214 = arith.addf %get3A_207, %get3A_213 : vector<16xf32>
              %get3A_215 = arith.constant 3 : i32
              %get3A_216 = arith.constant 4 : i32
              %get3A_217 = arith.index_cast %get3A_215 : i32 to index
              %get3A_218 = arith.index_cast %get3A_216 : i32 to index
              %get3A_219 = arith.index_cast %mul3A_189 : i32 to index
              %get3A_220 = tpu.vector_load %arg8[%get3A_217, %get3A_218, %get3A_219] {strides = array<i32>} : memref<4x24x1024xf32, #tpu.memory_space<vmem>>, vector<16xf32>,
              %get3A_221 = arith.constant 3 : i32
              %get3A_222 = arith.constant 5 : i32
              %get3A_223 = arith.index_cast %get3A_221 : i32 to index
              %get3A_224 = arith.index_cast %get3A_222 : i32 to index
              %get3A_225 = arith.index_cast %mul3A_189 : i32 to index
              %get3A_226 = tpu.vector_load %arg8[%get3A_223, %get3A_224, %get3A_225] {strides = array<i32>} : memref<4x24x1024xf32, #tpu.memory_space<vmem>>, vector<16xf32>,
              %add3A_227 = arith.addf %get3A_220, %get3A_226 : vector<16xf32>
              %get3A_228 = arith.constant 3 : i32
              %get3A_229 = arith.constant 6 : i32
              %get3A_230 = arith.index_cast %get3A_228 : i32 to index
              %get3A_231 = arith.index_cast %get3A_229 : i32 to index
              %get3A_232 = arith.index_cast %mul3A_189 : i32 to index
              %get3A_233 = tpu.vector_load %arg8[%get3A_230, %get3A_231, %get3A_232] {strides = array<i32>} : memref<4x24x1024xf32, #tpu.memory_space<vmem>>, vector<16xf32>,
              %get3A_234 = arith.constant 3 : i32
              %get3A_235 = arith.constant 7 : i32
              %get3A_236 = arith.index_cast %get3A_234 : i32 to index
              %get3A_237 = arith.index_cast %get3A_235 : i32 to index
              %get3A_238 = arith.index_cast %mul3A_189 : i32 to index
              %get3A_239 = tpu.vector_load %arg8[%get3A_236, %get3A_237, %get3A_238] {strides = array<i32>} : memref<4x24x1024xf32, #tpu.memory_space<vmem>>, vector<16xf32>,
              %add3A_240 = arith.addf %get3A_233, %get3A_239 : vector<16xf32>
              %get3A_241 = arith.constant 3 : i32
              %get3A_242 = arith.constant 8 : i32
              %get3A_243 = arith.index_cast %get3A_241 : i32 to index
              %get3A_244 = arith.index_cast %get3A_242 : i32 to index
              %get3A_245 = arith.index_cast %mul3A_189 : i32 to index
              %get3A_246 = tpu.vector_load %arg8[%get3A_243, %get3A_244, %get3A_245] {strides = array<i32>} : memref<4x24x1024xf32, #tpu.memory_space<vmem>>, vector<16xf32>,
              %get3A_247 = arith.constant 3 : i32
              %get3A_248 = arith.constant 9 : i32
              %get3A_249 = arith.index_cast %get3A_247 : i32 to index
              %get3A_250 = arith.index_cast %get3A_248 : i32 to index
              %get3A_251 = arith.index_cast %mul3A_189 : i32 to index
              %get3A_252 = tpu.vector_load %arg8[%get3A_249, %get3A_250, %get3A_251] {strides = array<i32>} : memref<4x24x1024xf32, #tpu.memory_space<vmem>>, vector<16xf32>,
              %add3A_253 = arith.addf %get3A_246, %get3A_252 : vector<16xf32>
              %get3A_254 = arith.constant 3 : i32
              %get3A_255 = arith.constant 10 : i32
              %get3A_256 = arith.index_cast %get3A_254 : i32 to index
              %get3A_257 = arith.index_cast %get3A_255 : i32 to index
              %get3A_258 = arith.index_cast %mul3A_189 : i32 to index
              %get3A_259 = tpu.vector_load %arg8[%get3A_256, %get3A_257, %get3A_258] {strides = array<i32>} : memref<4x24x1024xf32, #tpu.memory_space<vmem>>, vector<16xf32>,
              %get3A_260 = arith.constant 3 : i32
              %get3A_261 = arith.constant 11 : i32
              %get3A_262 = arith.index_cast %get3A_260 : i32 to index
              %get3A_263 = arith.index_cast %get3A_261 : i32 to index
              %get3A_264 = arith.index_cast %mul3A_189 : i32 to index
              %get3A_265 = tpu.vector_load %arg8[%get3A_262, %get3A_263, %get3A_264] {strides = array<i32>} : memref<4x24x1024xf32, #tpu.memory_space<vmem>>, vector<16xf32>,
              %add3A_266 = arith.addf %get3A_259, %get3A_265 : vector<16xf32>
              %get3A_267 = arith.constant 3 : i32
              %get3A_268 = arith.constant 12 : i32
              %get3A_269 = arith.index_cast %get3A_267 : i32 to index
              %get3A_270 = arith.index_cast %get3A_268 : i32 to index
              %get3A_271 = arith.index_cast %mul3A_189 : i32 to index
              %get3A_272 = tpu.vector_load %arg8[%get3A_269, %get3A_270, %get3A_271] {strides = array<i32>} : memref<4x24x1024xf32, #tpu.memory_space<vmem>>, vector<16xf32>,
              %get3A_273 = arith.constant 3 : i32
              %get3A_274 = arith.constant 13 : i32
              %get3A_275 = arith.index_cast %get3A_273 : i32 to index
              %get3A_276 = arith.index_cast %get3A_274 : i32 to index
              %get3A_277 = arith.index_cast %mul3A_189 : i32 to index
              %get3A_278 = tpu.vector_load %arg8[%get3A_275, %get3A_276, %get3A_277] {strides = array<i32>} : memref<4x24x1024xf32, #tpu.memory_space<vmem>>, vector<16xf32>,
              %add3A_279 = arith.addf %get3A_272, %get3A_278 : vector<16xf32>
              %get3A_280 = arith.constant 3 : i32
              %get3A_281 = arith.constant 14 : i32
              %get3A_282 = arith.index_cast %get3A_280 : i32 to index
              %get3A_283 = arith.index_cast %get3A_281 : i32 to index
              %get3A_284 = arith.index_cast %mul3A_189 : i32 to index
              %get3A_285 = tpu.vector_load %arg8[%get3A_282, %get3A_283, %get3A_284] {strides = array<i32>} : memref<4x24x1024xf32, #tpu.memory_space<vmem>>, vector<16xf32>,
              %get3A_286 = arith.constant 3 : i32
              %get3A_287 = arith.constant 15 : i32
              %get3A_288 = arith.index_cast %get3A_286 : i32 to index
              %get3A_289 = arith.index_cast %get3A_287 : i32 to index
              %get3A_290 = arith.index_cast %mul3A_189 : i32 to index
              %get3A_291 = tpu.vector_load %arg8[%get3A_288, %get3A_289, %get3A_290] {strides = array<i32>} : memref<4x24x1024xf32, #tpu.memory_space<vmem>>, vector<16xf32>,
              %add3A_292 = arith.addf %get3A_285, %get3A_291 : vector<16xf32>
              %get3A_293 = arith.constant 3 : i32
              %get3A_294 = arith.constant 16 : i32
              %get3A_295 = arith.index_cast %get3A_293 : i32 to index
              %get3A_296 = arith.index_cast %get3A_294 : i32 to index
              %get3A_297 = arith.index_cast %mul3A_189 : i32 to index
              %get3A_298 = tpu.vector_load %arg8[%get3A_295, %get3A_296, %get3A_297] {strides = array<i32>} : memref<4x24x1024xf32, #tpu.memory_space<vmem>>, vector<16xf32>,
              %get3A_299 = arith.constant 3 : i32
              %get3A_300 = arith.constant 17 : i32
              %get3A_301 = arith.index_cast %get3A_299 : i32 to index
              %get3A_302 = arith.index_cast %get3A_300 : i32 to index
              %get3A_303 = arith.index_cast %mul3A_189 : i32 to index
              %get3A_304 = tpu.vector_load %arg8[%get3A_301, %get3A_302, %get3A_303] {strides = array<i32>} : memref<4x24x1024xf32, #tpu.memory_space<vmem>>, vector<16xf32>,
              %add3A_305 = arith.addf %get3A_298, %get3A_304 : vector<16xf32>
              %get3A_306 = arith.constant 3 : i32
              %get3A_307 = arith.constant 18 : i32
              %get3A_308 = arith.index_cast %get3A_306 : i32 to index
              %get3A_309 = arith.index_cast %get3A_307 : i32 to index
              %get3A_310 = arith.index_cast %mul3A_189 : i32 to index
              %get3A_311 = tpu.vector_load %arg8[%get3A_308, %get3A_309, %get3A_310] {strides = array<i32>} : memref<4x24x1024xf32, #tpu.memory_space<vmem>>, vector<16xf32>,
              %get3A_312 = arith.constant 3 : i32
              %get3A_313 = arith.constant 19 : i32
              %get3A_314 = arith.index_cast %get3A_312 : i32 to index
              %get3A_315 = arith.index_cast %get3A_313 : i32 to index
              %get3A_316 = arith.index_cast %mul3A_189 : i32 to index
              %get3A_317 = tpu.vector_load %arg8[%get3A_314, %get3A_315, %get3A_316] {strides = array<i32>} : memref<4x24x1024xf32, #tpu.memory_space<vmem>>, vector<16xf32>,
              %add3A_318 = arith.addf %get3A_311, %get3A_317 : vector<16xf32>
              %get3A_319 = arith.constant 3 : i32
              %get3A_320 = arith.constant 20 : i32
              %get3A_321 = arith.index_cast %get3A_319 : i32 to index
              %get3A_322 = arith.index_cast %get3A_320 : i32 to index
              %get3A_323 = arith.index_cast %mul3A_189 : i32 to index
              %get3A_324 = tpu.vector_load %arg8[%get3A_321, %get3A_322, %get3A_323] {strides = array<i32>} : memref<4x24x1024xf32, #tpu.memory_space<vmem>>, vector<16xf32>,
              %get3A_325 = arith.constant 3 : i32
              %get3A_326 = arith.constant 21 : i32
              %get3A_327 = arith.index_cast %get3A_325 : i32 to index
              %get3A_328 = arith.index_cast %get3A_326 : i32 to index
              %get3A_329 = arith.index_cast %mul3A_189 : i32 to index
              %get3A_330 = tpu.vector_load %arg8[%get3A_327, %get3A_328, %get3A_329] {strides = array<i32>} : memref<4x24x1024xf32, #tpu.memory_space<vmem>>, vector<16xf32>,
              %add3A_331 = arith.addf %get3A_324, %get3A_330 : vector<16xf32>
              %get3A_332 = arith.constant 3 : i32
              %get3A_333 = arith.constant 22 : i32
              %get3A_334 = arith.index_cast %get3A_332 : i32 to index
              %get3A_335 = arith.index_cast %get3A_333 : i32 to index
              %get3A_336 = arith.index_cast %mul3A_189 : i32 to index
              %get3A_337 = tpu.vector_load %arg8[%get3A_334, %get3A_335, %get3A_336] {strides = array<i32>} : memref<4x24x1024xf32, #tpu.memory_space<vmem>>, vector<16xf32>,
              %get3A_338 = arith.constant 3 : i32
              %get3A_339 = arith.constant 23 : i32
              %get3A_340 = arith.index_cast %get3A_338 : i32 to index
              %get3A_341 = arith.index_cast %get3A_339 : i32 to index
              %get3A_342 = arith.index_cast %mul3A_189 : i32 to index
              %get3A_343 = tpu.vector_load %arg8[%get3A_340, %get3A_341, %get3A_342] {strides = array<i32>} : memref<4x24x1024xf32, #tpu.memory_space<vmem>>, vector<16xf32>,
              %add3A_344 = arith.addf %get3A_337, %get3A_343 : vector<16xf32>
              %add3A_345 = arith.addf %add3A_201, %add3A_214 : vector<16xf32>
              %add3A_346 = arith.addf %add3A_227, %add3A_240 : vector<16xf32>
              %add3A_347 = arith.addf %add3A_253, %add3A_266 : vector<16xf32>
              %add3A_348 = arith.addf %add3A_279, %add3A_292 : vector<16xf32>
              %add3A_349 = arith.addf %add3A_305, %add3A_318 : vector<16xf32>
              %add3A_350 = arith.addf %add3A_331, %add3A_344 : vector<16xf32>
              %add3A_351 = arith.addf %add3A_345, %add3A_346 : vector<16xf32>
              %add3A_352 = arith.addf %add3A_347, %add3A_348 : vector<16xf32>
              %add3A_353 = arith.addf %add3A_349, %add3A_350 : vector<16xf32>
              %add3A_354 = arith.addf %add3A_351, %add3A_352 : vector<16xf32>
              %add3A_355 = arith.addf %add3A_354, %add3A_353 : vector<16xf32>
              %swap3A = arith.index_cast %mul3A_189 : i32 to index
              %swap3A_356 = tpu.vector_load %arg7[%swap3A] {strides = array<i32>} : memref<1024xf32, #tpu.memory_space<vmem>>, vector<16xf32>,
              tpu.vector_store %arg7[%swap3A], %add3A_355 {add = true, strides = array<i32>} : memref<1024xf32, #tpu.memory_space<vmem>>, vector<16xf32>,
              %mul3A_357 = arith.constant 2 : i32
              %mul3A_358 = arith.muli %scan3A_183, %mul3A_357 : i32
              %add3A_359 = arith.constant 1 : i32
              %add3A_360 = arith.addi %mul3A_358, %add3A_359 : i32
              %mul3A_361 = arith.constant 16 : i32
              %mul3A_362 = arith.muli %add3A_360, %mul3A_361 : i32
              %get3A_363 = arith.constant 3 : i32
              %get3A_364 = arith.constant 0 : i32
              %get3A_365 = arith.index_cast %get3A_363 : i32 to index
              %get3A_366 = arith.index_cast %get3A_364 : i32 to index
              %get3A_367 = arith.index_cast %mul3A_362 : i32 to index
              %get3A_368 = tpu.vector_load %arg8[%get3A_365, %get3A_366, %get3A_367] {strides = array<i32>} : memref<4x24x1024xf32, #tpu.memory_space<vmem>>, vector<16xf32>,
              %get3A_369 = arith.constant 3 : i32
              %get3A_370 = arith.constant 1 : i32
              %get3A_371 = arith.index_cast %get3A_369 : i32 to index
              %get3A_372 = arith.index_cast %get3A_370 : i32 to index
              %get3A_373 = arith.index_cast %mul3A_362 : i32 to index
              %get3A_374 = tpu.vector_load %arg8[%get3A_371, %get3A_372, %get3A_373] {strides = array<i32>} : memref<4x24x1024xf32, #tpu.memory_space<vmem>>, vector<16xf32>,
              %add3A_375 = arith.addf %get3A_368, %get3A_374 : vector<16xf32>
              %get3A_376 = arith.constant 3 : i32
              %get3A_377 = arith.constant 2 : i32
              %get3A_378 = arith.index_cast %get3A_376 : i32 to index
              %get3A_379 = arith.index_cast %get3A_377 : i32 to index
              %get3A_380 = arith.index_cast %mul3A_362 : i32 to index
              %get3A_381 = tpu.vector_load %arg8[%get3A_378, %get3A_379, %get3A_380] {strides = array<i32>} : memref<4x24x1024xf32, #tpu.memory_space<vmem>>, vector<16xf32>,
              %get3A_382 = arith.constant 3 : i32
              %get3A_383 = arith.constant 3 : i32
              %get3A_384 = arith.index_cast %get3A_382 : i32 to index
              %get3A_385 = arith.index_cast %get3A_383 : i32 to index
              %get3A_386 = arith.index_cast %mul3A_362 : i32 to index
              %get3A_387 = tpu.vector_load %arg8[%get3A_384, %get3A_385, %get3A_386] {strides = array<i32>} : memref<4x24x1024xf32, #tpu.memory_space<vmem>>, vector<16xf32>,
              %add3A_388 = arith.addf %get3A_381, %get3A_387 : vector<16xf32>
              %get3A_389 = arith.constant 3 : i32
              %get3A_390 = arith.constant 4 : i32
              %get3A_391 = arith.index_cast %get3A_389 : i32 to index
              %get3A_392 = arith.index_cast %get3A_390 : i32 to index
              %get3A_393 = arith.index_cast %mul3A_362 : i32 to index
              %get3A_394 = tpu.vector_load %arg8[%get3A_391, %get3A_392, %get3A_393] {strides = array<i32>} : memref<4x24x1024xf32, #tpu.memory_space<vmem>>, vector<16xf32>,
              %get3A_395 = arith.constant 3 : i32
              %get3A_396 = arith.constant 5 : i32
              %get3A_397 = arith.index_cast %get3A_395 : i32 to index
              %get3A_398 = arith.index_cast %get3A_396 : i32 to index
              %get3A_399 = arith.index_cast %mul3A_362 : i32 to index
              %get3A_400 = tpu.vector_load %arg8[%get3A_397, %get3A_398, %get3A_399] {strides = array<i32>} : memref<4x24x1024xf32, #tpu.memory_space<vmem>>, vector<16xf32>,
              %add3A_401 = arith.addf %get3A_394, %get3A_400 : vector<16xf32>
              %get3A_402 = arith.constant 3 : i32
              %get3A_403 = arith.constant 6 : i32
              %get3A_404 = arith.index_cast %get3A_402 : i32 to index
              %get3A_405 = arith.index_cast %get3A_403 : i32 to index
              %get3A_406 = arith.index_cast %mul3A_362 : i32 to index
              %get3A_407 = tpu.vector_load %arg8[%get3A_404, %get3A_405, %get3A_406] {strides = array<i32>} : memref<4x24x1024xf32, #tpu.memory_space<vmem>>, vector<16xf32>,
              %get3A_408 = arith.constant 3 : i32
              %get3A_409 = arith.constant 7 : i32
              %get3A_410 = arith.index_cast %get3A_408 : i32 to index
              %get3A_411 = arith.index_cast %get3A_409 : i32 to index
              %get3A_412 = arith.index_cast %mul3A_362 : i32 to index
              %get3A_413 = tpu.vector_load %arg8[%get3A_410, %get3A_411, %get3A_412] {strides = array<i32>} : memref<4x24x1024xf32, #tpu.memory_space<vmem>>, vector<16xf32>,
              %add3A_414 = arith.addf %get3A_407, %get3A_413 : vector<16xf32>
              %get3A_415 = arith.constant 3 : i32
              %get3A_416 = arith.constant 8 : i32
              %get3A_417 = arith.index_cast %get3A_415 : i32 to index
              %get3A_418 = arith.index_cast %get3A_416 : i32 to index
              %get3A_419 = arith.index_cast %mul3A_362 : i32 to index
              %get3A_420 = tpu.vector_load %arg8[%get3A_417, %get3A_418, %get3A_419] {strides = array<i32>} : memref<4x24x1024xf32, #tpu.memory_space<vmem>>, vector<16xf32>,
              %get3A_421 = arith.constant 3 : i32
              %get3A_422 = arith.constant 9 : i32
              %get3A_423 = arith.index_cast %get3A_421 : i32 to index
              %get3A_424 = arith.index_cast %get3A_422 : i32 to index
              %get3A_425 = arith.index_cast %mul3A_362 : i32 to index
              %get3A_426 = tpu.vector_load %arg8[%get3A_423, %get3A_424, %get3A_425] {strides = array<i32>} : memref<4x24x1024xf32, #tpu.memory_space<vmem>>, vector<16xf32>,
              %add3A_427 = arith.addf %get3A_420, %get3A_426 : vector<16xf32>
              %get3A_428 = arith.constant 3 : i32
              %get3A_429 = arith.constant 10 : i32
              %get3A_430 = arith.index_cast %get3A_428 : i32 to index
              %get3A_431 = arith.index_cast %get3A_429 : i32 to index
              %get3A_432 = arith.index_cast %mul3A_362 : i32 to index
              %get3A_433 = tpu.vector_load %arg8[%get3A_430, %get3A_431, %get3A_432] {strides = array<i32>} : memref<4x24x1024xf32, #tpu.memory_space<vmem>>, vector<16xf32>,
              %get3A_434 = arith.constant 3 : i32
              %get3A_435 = arith.constant 11 : i32
              %get3A_436 = arith.index_cast %get3A_434 : i32 to index
              %get3A_437 = arith.index_cast %get3A_435 : i32 to index
              %get3A_438 = arith.index_cast %mul3A_362 : i32 to index
              %get3A_439 = tpu.vector_load %arg8[%get3A_436, %get3A_437, %get3A_438] {strides = array<i32>} : memref<4x24x1024xf32, #tpu.memory_space<vmem>>, vector<16xf32>,
              %add3A_440 = arith.addf %get3A_433, %get3A_439 : vector<16xf32>
              %get3A_441 = arith.constant 3 : i32
              %get3A_442 = arith.constant 12 : i32
              %get3A_443 = arith.index_cast %get3A_441 : i32 to index
              %get3A_444 = arith.index_cast %get3A_442 : i32 to index
              %get3A_445 = arith.index_cast %mul3A_362 : i32 to index
              %get3A_446 = tpu.vector_load %arg8[%get3A_443, %get3A_444, %get3A_445] {strides = array<i32>} : memref<4x24x1024xf32, #tpu.memory_space<vmem>>, vector<16xf32>,
              %get3A_447 = arith.constant 3 : i32
              %get3A_448 = arith.constant 13 : i32
              %get3A_449 = arith.index_cast %get3A_447 : i32 to index
              %get3A_450 = arith.index_cast %get3A_448 : i32 to index
              %get3A_451 = arith.index_cast %mul3A_362 : i32 to index
              %get3A_452 = tpu.vector_load %arg8[%get3A_449, %get3A_450, %get3A_451] {strides = array<i32>} : memref<4x24x1024xf32, #tpu.memory_space<vmem>>, vector<16xf32>,
              %add3A_453 = arith.addf %get3A_446, %get3A_452 : vector<16xf32>
              %get3A_454 = arith.constant 3 : i32
              %get3A_455 = arith.constant 14 : i32
              %get3A_456 = arith.index_cast %get3A_454 : i32 to index
              %get3A_457 = arith.index_cast %get3A_455 : i32 to index
              %get3A_458 = arith.index_cast %mul3A_362 : i32 to index
              %get3A_459 = tpu.vector_load %arg8[%get3A_456, %get3A_457, %get3A_458] {strides = array<i32>} : memref<4x24x1024xf32, #tpu.memory_space<vmem>>, vector<16xf32>,
              %get3A_460 = arith.constant 3 : i32
              %get3A_461 = arith.constant 15 : i32
              %get3A_462 = arith.index_cast %get3A_460 : i32 to index
              %get3A_463 = arith.index_cast %get3A_461 : i32 to index
              %get3A_464 = arith.index_cast %mul3A_362 : i32 to index
              %get3A_465 = tpu.vector_load %arg8[%get3A_462, %get3A_463, %get3A_464] {strides = array<i32>} : memref<4x24x1024xf32, #tpu.memory_space<vmem>>, vector<16xf32>,
              %add3A_466 = arith.addf %get3A_459, %get3A_465 : vector<16xf32>
              %get3A_467 = arith.constant 3 : i32
              %get3A_468 = arith.constant 16 : i32
              %get3A_469 = arith.index_cast %get3A_467 : i32 to index
              %get3A_470 = arith.index_cast %get3A_468 : i32 to index
              %get3A_471 = arith.index_cast %mul3A_362 : i32 to index
              %get3A_472 = tpu.vector_load %arg8[%get3A_469, %get3A_470, %get3A_471] {strides = array<i32>} : memref<4x24x1024xf32, #tpu.memory_space<vmem>>, vector<16xf32>,
              %get3A_473 = arith.constant 3 : i32
              %get3A_474 = arith.constant 17 : i32
              %get3A_475 = arith.index_cast %get3A_473 : i32 to index
              %get3A_476 = arith.index_cast %get3A_474 : i32 to index
              %get3A_477 = arith.index_cast %mul3A_362 : i32 to index
              %get3A_478 = tpu.vector_load %arg8[%get3A_475, %get3A_476, %get3A_477] {strides = array<i32>} : memref<4x24x1024xf32, #tpu.memory_space<vmem>>, vector<16xf32>,
              %add3A_479 = arith.addf %get3A_472, %get3A_478 : vector<16xf32>
              %get3A_480 = arith.constant 3 : i32
              %get3A_481 = arith.constant 18 : i32
              %get3A_482 = arith.index_cast %get3A_480 : i32 to index
              %get3A_483 = arith.index_cast %get3A_481 : i32 to index
              %get3A_484 = arith.index_cast %mul3A_362 : i32 to index
              %get3A_485 = tpu.vector_load %arg8[%get3A_482, %get3A_483, %get3A_484] {strides = array<i32>} : memref<4x24x1024xf32, #tpu.memory_space<vmem>>, vector<16xf32>,
              %get3A_486 = arith.constant 3 : i32
              %get3A_487 = arith.constant 19 : i32
              %get3A_488 = arith.index_cast %get3A_486 : i32 to index
              %get3A_489 = arith.index_cast %get3A_487 : i32 to index
              %get3A_490 = arith.index_cast %mul3A_362 : i32 to index
              %get3A_491 = tpu.vector_load %arg8[%get3A_488, %get3A_489, %get3A_490] {strides = array<i32>} : memref<4x24x1024xf32, #tpu.memory_space<vmem>>, vector<16xf32>,
              %add3A_492 = arith.addf %get3A_485, %get3A_491 : vector<16xf32>
              %get3A_493 = arith.constant 3 : i32
              %get3A_494 = arith.constant 20 : i32
              %get3A_495 = arith.index_cast %get3A_493 : i32 to index
              %get3A_496 = arith.index_cast %get3A_494 : i32 to index
              %get3A_497 = arith.index_cast %mul3A_362 : i32 to index
              %get3A_498 = tpu.vector_load %arg8[%get3A_495, %get3A_496, %get3A_497] {strides = array<i32>} : memref<4x24x1024xf32, #tpu.memory_space<vmem>>, vector<16xf32>,
              %get3A_499 = arith.constant 3 : i32
              %get3A_500 = arith.constant 21 : i32
              %get3A_501 = arith.index_cast %get3A_499 : i32 to index
              %get3A_502 = arith.index_cast %get3A_500 : i32 to index
              %get3A_503 = arith.index_cast %mul3A_362 : i32 to index
              %get3A_504 = tpu.vector_load %arg8[%get3A_501, %get3A_502, %get3A_503] {strides = array<i32>} : memref<4x24x1024xf32, #tpu.memory_space<vmem>>, vector<16xf32>,
              %add3A_505 = arith.addf %get3A_498, %get3A_504 : vector<16xf32>
              %get3A_506 = arith.constant 3 : i32
              %get3A_507 = arith.constant 22 : i32
              %get3A_508 = arith.index_cast %get3A_506 : i32 to index
              %get3A_509 = arith.index_cast %get3A_507 : i32 to index
              %get3A_510 = arith.index_cast %mul3A_362 : i32 to index
              %get3A_511 = tpu.vector_load %arg8[%get3A_508, %get3A_509, %get3A_510] {strides = array<i32>} : memref<4x24x1024xf32, #tpu.memory_space<vmem>>, vector<16xf32>,
              %get3A_512 = arith.constant 3 : i32
              %get3A_513 = arith.constant 23 : i32
              %get3A_514 = arith.index_cast %get3A_512 : i32 to index
              %get3A_515 = arith.index_cast %get3A_513 : i32 to index
              %get3A_516 = arith.index_cast %mul3A_362 : i32 to index
              %get3A_517 = tpu.vector_load %arg8[%get3A_514, %get3A_515, %get3A_516] {strides = array<i32>} : memref<4x24x1024xf32, #tpu.memory_space<vmem>>, vector<16xf32>,
              %add3A_518 = arith.addf %get3A_511, %get3A_517 : vector<16xf32>
              %add3A_519 = arith.addf %add3A_375, %add3A_388 : vector<16xf32>
              %add3A_520 = arith.addf %add3A_401, %add3A_414 : vector<16xf32>
              %add3A_521 = arith.addf %add3A_427, %add3A_440 : vector<16xf32>
              %add3A_522 = arith.addf %add3A_453, %add3A_466 : vector<16xf32>
              %add3A_523 = arith.addf %add3A_479, %add3A_492 : vector<16xf32>
              %add3A_524 = arith.addf %add3A_505, %add3A_518 : vector<16xf32>
              %add3A_525 = arith.addf %add3A_519, %add3A_520 : vector<16xf32>
              %add3A_526 = arith.addf %add3A_521, %add3A_522 : vector<16xf32>
              %add3A_527 = arith.addf %add3A_523, %add3A_524 : vector<16xf32>
              %add3A_528 = arith.addf %add3A_525, %add3A_526 : vector<16xf32>
              %add3A_529 = arith.addf %add3A_528, %add3A_527 : vector<16xf32>
              %swap3A_530 = arith.index_cast %mul3A_362 : i32 to index
              %swap3A_531 = tpu.vector_load %arg7[%swap3A_530] {strides = array<i32>} : memref<1024xf32, #tpu.memory_space<vmem>>, vector<16xf32>,
              tpu.vector_store %arg7[%swap3A_530], %add3A_529 {add = true, strides = array<i32>} : memref<1024xf32, #tpu.memory_space<vmem>>, vector<16xf32>,
            }
            %scan3A_182 = arith.constant 32 : i32
          } else {
          }
          %eq3A = arith.cmpi eq, %add3A_150, %select_n3A : i32
          %convert_element_type3A_168 = arith.extui %eq3A : i1 to i32
          %cond3A_169 = arith.constant 0 : i32
          %cond3A_170 = arith.cmpi ne, %convert_element_type3A_168, %cond3A_169 : i32
          scf.if %cond3A_170 {
            %while3A_177 = arith.constant 0 : i32
            %while3A_178 = arith.constant 0 : i32
            %while3A_179 = arith.subi %sub3A_57, %while3A_178 : i32
            %while3A_180 = arith.addi %while3A_178, %while3A_179 : i32
            %while3A_181 = arith.constant 1 : i32
            %while3A_182 = arith.divsi %while3A_179, %while3A_181 : i32
            %while3A_183 = arith.muli %while3A_182, %while3A_181 : i32
            %while3A_184 = arith.addi %while3A_178, %while3A_183 : i32
            %while3A_185 = arith.constant 1 : i32
            scf.for %while3A_187 = %while3A_178 to %while3A_184 step %while3A_185  : i32 {
              %scan3A_188 = arith.constant 0 : i32
              %scan3A_189 = arith.constant 0 : i32
              %scan3A_190 = arith.constant 64 : i32
              %scan3A_191 = arith.addi %scan3A_189, %scan3A_190 : i32
              %scan3A_192 = arith.constant 1 : i32
              scf.for %scan3A_194 = %scan3A_189 to %scan3A_191 step %scan3A_192  : i32 {
                %mul3A_195 = arith.constant 16 : i32
                %mul3A_196 = arith.muli %scan3A_194, %mul3A_195 : i32
                %get3A = arith.constant 3 : i32
                %get3A_197 = arith.index_cast %get3A : i32 to index
                %get3A_198 = arith.index_cast %while3A_187 : i32 to index
                %get3A_199 = arith.index_cast %mul3A_196 : i32 to index
                %get3A_200 = tpu.vector_load %arg8[%get3A_197, %get3A_198, %get3A_199] {strides = array<i32>} : memref<4x24x1024xf32, #tpu.memory_space<vmem>>, vector<16xf32>,
                %swap3A = arith.index_cast %mul3A_196 : i32 to index
                %swap3A_201 = tpu.vector_load %arg7[%swap3A] {strides = array<i32>} : memref<1024xf32, #tpu.memory_space<vmem>>, vector<16xf32>,
                tpu.vector_store %arg7[%swap3A], %get3A_200 {add = true, strides = array<i32>} : memref<1024xf32, #tpu.memory_space<vmem>>, vector<16xf32>,
              }
              %scan3A_193 = arith.constant 64 : i32
            }
            %while3A_186 = arith.constant 1 : i32
            scf.for %while3A_187 = %while3A_184 to %while3A_180 step %while3A_186  : i32 {
              %scan3A_188 = arith.constant 0 : i32
              %scan3A_189 = arith.constant 0 : i32
              %scan3A_190 = arith.constant 64 : i32
              %scan3A_191 = arith.addi %scan3A_189, %scan3A_190 : i32
              %scan3A_192 = arith.constant 1 : i32
              scf.for %scan3A_194 = %scan3A_189 to %scan3A_191 step %scan3A_192  : i32 {
                %mul3A_195 = arith.constant 16 : i32
                %mul3A_196 = arith.muli %scan3A_194, %mul3A_195 : i32
                %get3A = arith.constant 3 : i32
                %get3A_197 = arith.index_cast %get3A : i32 to index
                %get3A_198 = arith.index_cast %while3A_187 : i32 to index
                %get3A_199 = arith.index_cast %mul3A_196 : i32 to index
                %get3A_200 = tpu.vector_load %arg8[%get3A_197, %get3A_198, %get3A_199] {strides = array<i32>} : memref<4x24x1024xf32, #tpu.memory_space<vmem>>, vector<16xf32>,
                %swap3A = arith.index_cast %mul3A_196 : i32 to index
                %swap3A_201 = tpu.vector_load %arg7[%swap3A] {strides = array<i32>} : memref<1024xf32, #tpu.memory_space<vmem>>, vector<16xf32>,
                tpu.vector_store %arg7[%swap3A], %get3A_200 {add = true, strides = array<i32>} : memref<1024xf32, #tpu.memory_space<vmem>>, vector<16xf32>,
              }
              %scan3A_193 = arith.constant 64 : i32
            }
          } else {
          }
          %add3A_171 = arith.constant 4 : i32
          %add3A_172 = arith.addi %add3A_150, %add3A_171 : i32
          %lt3A_173 = arith.cmpi slt, %add3A_172, %add3A_62 : i32
          %convert_element_type3A_174 = arith.extui %lt3A_173 : i1 to i32
          %cond3A_175 = arith.constant 0 : i32
          %cond3A_176 = arith.cmpi ne, %convert_element_type3A_174, %cond3A_175 : i32
          scf.if %cond3A_176 {
            %add3A_177 = arith.constant 4 : i32
            %add3A_178 = arith.addi %add3A_150, %add3A_177 : i32
            %mul3A_179 = arith.constant 24 : i32
            %mul3A_180 = arith.muli %add3A_178, %mul3A_179 : i32
            %dma_start3A = arith.constant 3 : i32
            %dma_start3A_181 = arith.constant 0 : i32
            %dma_start3A_182 = arith.constant 0 : i32
            %dma_start3A_183 = tpu.memref_slice %arg8[%dma_start3A, %dma_start3A_181, %dma_start3A_182] : memref<4x24x1024xf32, #tpu.memory_space<vmem>> -> memref<1x24x1024xf32, #tpu.memory_space<vmem>>
            %dma_start3A_184 = tpu.memref_squeeze %dma_start3A_183 : memref<1x24x1024xf32, #tpu.memory_space<vmem>> -> memref<24x1024xf32, #tpu.memory_space<vmem>>
            %dma_start3A_185 = tpu.memref_slice %arg6[%mul3A_180] : memref<592xi32, #tpu.memory_space<vmem>> -> memref<24xi32, #tpu.memory_space<vmem>>
            %dma_start3A_186 = arith.constant 0 : i32
            %dma_start3A_187 = arith.constant 0 : i32
            %dma_start3A_188 = tpu.memref_slice %arg3[%dma_start3A_186, %dma_start3A_187] : memref<73728x1024xf32, #tpu.memory_space<hbm>> -> memref<73728x1024xf32, #tpu.memory_space<hbm>>
            tpu.enqueue_indirect_dma source(%dma_start3A_188 : memref<73728x1024xf32, #tpu.memory_space<hbm>>) target(%dma_start3A_184 : memref<24x1024xf32, #tpu.memory_space<vmem>>) offsets(%dma_start3A_185 : memref<24xi32, #tpu.memory_space<vmem>>) semaphore(%arg12 : memref<!tpu.dma_semaphore, #tpu.memory_space<semaphore_mem>>)
          } else {
          }
        } else {
        }
      }
      %scan3A_117 = arith.constant 0 : i32
      %scan3A_118 = arith.constant 0 : i32
      %scan3A_119 = arith.constant 64 : i32
      %scan3A_120 = arith.addi %scan3A_118, %scan3A_119 : i32
      %scan3A_121 = arith.constant 1 : i32
      scf.for %scan3A_123 = %scan3A_118 to %scan3A_120 step %scan3A_121  : i32 {
        %mul3A_124 = arith.constant 16 : i32
        %mul3A_125 = arith.muli %scan3A_123, %mul3A_124 : i32
        %get3A = arith.index_cast %mul3A_125 : i32 to index
        %get3A_126 = tpu.vector_load %arg7[%get3A] {strides = array<i32>} : memref<1024xf32, #tpu.memory_space<vmem>>, vector<16xf32>,
        %mul3A_127 = arith.mulf %get3A_126, %div3A : vector<16xf32>
        %swap3A = arith.index_cast %mul3A_125 : i32 to index
        %swap3A_128 = tpu.vector_load %arg7[%swap3A] {strides = array<i32>} : memref<1024xf32, #tpu.memory_space<vmem>>, vector<16xf32>,
        tpu.vector_store %arg7[%swap3A], %mul3A_127 {strides = array<i32>} : memref<1024xf32, #tpu.memory_space<vmem>>, vector<16xf32>,
      }
      %scan3A_122 = arith.constant 64 : i32
      "tpu.region"() ({
        %run_scoped3A = tpu.sem_alloc : memref<!tpu.dma_semaphore, #tpu.memory_space<semaphore_mem>>
        %dma_start3A = arith.constant 0 : i32
        %dma_start3A_123 = tpu.memref_slice %arg4[%add3A_20, %dma_start3A] : memref<64x1024xf32, #tpu.memory_space<hbm>> -> memref<1x1024xf32, #tpu.memory_space<hbm>>
        %dma_start3A_124 = tpu.memref_squeeze %dma_start3A_123 : memref<1x1024xf32, #tpu.memory_space<hbm>> -> memref<1024xf32, #tpu.memory_space<hbm>>
        %dma_start3A_125 = arith.constant 0 : i32
        %dma_start3A_126 = tpu.memref_slice %arg4[%add3A_20, %dma_start3A_125] : memref<64x1024xf32, #tpu.memory_space<hbm>> -> memref<1x1024xf32, #tpu.memory_space<hbm>>
        %dma_start3A_127 = tpu.memref_squeeze %dma_start3A_126 : memref<1x1024xf32, #tpu.memory_space<hbm>> -> memref<1024xf32, #tpu.memory_space<hbm>>
        tpu.enqueue_dma source(%arg7 : memref<1024xf32, #tpu.memory_space<vmem>>) target(%dma_start3A_127 : memref<1024xf32, #tpu.memory_space<hbm>>) target_semaphore(%run_scoped3A : memref<!tpu.dma_semaphore, #tpu.memory_space<semaphore_mem>>)
        %dma_wait3A = arith.constant 0 : i32
        %dma_wait3A_128 = tpu.memref_slice %arg4[%add3A_20, %dma_wait3A] : memref<64x1024xf32, #tpu.memory_space<hbm>> -> memref<1x1024xf32, #tpu.memory_space<hbm>>
        %dma_wait3A_129 = tpu.memref_squeeze %dma_wait3A_128 : memref<1x1024xf32, #tpu.memory_space<hbm>> -> memref<1024xf32, #tpu.memory_space<hbm>>
        %dma_wait3A_130 = arith.constant 0 : i32
        %dma_wait3A_131 = tpu.memref_slice %arg4[%add3A_20, %dma_wait3A_130] : memref<64x1024xf32, #tpu.memory_space<hbm>> -> memref<1x1024xf32, #tpu.memory_space<hbm>>
        %dma_wait3A_132 = tpu.memref_squeeze %dma_wait3A_131 : memref<1x1024xf32, #tpu.memory_space<hbm>> -> memref<1024xf32, #tpu.memory_space<hbm>>
        tpu.wait_dma2 semaphore(%run_scoped3A : memref<!tpu.dma_semaphore, #tpu.memory_space<semaphore_mem>>) src(%arg7 : memref<1024xf32, #tpu.memory_space<vmem>>) dst(%dma_wait3A_132 : memref<1024xf32, #tpu.memory_space<hbm>>)
        tpu.yield
      }) : () -> ()
    }
    %scan3A_18 = arith.constant 2 : i32
    return
  }
}

module attributes {stable_mosaic.version = 14 : i64} {
  func.func @_tcpool_kernel(%arg0: i32, %arg1: memref<4x1x576xf32, #tpu.memory_space<vmem>>, %arg2: memref<4x576x1024xf32, #tpu.memory_space<vmem>>, %arg3: memref<4x1x1024xf32, #tpu.memory_space<vmem>>) attributes {dimension_semantics = [#tpu.dimension_semantics<arbitrary>], iteration_bounds = array<i64: 16>, scalar_prefetch = 0 : i64, scratch_operands = 0 : i64, tpu.core_type = #tpu.core_type<tc>, window_params = [{transform_indices = @transform_0, window_bounds = array<i64: 4, 1, 576>}, {transform_indices = @transform_1, window_bounds = array<i64: 4, 576, 1024>}, {transform_indices = @transform_2, window_bounds = array<i64: 4, 1, 1024>}]} {
    %get3A = arith.constant 0 : index
    %get3A_0 = arith.constant 0 : index
    %get3A_1 = arith.constant 0 : index
    %get3A_2 = vector.load %arg1[%get3A, %get3A_0, %get3A_1] : memref<4x1x576xf32, #tpu.memory_space<vmem>>, vector<4x1x576xf32>
    %get3A_3 = vector.shape_cast %get3A_2 : vector<4x1x576xf32> to vector<4x576xf32>
    %reduce_sum3A = arith.constant dense<0.000000e+00> : vector<4xf32>
    %reduce_sum3A_4 = vector.multi_reduction <add>, %get3A_3, %reduce_sum3A [1] : vector<4x576xf32> to vector<4xf32>
    %broadcast_in_dim3A = vector.shape_cast %reduce_sum3A_4 : vector<4xf32> to vector<4x1xf32>
    %gt3A = arith.constant 0.000000e+00 : f32
    %gt3A_5 = vector.broadcast %gt3A : f32 to vector<4x1xf32>
    %gt3A_6 = arith.cmpf ogt, %broadcast_in_dim3A, %gt3A_5 : vector<4x1xf32>
    %jit3A = arith.constant 1.000000e+00 : f32
    %broadcast_in_dim3A_7 = vector.broadcast %jit3A : f32 to vector<4x1xf32>
    %select_n3A = arith.select %gt3A_6, %broadcast_in_dim3A, %broadcast_in_dim3A_7 : vector<4x1xi1>, vector<4x1xf32>
    %get3A_8 = arith.constant 0 : index
    %get3A_9 = arith.constant 0 : index
    %get3A_10 = arith.constant 0 : index
    %get3A_11 = vector.load %arg2[%get3A_8, %get3A_9, %get3A_10] : memref<4x576x1024xf32, #tpu.memory_space<vmem>>, vector<4x576x1024xf32>
    %broadcast_in_dim3A_12 = vector.shape_cast %get3A_3 : vector<4x576xf32> to vector<4x576x1xf32>
    %mul3A = vector.broadcast %broadcast_in_dim3A_12 : vector<4x576x1xf32> to vector<4x576x1024xf32>
    %mul3A_13 = arith.mulf %get3A_11, %mul3A : vector<4x576x1024xf32>
    %reduce_sum3A_14 = arith.constant dense<0.000000e+00> : vector<4x1024xf32>
    %reduce_sum3A_15 = vector.multi_reduction <add>, %mul3A_13, %reduce_sum3A_14 [1] : vector<4x576x1024xf32> to vector<4x1024xf32>
    %div3A = vector.broadcast %select_n3A : vector<4x1xf32> to vector<4x1024xf32>
    %div3A_16 = arith.divf %reduce_sum3A_15, %div3A : vector<4x1024xf32>
    %swap3A = arith.constant 0 : index
    %swap3A_17 = arith.constant 0 : index
    %swap3A_18 = arith.constant 0 : index
    %swap3A_19 = vector.load %arg3[%swap3A, %swap3A_17, %swap3A_18] : memref<4x1x1024xf32, #tpu.memory_space<vmem>>, vector<4x1x1024xf32>
    %swap3A_20 = vector.shape_cast %swap3A_19 : vector<4x1x1024xf32> to vector<4x1024xf32>
    %swap3A_21 = vector.shape_cast %div3A_16 : vector<4x1024xf32> to vector<4x1x1024xf32>
    tpu.vector_store %arg3[%swap3A, %swap3A_17, %swap3A_18], %swap3A_21 {strides = array<i32>} : memref<4x1x1024xf32, #tpu.memory_space<vmem>>, vector<4x1x1024xf32>,
    return
  }
  func.func @transform_0(%arg0: i32) -> (i32, i32, i32) {
    %add3A = arith.constant 16 : i32
    %add3A_0 = arith.addi %add3A, %arg0 : i32
    %c0_i32 = arith.constant 0 : i32
    %c0_i32_1 = arith.constant 0 : i32
    %c0_i32_2 = arith.constant 0 : i32
    return %add3A_0, %c0_i32, %c0_i32_1 : i32, i32, i32
  }
  func.func @transform_1(%arg0: i32) -> (i32, i32, i32) {
    %add3A = arith.constant 16 : i32
    %add3A_0 = arith.addi %add3A, %arg0 : i32
    %c0_i32 = arith.constant 0 : i32
    %c0_i32_1 = arith.constant 0 : i32
    %c0_i32_2 = arith.constant 0 : i32
    return %add3A_0, %c0_i32, %c0_i32_1 : i32, i32, i32
  }
  func.func @transform_2(%arg0: i32) -> (i32, i32, i32) {
    %c0_i32 = arith.constant 0 : i32
    %c0_i32_0 = arith.constant 0 : i32
    %c0_i32_1 = arith.constant 0 : i32
    return %arg0, %c0_i32, %c0_i32_0 : i32, i32, i32
  }
}

module attributes {stable_mosaic.version = 14 : i64} {
  func.func @_mm_kernel(%arg0: i32, %arg1: memref<128x1024xf32, #tpu.memory_space<vmem>>, %arg2: memref<1024x1024xf32, #tpu.memory_space<vmem>>, %arg3: memref<1x1024xf32, #tpu.memory_space<vmem>>, %arg4: memref<128x1024xf32, #tpu.memory_space<vmem>>) attributes {dimension_semantics = [#tpu.dimension_semantics<arbitrary>], iteration_bounds = array<i64: 4>, scalar_prefetch = 0 : i64, scratch_operands = 0 : i64, tpu.core_type = #tpu.core_type<tc>, window_params = [{pipeline_mode = #tpu.pipeline_mode<synchronous>, transform_indices = @transform_0, window_bounds = array<i64: 128, 1024>}, {transform_indices = @transform_1, window_bounds = array<i64: 1024, 1024>}, {transform_indices = @transform_2, window_bounds = array<i64: 1, 1024>}, {transform_indices = @transform_3, window_bounds = array<i64: 128, 1024>}]} {
    %get3A = arith.constant 0 : index
    %get3A_0 = arith.constant 0 : index
    %get3A_1 = vector.load %arg1[%get3A, %get3A_0] : memref<128x1024xf32, #tpu.memory_space<vmem>>, vector<128x1024xf32>
    %get3A_2 = arith.constant 0 : index
    %get3A_3 = arith.constant 0 : index
    %get3A_4 = vector.load %arg2[%get3A_2, %get3A_3] : memref<1024x1024xf32, #tpu.memory_space<vmem>>, vector<1024x1024xf32>
    %dot_general3A = arith.constant dense<0.000000e+00> : vector<128x1024xf32>
    %dot_general3A_5 = tpu.matmul %get3A_1, %get3A_4, %dot_general3A {dimension_numbers = #tpu.dot_dimension_numbers<[1], [0], [0], [1], [0, 0, 1, 1], [], []>, transpose_lhs_hint = false} : vector<128x1024xf32>, vector<1024x1024xf32>, vector<128x1024xf32> -> vector<128x1024xf32>
    %get3A_6 = arith.constant 0 : index
    %get3A_7 = arith.constant 0 : index
    %get3A_8 = vector.load %arg3[%get3A_6, %get3A_7] : memref<1x1024xf32, #tpu.memory_space<vmem>>, vector<1x1024xf32>
    %add3A = vector.broadcast %get3A_8 : vector<1x1024xf32> to vector<128x1024xf32>
    %add3A_9 = arith.addf %dot_general3A_5, %add3A : vector<128x1024xf32>
    %swap3A = arith.constant 0 : index
    %swap3A_10 = arith.constant 0 : index
    %swap3A_11 = vector.load %arg4[%swap3A, %swap3A_10] : memref<128x1024xf32, #tpu.memory_space<vmem>>, vector<128x1024xf32>
    tpu.vector_store %arg4[%swap3A, %swap3A_10], %add3A_9 {strides = array<i32>} : memref<128x1024xf32, #tpu.memory_space<vmem>>, vector<128x1024xf32>,
    return
  }
  func.func @transform_0(%arg0: i32) -> (i32, i32) {
    %c0_i32 = arith.constant 0 : i32
    %c0_i32_0 = arith.constant 0 : i32
    %c0_i32_1 = arith.constant 0 : i32
    return %c0_i32, %c0_i32_0 : i32, i32
  }
  func.func @transform_1(%arg0: i32) -> (i32, i32) {
    %c0_i32 = arith.constant 0 : i32
    %c0_i32_0 = arith.constant 0 : i32
    return %c0_i32, %arg0 : i32, i32
  }
  func.func @transform_2(%arg0: i32) -> (i32, i32) {
    %c0_i32 = arith.constant 0 : i32
    %c0_i32_0 = arith.constant 0 : i32
    return %c0_i32, %arg0 : i32, i32
  }
  func.func @transform_3(%arg0: i32) -> (i32, i32) {
    %c0_i32 = arith.constant 0 : i32
    %c0_i32_0 = arith.constant 0 : i32
    return %c0_i32, %arg0 : i32, i32
  }
}

</mosaic_0001>

<sc_bundles>
// kernel: kernel.5.cloned.1.call-start
scs
__scs_entry_jumppad:
0x0: {  	(pc) =	sbr.rel $0x88, $3  }
0x1: {  	(tag) =	ssettag $0x0;
	lr =	simm.s32 $0x1  }
0x2: {  	[smem:$0x3F9D] =	sst lr;
	_ =	strace $0xD0000000  }
0x3: {  	_ = 	snop  }
0x4: {  	_ = 	snop  }
0x5: {  	_ = 	snop  }
0x6: {  	_ = 	snop  }
0x7: {  	_ = 	snop  }
__scs_overlays_trampoline_lowered:
0x8: {  	[smem:$0x3FAC] =	sst s0  }
0x9: {  	[smem:$0x3FAD] =	sst s1  }
0xa: {  	[smem:$0x3FAE] =	sst s2  }
0xb: {  	[smem:$0x3FAF] =	sst s3  }
0xc: {  	[smem:$0x3FB0] =	sst s4  }
0xd: {  	[smem:$0x3FB1] =	sst s5  }
0xe: {  	[smem:$0x3FB2] =	sst s6  }
0xf: {  	[smem:$0x3FB3] =	sst s7  }
0x10: {  	[smem:$0x3FB4] =	sst s8  }
0x11: {  	[smem:$0x3FB5] =	sst s9;
	s0 =	simm.s32 @!p0 $0x0  }
0x12: {  	s1 =	sld [smem:$0x3F9B];
	s0 =	simm.s32 @p0 $0x1  }
0x13: {  	[smem:$0x3FB6] =	sst s0;
	s0 =	simm.s32 @!p1 $0x0  }
0x14: {  	s2 =	sld [smem:$0x3F9A];
	s0 =	simm.s32 @p1 $0x1  }
0x15: {  	[smem:$0x3FB7] =	sst s0;
	s0 =	simm.s32 @!p2 $0x0  }
0x16: {  	s3 =	sld [smem:$0x3FDB];
	s0 =	simm.s32 @p2 $0x1  }
0x17: {  	s4 =	simm.s32 $0x1BF5;
	[smem:$0x3FB9] =	sst s0  }
0x18: {  	s0 =	sld [smem:$0x3F9C];
	_ =	swait.ge [sflag:s4], $0x0  }
0x19: {  	s7 =	sld [smem:$0x3F9D]  }
0x1a: {  	s8 =	sadd.s32 $0xFFFFE003, lr  }
0x1b: {  	s9 =	sadd.s32 $0xFFFFFEF7, lr;
	s5 =	simm.s32 $0xFFFFFFFF;
	p2 =	slt.u32 s8, $0xFFFFF086  }
0x1c: {  	p1 =	slt.u32 s9, $0xF7A;
	s5 =	simm.s32 @!p2 $0x0  }
0x1d: {  	s5 =	simm.s32 @p1 $0x1;
	p0 =	seq.s32 s7, s2  }
0x1e: {  	s7 =	smul.u32 @!p0 $0xF7A, s2;
	p2 =	seq.s32 @!p0 s5, $0x0  }
0x1f: {  	s9 =	smul.u32 $0xF7A, s1;
	s8 =	simm.s32 @!p0 $0x1BF5;
	p2 =	por !p2, p0  }
0x20: {  	[sflag:s8] =	ssyncset.s32 @!p0 $0xFFFFF086;
	s6 =	sadd.s32 @!p0 s3, s7;
	s7 =	simm.s32 @!p0 $0x108  }
0x21: {  	s3 =	sadd.s32 s3, s9;
	s6 =	sadd.s32 @!p0 $0x88, s6;
	s7 =	simm.s32 @p2 $0x1082  }
0x22: {  	[simem:s7], [sflag:s8] =	dma.local @!p0 [hbm:s6], $0xF7A  }
0x23: {  	s9 =	sor.u32 $0xD0000000, s2;
	s6 =	simm.s32 $0x108;
	_ =	swait.ge @!p0 [sflag:s8], $0x0  }
0x24: {  	s3 =	sadd.s32 $0x88, s3;
	s6 =	simm.s32 @!p1 $0x1082;
	[sflag:s4] =	ssyncset.s32 $0xFFFFF086  }
0x25: {  	[simem:s6], [sflag:s4] =	dma.local [hbm:s3], $0xF7A  }
0x26: {  	[smem:$0x3F9D] =	sst s1;
	(tag) =	ssettag s2;
	_ =	strace s9  }
0x27: {  	s1 =	sld [smem:$0x3FAD]  }
0x28: {  	s2 =	sld [smem:$0x3FAE]  }
0x29: {  	s4 =	sld [smem:$0x3FB0]  }
0x2a: {  	p0 =	seq.s32 s5, $0x0;
	s5 =	sld [smem:$0x3FB1]  }
0x2b: {  	s6 =	sld [smem:$0x3FB2]  }
0x2c: {  	s7 =	sld [smem:$0x3FB3]  }
0x2d: {  	s3 =	simm.s32 $0x108;
	s8 =	sld [smem:$0x3FB4]  }
0x2e: {  	s3 =	simm.s32 @!p0 $0x1082;
	s9 =	sld [smem:$0x3FB5]  }
0x2f: {  	lr =	sadd.s32 s0, s3;
	s0 =	sld [smem:$0x3FAC]  }
0x30: {  	s3 =	sld [smem:$0x3FAF]  }
0x31: {  	[smem:$0x3FB8] =	sst s10  }
0x32: {  	s10 =	sld [smem:$0x3FB6];
	_ =	sdelay $0x3  }
0x33: {  	p0 =	seq.s32 s10, $0x1;
	s10 =	sld [smem:$0x3FB8];
	_ =	sdelay $0x3  }
0x34: {  	[smem:$0x3FB8] =	sst s10  }
0x35: {  	s10 =	sld [smem:$0x3FB7];
	_ =	sdelay $0x3  }
0x36: {  	p1 =	seq.s32 s10, $0x1;
	s10 =	sld [smem:$0x3FB8];
	_ =	sdelay $0x3  }
0x37: {  	[smem:$0x3FB8] =	sst s10  }
0x38: {  	s10 =	sld [smem:$0x3FB9]  }
0x39: {  	_ = 	snop;
	(pc) =	sbr.ind lr, $3  }
0x3a: {  	_ = 	snop  }
0x3b: {  	_ = 	snop  }
0x3c: {  	p2 =	seq.s32 s10, $0x1;
	s10 =	sld [smem:$0x3FB8]  }
0x3d: {  	_ =	shalt  }
0x3e: {  	_ =	shalt  }
0x3f: {  	_ =	shalt  }
0x40: {  	_ =	shalt  }
0x41: {  	_ =	shalt  }
0x42: {  	_ =	shalt  }
0x43: {  	_ =	shalt  }
0x44: {  	_ =	shalt  }
0x45: {  	_ =	shalt  }
0x46: {  	_ =	shalt  }
0x47: {  	_ =	shalt  }
0x48: {  	_ =	shalt  }
0x49: {  	_ =	shalt  }
0x4a: {  	_ =	shalt  }
0x4b: {  	_ =	shalt  }
0x4c: {  	_ =	shalt  }
0x4d: {  	_ =	shalt  }
0x4e: {  	_ =	shalt  }
0x4f: {  	_ =	shalt  }
0x50: {  	_ =	shalt  }
0x51: {  	_ =	shalt  }
0x52: {  	_ =	shalt  }
0x53: {  	_ =	shalt  }
0x54: {  	_ =	shalt  }
0x55: {  	_ =	shalt  }
0x56: {  	_ =	shalt  }
0x57: {  	_ =	shalt  }
0x58: {  	_ =	shalt  }
0x59: {  	_ =	shalt  }
0x5a: {  	_ =	shalt  }
0x5b: {  	_ =	shalt  }
0x5c: {  	_ =	shalt  }
0x5d: {  	_ =	shalt  }
0x5e: {  	_ =	shalt  }
0x5f: {  	_ =	shalt  }
0x60: {  	_ =	shalt  }
0x61: {  	_ =	shalt  }
0x62: {  	_ =	shalt  }
0x63: {  	_ =	shalt  }
0x64: {  	_ =	shalt  }
0x65: {  	_ =	shalt  }
0x66: {  	_ =	shalt  }
0x67: {  	_ =	shalt  }
0x68: {  	_ =	shalt  }
0x69: {  	_ =	shalt  }
0x6a: {  	_ =	shalt  }
0x6b: {  	_ =	shalt  }
0x6c: {  	_ =	shalt  }
0x6d: {  	_ =	shalt  }
0x6e: {  	_ =	shalt  }
0x6f: {  	_ =	shalt  }
0x70: {  	_ =	shalt  }
0x71: {  	_ =	shalt  }
0x72: {  	_ =	shalt  }
0x73: {  	_ =	shalt  }
0x74: {  	_ =	shalt  }
0x75: {  	_ =	shalt  }
0x76: {  	_ =	shalt  }
0x77: {  	_ =	shalt  }
0x78: {  	_ =	shalt  }
0x79: {  	_ =	shalt  }
0x7a: {  	_ =	shalt  }
0x7b: {  	_ =	shalt  }
0x7c: {  	_ =	shalt  }
0x7d: {  	_ =	shalt  }
0x7e: {  	_ =	shalt  }
0x7f: {  	_ =	shalt  }
0x80: {  	_ =	shalt  }
0x81: {  	_ =	shalt  }
0x82: {  	_ =	shalt  }
0x83: {  	_ =	shalt  }
0x84: {  	_ =	shalt  }
0x85: {  	_ =	shalt  }
0x86: {  	_ =	shalt  }
0x87: {  	_ =	shalt  }
.Lfunc_end0:
.L_simem_size_0:
called_computation_lowered:
.L_overlay_start_0:
0x88: {  	s2 =	sld [smem:$0x3FD9]  }
0x89: {  	s3 =	sld [smem:$0x3FFE];
	_ =	sdelay $0x1  }
0x8a: {  	s1 =	srdreg.scid  }
0x8b: {  	s0 =	sand.u32 $0x1, s1  }
0x8c: {  	s17 =	sshll.u32 s0, $0xA;
	s2 =	sadd.s32 s3, s2  }
0x8d: {  	s2 =	sadd.s32 s2, s17  }
0x8e: {  	[smem:$0x3FC4] =	sst s2  }
0x8f: {  	_ = 	snop  }
0x90: {  	s2 =	sld [smem:$0x3FC8];
	(tm) =	ssettm $0x1  }
0x91: {  	s18 =	sld [smem:$0x3FFB];
	_ =	sdelay $0x3  }
0x92: {  	_ =	strace s18  }
0x93: {  	s3 =	sld [smem:$0x3FFC];
	_ =	sdelay $0x3  }
0x94: {  	_ =	strace s3  }
0x95: {  	s3 =	sld [smem:$0x3FFD];
	_ =	sdelay $0x3  }
0x96: {  	_ =	strace s3  }
0x97: {  	_ =	strace $0x8FFFFFFF  }
0x98: {  	s19 =	sld [smem:$0x3FDB];
	_ =	sdelay $0x1  }
0x99: {  	s4 =	simm.s32 $_scs_section_size  }
0x9a: {  	s5 =	simm.s32 $_size__tile_overlayer_lowered;
	s6 =	simm.s32 $_tile_overlayer_lowered  }
0x9b: {  	s22 =	simm.s32 $0x1BFF;
	s21 =	sshll.u32 s6, $0x1;
	s3 =	sadd.s32 s4, s19  }
0x9c: {  	s7 =	simm.s32 $0x0;
	s20 =	sshll.u32 s5, $0x1;
	s5 =	sadd.s32 s21, s3  }
0x9d: {  	[timem:s7], [sflag:s22] =	dma.local [hbm:s5], s20  }
0x9e: {  	_ =	swait.ge [sflag:s22], s20  }
0x9f: {  	s4 =	ssub.s32 $0x0, s20;
	[sflag:s22] =	ssyncset.done $0x0  }
0xa0: {  	[sflag:s22] =	ssyncadd.s32 s4;
	_ =	sdelay $0x1  }
0xa1: {  	s23 =	simm.s32 $0x1B8B  }
0xa2: {  	_ =	swait.ge [sflag:s23], $0x1  }
0xa3: {  	[sflag:s23] =	ssyncset.done $0x0  }
0xa4: {  	s25 =	simm.s32 $0x1B8E;
	s24 =	sld [smem:$0x3FFE];
	[sflag:s23] =	ssyncadd.s32 $0xFFFFFFFF  }
0xa5: {  	s26 =	simm.s32 $execute0_lowered;
	[smem:$0x3FD2] =	sst s25  }
0xa6: {  	s5 =	sshll.u32 s26, $0x1;
	_ =	strace $0x80000046;
	[dreg:$0x1] =	wrdreg $0xFFFFFFFF  }
0xa7: {  	s28 =	simm.s32 $_size_execute0_lowered;
	s3 =	sadd.s32 s3, s5;
	[dreg:$0x0] =	wrdreg $0x0  }
0xa8: {  	s5 =	sshll.u32 s28, $0x1;
	[dreg:$0x2] =	wrdreg s3  }
0xa9: {  	[dreg:$0x3] =	wrdreg s5  }
0xaa: {  	[dreg:$0x4] =	wrdreg $0xC0  }
0xab: {  	_ =	task [dreg:s7], $0x5FFFF  }
0xac: {  	[dreg:$0x1] =	wrdreg $0xFFFFFFFF  }
0xad: {  	[dreg:$0x0] =	wrdreg $0x60  }
0xae: {  	[dreg:$0x2] =	wrdreg s24  }
0xaf: {  	[dreg:$0x3] =	wrdreg s2  }
0xb0: {  	[dreg:$0x4] =	wrdreg $0x9  }
0xb1: {  	_ =	task.clear_ibuf [dreg:s7], $0x5FFFF;
	_ =	strace $0x90000046  }
0xb2: {  	s29 =	simm.s32 $0x9;
	_ =	strace $0x80000048  }
0xb3: {  	_ =	swait.ge [sflag:s29], $0x1  }
0xb4: {  	[sflag:s29] =	ssyncadd.s32 $0xFFFFFFFF  }
0xb5: {  	_ =	strace $0x90000048  }
0xb6: {  	_ =	sfence  }
0xb7: {  	s30 =	sld [smem:$0x0];
	_ =	sdelay $0x2  }
0xb8: {  	s31 =	sshll.u32 s1, $0xD;
	s1 =	sshrl.u32 s1, $0x2  }
0xb9: {  	s3 =	sand.u32 $0x4000, s31;
	s1 =	sadd.s32 s1, s30  }
0xba: {  	s0 =	sor.u32 s3, s0;
	s1 =	sshll.u32 s1, $0x11  }
0xbb: {  	s0 =	sor.u32 s1, s0  }
0xbc: {  	s0 =	sadd.s32 $0x8F2B, s0  }
0xbd: {  	[sflag:s0] =	ssyncadd.remote.s32 $0x1  }
0xbe: {  	_ =	sfence.sel $0xFFFF  }
0xbf: {  	[dreg:$0x0] =	wrdreg $0xFFFFFFFF;
	(pc) =	sbr.abs _section_cstart, $3  }
0xc0: {  	[dreg:$0x1] =	wrdreg $0xFFFFFFFF  }
0xc1: {  	_ =	task.clear_ibuf [dreg:s7], $0x2FFFF;
	_ =	strace $0x9FFFFFFF  }
0xc2: {  	(tm) =	ssettm $0x7FFFFFFF  }
0xc3: {  	_ =	shalt  }
tec
execute0_lowered:
.L_overlay_start_1:
0x0: {  	(tag) =	ssettag $0x1  }
0x1: {  	v0 =	vimm.s32 $0x0;
	v1 =	vimm.s32 $0x65432100;
	v2 =	vimm.s32 $0xEDCBA987  }
0x2: {  	s0 =	rddreg [dreg:$0x0];
	s1 =	srdreg.scid;
	v4 =	vimm.s32 $0xDCBA9876;
	v5 =	vimm.s32 $0x54321000;
	v6 =	vimm.s32 $0xBA987654  }
0x3: {  	s6 =	stileid.u32;
	s15 =	rddreg [dreg:$0x1];
	v7 =	vimm.s32 $0xE40000;
	v8 =	vimm.s32 $0x32100000;
	vm0 =	vmmov $0x3  }
0x4: {  	s3 =	simm.s32 $0x0;
	vm1 =	vmmov $0xf;
	vm2 =	vcmask $0x3F30;
	vm3 =	vmmov $0xffff;
	s1 =	sand.u32 $0x1, s1;
	s2 =	sshll.u32 s6, $0x1  }
0x5: {  	[smem:$0x7FF] =	sst s3;
	s4 =	sshll.u32 s6, $0x9;
	v3 =	vunpack.c.l.s4.s8 v1;
	v2 =	vunpack.c.l.s4.s8 v2;
	v1 =	vlaneseq.u32;
	s26 =	sadd.s32 $0x100, s15  }
0x6: {  	v4 =	vunpack.c.l.s4.s8 v4;
	v5 =	vunpack.c.l.s4.s8 v5;
	s28 =	sadd.s32 $0x200, s15;
	s29 =	sadd.s32 $0x300, s15;
	v6 =	vunpack.c.l.s4.s8 v6;
	s30 =	sshll.u32 s6, $0x2  }
0x7: {  	v7 =	vunpack.c.l.s2.s4 v7;
	v8 =	vunpack.c.l.s4.s8 v8;
	s2 =	sor.u32 s1, s2;
	_ =	strace $0x80000047;
	[dreg:$0xb] =	wrdreg s26;
	v9 =	vshrl.u32 v1, $0x3  }
0x8: {  	s4 =	sand.u32 $0x1C00, s4;
	[dreg:$0xc] =	wrdreg s28;
	v10 =	vor.u32 $0x8, v1;
	s23 =	smul.u32 $0x90, s2;
	v2 =	vunpack.c.0.s8.s32 v2;
	v4 =	vunpack.c.0.s8.s32 v4  }
0x9: {  	s5 =	ssub.s32 $0x2, s1;
	[dreg:$0xd] =	wrdreg s29;
	v3 =	vunpack.c.0.s8.s32 v3;
	s2 =	sshll.u32 s2, $0x1;
	v5 =	vunpack.c.0.s8.s32 v5;
	v6 =	vunpack.c.0.s8.s32 v6  }
0xa: {  	s24 =	sshrl.u32 s5, $0x1;
	v7 =	vunpack.c.l.s4.s8 v7;
	[dreg:$0x9] =	wrdreg s2;
	s3 =	sadd.s32 s23, s0;
	v2 =	vand.u32 $0xF, v2;
	v4 =	vand.u32 $0xF, v4  }
.Ltmp0:
0xb: {  	s0 =	sadd.s32 s4, s0;
	s25 =	sadd.s32 $0xC00, s3;
	v2 =	vcombine.low v3, v2;
	v3 =	vcombine.low v5, v4;
	v4 =	vunpack.c.0.s8.s32 v8;
	(pc) =	sbr.rel .LBB2_1-.Ltmp0, $4  }
0xc: {  	s4 =	ssub.s32 s5, s24;
	v7 =	vunpack.c.0.s8.s32 v7;
	s0 =	sadd.s32 $0x3000, s0;
	v5 =	vand.u32 $0xF, v6;
	v6 =	vimm.s32 $0x7060504;
	[dreg:$0xa] =	wrdreg s25  }
0xd: {  	s1 =	sshll.u32 s1, $0x1;
	v9 =	vmul.u32 $0x8, v9;
	s31 =	smax.u32 s4, $0x1;
	[dreg:$0xe] =	wrdreg s0;
	v4 =	vcombine.low v4, v5;
	v5 =	vunpack.c.0.s8.s32 v6  }
0xe: {  	v8 =	vand.u32 $0x7, v1;
	[dreg:$0xf] =	wrdreg s31;
	s0 =	sor.u32 s1, s30;
	v6 =	vand.u32 $0x3, v7;
	v7 =	vimm.f32 $0.0e+00  }
0xf: {  	s9 =	simm.s32 $0x480;
	s1 =	simm.s32 $0x0;
	[dreg:$0x10] =	wrdreg s0;
	v5 =	vsel vm2, v5, v6;
	vm2 =	vmmov $0xff;
	v6 =	vor.u32 $0x240, v1  }
.LBB2_50:
0x10: {  	s1 =	rddreg [dreg:$0x11]  }
0x11: {  	s0 =	rddreg [dreg:$0xf];
	s1 =	sadd.s32 $0x1, s1  }
0x12: {  	p0 =	sne.s32 s1, s0  }
.Ltmp1:
0x13: {  	_ = 	snop;
	(pc) =	sbr.rel @!p0 .LBB2_51-.Ltmp1, $1  }
0x14: {  	_ =	sdelay $0x3  }
.LBB2_1:
0x15: {  	[dreg:$0x11] =	wrdreg s1  }
0x16: {  	s0 =	simm.s32 $0x0;
	s30 =	rddreg [dreg:$0xa];
	s31 =	simm.s32 $0x5  }
0x17: {  	[tilespmem:s0], [sflag:$0x5] =	stream.linear.gather [hbm4b:s30+s0], $0x480, $0x38;
	[tilespmem:$0x18B00] =	vst v63  }
0x18: {  	_ =	swait.ge [sflag:s31], $0x480  }
0x19: {  	[sflag:s31] =	ssyncset.done $0x0  }
0x1a: {  	[sflag:s31] =	ssyncadd.s32 $0xFFFFFB80  }
0x1b: {  	[tilespmem:$0x480] =	vst v0  }
0x1c: {  	[tilespmem:$0x490] =	vst v0  }
0x1d: {  	[tilespmem:$0x4A0] =	vst v0  }
0x1e: {  	[tilespmem:$0x4B0] =	vst v0  }
0x1f: {  	[tilespmem:$0x4C0] =	vst v0  }
0x20: {  	[tilespmem:$0x4D0] =	vst v0  }
0x21: {  	[tilespmem:$0x4E0] =	vst v0  }
0x22: {  	[tilespmem:$0x4F0] =	vst v0  }
0x23: {  	[tilespmem:$0x500] =	vst v0  }
0x24: {  	[tilespmem:$0x510] =	vst v0  }
0x25: {  	[tilespmem:$0x520] =	vst v0  }
0x26: {  	[tilespmem:$0x530] =	vst v0  }
0x27: {  	[tilespmem:$0x540] =	vst v0  }
0x28: {  	[tilespmem:$0x550] =	vst v0  }
0x29: {  	[tilespmem:$0x560] =	vst v0  }
0x2a: {  	[tilespmem:$0x570] =	vst v0  }
0x2b: {  	[tilespmem:$0x580] =	vst v0  }
0x2c: {  	[tilespmem:$0x590] =	vst v0  }
0x2d: {  	[tilespmem:$0x5A0] =	vst v0  }
0x2e: {  	[tilespmem:$0x5B0] =	vst v0  }
0x2f: {  	[tilespmem:$0x5C0] =	vst v0  }
0x30: {  	[tilespmem:$0x5D0] =	vst v0  }
0x31: {  	[tilespmem:$0x5E0] =	vst v0  }
0x32: {  	[tilespmem:$0x5F0] =	vst v0  }
0x33: {  	[tilespmem:$0x600] =	vst v0  }
0x34: {  	[tilespmem:$0x610] =	vst v0  }
0x35: {  	[tilespmem:$0x620] =	vst v0  }
0x36: {  	[tilespmem:$0x630] =	vst v0  }
0x37: {  	[tilespmem:$0x640] =	vst v0  }
0x38: {  	[tilespmem:$0x650] =	vst v0  }
0x39: {  	[tilespmem:$0x660] =	vst v0  }
0x3a: {  	[tilespmem:$0x670] =	vst v0  }
0x3b: {  	[tilespmem:$0x680] =	vst v0  }
0x3c: {  	[tilespmem:$0x690] =	vst v0  }
0x3d: {  	[tilespmem:$0x6A0] =	vst v0  }
0x3e: {  	[tilespmem:$0x6B0] =	vst v0  }
0x3f: {  	p1 =	por $0x1, $0x1;
	s1 =	simm.s32 $0x0;
	[tilespmem:$0x6C0] =	vst v0  }
.LBB2_2:
0x40: {  	s0 =	smul.u32 $0x900, s1;
	_ =	sdelay $0x1  }
0x41: {  	s0 =	sshra.s32 s0, $0x2  }
0x42: {  	v11 =	vmov s0;
	_ =	sdelay $0x3  }
0x43: {  	s30 =	simm.s32 $0x0  }
0x44: {  	v12 =	vld.idx.msk [tilespmem:v11+s30+$0x0 ss:$0x1], $0xffff;
	_ =	sdelay $0x4  }
0x45: {  	v13 =	vperm.xlane v12, v2  }
0x46: {  	vm4 =	veq.s32 v1, $0x0  }
0x47: {  	v13 =	vsel vm4, $0x0, v13  }
0x48: {  	v13 =	vadd.s32 v12, v13  }
0x49: {  	v14 =	vperm.xlane v13, v3;
	_ =	sdelay $0x1  }
0x4a: {  	v14 =	vsel vm0, $0x0, v14  }
0x4b: {  	v13 =	vadd.s32 v14, v13  }
0x4c: {  	v14 =	vperm.xlane v13, v4;
	_ =	sdelay $0x1  }
0x4d: {  	v14 =	vsel vm1, $0x0, v14  }
0x4e: {  	s0 =	simm.s32 $0x0;
	v13 =	vadd.s32 v14, v13  }
0x4f: {  	v61 =	vmov s0;
	v15 =	vperm.xlane v13, v5  }
0x50: {  	v14 =	vadd.s32 $0xFFFFFFFF, v61  }
0x51: {  	v14 =	vbroadcast v14, $0x0;
	v15 =	vsel vm2, $0x0, v15  }
0x52: {  	v13 =	vadd.s32 v15, v13  }
0x53: {  	vm5 =	veq.s32 v12, $0x0;
	v62 =	vadd.s32 v13, v14;
	(v2sf) =	vpush v13, $0xF  }
0x54: {  	s2 =	rddreg [dreg:$0x10];
	v12 =	vsel vm5, v6, v62  }
0x55: {  	s2 =	sadd.s32 s1, s2  }
0x56: {  	s2 =	smul.u32 $0x240, s2  }
0x57: {  	s3 =	rddreg [dreg:$0x9]  }
0x58: {  	p0 =	por p1, p1;
	s4 =	simm.s32 $0x10;
	s31 =	sor.u32 s3, s1;
	v63 =	vor.u32 s2, v1  }
0x59: {  	s1 =	simm.s32 $0x40;
	s3 =	simm.s32 $0x80;
	[dreg:$0x12] =	wrdreg s31;
	[tilespmem:v12+s9+$0x0] =	vst.idx.msk $0xffff, v63  }
.LBB2_3:
0x5a: {  	p1 =	sne.s32 s3, $0x8C0;
	v12 =	vld.idx.msk [tilespmem:v11+s4+$0x0 ss:$0x1], $0xffff;
	_ =	sdelay $0x5  }
0x5b: {  	vm5 =	veq.s32 v12, $0x0;
	v13 =	vperm.xlane v12, v2;
	_ =	sdelay $0x1  }
0x5c: {  	v13 =	vsel vm4, $0x0, v13;
	s4 =	spop (v2sf)  }
0x5d: {  	v12 =	vadd.s32 v12, v13;
	s0 =	sadd.s32 s0, s4  }
0x5e: {  	v13 =	vperm.xlane v12, v3;
	v14 =	vmov s0  }
0x5f: {  	v14 =	vadd.s32 $0xFFFFFFFF, v14  }
0x60: {  	v13 =	vsel vm0, $0x0, v13;
	v14 =	vbroadcast v14, $0x0  }
0x61: {  	v12 =	vadd.s32 v13, v12  }
0x62: {  	v13 =	vperm.xlane v12, v4;
	_ =	sdelay $0x1  }
0x63: {  	v13 =	vsel vm1, $0x0, v13  }
0x64: {  	v12 =	vadd.s32 v13, v12  }
0x65: {  	v13 =	vperm.xlane v12, v5;
	_ =	sdelay $0x1  }
0x66: {  	v13 =	vsel vm2, $0x0, v13  }
0x67: {  	v12 =	vadd.s32 v13, v12  }
0x68: {  	v13 =	vadd.s32 v12, v14;
	(v2sf) =	vpush v12, $0xF  }
0x69: {  	v12 =	vsel vm5, v6, v13  }
.Ltmp2:
0x6a: {  	(pc) =	sbr.rel @p1 .LBB2_3-.Ltmp2, $4  }
0x6b: {  	_ = 	snop  }
0x6c: {  	s2 =	sadd.s32 $0x10, s2  }
0x6d: {  	v13 =	vor.u32 s2, v1  }
0x6e: {  	s4 =	sshra.s32 s3, $0x2;
	s3 =	sadd.s32 $0x40, s3;
	[tilespmem:v12+s9+$0x0] =	vst.idx.msk $0xffff, v13  }
0x6f: {  	_ =	sdelay $0x3  }
0x70: {  	v11 =	vld.idx.msk [tilespmem:v11+s4+$0x0 ss:$0x1], $0xffff;
	_ =	sdelay $0x4  }
0x71: {  	v12 =	vperm.xlane v11, v2  }
0x72: {  	vm4 =	veq.s32 v1, $0x0  }
0x73: {  	v12 =	vsel vm4, $0x0, v12  }
0x74: {  	v12 =	vadd.s32 v11, v12  }
0x75: {  	v13 =	vperm.xlane v12, v3;
	_ =	sdelay $0x1  }
0x76: {  	v13 =	vsel vm0, $0x0, v13  }
0x77: {  	v12 =	vadd.s32 v13, v12  }
0x78: {  	v13 =	vperm.xlane v12, v4;
	_ =	sdelay $0x1  }
0x79: {  	v13 =	vsel vm1, $0x0, v13  }
0x7a: {  	v12 =	vadd.s32 v13, v12  }
0x7b: {  	v13 =	vperm.xlane v12, v5;
	_ =	sdelay $0x1  }
0x7c: {  	v13 =	vsel vm2, $0x0, v13  }
0x7d: {  	v12 =	vadd.s32 v13, v12  }
0x7e: {  	(v2sf) =	vpush v12, $0xF;
	_ =	sdelay $0x3  }
0x7f: {  	s3 =	spop (v2sf)  }
0x80: {  	s0 =	sadd.s32 s0, s3  }
0x81: {  	v62 =	vmov s0  }
0x82: {  	v13 =	vadd.s32 $0xFFFFFFFF, v62  }
0x83: {  	v13 =	vbroadcast v13, $0x0;
	_ =	sdelay $0x1  }
0x84: {  	vm4 =	veq.s32 v11, $0x0;
	v11 =	vadd.s32 v12, v13  }
0x85: {  	v11 =	vsel vm4, v6, v11;
	_ =	sdelay $0x2  }
0x86: {  	s2 =	sadd.s32 $0x10, s2  }
0x87: {  	v63 =	vor.u32 s2, v1;
	s31 =	spop (v2sf)  }
0x88: {  	s2 =	simm.s32 $0x0;
	[tilespmem:v11+s9+$0x0] =	vst.idx.msk $0xffff, v63;
	s0 =	sadd.s32 s0, s31  }
.LBB2_5:
0x89: {  	p1 =	sne.s32 s1, $0xFC0;
	[tilespmem:s2+$0x700] =	vst v7;
	s2 =	smov.u32 s1;
	s1 =	sadd.s32 $0x40, s1  }
.Ltmp3:
0x8a: {  	(pc) =	sbr.rel @p1 .LBB2_5-.Ltmp3, $2  }
0x8b: {  	_ =	sdelay $0x2  }
0x8c: {  	s2 =	sshra.s32 s2, $0x2  }
0x8d: {  	s1 =	smulhi.u32 $0x2AAAAAAB, s0;
	s3 =	sshra.s32 s0, $0x1F  }
0x8e: {  	s3 =	smul.u32 $0x2AAAAAAB, s3;
	_ =	sdelay $0x1  }
0x8f: {  	s1 =	sadd.s32 s3, s1  }
0x90: {  	s3 =	sshrl.u32 s1, $0x1F;
	s1 =	sshra.s32 s1, $0x2  }
0x91: {  	s1 =	sadd.s32 s3, s1  }
0x92: {  	s3 =	smul.u32 $0xFFFFFFE8, s1  }
0x93: {  	s4 =	ssub.s32 $0x0, s0  }
0x94: {  	p1 =	slt.s32 s0, $0x1;
	p2 =	sne.s32 s3, s4  }
0x95: {  	p1 =	por !p1, !p2  }
0x96: {  	s3 =	simm.s32 $0x1;
	p1 =	por !p1, !p1  }
0x97: {  	s3 =	simm.s32 @!p1 $0x0  }
0x98: {  	s10 =	ssub.s32 s1, s3  }
0x99: {  	s1 =	smul.u32 $0xFFFFFFE8, s10;
	_ =	sdelay $0x1  }
0x9a: {  	s11 =	sadd.s32 s0, s1  }
0x9b: {  	s1 =	simm.s32 $0x1;
	p1 =	sgt.s32 s11, $0x0  }
0x9c: {  	s1 =	simm.s32 @!p1 $0x0  }
0x9d: {  	s12 =	sadd.s32 s1, s10  }
0x9e: {  	[tilespmem:s2+$0x700] =	vst v7;
	p1 =	slt.s32 s12, $0x1  }
0x9f: {  	v11 =	vld @!p1 [tilespmem:$0x480];
	_ =	sdelay $0x4  }
0xa0: {  	v12 =	vshll.u32 @!p1 v11, $0x3  }
0xa1: {  	v13 =	vlaneseq.u32 @!p1;
	v11 =	vand.u32 @!p1 $0x7, v11;
	v12 =	vand.u32 @!p1 $0xFFFFFFC0, v12  }
0xa2: {  	v14 =	vshrl.u32 @!p1 v13, $0x3;
	v11 =	vor.u32 @!p1 v11, v12;
	v12 =	vand.u32 @!p1 $0x7, v13  }
0xa3: {  	v14 =	vmul.u32 @!p1 $0x8, v14;
	v15 =	vperm.xlane @!p1 v11, v12;
	_ =	sdelay $0x1  }
0xa4: {  	v15 =	vadd.s32 @!p1 v14, v15;
	_ =	sdelay $0x3  }
0xa5: {  	vm4 =	vmmov @!p1 $0xffff;
	s1 =	simm.s32 @!p1 $0x0;
	s2 =	simm.s32 @!p1 $0xB00  }
0xa6: {  	v13 =	vor.u32 @!p1 $0x8, v13;
	[tilespmem:s2], [sflag:$0x1] =	stream.indirect_vreg.gather @!p1 [hbm4b:s15+s1], $0x80, v15, vm4, $0xb8;
	[tilespmem:$0x18B00] =	vst v63  }
0xa7: {  	s3 =	rddreg [dreg:$0xb];
	v11 =	vperm.xlane @!p1 v11, v13;
	s2 =	simm.s32 @!p1 $0x1300  }
0xa8: {  	[tilespmem:s2], [sflag:$0x1] =	stream.indirect_vreg.gather @!p1 [hbm4b:s3+s1], $0x80, v15, vm4, $0xb8;
	[tilespmem:$0x18B00] =	vst v63  }
0xa9: {  	s4 =	rddreg [dreg:$0xc];
	v11 =	vadd.s32 @!p1 v14, v11;
	s2 =	simm.s32 @!p1 $0x1B00  }
0xaa: {  	[tilespmem:s2], [sflag:$0x1] =	stream.indirect_vreg.gather @!p1 [hbm4b:s4+s1], $0x80, v15, vm4, $0xb8;
	[tilespmem:$0x18B00] =	vst v63  }
0xab: {  	s5 =	rddreg [dreg:$0xd];
	s2 =	simm.s32 @!p1 $0x2300  }
0xac: {  	[tilespmem:s2], [sflag:$0x1] =	stream.indirect_vreg.gather @!p1 [hbm4b:s5+s1], $0x80, v15, vm4, $0xb8;
	[tilespmem:$0x18B00] =	vst v63  }
0xad: {  	s2 =	simm.s32 @!p1 $0x2B00  }
0xae: {  	[tilespmem:s2], [sflag:$0x1] =	stream.indirect_vreg.gather @!p1 [hbm4b:s15+s1], $0x80, v11, vm4, $0xb8;
	[tilespmem:$0x18B00] =	vst v63  }
0xaf: {  	s2 =	simm.s32 @!p1 $0x3300  }
0xb0: {  	[tilespmem:s2], [sflag:$0x1] =	stream.indirect_vreg.gather @!p1 [hbm4b:s3+s1], $0x80, v11, vm4, $0xb8;
	[tilespmem:$0x18B00] =	vst v63  }
0xb1: {  	s2 =	simm.s32 @!p1 $0x3B00  }
0xb2: {  	[tilespmem:s2], [sflag:$0x1] =	stream.indirect_vreg.gather @!p1 [hbm4b:s4+s1], $0x80, v11, vm4, $0xb8;
	[tilespmem:$0x18B00] =	vst v63  }
0xb3: {  	s2 =	simm.s32 @!p1 $0x4300  }
0xb4: {  	[tilespmem:s2], [sflag:$0x1] =	stream.indirect_vreg.gather @!p1 [hbm4b:s5+s1], $0x80, v11, vm4, $0xb8;
	[tilespmem:$0x18B00] =	vst v63  }
0xb5: {  	v11 =	vld.msk @!p1 [tilespmem:$0x490], $0xff;
	_ =	sdelay $0x4  }
0xb6: {  	v13 =	vshll.u32 @!p1 v11, $0x3  }
0xb7: {  	v11 =	vand.u32 @!p1 $0x7, v11;
	v13 =	vand.u32 @!p1 $0xFFFFFFC0, v13  }
0xb8: {  	v11 =	vor.u32 @!p1 v11, v13  }
0xb9: {  	v11 =	vperm.xlane @!p1 v11, v12;
	_ =	sdelay $0x1  }
0xba: {  	v11 =	vadd.s32 @!p1 v14, v11;
	_ =	sdelay $0x3  }
0xbb: {  	s2 =	simm.s32 @!p1 $0x4B00  }
0xbc: {  	[tilespmem:s2], [sflag:$0x1] =	stream.indirect_vreg.gather @!p1 [hbm4b:s15+s1], $0x80, v11, vm4, $0xb8;
	[tilespmem:$0x18B00] =	vst v63  }
0xbd: {  	s2 =	simm.s32 @!p1 $0x5300  }
0xbe: {  	[tilespmem:s2], [sflag:$0x1] =	stream.indirect_vreg.gather @!p1 [hbm4b:s3+s1], $0x80, v11, vm4, $0xb8;
	[tilespmem:$0x18B00] =	vst v63  }
0xbf: {  	s2 =	simm.s32 @!p1 $0x5B00  }
0xc0: {  	[tilespmem:s2], [sflag:$0x1] =	stream.indirect_vreg.gather @!p1 [hbm4b:s4+s1], $0x80, v11, vm4, $0xb8;
	[tilespmem:$0x18B00] =	vst v63  }
0xc1: {  	p2 =	seq.s32 @!p1 s12, $0x1;
	s2 =	simm.s32 @!p1 $0x6300  }
0xc2: {  	[tilespmem:s2], [sflag:$0x1] =	stream.indirect_vreg.gather @!p1 [hbm4b:s5+s1], $0x80, v11, vm4, $0xb8;
	[tilespmem:$0x18B00] =	vst v63  }
0xc3: {  	p1 =	por p1, p2  }
0xc4: {  	v11 =	vld @!p1 [tilespmem:$0x498];
	_ =	sdelay $0x4  }
0xc5: {  	v12 =	vshll.u32 @!p1 v11, $0x3  }
0xc6: {  	v13 =	vlaneseq.u32 @!p1;
	v11 =	vand.u32 @!p1 $0x7, v11;
	v12 =	vand.u32 @!p1 $0xFFFFFFC0, v12  }
0xc7: {  	v14 =	vshrl.u32 @!p1 v13, $0x3;
	v11 =	vor.u32 @!p1 v11, v12;
	v12 =	vand.u32 @!p1 $0x7, v13  }
0xc8: {  	v14 =	vmul.u32 @!p1 $0x8, v14;
	v15 =	vperm.xlane @!p1 v11, v12;
	_ =	sdelay $0x1  }
0xc9: {  	v15 =	vadd.s32 @!p1 v14, v15;
	_ =	sdelay $0x3  }
0xca: {  	vm4 =	vmmov @!p1 $0xffff;
	s1 =	simm.s32 @!p1 $0x0;
	s2 =	simm.s32 @!p1 $0x6B00  }
0xcb: {  	v13 =	vor.u32 @!p1 $0x8, v13;
	[tilespmem:s2], [sflag:$0x2] =	stream.indirect_vreg.gather @!p1 [hbm4b:s15+s1], $0x80, v15, vm4, $0xb8;
	[tilespmem:$0x18B00] =	vst v63  }
0xcc: {  	v11 =	vperm.xlane @!p1 v11, v13;
	s2 =	simm.s32 @!p1 $0x7300  }
0xcd: {  	[tilespmem:s2], [sflag:$0x2] =	stream.indirect_vreg.gather @!p1 [hbm4b:s3+s1], $0x80, v15, vm4, $0xb8;
	[tilespmem:$0x18B00] =	vst v63  }
0xce: {  	v11 =	vadd.s32 @!p1 v14, v11;
	s2 =	simm.s32 @!p1 $0x7B00  }
0xcf: {  	[tilespmem:s2], [sflag:$0x2] =	stream.indirect_vreg.gather @!p1 [hbm4b:s4+s1], $0x80, v15, vm4, $0xb8;
	[tilespmem:$0x18B00] =	vst v63  }
0xd0: {  	s2 =	simm.s32 @!p1 $0x8300  }
0xd1: {  	[tilespmem:s2], [sflag:$0x2] =	stream.indirect_vreg.gather @!p1 [hbm4b:s5+s1], $0x80, v15, vm4, $0xb8;
	[tilespmem:$0x18B00] =	vst v63  }
0xd2: {  	s2 =	simm.s32 @!p1 $0x8B00  }
0xd3: {  	[tilespmem:s2], [sflag:$0x2] =	stream.indirect_vreg.gather @!p1 [hbm4b:s15+s1], $0x80, v11, vm4, $0xb8;
	[tilespmem:$0x18B00] =	vst v63  }
0xd4: {  	s2 =	simm.s32 @!p1 $0x9300  }
0xd5: {  	[tilespmem:s2], [sflag:$0x2] =	stream.indirect_vreg.gather @!p1 [hbm4b:s3+s1], $0x80, v11, vm4, $0xb8;
	[tilespmem:$0x18B00] =	vst v63  }
0xd6: {  	s2 =	simm.s32 @!p1 $0x9B00  }
0xd7: {  	[tilespmem:s2], [sflag:$0x2] =	stream.indirect_vreg.gather @!p1 [hbm4b:s4+s1], $0x80, v11, vm4, $0xb8;
	[tilespmem:$0x18B00] =	vst v63  }
0xd8: {  	s2 =	simm.s32 @!p1 $0xA300  }
0xd9: {  	[tilespmem:s2], [sflag:$0x2] =	stream.indirect_vreg.gather @!p1 [hbm4b:s5+s1], $0x80, v11, vm4, $0xb8;
	[tilespmem:$0x18B00] =	vst v63  }
0xda: {  	v11 =	vld.msk @!p1 [tilespmem:$0x4A8], $0xff;
	_ =	sdelay $0x4  }
0xdb: {  	v13 =	vshll.u32 @!p1 v11, $0x3  }
0xdc: {  	v11 =	vand.u32 @!p1 $0x7, v11;
	v13 =	vand.u32 @!p1 $0xFFFFFFC0, v13  }
0xdd: {  	v11 =	vor.u32 @!p1 v11, v13  }
0xde: {  	v11 =	vperm.xlane @!p1 v11, v12;
	_ =	sdelay $0x1  }
0xdf: {  	p2 =	sgt.s32 s0, $0x1;
	v11 =	vadd.s32 @!p1 v14, v11  }
0xe0: {  	s0 =	simm.s32 @!p2 $0x1  }
0xe1: {  	s0 =	scvt.s32.f32 s0;
	_ =	sdelay $0x1  }
0xe2: {  	v63 =	vmov s0;
	s0 =	simm.s32 @!p1 $0xAB00  }
0xe3: {  	[tilespmem:s0], [sflag:$0x2] =	stream.indirect_vreg.gather @!p1 [hbm4b:s15+s1], $0x80, v11, vm4, $0xb8;
	[tilespmem:$0x18B00] =	vst v63  }
0xe4: {  	s0 =	simm.s32 @!p1 $0xB300  }
0xe5: {  	[tilespmem:s0], [sflag:$0x2] =	stream.indirect_vreg.gather @!p1 [hbm4b:s3+s1], $0x80, v11, vm4, $0xb8;
	[tilespmem:$0x18B00] =	vst v63  }
0xe6: {  	(erf) = vrcp.f32 v63;
	s0 =	simm.s32 @!p1 $0xBB00  }
0xe7: {  	[tilespmem:s0], [sflag:$0x2] =	stream.indirect_vreg.gather @!p1 [hbm4b:s4+s1], $0x80, v11, vm4, $0xb8;
	[tilespmem:$0x18B00] =	vst v63  }
0xe8: {  	p2 =	slt.u32 @!p1 s12, $0x3;
	s0 =	simm.s32 @!p1 $0xC300  }
0xe9: {  	[tilespmem:s0], [sflag:$0x2] =	stream.indirect_vreg.gather @!p1 [hbm4b:s5+s1], $0x80, v11, vm4, $0xb8;
	[tilespmem:$0x18B00] =	vst v63  }
0xea: {  	p1 =	por p1, p2  }
.Ltmp4:
0xeb: {  	_ = 	snop;
	(pc) =	sbr.rel @p1 .LBB2_8-.Ltmp4, $2  }
0xec: {  	_ =	sdelay $0x2  }
0xed: {  	v11 =	vpop (erf)  }
0xee: {  	v12 =	vld [tilespmem:$0x4B0];
	_ =	sdelay $0x4  }
0xef: {  	v13 =	vshll.u32 v12, $0x3  }
0xf0: {  	v12 =	vand.u32 $0x7, v12;
	v13 =	vand.u32 $0xFFFFFFC0, v13  }
0xf1: {  	v12 =	vor.u32 v12, v13  }
0xf2: {  	v13 =	vperm.xlane v12, v8;
	_ =	sdelay $0x1  }
0xf3: {  	v13 =	vadd.s32 v9, v13;
	_ =	sdelay $0x3  }
0xf4: {  	s0 =	simm.s32 $0x0;
	s1 =	simm.s32 $0xCB00  }
0xf5: {  	[tilespmem:s1], [sflag:$0x3] =	stream.indirect_vreg.gather [hbm4b:s15+s0], $0x80, v13, vm3, $0xb8;
	[tilespmem:$0x18B00] =	vst v63  }
0xf6: {  	s2 =	rddreg [dreg:$0xb];
	s20 =	simm.s32 $0xD300;
	v12 =	vperm.xlane v12, v10  }
0xf7: {  	[tilespmem:s20], [sflag:$0x3] =	stream.indirect_vreg.gather [hbm4b:s2+s0], $0x80, v13, vm3, $0xb8;
	[tilespmem:$0x18B00] =	vst v63  }
0xf8: {  	s3 =	rddreg [dreg:$0xc];
	s21 =	simm.s32 $0xDB00;
	v12 =	vadd.s32 v9, v12  }
0xf9: {  	[tilespmem:s21], [sflag:$0x3] =	stream.indirect_vreg.gather [hbm4b:s3+s0], $0x80, v13, vm3, $0xb8;
	[tilespmem:$0x18B00] =	vst v63  }
0xfa: {  	s4 =	rddreg [dreg:$0xd];
	s22 =	simm.s32 $0xE300  }
0xfb: {  	[tilespmem:s22], [sflag:$0x3] =	stream.indirect_vreg.gather [hbm4b:s4+s0], $0x80, v13, vm3, $0xb8;
	[tilespmem:$0x18B00] =	vst v63  }
0xfc: {  	s23 =	simm.s32 $0xEB00  }
0xfd: {  	[tilespmem:s23], [sflag:$0x3] =	stream.indirect_vreg.gather [hbm4b:s15+s0], $0x80, v12, vm3, $0xb8;
	[tilespmem:$0x18B00] =	vst v63  }
0xfe: {  	s24 =	simm.s32 $0xF300  }
0xff: {  	[tilespmem:s24], [sflag:$0x3] =	stream.indirect_vreg.gather [hbm4b:s2+s0], $0x80, v12, vm3, $0xb8;
	[tilespmem:$0x18B00] =	vst v63  }
0x100: {  	s25 =	simm.s32 $0xFB00  }
0x101: {  	[tilespmem:s25], [sflag:$0x3] =	stream.indirect_vreg.gather [hbm4b:s3+s0], $0x80, v12, vm3, $0xb8;
	[tilespmem:$0x18B00] =	vst v63  }
0x102: {  	s26 =	simm.s32 $0x10300  }
0x103: {  	[tilespmem:s26], [sflag:$0x3] =	stream.indirect_vreg.gather [hbm4b:s4+s0], $0x80, v12, vm3, $0xb8;
	[tilespmem:$0x18B00] =	vst v63  }
0x104: {  	v12 =	vld.msk [tilespmem:$0x4C0], $0xff;
	_ =	sdelay $0x4  }
0x105: {  	v63 =	vshll.u32 v12, $0x3  }
0x106: {  	v12 =	vand.u32 $0x7, v12;
	v13 =	vand.u32 $0xFFFFFFC0, v63  }
0x107: {  	v12 =	vor.u32 v12, v13  }
0x108: {  	v12 =	vperm.xlane v12, v8;
	_ =	sdelay $0x1  }
0x109: {  	v12 =	vadd.s32 v9, v12;
	_ =	sdelay $0x3  }
0x10a: {  	s28 =	simm.s32 $0x10B00  }
0x10b: {  	[tilespmem:s28], [sflag:$0x3] =	stream.indirect_vreg.gather [hbm4b:s15+s0], $0x80, v12, vm3, $0xb8;
	[tilespmem:$0x18B00] =	vst v63  }
0x10c: {  	s29 =	simm.s32 $0x11300  }
0x10d: {  	[tilespmem:s29], [sflag:$0x3] =	stream.indirect_vreg.gather [hbm4b:s2+s0], $0x80, v12, vm3, $0xb8;
	[tilespmem:$0x18B00] =	vst v63  }
0x10e: {  	s30 =	simm.s32 $0x11B00  }
0x10f: {  	[tilespmem:s30], [sflag:$0x3] =	stream.indirect_vreg.gather [hbm4b:s3+s0], $0x80, v12, vm3, $0xb8;
	[tilespmem:$0x18B00] =	vst v63  }
0x110: {  	s31 =	simm.s32 $0x12300;
	p1 =	seq.s32 s12, $0x3  }
0x111: {  	[tilespmem:s31], [sflag:$0x3] =	stream.indirect_vreg.gather [hbm4b:s4+s0], $0x80, v12, vm3, $0xb8;
	[tilespmem:$0x18B00] =	vst v63  }
0x112: {  	v12 =	vld @!p1 [tilespmem:$0x4C8];
	_ =	sdelay $0x4  }
0x113: {  	v13 =	vshll.u32 @!p1 v12, $0x3  }
0x114: {  	v14 =	vlaneseq.u32 @!p1;
	v12 =	vand.u32 @!p1 $0x7, v12;
	v13 =	vand.u32 @!p1 $0xFFFFFFC0, v13  }
0x115: {  	v15 =	vshrl.u32 @!p1 v14, $0x3;
	v12 =	vor.u32 @!p1 v12, v13;
	v13 =	vand.u32 @!p1 $0x7, v14  }
0x116: {  	v15 =	vmul.u32 @!p1 $0x8, v15;
	v16 =	vperm.xlane @!p1 v12, v13;
	_ =	sdelay $0x1  }
0x117: {  	v16 =	vadd.s32 @!p1 v15, v16;
	_ =	sdelay $0x3  }
0x118: {  	vm4 =	vmmov @!p1 $0xffff;
	s1 =	simm.s32 @!p1 $0x12B00;
	s0 =	simm.s32 @!p1 $0x0  }
0x119: {  	v14 =	vor.u32 @!p1 $0x8, v14;
	[tilespmem:s1], [sflag:$0x4] =	stream.indirect_vreg.gather @!p1 [hbm4b:s15+s0], $0x80, v16, vm4, $0xb8;
	[tilespmem:$0x18B00] =	vst v63  }
0x11a: {  	v12 =	vperm.xlane @!p1 v12, v14;
	s1 =	simm.s32 @!p1 $0x13300  }
0x11b: {  	[tilespmem:s1], [sflag:$0x4] =	stream.indirect_vreg.gather @!p1 [hbm4b:s2+s0], $0x80, v16, vm4, $0xb8;
	[tilespmem:$0x18B00] =	vst v63  }
0x11c: {  	v12 =	vadd.s32 @!p1 v15, v12;
	s1 =	simm.s32 @!p1 $0x13B00  }
0x11d: {  	[tilespmem:s1], [sflag:$0x4] =	stream.indirect_vreg.gather @!p1 [hbm4b:s3+s0], $0x80, v16, vm4, $0xb8;
	[tilespmem:$0x18B00] =	vst v63  }
0x11e: {  	s1 =	simm.s32 @!p1 $0x14300  }
0x11f: {  	[tilespmem:s1], [sflag:$0x4] =	stream.indirect_vreg.gather @!p1 [hbm4b:s4+s0], $0x80, v16, vm4, $0xb8;
	[tilespmem:$0x18B00] =	vst v63  }
0x120: {  	s1 =	simm.s32 @!p1 $0x14B00  }
0x121: {  	[tilespmem:s1], [sflag:$0x4] =	stream.indirect_vreg.gather @!p1 [hbm4b:s15+s0], $0x80, v12, vm4, $0xb8;
	[tilespmem:$0x18B00] =	vst v63  }
0x122: {  	s1 =	simm.s32 @!p1 $0x15300  }
0x123: {  	[tilespmem:s1], [sflag:$0x4] =	stream.indirect_vreg.gather @!p1 [hbm4b:s2+s0], $0x80, v12, vm4, $0xb8;
	[tilespmem:$0x18B00] =	vst v63  }
0x124: {  	s1 =	simm.s32 @!p1 $0x15B00  }
0x125: {  	[tilespmem:s1], [sflag:$0x4] =	stream.indirect_vreg.gather @!p1 [hbm4b:s3+s0], $0x80, v12, vm4, $0xb8;
	[tilespmem:$0x18B00] =	vst v63  }
0x126: {  	s1 =	simm.s32 @!p1 $0x16300  }
0x127: {  	[tilespmem:s1], [sflag:$0x4] =	stream.indirect_vreg.gather @!p1 [hbm4b:s4+s0], $0x80, v12, vm4, $0xb8;
	[tilespmem:$0x18B00] =	vst v63  }
0x128: {  	v12 =	vld.msk @!p1 [tilespmem:$0x4D8], $0xff;
	_ =	sdelay $0x4  }
0x129: {  	v14 =	vshll.u32 @!p1 v12, $0x3  }
0x12a: {  	v12 =	vand.u32 @!p1 $0x7, v12;
	v14 =	vand.u32 @!p1 $0xFFFFFFC0, v14  }
0x12b: {  	v12 =	vor.u32 @!p1 v12, v14  }
0x12c: {  	v12 =	vperm.xlane @!p1 v12, v13;
	_ =	sdelay $0x1  }
0x12d: {  	v12 =	vadd.s32 @!p1 v15, v12;
	_ =	sdelay $0x3  }
0x12e: {  	s1 =	simm.s32 @!p1 $0x16B00  }
0x12f: {  	[tilespmem:s1], [sflag:$0x4] =	stream.indirect_vreg.gather @!p1 [hbm4b:s15+s0], $0x80, v12, vm4, $0xb8;
	[tilespmem:$0x18B00] =	vst v63  }
0x130: {  	s1 =	simm.s32 @!p1 $0x17300  }
0x131: {  	[tilespmem:s1], [sflag:$0x4] =	stream.indirect_vreg.gather @!p1 [hbm4b:s2+s0], $0x80, v12, vm4, $0xb8;
	[tilespmem:$0x18B00] =	vst v63  }
0x132: {  	s1 =	simm.s32 @!p1 $0x17B00  }
0x133: {  	[tilespmem:s1], [sflag:$0x4] =	stream.indirect_vreg.gather @!p1 [hbm4b:s3+s0], $0x80, v12, vm4, $0xb8;
	[tilespmem:$0x18B00] =	vst v63  }
0x134: {  	s1 =	simm.s32 @!p1 $0x18300  }
0x135: {  	[tilespmem:s1], [sflag:$0x4] =	stream.indirect_vreg.gather @!p1 [hbm4b:s4+s0], $0x80, v12, vm4, $0xb8;
	[tilespmem:$0x18B00] =	vst v63  }
.LBB2_8:
0x136: {  	s0 =	sadd.s32 $0x3, s12  }
0x137: {  	s1 =	sand.u32 $0x3, s0  }
0x138: {  	p1 =	slt.s32 s12, $0xFFFFFFFE;
	s2 =	sshra.s32 s0, $0x1F;
	p2 =	sne.s32 s1, $0x0  }
0x139: {  	s31 =	sshrl.u32 s2, $0x1E;
	p1 =	por !p1, !p2  }
0x13a: {  	s1 =	simm.s32 $0x1;
	s0 =	sadd.s32 s31, s0;
	p1 =	por !p1, !p1  }
0x13b: {  	s0 =	sshra.s32 s0, $0x2;
	s1 =	simm.s32 @!p1 $0x0  }
0x13c: {  	s0 =	ssub.s32 s0, s1  }
0x13d: {  	p1 =	slt.s32 s0, $0x1  }
.Ltmp5:
0x13e: {  	_ = 	snop;
	(pc) =	sbr.rel @!p1 .LBB2_9-.Ltmp5, $4  }
0x13f: {  	[dreg:$0x13] =	wrdreg s10  }
0x140: {  	[dreg:$0x14] =	wrdreg s11  }
0x141: {  	[dreg:$0x15] =	wrdreg s12  }
0x142: {  	s13 =	simm.s32 $0x0;
	[dreg:$0x16] =	wrdreg s0  }
.LBB2_47:
0x143: {  	s0 =	simm.s32 $0x0;
	s1 =	simm.s32 $0x40  }
.LBB2_48:
0x144: {  	p1 =	sne.s32 s1, $0xFC0;
	v12 =	vld [tilespmem:s0+$0x700];
	_ =	sdelay $0x2  }
.Ltmp6:
0x145: {  	(pc) =	sbr.rel @p1 .LBB2_48-.Ltmp6, $3  }
0x146: {  	_ = 	snop  }
0x147: {  	v12 =	vmul.f32 v12, v11;
	_ =	sdelay $0x1  }
0x148: {  	[tilespmem:s0+$0x700] =	vst v12;
	s0 =	sshra.s32 s1, $0x2;
	s1 =	sadd.s32 $0x40, s1  }
0x149: {  	v12 =	vld [tilespmem:s0+$0x700];
	_ =	sdelay $0x3  }
0x14a: {  	s1 =	rddreg [dreg:$0x12]  }
0x14b: {  	s1 =	sshll.u32 s1, $0x4;
	v11 =	vmul.f32 v12, v11  }
0x14c: {  	s29 =	rddreg [dreg:$0xe];
	s30 =	simm.s32 $0x80;
	s1 =	sand.u32 $0x70, s1  }
0x14d: {  	s2 =	simm.s32 $0x400;
	s3 =	simm.s32 $0x700;
	[tilespmem:s0+$0x700] =	vst v11;
	s0 =	sadd.s32 s1, s29  }
0x14e: {  	[hbm4b:s0+s30] =	stream.strided.scatter [tilespmem:s3], [sflag:$0x5], $0x400, s2, s30, $0x38;
	[tilespmem:$0x18B00] =	vst v63  }
.Ltmp7:
0x14f: {  	_ = 	snop;
	(pc) =	sbr.rel @p0 .LBB2_2-.Ltmp7, $4  }
.Ltmp8:
0x150: {  	s31 =	simm.s32 $0x5;
	(pc) =	sbr.rel @!p0 .LBB2_50-.Ltmp8, $4  }
0x151: {  	_ =	swait.ge [sflag:s31], $0x400  }
0x152: {  	[sflag:s31] =	ssyncset.done $0x0  }
0x153: {  	p1 =	por $0x0, $0x0;
	s1 =	simm.s32 $0x1;
	[sflag:s31] =	ssyncadd.s32 $0xFFFFFC00  }
0x154: {  	_ = 	snop  }
.LBB2_45:
0x155: {  	s0 =	sadd.s32 $0x7, s8  }
0x156: {  	p1 =	sge.s32 s0, s12  }
0x157: {  	s0 =	smul.u32 @!p1 $0x60, s0;
	_ =	sdelay $0x1  }
0x158: {  	s0 =	sshra.s32 @!p1 s0, $0x2  }
0x159: {  	v12 =	vld @!p1 [tilespmem:s0+$0x480];
	_ =	sdelay $0x4  }
0x15a: {  	v13 =	vshll.u32 @!p1 v12, $0x3  }
0x15b: {  	v14 =	vlaneseq.u32 @!p1;
	v12 =	vand.u32 @!p1 $0x7, v12;
	v13 =	vand.u32 @!p1 $0xFFFFFFC0, v13  }
0x15c: {  	v15 =	vshrl.u32 @!p1 v14, $0x3;
	v12 =	vor.u32 @!p1 v12, v13;
	v13 =	vand.u32 @!p1 $0x7, v14  }
0x15d: {  	v15 =	vmul.u32 @!p1 $0x8, v15;
	v16 =	vperm.xlane @!p1 v12, v13;
	_ =	sdelay $0x1  }
0x15e: {  	v16 =	vadd.s32 @!p1 v15, v16;
	_ =	sdelay $0x3  }
0x15f: {  	vm4 =	vmmov @!p1 $0xffff;
	s1 =	simm.s32 @!p1 $0x0;
	s2 =	simm.s32 @!p1 $0x12B00  }
0x160: {  	v14 =	vor.u32 @!p1 $0x8, v14;
	[tilespmem:s2], [sflag:$0x4] =	stream.indirect_vreg.gather @!p1 [hbm4b:s15+s1], $0x80, v16, vm4, $0xb8;
	[tilespmem:$0x18B00] =	vst v63  }
0x161: {  	s3 =	rddreg [dreg:$0xb];
	v12 =	vperm.xlane @!p1 v12, v14;
	s2 =	simm.s32 @!p1 $0x13300  }
0x162: {  	[tilespmem:s2], [sflag:$0x4] =	stream.indirect_vreg.gather @!p1 [hbm4b:s3+s1], $0x80, v16, vm4, $0xb8;
	[tilespmem:$0x18B00] =	vst v63  }
0x163: {  	s4 =	rddreg [dreg:$0xc];
	v12 =	vadd.s32 @!p1 v15, v12;
	s2 =	simm.s32 @!p1 $0x13B00  }
0x164: {  	[tilespmem:s2], [sflag:$0x4] =	stream.indirect_vreg.gather @!p1 [hbm4b:s4+s1], $0x80, v16, vm4, $0xb8;
	[tilespmem:$0x18B00] =	vst v63  }
0x165: {  	s5 =	rddreg [dreg:$0xd];
	s2 =	simm.s32 @!p1 $0x14300  }
0x166: {  	[tilespmem:s2], [sflag:$0x4] =	stream.indirect_vreg.gather @!p1 [hbm4b:s5+s1], $0x80, v16, vm4, $0xb8;
	[tilespmem:$0x18B00] =	vst v63  }
0x167: {  	s2 =	simm.s32 @!p1 $0x14B00  }
0x168: {  	[tilespmem:s2], [sflag:$0x4] =	stream.indirect_vreg.gather @!p1 [hbm4b:s15+s1], $0x80, v12, vm4, $0xb8;
	[tilespmem:$0x18B00] =	vst v63  }
0x169: {  	s2 =	simm.s32 @!p1 $0x15300  }
0x16a: {  	[tilespmem:s2], [sflag:$0x4] =	stream.indirect_vreg.gather @!p1 [hbm4b:s3+s1], $0x80, v12, vm4, $0xb8;
	[tilespmem:$0x18B00] =	vst v63  }
0x16b: {  	s2 =	simm.s32 @!p1 $0x15B00  }
0x16c: {  	[tilespmem:s2], [sflag:$0x4] =	stream.indirect_vreg.gather @!p1 [hbm4b:s4+s1], $0x80, v12, vm4, $0xb8;
	[tilespmem:$0x18B00] =	vst v63  }
0x16d: {  	s2 =	simm.s32 @!p1 $0x16300  }
0x16e: {  	[tilespmem:s2], [sflag:$0x4] =	stream.indirect_vreg.gather @!p1 [hbm4b:s5+s1], $0x80, v12, vm4, $0xb8;
	[tilespmem:$0x18B00] =	vst v63  }
0x16f: {  	v12 =	vld.msk @!p1 [tilespmem:s0+$0x490], $0xff;
	_ =	sdelay $0x4  }
0x170: {  	v14 =	vshll.u32 @!p1 v12, $0x3  }
0x171: {  	v12 =	vand.u32 @!p1 $0x7, v12;
	v14 =	vand.u32 @!p1 $0xFFFFFFC0, v14  }
0x172: {  	v12 =	vor.u32 @!p1 v12, v14  }
0x173: {  	v12 =	vperm.xlane @!p1 v12, v13;
	_ =	sdelay $0x1  }
0x174: {  	v12 =	vadd.s32 @!p1 v15, v12;
	_ =	sdelay $0x3  }
0x175: {  	s0 =	simm.s32 @!p1 $0x16B00  }
0x176: {  	[tilespmem:s0], [sflag:$0x4] =	stream.indirect_vreg.gather @!p1 [hbm4b:s15+s1], $0x80, v12, vm4, $0xb8;
	[tilespmem:$0x18B00] =	vst v63  }
0x177: {  	s0 =	simm.s32 @!p1 $0x17300  }
0x178: {  	[tilespmem:s0], [sflag:$0x4] =	stream.indirect_vreg.gather @!p1 [hbm4b:s3+s1], $0x80, v12, vm4, $0xb8;
	[tilespmem:$0x18B00] =	vst v63  }
0x179: {  	s0 =	simm.s32 @!p1 $0x17B00  }
0x17a: {  	[tilespmem:s0], [sflag:$0x4] =	stream.indirect_vreg.gather @!p1 [hbm4b:s4+s1], $0x80, v12, vm4, $0xb8;
	[tilespmem:$0x18B00] =	vst v63  }
0x17b: {  	s0 =	simm.s32 @!p1 $0x18300  }
0x17c: {  	[tilespmem:s0], [sflag:$0x4] =	stream.indirect_vreg.gather @!p1 [hbm4b:s5+s1], $0x80, v12, vm4, $0xb8;
	[tilespmem:$0x18B00] =	vst v63  }
.LBB2_46:
0x17d: {  	s13 =	sadd.s32 $0x1, s13;
	s0 =	rddreg [dreg:$0x16]  }
0x17e: {  	p1 =	sne.s32 s13, s0  }
.Ltmp9:
0x17f: {  	_ = 	snop;
	(pc) =	sbr.rel @!p1 .LBB2_47-.Ltmp9, $1  }
0x180: {  	_ =	sdelay $0x3  }
.LBB2_9:
0x181: {  	s14 =	sshll.u32 s13, $0x2  }
0x182: {  	p1 =	sge.s32 s14, s12  }
.Ltmp10:
0x183: {  	_ = 	snop;
	(pc) =	sbr.rel @p1 .LBB2_19-.Ltmp10, $3  }
0x184: {  	_ =	sdelay $0x1  }
0x185: {  	[dreg:$0x17] =	wrdreg s13  }
0x186: {  	[dreg:$0x18] =	wrdreg s14  }
0x187: {  	p1 =	sge.s32 s14, s10  }
.Ltmp11:
0x188: {  	_ = 	snop;
	(pc) =	sbr.rel @p1 .LBB2_14-.Ltmp11, $4  }
0x189: {  	s0 =	simm.s32 $0x1  }
0x18a: {  	_ =	swait.ge [sflag:s0], $0x6000  }
0x18b: {  	[sflag:s0] =	ssyncset.done $0x0  }
0x18c: {  	[sflag:s0] =	ssyncadd.s32 $0xFFFFA000  }
0x18d: {  	s18 =	simm.s32 $0x0  }
0x18e: {  	s1 =	sand.u32 $0x1C00, s18  }
0x18f: {  	s11 =	sand.u32 $0x60, s18;
	s8 =	sadd.s32 $0xB00, s1  }
0x190: {  	s0 =	sor.u32 s11, s8  }
0x191: {  	s15 =	sadd.s32 $0x2B00, s1;
	v12 =	vld [tilespmem:s0+$0x300]  }
0x192: {  	s2 =	sor.u32 s11, s15;
	v13 =	vld [tilespmem:s0+$0x200]  }
0x193: {  	v14 =	vld [tilespmem:s2+$0x0]  }
0x194: {  	v15 =	vld [tilespmem:s0+$0x180]  }
0x195: {  	v16 =	vld [tilespmem:s0+$0x100]  }
0x196: {  	v17 =	vld [tilespmem:s0+$0x380]  }
0x197: {  	s9 =	sadd.s32 $0x4B00, s1;
	v18 =	vld [tilespmem:s0+$0x0]  }
0x198: {  	s17 =	sadd.s32 $0x4C00, s1;
	s29 =	sor.u32 s11, s9;
	v19 =	vld [tilespmem:s0+$0x80]  }
0x199: {  	s12 =	sadd.s32 $0x4D80, s1;
	s3 =	sor.u32 s11, s17;
	v20 =	vld [tilespmem:s29+$0x0]  }
0x19a: {  	s31 =	sor.u32 s11, s12;
	v21 =	vld [tilespmem:s3+$0x0]  }
0x19b: {  	s28 =	sadd.s32 $0x2C00, s1;
	v22 =	vld [tilespmem:s31+$0x0]  }
0x19c: {  	s5 =	sadd.s32 $0x4E80, s1;
	s4 =	sor.u32 s11, s28;
	v23 =	vld [tilespmem:s0+$0x280]  }
0x19d: {  	s14 =	sadd.s32 $0x4E00, s1;
	s6 =	sor.u32 s11, s5;
	v24 =	vld [tilespmem:s4+$0x0]  }
0x19e: {  	s10 =	sadd.s32 $0x2E80, s1;
	s7 =	sor.u32 s11, s14;
	v25 =	vld [tilespmem:s6+$0x0]  }
0x19f: {  	s20 =	sadd.s32 $0x4D00, s1;
	s13 =	sor.u32 s11, s10;
	v26 =	vld [tilespmem:s7+$0x0]  }
0x1a0: {  	s19 =	sadd.s32 $0x4C80, s1;
	s21 =	sor.u32 s11, s20;
	v28 =	vld [tilespmem:s13+$0x0]  }
0x1a1: {  	s16 =	sadd.s32 $0x2D80, s1;
	s23 =	sor.u32 s11, s19;
	v29 =	vld [tilespmem:s21+$0x0]  }
0x1a2: {  	s22 =	sadd.s32 $0x2B80, s1;
	s6 =	sor.u32 s11, s16;
	v30 =	vld [tilespmem:s23+$0x0]  }
0x1a3: {  	s24 =	sor.u32 s11, s22;
	v27 =	vld [tilespmem:s6+$0x0];
	s6 =	sadd.s32 $0x2C80, s1  }
0x1a4: {  	s25 =	sadd.s32 $0x4B80, s1;
	v31 =	vld [tilespmem:s24+$0x0];
	s7 =	sor.u32 s11, s6  }
0x1a5: {  	s26 =	sor.u32 s11, s25;
	s2 =	sadd.s32 $0x2E00, s1;
	v32 =	vld [tilespmem:s7+$0x0]  }
0x1a6: {  	s30 =	sadd.s32 $0x2D00, s1;
	s29 =	sor.u32 s11, s2;
	v15 =	vadd.f32 v15, v16;
	v16 =	vadd.f32 v19, v18;
	v18 =	vld [tilespmem:s26+$0x0]  }
0x1a7: {  	s31 =	sor.u32 s11, s30;
	v13 =	vadd.f32 v23, v13;
	v12 =	vadd.f32 v17, v12;
	v17 =	vld [tilespmem:s29+$0x0]  }
0x1a8: {  	v15 =	vadd.f32 v15, v16;
	v16 =	vld [tilespmem:s31+$0x0]  }
0x1a9: {  	v19 =	vadd.f32 v30, v21;
	v12 =	vadd.f32 v12, v13  }
0x1aa: {  	v63 =	vadd.f32 v22, v29;
	v13 =	vadd.f32 v31, v14  }
0x1ab: {  	v14 =	vadd.f32 v32, v24;
	v12 =	vadd.f32 v12, v15  }
0x1ac: {  	v15 =	vadd.f32 v18, v20;
	v18 =	vadd.f32 v25, v26  }
0x1ad: {  	v17 =	vadd.f32 v28, v17;
	v16 =	vadd.f32 v27, v16  }
0x1ae: {  	s23 =	simm.s32 $0x700;
	v13 =	vadd.f32 v14, v13;
	v14 =	vadd.f32 v19, v15  }
0x1af: {  	s24 =	simm.s32 $0x20;
	s0 =	simm.s32 $0x700;
	s13 =	simm.s32 $0x0;
	v15 =	vadd.f32 v18, v63;
	v16 =	vadd.f32 v17, v16  }
.LBB2_12:
0x1b0: {  	_ = 	snop  }
0x1b1: {  	v13 =	vadd.f32 v16, v13;
	_ =	sdelay $0x1  }
0x1b2: {  	v14 =	vadd.f32 v15, v14;
	v12 =	vadd.f32 v13, v12;
	_ =	sdelay $0x1  }
0x1b3: {  	v12 =	vadd.f32 v14, v12  }
0x1b4: {  	s7 =	sor.u32 $0x10, s11  }
0x1b5: {  	s8 =	sor.u32 s7, s8;
	[tilespmem:s0+$0x0] =	vst.add.f32.msk $0xffff, v12  }
0x1b6: {  	v12 =	vld [tilespmem:s8+$0x0]  }
0x1b7: {  	v13 =	vld [tilespmem:s8+$0x80]  }
0x1b8: {  	v14 =	vld [tilespmem:s8+$0x100]  }
0x1b9: {  	v15 =	vld [tilespmem:s8+$0x180]  }
0x1ba: {  	v16 =	vld [tilespmem:s8+$0x200]  }
0x1bb: {  	v17 =	vld [tilespmem:s8+$0x280]  }
0x1bc: {  	v18 =	vld [tilespmem:s8+$0x380]  }
0x1bd: {  	s31 =	sor.u32 s7, s22;
	v12 =	vadd.f32 v13, v12;
	v13 =	vld [tilespmem:s8+$0x300]  }
0x1be: {  	s29 =	sor.u32 s7, s15;
	v19 =	vld [tilespmem:s31+$0x0]  }
0x1bf: {  	s4 =	sor.u32 s7, s28;
	v14 =	vadd.f32 v15, v14;
	v15 =	vld [tilespmem:s29+$0x0]  }
0x1c0: {  	s0 =	sor.u32 s7, s9;
	s9 =	sor.u32 s7, s6;
	v16 =	vadd.f32 v17, v16;
	v17 =	vld [tilespmem:s4+$0x0]  }
0x1c1: {  	s17 =	sor.u32 s7, s17;
	v12 =	vadd.f32 v14, v12;
	v14 =	vld [tilespmem:s9+$0x0]  }
0x1c2: {  	s21 =	sor.u32 s7, s5;
	s5 =	sor.u32 s7, s10;
	v20 =	vld [tilespmem:s17+$0x0];
	v13 =	vadd.f32 v18, v13  }
0x1c3: {  	s3 =	sor.u32 s7, s16;
	v21 =	vld [tilespmem:s5+$0x0]  }
0x1c4: {  	v22 =	vld [tilespmem:s3+$0x0];
	v13 =	vadd.f32 v13, v16  }
0x1c5: {  	s15 =	sor.u32 s7, s14;
	v15 =	vadd.f32 v19, v15;
	v16 =	vld [tilespmem:s21+$0x0]  }
0x1c6: {  	s11 =	sor.u32 s7, s12;
	v14 =	vadd.f32 v14, v17;
	v12 =	vadd.f32 v13, v12;
	v13 =	vld [tilespmem:s15+$0x0]  }
0x1c7: {  	s4 =	sor.u32 s7, s20;
	v17 =	vld [tilespmem:s11+$0x0]  }
0x1c8: {  	v14 =	vadd.f32 v14, v15;
	v15 =	vld [tilespmem:s4+$0x0]  }
0x1c9: {  	s10 =	sor.u32 s7, s30;
	v23 =	vld [tilespmem:s0+$0x0]  }
0x1ca: {  	s2 =	sor.u32 s7, s2;
	v18 =	vld [tilespmem:s10+$0x0]  }
0x1cb: {  	s21 =	sor.u32 s7, s19;
	v13 =	vadd.f32 v16, v13;
	v16 =	vld [tilespmem:s2+$0x0]  }
0x1cc: {  	s25 =	sor.u32 s7, s25;
	v19 =	vld [tilespmem:s21+$0x0]  }
0x1cd: {  	v15 =	vadd.f32 v17, v15;
	v17 =	vld [tilespmem:s25+$0x0];
	_ =	sdelay $0x1  }
0x1ce: {  	v13 =	vadd.f32 v13, v15  }
0x1cf: {  	v15 =	vadd.f32 v21, v16;
	v16 =	vadd.f32 v22, v18  }
0x1d0: {  	v19 =	vadd.f32 v19, v20  }
0x1d1: {  	v17 =	vadd.f32 v17, v23;
	v15 =	vadd.f32 v15, v16;
	_ =	sdelay $0x1  }
0x1d2: {  	v16 =	vadd.f32 v19, v17;
	v14 =	vadd.f32 v15, v14;
	_ =	sdelay $0x1  }
0x1d3: {  	v13 =	vadd.f32 v13, v16;
	v12 =	vadd.f32 v14, v12  }
0x1d4: {  	s18 =	sadd.s32 $0x100, s18;
	s1 =	smov.u32 s24  }
0x1d5: {  	s22 =	sand.u32 $0x380, s13;
	s13 =	smov.u32 s1;
	s5 =	sand.u32 $0x1C00, s18;
	v12 =	vadd.f32 v13, v12  }
0x1d6: {  	s8 =	sadd.s32 $0xB00, s5;
	s11 =	sand.u32 $0x60, s13;
	s25 =	sor.u32 s7, s22  }
0x1d7: {  	s23 =	sadd.s32 $0x20, s23;
	s7 =	sor.u32 s11, s8;
	[tilespmem:s25+$0x700] =	vst.add.f32.msk $0xffff, v12  }
0x1d8: {  	s26 =	smov.u32 s23;
	s15 =	sadd.s32 $0x2B00, s5;
	v12 =	vld [tilespmem:s7+$0x300]  }
0x1d9: {  	[dreg:$0x4] =	wrdreg s26;
	s26 =	sor.u32 s11, s15;
	v13 =	vld [tilespmem:s7+$0x200]  }
0x1da: {  	v14 =	vld [tilespmem:s26+$0x0]  }
0x1db: {  	s0 =	smov.u32 s23;
	v15 =	vld [tilespmem:s7+$0x180]  }
0x1dc: {  	s28 =	sadd.s32 $0x2C00, s5;
	s30 =	sadd.s32 $0x2D00, s5;
	s6 =	sadd.s32 $0x2C80, s5;
	v16 =	vld [tilespmem:s7+$0x100]  }
0x1dd: {  	s16 =	sadd.s32 $0x2D80, s5;
	s23 =	sadd.s32 $0x4B80, s5;
	s17 =	sadd.s32 $0x4C00, s5;
	v17 =	vld [tilespmem:s7+$0x380]  }
0x1de: {  	s12 =	sadd.s32 $0x4D80, s5;
	s14 =	sadd.s32 $0x4E00, s5;
	s9 =	sadd.s32 $0x4B00, s5;
	v18 =	vld [tilespmem:s7+$0x0]  }
0x1df: {  	s20 =	sadd.s32 $0x4D00, s5;
	s1 =	sor.u32 s11, s6;
	s21 =	sor.u32 s11, s9;
	v19 =	vld [tilespmem:s7+$0x80]  }
0x1e0: {  	s10 =	sadd.s32 $0x2E80, s5;
	[dreg:$0x6] =	wrdreg s1;
	s1 =	sor.u32 s11, s17;
	v59 =	vld [tilespmem:s21+$0x0]  }
0x1e1: {  	s19 =	sadd.s32 $0x4C80, s5;
	s29 =	sor.u32 s11, s28;
	s25 =	sor.u32 s11, s12;
	v60 =	vld [tilespmem:s1+$0x0]  }
0x1e2: {  	s31 =	sor.u32 s11, s10;
	s22 =	sadd.s32 $0x2B80, s5;
	s2 =	sor.u32 s11, s30;
	v61 =	vld [tilespmem:s25+$0x0]  }
0x1e3: {  	[dreg:$0x5] =	wrdreg s2;
	s2 =	sadd.s32 $0x2E00, s5;
	s5 =	sadd.s32 $0x4E80, s5;
	v62 =	vld [tilespmem:s7+$0x280]  }
0x1e4: {  	[dreg:$0x8] =	wrdreg s31;
	s31 =	sor.u32 s11, s5;
	v24 =	vld [tilespmem:s29+$0x0]  }
0x1e5: {  	s4 =	sor.u32 s11, s16;
	s3 =	sor.u32 s11, s2;
	v25 =	vld [tilespmem:s31+$0x0]  }
0x1e6: {  	[dreg:$0x7] =	wrdreg s3;
	s3 =	sor.u32 s11, s19;
	v27 =	vld [tilespmem:s4+$0x0]  }
0x1e7: {  	s26 =	sor.u32 s11, s14;
	v29 =	vld [tilespmem:s3+$0x0]  }
0x1e8: {  	s4 =	rddreg [dreg:$0x8];
	v26 =	vld [tilespmem:s26+$0x0]  }
0x1e9: {  	s25 =	smov.u32 s23;
	s31 =	rddreg [dreg:$0x5];
	v28 =	vld [tilespmem:s4+$0x0]  }
0x1ea: {  	s7 =	sor.u32 s11, s25;
	v30 =	vld [tilespmem:s31+$0x0]  }
0x1eb: {  	s21 =	sor.u32 s11, s20;
	v63 =	vld [tilespmem:s7+$0x0]  }
0x1ec: {  	[dreg:$0x3] =	wrdreg s18;
	s18 =	sor.u32 s11, s22;
	v15 =	vadd.f32 v15, v16;
	v16 =	vld [tilespmem:s21+$0x0];
	v18 =	vadd.f32 v19, v18  }
0x1ed: {  	s26 =	rddreg [dreg:$0x6];
	v13 =	vadd.f32 v62, v13;
	v19 =	vld [tilespmem:s18+$0x0];
	v12 =	vadd.f32 v17, v12  }
0x1ee: {  	s29 =	rddreg [dreg:$0x7];
	v17 =	vld [tilespmem:s26+$0x0]  }
0x1ef: {  	v15 =	vadd.f32 v15, v18;
	v18 =	vld [tilespmem:s29+$0x0];
	v12 =	vadd.f32 v12, v13  }
0x1f0: {  	v21 =	vadd.f32 v29, v60  }
0x1f1: {  	p1 =	sne.s32 s24, $0x3E0;
	v12 =	vadd.f32 v12, v15;
	v15 =	vadd.f32 v63, v59  }
.Ltmp12:
0x1f2: {  	v22 =	vadd.f32 v61, v16;
	v13 =	vadd.f32 v19, v14;
	(pc) =	sbr.rel @p1 .LBB2_12-.Ltmp12, $4  }
0x1f3: {  	v14 =	vadd.f32 v17, v24;
	v17 =	vadd.f32 v25, v26  }
0x1f4: {  	v16 =	vadd.f32 v27, v30;
	v18 =	vadd.f32 v28, v18  }
0x1f5: {  	s23 =	smov.u32 s0;
	s0 =	rddreg [dreg:$0x4];
	v13 =	vadd.f32 v14, v13;
	v14 =	vadd.f32 v21, v15  }
0x1f6: {  	s24 =	sadd.s32 $0x20, s24;
	s18 =	rddreg [dreg:$0x3];
	v15 =	vadd.f32 v17, v22;
	v16 =	vadd.f32 v18, v16  }
0x1f7: {  	_ = 	snop  }
0x1f8: {  	v13 =	vadd.f32 v16, v13;
	_ =	sdelay $0x1  }
0x1f9: {  	v14 =	vadd.f32 v15, v14;
	v12 =	vadd.f32 v13, v12;
	_ =	sdelay $0x1  }
0x1fa: {  	v12 =	vadd.f32 v14, v12  }
0x1fb: {  	s3 =	sor.u32 $0x10, s11  }
0x1fc: {  	s1 =	sor.u32 s3, s8;
	[tilespmem:s0+$0x0] =	vst.add.f32.msk $0xffff, v12  }
0x1fd: {  	v12 =	vld [tilespmem:s1+$0x0]  }
0x1fe: {  	v44 =	vld [tilespmem:s1+$0x80]  }
0x1ff: {  	v45 =	vld [tilespmem:s1+$0x100]  }
0x200: {  	v46 =	vld [tilespmem:s1+$0x180]  }
0x201: {  	v47 =	vld [tilespmem:s1+$0x200]  }
0x202: {  	v17 =	vld [tilespmem:s1+$0x280]  }
0x203: {  	v18 =	vld [tilespmem:s1+$0x300]  }
0x204: {  	s4 =	sor.u32 s3, s15;
	v19 =	vld [tilespmem:s1+$0x380]  }
0x205: {  	s7 =	sor.u32 s3, s22;
	v20 =	vld [tilespmem:s4+$0x0]  }
0x206: {  	s8 =	sor.u32 s3, s28;
	v21 =	vld [tilespmem:s7+$0x0]  }
0x207: {  	s11 =	sor.u32 s3, s6;
	v22 =	vld [tilespmem:s8+$0x0]  }
0x208: {  	s15 =	sor.u32 s3, s30;
	v23 =	vld [tilespmem:s11+$0x0]  }
0x209: {  	s5 =	sor.u32 s3, s5;
	v24 =	vld [tilespmem:s15+$0x0]  }
0x20a: {  	s18 =	sor.u32 s3, s14;
	v25 =	vld [tilespmem:s5+$0x0]  }
0x20b: {  	s21 =	sor.u32 s3, s12;
	v26 =	vld [tilespmem:s18+$0x0]  }
0x20c: {  	s22 =	sor.u32 s3, s20;
	v27 =	vld [tilespmem:s21+$0x0]  }
0x20d: {  	s23 =	sor.u32 s3, s17;
	v28 =	vld [tilespmem:s22+$0x0]  }
0x20e: {  	s24 =	sor.u32 s3, s10;
	v30 =	vld [tilespmem:s23+$0x0]  }
0x20f: {  	s26 =	sor.u32 s3, s2;
	v31 =	vld [tilespmem:s24+$0x0]  }
0x210: {  	s28 =	sor.u32 s3, s16;
	v32 =	vld [tilespmem:s26+$0x0]  }
0x211: {  	s29 =	sor.u32 s3, s25;
	v49 =	vld [tilespmem:s28+$0x0]  }
0x212: {  	s30 =	sor.u32 s3, s9;
	v52 =	vld [tilespmem:s29+$0x0]  }
0x213: {  	s4 =	sor.u32 s3, s19;
	v55 =	vld [tilespmem:s30+$0x0]  }
0x214: {  	v29 =	vld [tilespmem:s4+$0x0];
	v12 =	vadd.f32 v44, v12;
	v48 =	vadd.f32 v46, v45  }
0x215: {  	v50 =	vadd.f32 v17, v47;
	v51 =	vadd.f32 v19, v18  }
0x216: {  	v53 =	vadd.f32 v21, v20;
	v54 =	vadd.f32 v23, v22  }
0x217: {  	v58 =	vadd.f32 v25, v26;
	v59 =	vadd.f32 v31, v32  }
0x218: {  	v14 =	vadd.f32 v49, v24;
	v60 =	vadd.f32 v27, v28  }
0x219: {  	v17 =	vadd.f32 v52, v55;
	v61 =	vadd.f32 v29, v30  }
0x21a: {  	v12 =	vadd.f32 v48, v12;
	v56 =	vadd.f32 v51, v50  }
0x21b: {  	v57 =	vadd.f32 v54, v53;
	v14 =	vadd.f32 v59, v14  }
0x21c: {  	v62 =	vadd.f32 v58, v60;
	v63 =	vadd.f32 v61, v17  }
0x21d: {  	v12 =	vadd.f32 v56, v12;
	v14 =	vadd.f32 v14, v57  }
0x21e: {  	s31 =	sand.u32 $0x380, s13;
	s13 =	rddreg [dreg:$0x17]  }
0x21f: {  	s10 =	rddreg [dreg:$0x13];
	v13 =	vadd.f32 v62, v63;
	v12 =	vadd.f32 v14, v12  }
0x220: {  	s12 =	rddreg [dreg:$0x15]  }
0x221: {  	s14 =	rddreg [dreg:$0x18];
	v12 =	vadd.f32 v13, v12  }
0x222: {  	s0 =	sor.u32 s3, s31;
	s15 =	rddreg [dreg:$0x1]  }
0x223: {  	s9 =	simm.s32 $0x480;
	s11 =	rddreg [dreg:$0x14];
	[tilespmem:s0+$0x700] =	vst.add.f32.msk $0xffff, v12  }
.LBB2_14:
0x224: {  	p1 =	sne.s32 s14, s10  }
0x225: {  	p2 =	slt.s32 @!p1 s11, $0x1  }
0x226: {  	p1 =	por p1, p2  }
.Ltmp13:
0x227: {  	_ = 	snop;
	(pc) =	sbr.rel @p1 .LBB2_18-.Ltmp13, $2  }
0x228: {  	_ =	sdelay $0x2  }
0x229: {  	s0 =	simm.s32 $0x0;
	s1 =	simm.s32 $0x0  }
.LBB2_15:
0x22a: {  	s2 =	sand.u32 $0xFFFF8, s1  }
0x22b: {  	s3 =	sshll.u32 s1, $0x7;
	s4 =	sadd.s32 $0x0, s2  }
0x22c: {  	s3 =	sand.u32 $0x380, s3;
	s4 =	sshll.u32 s4, $0xC  }
0x22d: {  	s3 =	sadd.s32 $0xB00, s3;
	s4 =	sshra.s32 s4, $0x2  }
0x22e: {  	s5 =	sand.u32 $0x70, s0;
	s4 =	sadd.s32 s4, s3  }
0x22f: {  	s4 =	sadd.s32 s5, s4  }
0x230: {  	v12 =	vld [tilespmem:s4+$0x0]  }
0x231: {  	s31 =	sadd.s32 $0x0, s2  }
0x232: {  	s4 =	sshll.u32 s31, $0xC  }
0x233: {  	s5 =	simm.s32 $0x10;
	s6 =	sshra.s32 s4, $0x2  }
0x234: {  	s7 =	sand.u32 $0x70, s5;
	s4 =	simm.s32 $0x700;
	s8 =	sadd.s32 s6, s3  }
0x235: {  	s6 =	simm.s32 $0x2;
	s7 =	sadd.s32 s7, s8;
	[tilespmem:s4+$0x0] =	vst.add.f32.msk $0xffff, v12  }
.LBB2_16:
0x236: {  	s8 =	sshrl.u32 s6, $0x3;
	p1 =	sne.s32 s6, $0x3F;
	s6 =	sadd.s32 $0x1, s6;
	v12 =	vld [tilespmem:s7+$0x0]  }
.Ltmp14:
0x237: {  	s7 =	sadd.s32 s2, s8;
	(pc) =	sbr.rel @p1 .LBB2_16-.Ltmp14, $4  }
0x238: {  	s7 =	sshll.u32 s7, $0xC  }
0x239: {  	s5 =	sadd.s32 $0x10, s5;
	s7 =	sshra.s32 s7, $0x2  }
0x23a: {  	s4 =	sadd.s32 $0x10, s4;
	s8 =	sand.u32 $0x70, s5;
	s7 =	sadd.s32 s7, s3  }
0x23b: {  	s7 =	sadd.s32 s8, s7;
	[tilespmem:s4+$0x0] =	vst.add.f32.msk $0xffff, v12  }
0x23c: {  	s1 =	sadd.s32 $0x1, s1  }
0x23d: {  	v12 =	vld [tilespmem:s7+$0x0];
	p1 =	sne.s32 s1, s11  }
.Ltmp15:
0x23e: {  	_ = 	snop;
	(pc) =	sbr.rel @p1 .LBB2_15-.Ltmp15, $3  }
0x23f: {  	_ =	sdelay $0x1  }
0x240: {  	s2 =	sadd.s32 $0x10, s4  }
0x241: {  	[tilespmem:s2+$0x0] =	vst.add.f32.msk $0xffff, v12  }
.LBB2_18:
0x242: {  	s0 =	sadd.s32 $0x4, s14  }
0x243: {  	p1 =	sge.s32 s0, s12  }
0x244: {  	s0 =	smul.u32 @!p1 $0x60, s0;
	_ =	sdelay $0x1  }
0x245: {  	s0 =	sshra.s32 @!p1 s0, $0x2  }
0x246: {  	v12 =	vld @!p1 [tilespmem:s0+$0x480];
	_ =	sdelay $0x4  }
0x247: {  	v13 =	vshll.u32 @!p1 v12, $0x3  }
0x248: {  	v14 =	vlaneseq.u32 @!p1;
	v12 =	vand.u32 @!p1 $0x7, v12;
	v13 =	vand.u32 @!p1 $0xFFFFFFC0, v13  }
0x249: {  	v15 =	vshrl.u32 @!p1 v14, $0x3;
	v12 =	vor.u32 @!p1 v12, v13;
	v13 =	vand.u32 @!p1 $0x7, v14  }
0x24a: {  	v15 =	vmul.u32 @!p1 $0x8, v15;
	v16 =	vperm.xlane @!p1 v12, v13;
	_ =	sdelay $0x1  }
0x24b: {  	v16 =	vadd.s32 @!p1 v15, v16;
	_ =	sdelay $0x3  }
0x24c: {  	vm4 =	vmmov @!p1 $0xffff;
	s1 =	simm.s32 @!p1 $0x0;
	s2 =	simm.s32 @!p1 $0xB00  }
0x24d: {  	v14 =	vor.u32 @!p1 $0x8, v14;
	[tilespmem:s2], [sflag:$0x1] =	stream.indirect_vreg.gather @!p1 [hbm4b:s15+s1], $0x80, v16, vm4, $0xb8;
	[tilespmem:$0x18B00] =	vst v63  }
0x24e: {  	s3 =	rddreg [dreg:$0xb];
	v12 =	vperm.xlane @!p1 v12, v14;
	s2 =	simm.s32 @!p1 $0x1300  }
0x24f: {  	[tilespmem:s2], [sflag:$0x1] =	stream.indirect_vreg.gather @!p1 [hbm4b:s3+s1], $0x80, v16, vm4, $0xb8;
	[tilespmem:$0x18B00] =	vst v63  }
0x250: {  	s4 =	rddreg [dreg:$0xc];
	v12 =	vadd.s32 @!p1 v15, v12;
	s2 =	simm.s32 @!p1 $0x1B00  }
0x251: {  	[tilespmem:s2], [sflag:$0x1] =	stream.indirect_vreg.gather @!p1 [hbm4b:s4+s1], $0x80, v16, vm4, $0xb8;
	[tilespmem:$0x18B00] =	vst v63  }
0x252: {  	s5 =	rddreg [dreg:$0xd];
	s2 =	simm.s32 @!p1 $0x2300  }
0x253: {  	[tilespmem:s2], [sflag:$0x1] =	stream.indirect_vreg.gather @!p1 [hbm4b:s5+s1], $0x80, v16, vm4, $0xb8;
	[tilespmem:$0x18B00] =	vst v63  }
0x254: {  	s2 =	simm.s32 @!p1 $0x2B00  }
0x255: {  	[tilespmem:s2], [sflag:$0x1] =	stream.indirect_vreg.gather @!p1 [hbm4b:s15+s1], $0x80, v12, vm4, $0xb8;
	[tilespmem:$0x18B00] =	vst v63  }
0x256: {  	s2 =	simm.s32 @!p1 $0x3300  }
0x257: {  	[tilespmem:s2], [sflag:$0x1] =	stream.indirect_vreg.gather @!p1 [hbm4b:s3+s1], $0x80, v12, vm4, $0xb8;
	[tilespmem:$0x18B00] =	vst v63  }
0x258: {  	s2 =	simm.s32 @!p1 $0x3B00  }
0x259: {  	[tilespmem:s2], [sflag:$0x1] =	stream.indirect_vreg.gather @!p1 [hbm4b:s4+s1], $0x80, v12, vm4, $0xb8;
	[tilespmem:$0x18B00] =	vst v63  }
0x25a: {  	s2 =	simm.s32 @!p1 $0x4300  }
0x25b: {  	[tilespmem:s2], [sflag:$0x1] =	stream.indirect_vreg.gather @!p1 [hbm4b:s5+s1], $0x80, v12, vm4, $0xb8;
	[tilespmem:$0x18B00] =	vst v63  }
0x25c: {  	v12 =	vld.msk @!p1 [tilespmem:s0+$0x490], $0xff;
	_ =	sdelay $0x4  }
0x25d: {  	v14 =	vshll.u32 @!p1 v12, $0x3  }
0x25e: {  	v12 =	vand.u32 @!p1 $0x7, v12;
	v14 =	vand.u32 @!p1 $0xFFFFFFC0, v14  }
0x25f: {  	v12 =	vor.u32 @!p1 v12, v14  }
0x260: {  	v12 =	vperm.xlane @!p1 v12, v13;
	_ =	sdelay $0x1  }
0x261: {  	v12 =	vadd.s32 @!p1 v15, v12;
	_ =	sdelay $0x3  }
0x262: {  	s0 =	simm.s32 @!p1 $0x4B00  }
0x263: {  	[tilespmem:s0], [sflag:$0x1] =	stream.indirect_vreg.gather @!p1 [hbm4b:s15+s1], $0x80, v12, vm4, $0xb8;
	[tilespmem:$0x18B00] =	vst v63  }
0x264: {  	s0 =	simm.s32 @!p1 $0x5300  }
0x265: {  	[tilespmem:s0], [sflag:$0x1] =	stream.indirect_vreg.gather @!p1 [hbm4b:s3+s1], $0x80, v12, vm4, $0xb8;
	[tilespmem:$0x18B00] =	vst v63  }
0x266: {  	s0 =	simm.s32 @!p1 $0x5B00  }
0x267: {  	[tilespmem:s0], [sflag:$0x1] =	stream.indirect_vreg.gather @!p1 [hbm4b:s4+s1], $0x80, v12, vm4, $0xb8;
	[tilespmem:$0x18B00] =	vst v63  }
0x268: {  	s0 =	simm.s32 @!p1 $0x6300  }
0x269: {  	[tilespmem:s0], [sflag:$0x1] =	stream.indirect_vreg.gather @!p1 [hbm4b:s5+s1], $0x80, v12, vm4, $0xb8;
	[tilespmem:$0x18B00] =	vst v63  }
.LBB2_19:
0x26a: {  	s0 =	sor.u32 $0x1, s14  }
0x26b: {  	p1 =	sge.s32 s0, s12  }
.Ltmp16:
0x26c: {  	_ = 	snop;
	(pc) =	sbr.rel @p1 .LBB2_28-.Ltmp16, $1  }
0x26d: {  	_ =	sdelay $0x3  }
0x26e: {  	p1 =	sge.s32 s0, s10  }
.Ltmp17:
0x26f: {  	_ = 	snop;
	(pc) =	sbr.rel @p1 .LBB2_23-.Ltmp17, $4  }
0x270: {  	s1 =	simm.s32 $0x2  }
0x271: {  	_ =	swait.ge [sflag:s1], $0x6000  }
0x272: {  	[sflag:s1] =	ssyncset.done $0x0  }
0x273: {  	[sflag:s1] =	ssyncadd.s32 $0xFFFFA000  }
0x274: {  	s1 =	simm.s32 $0x0;
	s2 =	simm.s32 $0x700;
	s3 =	simm.s32 $0x0  }
.LBB2_22:
0x275: {  	s19 =	sand.u32 $0x1C00, s1  }
0x276: {  	s6 =	sand.u32 $0x60, s3;
	s4 =	sadd.s32 $0x6B00, s19  }
0x277: {  	s5 =	sadd.s32 $0x6B80, s19;
	s7 =	sor.u32 s6, s4  }
0x278: {  	s9 =	sadd.s32 $0x6C80, s19;
	s8 =	sor.u32 s6, s5;
	v12 =	vld [tilespmem:s7+$0x0]  }
0x279: {  	s10 =	sadd.s32 $0x6D00, s19;
	s16 =	sor.u32 s6, s9;
	v13 =	vld [tilespmem:s8+$0x0]  }
0x27a: {  	s11 =	sadd.s32 $0x6D80, s19;
	s17 =	sor.u32 s6, s10;
	v15 =	vld [tilespmem:s16+$0x0]  }
0x27b: {  	s12 =	sadd.s32 $0x6E00, s19;
	s18 =	sor.u32 s6, s11;
	v16 =	vld [tilespmem:s17+$0x0]  }
0x27c: {  	s20 =	sor.u32 s6, s12;
	s7 =	sadd.s32 $0x6C00, s19;
	v17 =	vld [tilespmem:s18+$0x0]  }
0x27d: {  	v18 =	vld [tilespmem:s20+$0x0];
	s17 =	sadd.s32 $0x8B00, s19;
	s14 =	sor.u32 s6, s7  }
0x27e: {  	s20 =	sadd.s32 $0x8B80, s19;
	s22 =	sor.u32 s6, s17;
	v14 =	vld [tilespmem:s14+$0x0]  }
0x27f: {  	s8 =	sadd.s32 $0xAD00, s19;
	s23 =	sor.u32 s6, s20;
	v20 =	vld [tilespmem:s22+$0x0]  }
0x280: {  	s18 =	sor.u32 s6, s8;
	s14 =	sadd.s32 $0x6E80, s19;
	v21 =	vld [tilespmem:s23+$0x0]  }
0x281: {  	s22 =	sadd.s32 $0x8C80, s19;
	v32 =	vld [tilespmem:s18+$0x0];
	s21 =	sor.u32 s6, s14  }
0x282: {  	s23 =	sadd.s32 $0x8D00, s19;
	s25 =	sor.u32 s6, s22;
	v19 =	vld [tilespmem:s21+$0x0]  }
0x283: {  	s26 =	sor.u32 s6, s23;
	s21 =	sadd.s32 $0x8C00, s19;
	v23 =	vld [tilespmem:s25+$0x0]  }
0x284: {  	v24 =	vld [tilespmem:s26+$0x0];
	s25 =	sadd.s32 $0x8E00, s19;
	s24 =	sor.u32 s6, s21  }
0x285: {  	s26 =	sadd.s32 $0x8E80, s19;
	s29 =	sor.u32 s6, s25;
	v22 =	vld [tilespmem:s24+$0x0]  }
0x286: {  	s30 =	sor.u32 s6, s26;
	s24 =	sadd.s32 $0x8D80, s19;
	v26 =	vld [tilespmem:s29+$0x0]  }
0x287: {  	v27 =	vld [tilespmem:s30+$0x0];
	s29 =	sadd.s32 $0xAB80, s19;
	s28 =	sor.u32 s6, s24  }
0x288: {  	s13 =	sor.u32 s6, s29;
	v25 =	vld [tilespmem:s28+$0x0];
	s28 =	sadd.s32 $0xAB00, s19  }
0x289: {  	s30 =	sadd.s32 $0xAC00, s19;
	v29 =	vld [tilespmem:s13+$0x0];
	s31 =	sor.u32 s6, s28  }
0x28a: {  	s16 =	sor.u32 s6, s30;
	v28 =	vld [tilespmem:s31+$0x0];
	s31 =	sadd.s32 $0xAC80, s19  }
0x28b: {  	v30 =	vld [tilespmem:s16+$0x0];
	s16 =	sadd.s32 $0xAD80, s19;
	s13 =	sor.u32 s6, s31  }
0x28c: {  	s18 =	sadd.s32 $0xAE00, s19;
	v31 =	vld [tilespmem:s13+$0x0];
	s13 =	sor.u32 s6, s16  }
0x28d: {  	v12 =	vadd.f32 v13, v12;
	v36 =	vadd.f32 v15, v14;
	s19 =	sadd.s32 $0xAE80, s19;
	v33 =	vld [tilespmem:s13+$0x0];
	s13 =	sor.u32 s6, s18  }
0x28e: {  	v37 =	vadd.f32 v17, v16;
	v39 =	vadd.f32 v21, v20;
	v34 =	vld [tilespmem:s13+$0x0];
	s13 =	sor.u32 s6, s19  }
0x28f: {  	v38 =	vadd.f32 v19, v18;
	v12 =	vadd.f32 v36, v12;
	v35 =	vld [tilespmem:s13+$0x0]  }
0x290: {  	v40 =	vadd.f32 v23, v22;
	v42 =	vadd.f32 v27, v26  }
0x291: {  	v47 =	vadd.f32 v38, v37;
	v41 =	vadd.f32 v25, v24  }
0x292: {  	v48 =	vadd.f32 v40, v39;
	v43 =	vadd.f32 v29, v28  }
0x293: {  	v49 =	vadd.f32 v42, v41;
	v44 =	vadd.f32 v31, v30  }
0x294: {  	v45 =	vadd.f32 v33, v32;
	v46 =	vadd.f32 v35, v34  }
0x295: {  	v12 =	vadd.f32 v47, v12;
	v52 =	vadd.f32 v49, v48  }
0x296: {  	v50 =	vadd.f32 v44, v43;
	v51 =	vadd.f32 v46, v45;
	_ =	sdelay $0x1  }
0x297: {  	v12 =	vadd.f32 v52, v12;
	v53 =	vadd.f32 v51, v50;
	_ =	sdelay $0x1  }
0x298: {  	v12 =	vadd.f32 v53, v12  }
0x299: {  	s6 =	sor.u32 $0x10, s6  }
0x29a: {  	s4 =	sor.u32 s6, s4;
	[tilespmem:s2+$0x0] =	vst.add.f32.msk $0xffff, v12  }
0x29b: {  	s5 =	sor.u32 s6, s5;
	v12 =	vld [tilespmem:s4+$0x0]  }
0x29c: {  	s7 =	sor.u32 s6, s7;
	v54 =	vld [tilespmem:s5+$0x0]  }
0x29d: {  	s9 =	sor.u32 s6, s9;
	v55 =	vld [tilespmem:s7+$0x0]  }
0x29e: {  	s13 =	sor.u32 s6, s10;
	v56 =	vld [tilespmem:s9+$0x0]  }
0x29f: {  	s10 =	sor.u32 s6, s17;
	v57 =	vld [tilespmem:s13+$0x0]  }
0x2a0: {  	s17 =	sor.u32 s6, s24;
	v61 =	vld [tilespmem:s10+$0x0]  }
0x2a1: {  	s24 =	sor.u32 s6, s30;
	v38 =	vld [tilespmem:s17+$0x0]  }
0x2a2: {  	s30 =	sor.u32 s6, s19;
	v43 =	vld [tilespmem:s24+$0x0]  }
0x2a3: {  	s5 =	sor.u32 s6, s11;
	v49 =	vld [tilespmem:s30+$0x0]  }
0x2a4: {  	s7 =	sor.u32 s6, s12;
	v58 =	vld [tilespmem:s5+$0x0]  }
0x2a5: {  	s9 =	sor.u32 s6, s14;
	v59 =	vld [tilespmem:s7+$0x0]  }
0x2a6: {  	s11 =	sor.u32 s6, s20;
	v60 =	vld [tilespmem:s9+$0x0]  }
0x2a7: {  	s12 =	sor.u32 s6, s21;
	v62 =	vld [tilespmem:s11+$0x0]  }
0x2a8: {  	s13 =	sor.u32 s6, s22;
	v63 =	vld [tilespmem:s12+$0x0]  }
0x2a9: {  	s14 =	sor.u32 s6, s23;
	v36 =	vld [tilespmem:s13+$0x0]  }
0x2aa: {  	s20 =	sor.u32 s6, s25;
	v37 =	vld [tilespmem:s14+$0x0]  }
0x2ab: {  	s21 =	sor.u32 s6, s26;
	v39 =	vld [tilespmem:s20+$0x0]  }
0x2ac: {  	s22 =	sor.u32 s6, s28;
	v40 =	vld [tilespmem:s21+$0x0]  }
0x2ad: {  	s23 =	sor.u32 s6, s29;
	v41 =	vld [tilespmem:s22+$0x0]  }
0x2ae: {  	s25 =	sor.u32 s6, s31;
	v42 =	vld [tilespmem:s23+$0x0]  }
0x2af: {  	s26 =	sor.u32 s6, s8;
	v44 =	vld [tilespmem:s25+$0x0]  }
0x2b0: {  	s28 =	sor.u32 s6, s16;
	v45 =	vld [tilespmem:s26+$0x0]  }
0x2b1: {  	s29 =	sor.u32 s6, s18;
	v46 =	vld [tilespmem:s28+$0x0]  }
0x2b2: {  	v47 =	vld [tilespmem:s29+$0x0];
	v12 =	vadd.f32 v54, v12;
	v48 =	vadd.f32 v56, v55  }
0x2b3: {  	v50 =	vadd.f32 v58, v57;
	v51 =	vadd.f32 v60, v59  }
0x2b4: {  	v52 =	vadd.f32 v62, v61;
	v53 =	vadd.f32 v36, v63  }
0x2b5: {  	v54 =	vadd.f32 v38, v37;
	v55 =	vadd.f32 v40, v39  }
0x2b6: {  	v56 =	vadd.f32 v42, v41;
	v57 =	vadd.f32 v44, v43  }
0x2b7: {  	v58 =	vadd.f32 v46, v45;
	v14 =	vadd.f32 v49, v47  }
0x2b8: {  	v12 =	vadd.f32 v48, v12;
	v59 =	vadd.f32 v51, v50  }
0x2b9: {  	v60 =	vadd.f32 v53, v52;
	v61 =	vadd.f32 v55, v54  }
0x2ba: {  	v62 =	vadd.f32 v57, v56;
	v14 =	vadd.f32 v14, v58  }
0x2bb: {  	v12 =	vadd.f32 v59, v12;
	v63 =	vadd.f32 v61, v60  }
0x2bc: {  	p1 =	sne.s32 s3, $0x3E0  }
.Ltmp18:
0x2bd: {  	v14 =	vadd.f32 v14, v62;
	v12 =	vadd.f32 v63, v12;
	(pc) =	sbr.rel @p1 .LBB2_22-.Ltmp18, $4  }
0x2be: {  	_ = 	snop  }
0x2bf: {  	s31 =	sand.u32 $0x380, s3;
	v12 =	vadd.f32 v14, v12  }
0x2c0: {  	s4 =	sor.u32 s6, s31  }
0x2c1: {  	s1 =	sadd.s32 $0x100, s1;
	s2 =	sadd.s32 $0x20, s2;
	s3 =	sadd.s32 $0x20, s3;
	[tilespmem:s4+$0x700] =	vst.add.f32.msk $0xffff, v12  }
.LBB2_23:
0x2c2: {  	s10 =	rddreg [dreg:$0x13]  }
0x2c3: {  	s11 =	rddreg [dreg:$0x14];
	p1 =	sne.s32 s0, s10  }
0x2c4: {  	p2 =	slt.s32 @!p1 s11, $0x1  }
0x2c5: {  	p1 =	por p1, p2  }
.Ltmp19:
0x2c6: {  	_ = 	snop;
	(pc) =	sbr.rel @p1 .LBB2_27-.Ltmp19, $4  }
0x2c7: {  	_ = 	snop  }
0x2c8: {  	s12 =	rddreg [dreg:$0x15]  }
0x2c9: {  	s1 =	simm.s32 $0x0;
	s13 =	rddreg [dreg:$0x17]  }
0x2ca: {  	s9 =	simm.s32 $0x480;
	s14 =	rddreg [dreg:$0x18];
	s0 =	simm.s32 $0x0  }
.LBB2_24:
0x2cb: {  	s2 =	sshll.u32 s1, $0xA;
	s3 =	sshll.u32 s1, $0x7  }
0x2cc: {  	s2 =	sand.u32 $0xFFFFE000, s2;
	s3 =	sand.u32 $0x380, s3  }
0x2cd: {  	s29 =	sand.u32 $0x7000, s0;
	s2 =	sor.u32 s3, s2  }
0x2ce: {  	s3 =	sshrl.u32 s29, $0x2;
	s2 =	sadd.s32 $0x6B00, s2  }
0x2cf: {  	s4 =	sand.u32 $0x70, s0;
	s3 =	sadd.s32 s3, s2  }
0x2d0: {  	s3 =	sadd.s32 s4, s3  }
0x2d1: {  	v12 =	vld [tilespmem:s3+$0x0]  }
0x2d2: {  	s30 =	simm.s32 $0x200  }
0x2d3: {  	s3 =	sand.u32 $0x7000, s30  }
0x2d4: {  	s31 =	simm.s32 $0x10;
	s5 =	sshrl.u32 s3, $0x2  }
0x2d5: {  	s4 =	sand.u32 $0x70, s31;
	s3 =	simm.s32 $0x700;
	s5 =	sadd.s32 s5, s2  }
0x2d6: {  	s5 =	sadd.s32 s4, s5;
	[tilespmem:s3+$0x0] =	vst.add.f32.msk $0xffff, v12  }
0x2d7: {  	s4 =	simm.s32 $0x20;
	v12 =	vld [tilespmem:s5+$0x0];
	s5 =	simm.s32 $0x400  }
.LBB2_25:
0x2d8: {  	s6 =	sand.u32 $0x7000, s5  }
0x2d9: {  	p1 =	sne.s32 s4, $0x3F0;
	s7 =	smov.u32 s4;
	s4 =	sadd.s32 $0x10, s4  }
.Ltmp20:
0x2da: {  	s6 =	sshrl.u32 s6, $0x2;
	(pc) =	sbr.rel @p1 .LBB2_25-.Ltmp20, $4  }
0x2db: {  	s3 =	sadd.s32 $0x10, s3;
	s7 =	sand.u32 $0x70, s7;
	s6 =	sadd.s32 s6, s2  }
0x2dc: {  	s6 =	sadd.s32 s7, s6;
	[tilespmem:s3+$0x0] =	vst.add.f32.msk $0xffff, v12  }
0x2dd: {  	v12 =	vld [tilespmem:s6+$0x0]  }
0x2de: {  	s5 =	sadd.s32 $0x200, s5  }
0x2df: {  	s1 =	sadd.s32 $0x1, s1  }
0x2e0: {  	p1 =	sne.s32 s1, s11  }
.Ltmp21:
0x2e1: {  	_ = 	snop;
	(pc) =	sbr.rel @p1 .LBB2_24-.Ltmp21, $3  }
0x2e2: {  	_ =	sdelay $0x1  }
0x2e3: {  	s2 =	sadd.s32 $0x10, s3  }
0x2e4: {  	[tilespmem:s2+$0x0] =	vst.add.f32.msk $0xffff, v12  }
.LBB2_27:
0x2e5: {  	s0 =	sadd.s32 $0x5, s14  }
0x2e6: {  	p1 =	sge.s32 s0, s12  }
0x2e7: {  	s0 =	smul.u32 @!p1 $0x60, s0;
	_ =	sdelay $0x1  }
0x2e8: {  	s0 =	sshra.s32 @!p1 s0, $0x2  }
0x2e9: {  	v12 =	vld @!p1 [tilespmem:s0+$0x480];
	_ =	sdelay $0x4  }
0x2ea: {  	v13 =	vshll.u32 @!p1 v12, $0x3  }
0x2eb: {  	v14 =	vlaneseq.u32 @!p1;
	v12 =	vand.u32 @!p1 $0x7, v12;
	v13 =	vand.u32 @!p1 $0xFFFFFFC0, v13  }
0x2ec: {  	v15 =	vshrl.u32 @!p1 v14, $0x3;
	v12 =	vor.u32 @!p1 v12, v13;
	v13 =	vand.u32 @!p1 $0x7, v14  }
0x2ed: {  	v15 =	vmul.u32 @!p1 $0x8, v15;
	v16 =	vperm.xlane @!p1 v12, v13;
	_ =	sdelay $0x1  }
0x2ee: {  	v16 =	vadd.s32 @!p1 v15, v16;
	_ =	sdelay $0x3  }
0x2ef: {  	vm4 =	vmmov @!p1 $0xffff;
	s1 =	simm.s32 @!p1 $0x0;
	s2 =	simm.s32 @!p1 $0x6B00  }
0x2f0: {  	v14 =	vor.u32 @!p1 $0x8, v14;
	[tilespmem:s2], [sflag:$0x2] =	stream.indirect_vreg.gather @!p1 [hbm4b:s15+s1], $0x80, v16, vm4, $0xb8;
	[tilespmem:$0x18B00] =	vst v63  }
0x2f1: {  	s3 =	rddreg [dreg:$0xb];
	v12 =	vperm.xlane @!p1 v12, v14;
	s2 =	simm.s32 @!p1 $0x7300  }
0x2f2: {  	[tilespmem:s2], [sflag:$0x2] =	stream.indirect_vreg.gather @!p1 [hbm4b:s3+s1], $0x80, v16, vm4, $0xb8;
	[tilespmem:$0x18B00] =	vst v63  }
0x2f3: {  	s4 =	rddreg [dreg:$0xc];
	v12 =	vadd.s32 @!p1 v15, v12;
	s2 =	simm.s32 @!p1 $0x7B00  }
0x2f4: {  	[tilespmem:s2], [sflag:$0x2] =	stream.indirect_vreg.gather @!p1 [hbm4b:s4+s1], $0x80, v16, vm4, $0xb8;
	[tilespmem:$0x18B00] =	vst v63  }
0x2f5: {  	s5 =	rddreg [dreg:$0xd];
	s2 =	simm.s32 @!p1 $0x8300  }
0x2f6: {  	[tilespmem:s2], [sflag:$0x2] =	stream.indirect_vreg.gather @!p1 [hbm4b:s5+s1], $0x80, v16, vm4, $0xb8;
	[tilespmem:$0x18B00] =	vst v63  }
0x2f7: {  	s2 =	simm.s32 @!p1 $0x8B00  }
0x2f8: {  	[tilespmem:s2], [sflag:$0x2] =	stream.indirect_vreg.gather @!p1 [hbm4b:s15+s1], $0x80, v12, vm4, $0xb8;
	[tilespmem:$0x18B00] =	vst v63  }
0x2f9: {  	s2 =	simm.s32 @!p1 $0x9300  }
0x2fa: {  	[tilespmem:s2], [sflag:$0x2] =	stream.indirect_vreg.gather @!p1 [hbm4b:s3+s1], $0x80, v12, vm4, $0xb8;
	[tilespmem:$0x18B00] =	vst v63  }
0x2fb: {  	s2 =	simm.s32 @!p1 $0x9B00  }
0x2fc: {  	[tilespmem:s2], [sflag:$0x2] =	stream.indirect_vreg.gather @!p1 [hbm4b:s4+s1], $0x80, v12, vm4, $0xb8;
	[tilespmem:$0x18B00] =	vst v63  }
0x2fd: {  	s2 =	simm.s32 @!p1 $0xA300  }
0x2fe: {  	[tilespmem:s2], [sflag:$0x2] =	stream.indirect_vreg.gather @!p1 [hbm4b:s5+s1], $0x80, v12, vm4, $0xb8;
	[tilespmem:$0x18B00] =	vst v63  }
0x2ff: {  	v12 =	vld.msk @!p1 [tilespmem:s0+$0x490], $0xff;
	_ =	sdelay $0x4  }
0x300: {  	v14 =	vshll.u32 @!p1 v12, $0x3  }
0x301: {  	v12 =	vand.u32 @!p1 $0x7, v12;
	v14 =	vand.u32 @!p1 $0xFFFFFFC0, v14  }
0x302: {  	v12 =	vor.u32 @!p1 v12, v14  }
0x303: {  	v12 =	vperm.xlane @!p1 v12, v13;
	_ =	sdelay $0x1  }
0x304: {  	v12 =	vadd.s32 @!p1 v15, v12;
	_ =	sdelay $0x3  }
0x305: {  	s0 =	simm.s32 @!p1 $0xAB00  }
0x306: {  	[tilespmem:s0], [sflag:$0x2] =	stream.indirect_vreg.gather @!p1 [hbm4b:s15+s1], $0x80, v12, vm4, $0xb8;
	[tilespmem:$0x18B00] =	vst v63  }
0x307: {  	s0 =	simm.s32 @!p1 $0xB300  }
0x308: {  	[tilespmem:s0], [sflag:$0x2] =	stream.indirect_vreg.gather @!p1 [hbm4b:s3+s1], $0x80, v12, vm4, $0xb8;
	[tilespmem:$0x18B00] =	vst v63  }
0x309: {  	s0 =	simm.s32 @!p1 $0xBB00  }
0x30a: {  	[tilespmem:s0], [sflag:$0x2] =	stream.indirect_vreg.gather @!p1 [hbm4b:s4+s1], $0x80, v12, vm4, $0xb8;
	[tilespmem:$0x18B00] =	vst v63  }
0x30b: {  	s0 =	simm.s32 @!p1 $0xC300  }
0x30c: {  	[tilespmem:s0], [sflag:$0x2] =	stream.indirect_vreg.gather @!p1 [hbm4b:s5+s1], $0x80, v12, vm4, $0xb8;
	[tilespmem:$0x18B00] =	vst v63  }
.LBB2_28:
0x30d: {  	s0 =	sor.u32 $0x2, s14  }
0x30e: {  	p1 =	sge.s32 s0, s12  }
.Ltmp22:
0x30f: {  	_ = 	snop;
	(pc) =	sbr.rel @p1 .LBB2_37-.Ltmp22, $1  }
0x310: {  	_ =	sdelay $0x3  }
0x311: {  	p1 =	sge.s32 s0, s10  }
.Ltmp23:
0x312: {  	_ = 	snop;
	(pc) =	sbr.rel @p1 .LBB2_32-.Ltmp23, $4  }
0x313: {  	s1 =	simm.s32 $0x3  }
0x314: {  	_ =	swait.ge [sflag:s1], $0x6000  }
0x315: {  	[sflag:s1] =	ssyncset.done $0x0  }
0x316: {  	[sflag:s1] =	ssyncadd.s32 $0xFFFFA000  }
0x317: {  	s1 =	simm.s32 $0x0;
	s2 =	simm.s32 $0x700;
	s3 =	simm.s32 $0x0  }
.LBB2_31:
0x318: {  	s19 =	sand.u32 $0x1C00, s1  }
0x319: {  	s6 =	sand.u32 $0x60, s3;
	s4 =	sadd.s32 $0xCB00, s19  }
0x31a: {  	s5 =	sadd.s32 $0xCB80, s19;
	s7 =	sor.u32 s6, s4  }
0x31b: {  	s9 =	sadd.s32 $0xCC80, s19;
	s8 =	sor.u32 s6, s5;
	v12 =	vld [tilespmem:s7+$0x0]  }
0x31c: {  	s10 =	sadd.s32 $0xCD00, s19;
	s16 =	sor.u32 s6, s9;
	v13 =	vld [tilespmem:s8+$0x0]  }
0x31d: {  	s11 =	sadd.s32 $0xCD80, s19;
	s17 =	sor.u32 s6, s10;
	v15 =	vld [tilespmem:s16+$0x0]  }
0x31e: {  	s12 =	sadd.s32 $0xCE00, s19;
	s18 =	sor.u32 s6, s11;
	v16 =	vld [tilespmem:s17+$0x0]  }
0x31f: {  	s20 =	sor.u32 s6, s12;
	s7 =	sadd.s32 $0xCC00, s19;
	v17 =	vld [tilespmem:s18+$0x0]  }
0x320: {  	v18 =	vld [tilespmem:s20+$0x0];
	s17 =	sadd.s32 $0xEB00, s19;
	s14 =	sor.u32 s6, s7  }
0x321: {  	s20 =	sadd.s32 $0xEB80, s19;
	s22 =	sor.u32 s6, s17;
	v14 =	vld [tilespmem:s14+$0x0]  }
0x322: {  	s8 =	sadd.s32 $0x10D00, s19;
	s23 =	sor.u32 s6, s20;
	v20 =	vld [tilespmem:s22+$0x0]  }
0x323: {  	s18 =	sor.u32 s6, s8;
	s14 =	sadd.s32 $0xCE80, s19;
	v21 =	vld [tilespmem:s23+$0x0]  }
0x324: {  	s22 =	sadd.s32 $0xEC80, s19;
	v32 =	vld [tilespmem:s18+$0x0];
	s21 =	sor.u32 s6, s14  }
0x325: {  	s23 =	sadd.s32 $0xED00, s19;
	s25 =	sor.u32 s6, s22;
	v19 =	vld [tilespmem:s21+$0x0]  }
0x326: {  	s26 =	sor.u32 s6, s23;
	s21 =	sadd.s32 $0xEC00, s19;
	v23 =	vld [tilespmem:s25+$0x0]  }
0x327: {  	v24 =	vld [tilespmem:s26+$0x0];
	s25 =	sadd.s32 $0xEE00, s19;
	s24 =	sor.u32 s6, s21  }
0x328: {  	s26 =	sadd.s32 $0xEE80, s19;
	s29 =	sor.u32 s6, s25;
	v22 =	vld [tilespmem:s24+$0x0]  }
0x329: {  	s30 =	sor.u32 s6, s26;
	s24 =	sadd.s32 $0xED80, s19;
	v26 =	vld [tilespmem:s29+$0x0]  }
0x32a: {  	v27 =	vld [tilespmem:s30+$0x0];
	s29 =	sadd.s32 $0x10B80, s19;
	s28 =	sor.u32 s6, s24  }
0x32b: {  	s13 =	sor.u32 s6, s29;
	v25 =	vld [tilespmem:s28+$0x0];
	s28 =	sadd.s32 $0x10B00, s19  }
0x32c: {  	s30 =	sadd.s32 $0x10C00, s19;
	v29 =	vld [tilespmem:s13+$0x0];
	s31 =	sor.u32 s6, s28  }
0x32d: {  	s16 =	sor.u32 s6, s30;
	v28 =	vld [tilespmem:s31+$0x0];
	s31 =	sadd.s32 $0x10C80, s19  }
0x32e: {  	v30 =	vld [tilespmem:s16+$0x0];
	s16 =	sadd.s32 $0x10D80, s19;
	s13 =	sor.u32 s6, s31  }
0x32f: {  	s18 =	sadd.s32 $0x10E00, s19;
	v31 =	vld [tilespmem:s13+$0x0];
	s13 =	sor.u32 s6, s16  }
0x330: {  	v12 =	vadd.f32 v13, v12;
	v36 =	vadd.f32 v15, v14;
	s19 =	sadd.s32 $0x10E80, s19;
	v33 =	vld [tilespmem:s13+$0x0];
	s13 =	sor.u32 s6, s18  }
0x331: {  	v37 =	vadd.f32 v17, v16;
	v39 =	vadd.f32 v21, v20;
	v34 =	vld [tilespmem:s13+$0x0];
	s13 =	sor.u32 s6, s19  }
0x332: {  	v38 =	vadd.f32 v19, v18;
	v12 =	vadd.f32 v36, v12;
	v35 =	vld [tilespmem:s13+$0x0]  }
0x333: {  	v40 =	vadd.f32 v23, v22;
	v42 =	vadd.f32 v27, v26  }
0x334: {  	v47 =	vadd.f32 v38, v37;
	v41 =	vadd.f32 v25, v24  }
0x335: {  	v48 =	vadd.f32 v40, v39;
	v43 =	vadd.f32 v29, v28  }
0x336: {  	v49 =	vadd.f32 v42, v41;
	v44 =	vadd.f32 v31, v30  }
0x337: {  	v45 =	vadd.f32 v33, v32;
	v46 =	vadd.f32 v35, v34  }
0x338: {  	v12 =	vadd.f32 v47, v12;
	v52 =	vadd.f32 v49, v48  }
0x339: {  	v50 =	vadd.f32 v44, v43;
	v51 =	vadd.f32 v46, v45;
	_ =	sdelay $0x1  }
0x33a: {  	v12 =	vadd.f32 v52, v12;
	v53 =	vadd.f32 v51, v50;
	_ =	sdelay $0x1  }
0x33b: {  	v12 =	vadd.f32 v53, v12  }
0x33c: {  	s6 =	sor.u32 $0x10, s6  }
0x33d: {  	s4 =	sor.u32 s6, s4;
	[tilespmem:s2+$0x0] =	vst.add.f32.msk $0xffff, v12  }
0x33e: {  	s5 =	sor.u32 s6, s5;
	v12 =	vld [tilespmem:s4+$0x0]  }
0x33f: {  	s7 =	sor.u32 s6, s7;
	v54 =	vld [tilespmem:s5+$0x0]  }
0x340: {  	s9 =	sor.u32 s6, s9;
	v55 =	vld [tilespmem:s7+$0x0]  }
0x341: {  	s13 =	sor.u32 s6, s10;
	v56 =	vld [tilespmem:s9+$0x0]  }
0x342: {  	s10 =	sor.u32 s6, s17;
	v57 =	vld [tilespmem:s13+$0x0]  }
0x343: {  	s17 =	sor.u32 s6, s24;
	v61 =	vld [tilespmem:s10+$0x0]  }
0x344: {  	s24 =	sor.u32 s6, s30;
	v38 =	vld [tilespmem:s17+$0x0]  }
0x345: {  	s30 =	sor.u32 s6, s19;
	v43 =	vld [tilespmem:s24+$0x0]  }
0x346: {  	s5 =	sor.u32 s6, s11;
	v49 =	vld [tilespmem:s30+$0x0]  }
0x347: {  	s7 =	sor.u32 s6, s12;
	v58 =	vld [tilespmem:s5+$0x0]  }
0x348: {  	s9 =	sor.u32 s6, s14;
	v59 =	vld [tilespmem:s7+$0x0]  }
0x349: {  	s11 =	sor.u32 s6, s20;
	v60 =	vld [tilespmem:s9+$0x0]  }
0x34a: {  	s12 =	sor.u32 s6, s21;
	v62 =	vld [tilespmem:s11+$0x0]  }
0x34b: {  	s13 =	sor.u32 s6, s22;
	v63 =	vld [tilespmem:s12+$0x0]  }
0x34c: {  	s14 =	sor.u32 s6, s23;
	v36 =	vld [tilespmem:s13+$0x0]  }
0x34d: {  	s20 =	sor.u32 s6, s25;
	v37 =	vld [tilespmem:s14+$0x0]  }
0x34e: {  	s21 =	sor.u32 s6, s26;
	v39 =	vld [tilespmem:s20+$0x0]  }
0x34f: {  	s22 =	sor.u32 s6, s28;
	v40 =	vld [tilespmem:s21+$0x0]  }
0x350: {  	s23 =	sor.u32 s6, s29;
	v41 =	vld [tilespmem:s22+$0x0]  }
0x351: {  	s25 =	sor.u32 s6, s31;
	v42 =	vld [tilespmem:s23+$0x0]  }
0x352: {  	s26 =	sor.u32 s6, s8;
	v44 =	vld [tilespmem:s25+$0x0]  }
0x353: {  	s28 =	sor.u32 s6, s16;
	v45 =	vld [tilespmem:s26+$0x0]  }
0x354: {  	s29 =	sor.u32 s6, s18;
	v46 =	vld [tilespmem:s28+$0x0]  }
0x355: {  	v47 =	vld [tilespmem:s29+$0x0];
	v12 =	vadd.f32 v54, v12;
	v48 =	vadd.f32 v56, v55  }
0x356: {  	v50 =	vadd.f32 v58, v57;
	v51 =	vadd.f32 v60, v59  }
0x357: {  	v52 =	vadd.f32 v62, v61;
	v53 =	vadd.f32 v36, v63  }
0x358: {  	v54 =	vadd.f32 v38, v37;
	v55 =	vadd.f32 v40, v39  }
0x359: {  	v56 =	vadd.f32 v42, v41;
	v57 =	vadd.f32 v44, v43  }
0x35a: {  	v58 =	vadd.f32 v46, v45;
	v14 =	vadd.f32 v49, v47  }
0x35b: {  	v12 =	vadd.f32 v48, v12;
	v59 =	vadd.f32 v51, v50  }
0x35c: {  	v60 =	vadd.f32 v53, v52;
	v61 =	vadd.f32 v55, v54  }
0x35d: {  	v62 =	vadd.f32 v57, v56;
	v14 =	vadd.f32 v14, v58  }
0x35e: {  	v12 =	vadd.f32 v59, v12;
	v63 =	vadd.f32 v61, v60  }
0x35f: {  	p1 =	sne.s32 s3, $0x3E0  }
.Ltmp24:
0x360: {  	v14 =	vadd.f32 v14, v62;
	v12 =	vadd.f32 v63, v12;
	(pc) =	sbr.rel @p1 .LBB2_31-.Ltmp24, $4  }
0x361: {  	_ = 	snop  }
0x362: {  	s31 =	sand.u32 $0x380, s3;
	v12 =	vadd.f32 v14, v12  }
0x363: {  	s4 =	sor.u32 s6, s31  }
0x364: {  	s1 =	sadd.s32 $0x100, s1;
	s2 =	sadd.s32 $0x20, s2;
	s3 =	sadd.s32 $0x20, s3;
	[tilespmem:s4+$0x700] =	vst.add.f32.msk $0xffff, v12  }
.LBB2_32:
0x365: {  	s10 =	rddreg [dreg:$0x13]  }
0x366: {  	s11 =	rddreg [dreg:$0x14];
	p1 =	sne.s32 s0, s10  }
0x367: {  	p2 =	slt.s32 @!p1 s11, $0x1  }
0x368: {  	p1 =	por p1, p2  }
.Ltmp25:
0x369: {  	_ = 	snop;
	(pc) =	sbr.rel @p1 .LBB2_36-.Ltmp25, $4  }
0x36a: {  	_ = 	snop  }
0x36b: {  	s12 =	rddreg [dreg:$0x15]  }
0x36c: {  	s1 =	simm.s32 $0x0;
	s13 =	rddreg [dreg:$0x17]  }
0x36d: {  	s9 =	simm.s32 $0x480;
	s14 =	rddreg [dreg:$0x18];
	s0 =	simm.s32 $0x0  }
.LBB2_33:
0x36e: {  	s2 =	sshll.u32 s1, $0xA;
	s3 =	sshll.u32 s1, $0x7  }
0x36f: {  	s2 =	sand.u32 $0xFFFFE000, s2;
	s3 =	sand.u32 $0x380, s3  }
0x370: {  	s29 =	sand.u32 $0x7000, s0;
	s2 =	sor.u32 s3, s2  }
0x371: {  	s3 =	sshrl.u32 s29, $0x2;
	s2 =	sadd.s32 $0xCB00, s2  }
0x372: {  	s4 =	sand.u32 $0x70, s0;
	s3 =	sadd.s32 s3, s2  }
0x373: {  	s3 =	sadd.s32 s4, s3  }
0x374: {  	v12 =	vld [tilespmem:s3+$0x0]  }
0x375: {  	s30 =	simm.s32 $0x200  }
0x376: {  	s3 =	sand.u32 $0x7000, s30  }
0x377: {  	s31 =	simm.s32 $0x10;
	s5 =	sshrl.u32 s3, $0x2  }
0x378: {  	s4 =	sand.u32 $0x70, s31;
	s3 =	simm.s32 $0x700;
	s5 =	sadd.s32 s5, s2  }
0x379: {  	s5 =	sadd.s32 s4, s5;
	[tilespmem:s3+$0x0] =	vst.add.f32.msk $0xffff, v12  }
0x37a: {  	s4 =	simm.s32 $0x20;
	v12 =	vld [tilespmem:s5+$0x0];
	s5 =	simm.s32 $0x400  }
.LBB2_34:
0x37b: {  	s6 =	sand.u32 $0x7000, s5  }
0x37c: {  	p1 =	sne.s32 s4, $0x3F0;
	s7 =	smov.u32 s4;
	s4 =	sadd.s32 $0x10, s4  }
.Ltmp26:
0x37d: {  	s6 =	sshrl.u32 s6, $0x2;
	(pc) =	sbr.rel @p1 .LBB2_34-.Ltmp26, $4  }
0x37e: {  	s3 =	sadd.s32 $0x10, s3;
	s7 =	sand.u32 $0x70, s7;
	s6 =	sadd.s32 s6, s2  }
0x37f: {  	s6 =	sadd.s32 s7, s6;
	[tilespmem:s3+$0x0] =	vst.add.f32.msk $0xffff, v12  }
0x380: {  	v12 =	vld [tilespmem:s6+$0x0]  }
0x381: {  	s5 =	sadd.s32 $0x200, s5  }
0x382: {  	s1 =	sadd.s32 $0x1, s1  }
0x383: {  	p1 =	sne.s32 s1, s11  }
.Ltmp27:
0x384: {  	_ = 	snop;
	(pc) =	sbr.rel @p1 .LBB2_33-.Ltmp27, $3  }
0x385: {  	_ =	sdelay $0x1  }
0x386: {  	s2 =	sadd.s32 $0x10, s3  }
0x387: {  	[tilespmem:s2+$0x0] =	vst.add.f32.msk $0xffff, v12  }
.LBB2_36:
0x388: {  	s0 =	sadd.s32 $0x6, s14  }
0x389: {  	p1 =	sge.s32 s0, s12  }
0x38a: {  	s0 =	smul.u32 @!p1 $0x60, s0;
	_ =	sdelay $0x1  }
0x38b: {  	s0 =	sshra.s32 @!p1 s0, $0x2  }
0x38c: {  	v12 =	vld @!p1 [tilespmem:s0+$0x480];
	_ =	sdelay $0x4  }
0x38d: {  	v13 =	vshll.u32 @!p1 v12, $0x3  }
0x38e: {  	v14 =	vlaneseq.u32 @!p1;
	v12 =	vand.u32 @!p1 $0x7, v12;
	v13 =	vand.u32 @!p1 $0xFFFFFFC0, v13  }
0x38f: {  	v15 =	vshrl.u32 @!p1 v14, $0x3;
	v12 =	vor.u32 @!p1 v12, v13;
	v13 =	vand.u32 @!p1 $0x7, v14  }
0x390: {  	v15 =	vmul.u32 @!p1 $0x8, v15;
	v16 =	vperm.xlane @!p1 v12, v13;
	_ =	sdelay $0x1  }
0x391: {  	v16 =	vadd.s32 @!p1 v15, v16;
	_ =	sdelay $0x3  }
0x392: {  	vm4 =	vmmov @!p1 $0xffff;
	s1 =	simm.s32 @!p1 $0x0;
	s2 =	simm.s32 @!p1 $0xCB00  }
0x393: {  	v14 =	vor.u32 @!p1 $0x8, v14;
	[tilespmem:s2], [sflag:$0x3] =	stream.indirect_vreg.gather @!p1 [hbm4b:s15+s1], $0x80, v16, vm4, $0xb8;
	[tilespmem:$0x18B00] =	vst v63  }
0x394: {  	s3 =	rddreg [dreg:$0xb];
	v12 =	vperm.xlane @!p1 v12, v14;
	s2 =	simm.s32 @!p1 $0xD300  }
0x395: {  	[tilespmem:s2], [sflag:$0x3] =	stream.indirect_vreg.gather @!p1 [hbm4b:s3+s1], $0x80, v16, vm4, $0xb8;
	[tilespmem:$0x18B00] =	vst v63  }
0x396: {  	s4 =	rddreg [dreg:$0xc];
	v12 =	vadd.s32 @!p1 v15, v12;
	s2 =	simm.s32 @!p1 $0xDB00  }
0x397: {  	[tilespmem:s2], [sflag:$0x3] =	stream.indirect_vreg.gather @!p1 [hbm4b:s4+s1], $0x80, v16, vm4, $0xb8;
	[tilespmem:$0x18B00] =	vst v63  }
0x398: {  	s5 =	rddreg [dreg:$0xd];
	s2 =	simm.s32 @!p1 $0xE300  }
0x399: {  	[tilespmem:s2], [sflag:$0x3] =	stream.indirect_vreg.gather @!p1 [hbm4b:s5+s1], $0x80, v16, vm4, $0xb8;
	[tilespmem:$0x18B00] =	vst v63  }
0x39a: {  	s2 =	simm.s32 @!p1 $0xEB00  }
0x39b: {  	[tilespmem:s2], [sflag:$0x3] =	stream.indirect_vreg.gather @!p1 [hbm4b:s15+s1], $0x80, v12, vm4, $0xb8;
	[tilespmem:$0x18B00] =	vst v63  }
0x39c: {  	s2 =	simm.s32 @!p1 $0xF300  }
0x39d: {  	[tilespmem:s2], [sflag:$0x3] =	stream.indirect_vreg.gather @!p1 [hbm4b:s3+s1], $0x80, v12, vm4, $0xb8;
	[tilespmem:$0x18B00] =	vst v63  }
0x39e: {  	s2 =	simm.s32 @!p1 $0xFB00  }
0x39f: {  	[tilespmem:s2], [sflag:$0x3] =	stream.indirect_vreg.gather @!p1 [hbm4b:s4+s1], $0x80, v12, vm4, $0xb8;
	[tilespmem:$0x18B00] =	vst v63  }
0x3a0: {  	s2 =	simm.s32 @!p1 $0x10300  }
0x3a1: {  	[tilespmem:s2], [sflag:$0x3] =	stream.indirect_vreg.gather @!p1 [hbm4b:s5+s1], $0x80, v12, vm4, $0xb8;
	[tilespmem:$0x18B00] =	vst v63  }
0x3a2: {  	v12 =	vld.msk @!p1 [tilespmem:s0+$0x490], $0xff;
	_ =	sdelay $0x4  }
0x3a3: {  	v14 =	vshll.u32 @!p1 v12, $0x3  }
0x3a4: {  	v12 =	vand.u32 @!p1 $0x7, v12;
	v14 =	vand.u32 @!p1 $0xFFFFFFC0, v14  }
0x3a5: {  	v12 =	vor.u32 @!p1 v12, v14  }
0x3a6: {  	v12 =	vperm.xlane @!p1 v12, v13;
	_ =	sdelay $0x1  }
0x3a7: {  	v12 =	vadd.s32 @!p1 v15, v12;
	_ =	sdelay $0x3  }
0x3a8: {  	s0 =	simm.s32 @!p1 $0x10B00  }
0x3a9: {  	[tilespmem:s0], [sflag:$0x3] =	stream.indirect_vreg.gather @!p1 [hbm4b:s15+s1], $0x80, v12, vm4, $0xb8;
	[tilespmem:$0x18B00] =	vst v63  }
0x3aa: {  	s0 =	simm.s32 @!p1 $0x11300  }
0x3ab: {  	[tilespmem:s0], [sflag:$0x3] =	stream.indirect_vreg.gather @!p1 [hbm4b:s3+s1], $0x80, v12, vm4, $0xb8;
	[tilespmem:$0x18B00] =	vst v63  }
0x3ac: {  	s0 =	simm.s32 @!p1 $0x11B00  }
0x3ad: {  	[tilespmem:s0], [sflag:$0x3] =	stream.indirect_vreg.gather @!p1 [hbm4b:s4+s1], $0x80, v12, vm4, $0xb8;
	[tilespmem:$0x18B00] =	vst v63  }
0x3ae: {  	s0 =	simm.s32 @!p1 $0x12300  }
0x3af: {  	[tilespmem:s0], [sflag:$0x3] =	stream.indirect_vreg.gather @!p1 [hbm4b:s5+s1], $0x80, v12, vm4, $0xb8;
	[tilespmem:$0x18B00] =	vst v63  }
.LBB2_37:
0x3b0: {  	s0 =	sor.u32 $0x3, s14  }
0x3b1: {  	p1 =	sge.s32 s0, s12  }
.Ltmp28:
0x3b2: {  	_ = 	snop;
	(pc) =	sbr.rel @p1 .LBB2_46-.Ltmp28, $1  }
0x3b3: {  	_ =	sdelay $0x3  }
0x3b4: {  	p1 =	sge.s32 s0, s10  }
.Ltmp29:
0x3b5: {  	_ = 	snop;
	(pc) =	sbr.rel @p1 .LBB2_41-.Ltmp29, $4  }
0x3b6: {  	s1 =	simm.s32 $0x4  }
0x3b7: {  	_ =	swait.ge [sflag:s1], $0x6000  }
0x3b8: {  	[sflag:s1] =	ssyncset.done $0x0  }
0x3b9: {  	[sflag:s1] =	ssyncadd.s32 $0xFFFFA000  }
0x3ba: {  	s1 =	simm.s32 $0x0;
	s2 =	simm.s32 $0x700;
	s3 =	simm.s32 $0x0  }
.LBB2_40:
0x3bb: {  	s19 =	sand.u32 $0x1C00, s1  }
0x3bc: {  	s6 =	sand.u32 $0x60, s3;
	s4 =	sadd.s32 $0x12B00, s19  }
0x3bd: {  	s5 =	sadd.s32 $0x12B80, s19;
	s7 =	sor.u32 s6, s4  }
0x3be: {  	s9 =	sadd.s32 $0x12C80, s19;
	s8 =	sor.u32 s6, s5;
	v12 =	vld [tilespmem:s7+$0x0]  }
0x3bf: {  	s10 =	sadd.s32 $0x12D00, s19;
	s16 =	sor.u32 s6, s9;
	v13 =	vld [tilespmem:s8+$0x0]  }
0x3c0: {  	s11 =	sadd.s32 $0x12D80, s19;
	s17 =	sor.u32 s6, s10;
	v15 =	vld [tilespmem:s16+$0x0]  }
0x3c1: {  	s12 =	sadd.s32 $0x12E00, s19;
	s18 =	sor.u32 s6, s11;
	v16 =	vld [tilespmem:s17+$0x0]  }
0x3c2: {  	s20 =	sor.u32 s6, s12;
	s7 =	sadd.s32 $0x12C00, s19;
	v17 =	vld [tilespmem:s18+$0x0]  }
0x3c3: {  	v18 =	vld [tilespmem:s20+$0x0];
	s17 =	sadd.s32 $0x14B00, s19;
	s14 =	sor.u32 s6, s7  }
0x3c4: {  	s20 =	sadd.s32 $0x14B80, s19;
	s22 =	sor.u32 s6, s17;
	v14 =	vld [tilespmem:s14+$0x0]  }
0x3c5: {  	s8 =	sadd.s32 $0x16D00, s19;
	s23 =	sor.u32 s6, s20;
	v20 =	vld [tilespmem:s22+$0x0]  }
0x3c6: {  	s18 =	sor.u32 s6, s8;
	s14 =	sadd.s32 $0x12E80, s19;
	v21 =	vld [tilespmem:s23+$0x0]  }
0x3c7: {  	s22 =	sadd.s32 $0x14C80, s19;
	v32 =	vld [tilespmem:s18+$0x0];
	s21 =	sor.u32 s6, s14  }
0x3c8: {  	s23 =	sadd.s32 $0x14D00, s19;
	s25 =	sor.u32 s6, s22;
	v19 =	vld [tilespmem:s21+$0x0]  }
0x3c9: {  	s26 =	sor.u32 s6, s23;
	s21 =	sadd.s32 $0x14C00, s19;
	v23 =	vld [tilespmem:s25+$0x0]  }
0x3ca: {  	v24 =	vld [tilespmem:s26+$0x0];
	s25 =	sadd.s32 $0x14E00, s19;
	s24 =	sor.u32 s6, s21  }
0x3cb: {  	s26 =	sadd.s32 $0x14E80, s19;
	s29 =	sor.u32 s6, s25;
	v22 =	vld [tilespmem:s24+$0x0]  }
0x3cc: {  	s30 =	sor.u32 s6, s26;
	s24 =	sadd.s32 $0x14D80, s19;
	v26 =	vld [tilespmem:s29+$0x0]  }
0x3cd: {  	v27 =	vld [tilespmem:s30+$0x0];
	s29 =	sadd.s32 $0x16B80, s19;
	s28 =	sor.u32 s6, s24  }
0x3ce: {  	s13 =	sor.u32 s6, s29;
	v25 =	vld [tilespmem:s28+$0x0];
	s28 =	sadd.s32 $0x16B00, s19  }
0x3cf: {  	s30 =	sadd.s32 $0x16C00, s19;
	v29 =	vld [tilespmem:s13+$0x0];
	s31 =	sor.u32 s6, s28  }
0x3d0: {  	s16 =	sor.u32 s6, s30;
	v28 =	vld [tilespmem:s31+$0x0];
	s31 =	sadd.s32 $0x16C80, s19  }
0x3d1: {  	v30 =	vld [tilespmem:s16+$0x0];
	s16 =	sadd.s32 $0x16D80, s19;
	s13 =	sor.u32 s6, s31  }
0x3d2: {  	s18 =	sadd.s32 $0x16E00, s19;
	v31 =	vld [tilespmem:s13+$0x0];
	s13 =	sor.u32 s6, s16  }
0x3d3: {  	v12 =	vadd.f32 v13, v12;
	v36 =	vadd.f32 v15, v14;
	s19 =	sadd.s32 $0x16E80, s19;
	v33 =	vld [tilespmem:s13+$0x0];
	s13 =	sor.u32 s6, s18  }
0x3d4: {  	v37 =	vadd.f32 v17, v16;
	v39 =	vadd.f32 v21, v20;
	v34 =	vld [tilespmem:s13+$0x0];
	s13 =	sor.u32 s6, s19  }
0x3d5: {  	v38 =	vadd.f32 v19, v18;
	v12 =	vadd.f32 v36, v12;
	v35 =	vld [tilespmem:s13+$0x0]  }
0x3d6: {  	v40 =	vadd.f32 v23, v22;
	v42 =	vadd.f32 v27, v26  }
0x3d7: {  	v47 =	vadd.f32 v38, v37;
	v41 =	vadd.f32 v25, v24  }
0x3d8: {  	v48 =	vadd.f32 v40, v39;
	v43 =	vadd.f32 v29, v28  }
0x3d9: {  	v49 =	vadd.f32 v42, v41;
	v44 =	vadd.f32 v31, v30  }
0x3da: {  	v45 =	vadd.f32 v33, v32;
	v46 =	vadd.f32 v35, v34  }
0x3db: {  	v12 =	vadd.f32 v47, v12;
	v52 =	vadd.f32 v49, v48  }
0x3dc: {  	v50 =	vadd.f32 v44, v43;
	v51 =	vadd.f32 v46, v45;
	_ =	sdelay $0x1  }
0x3dd: {  	v12 =	vadd.f32 v52, v12;
	v53 =	vadd.f32 v51, v50;
	_ =	sdelay $0x1  }
0x3de: {  	v12 =	vadd.f32 v53, v12  }
0x3df: {  	s6 =	sor.u32 $0x10, s6  }
0x3e0: {  	s4 =	sor.u32 s6, s4;
	[tilespmem:s2+$0x0] =	vst.add.f32.msk $0xffff, v12  }
0x3e1: {  	s5 =	sor.u32 s6, s5;
	v12 =	vld [tilespmem:s4+$0x0]  }
0x3e2: {  	s7 =	sor.u32 s6, s7;
	v54 =	vld [tilespmem:s5+$0x0]  }
0x3e3: {  	s9 =	sor.u32 s6, s9;
	v55 =	vld [tilespmem:s7+$0x0]  }
0x3e4: {  	s13 =	sor.u32 s6, s10;
	v56 =	vld [tilespmem:s9+$0x0]  }
0x3e5: {  	s10 =	sor.u32 s6, s17;
	v57 =	vld [tilespmem:s13+$0x0]  }
0x3e6: {  	s17 =	sor.u32 s6, s24;
	v61 =	vld [tilespmem:s10+$0x0]  }
0x3e7: {  	s24 =	sor.u32 s6, s30;
	v38 =	vld [tilespmem:s17+$0x0]  }
0x3e8: {  	s30 =	sor.u32 s6, s19;
	v43 =	vld [tilespmem:s24+$0x0]  }
0x3e9: {  	s5 =	sor.u32 s6, s11;
	v49 =	vld [tilespmem:s30+$0x0]  }
0x3ea: {  	s7 =	sor.u32 s6, s12;
	v58 =	vld [tilespmem:s5+$0x0]  }
0x3eb: {  	s9 =	sor.u32 s6, s14;
	v59 =	vld [tilespmem:s7+$0x0]  }
0x3ec: {  	s11 =	sor.u32 s6, s20;
	v60 =	vld [tilespmem:s9+$0x0]  }
0x3ed: {  	s12 =	sor.u32 s6, s21;
	v62 =	vld [tilespmem:s11+$0x0]  }
0x3ee: {  	s13 =	sor.u32 s6, s22;
	v63 =	vld [tilespmem:s12+$0x0]  }
0x3ef: {  	s14 =	sor.u32 s6, s23;
	v36 =	vld [tilespmem:s13+$0x0]  }
0x3f0: {  	s20 =	sor.u32 s6, s25;
	v37 =	vld [tilespmem:s14+$0x0]  }
0x3f1: {  	s21 =	sor.u32 s6, s26;
	v39 =	vld [tilespmem:s20+$0x0]  }
0x3f2: {  	s22 =	sor.u32 s6, s28;
	v40 =	vld [tilespmem:s21+$0x0]  }
0x3f3: {  	s23 =	sor.u32 s6, s29;
	v41 =	vld [tilespmem:s22+$0x0]  }
0x3f4: {  	s25 =	sor.u32 s6, s31;
	v42 =	vld [tilespmem:s23+$0x0]  }
0x3f5: {  	s26 =	sor.u32 s6, s8;
	v44 =	vld [tilespmem:s25+$0x0]  }
0x3f6: {  	s28 =	sor.u32 s6, s16;
	v45 =	vld [tilespmem:s26+$0x0]  }
0x3f7: {  	s29 =	sor.u32 s6, s18;
	v46 =	vld [tilespmem:s28+$0x0]  }
0x3f8: {  	v47 =	vld [tilespmem:s29+$0x0];
	v12 =	vadd.f32 v54, v12;
	v48 =	vadd.f32 v56, v55  }
0x3f9: {  	v50 =	vadd.f32 v58, v57;
	v51 =	vadd.f32 v60, v59  }
0x3fa: {  	v52 =	vadd.f32 v62, v61;
	v53 =	vadd.f32 v36, v63  }
0x3fb: {  	v54 =	vadd.f32 v38, v37;
	v55 =	vadd.f32 v40, v39  }
0x3fc: {  	v56 =	vadd.f32 v42, v41;
	v57 =	vadd.f32 v44, v43  }
0x3fd: {  	v58 =	vadd.f32 v46, v45;
	v14 =	vadd.f32 v49, v47  }
0x3fe: {  	v12 =	vadd.f32 v48, v12;
	v59 =	vadd.f32 v51, v50  }
0x3ff: {  	v60 =	vadd.f32 v53, v52;
	v61 =	vadd.f32 v55, v54  }
0x400: {  	v62 =	vadd.f32 v57, v56;
	v14 =	vadd.f32 v14, v58  }
0x401: {  	v12 =	vadd.f32 v59, v12;
	v63 =	vadd.f32 v61, v60  }
0x402: {  	p1 =	sne.s32 s3, $0x3E0  }
.Ltmp30:
0x403: {  	v14 =	vadd.f32 v14, v62;
	v12 =	vadd.f32 v63, v12;
	(pc) =	sbr.rel @p1 .LBB2_40-.Ltmp30, $4  }
0x404: {  	_ = 	snop  }
0x405: {  	s31 =	sand.u32 $0x380, s3;
	v12 =	vadd.f32 v14, v12  }
0x406: {  	s4 =	sor.u32 s6, s31  }
0x407: {  	s1 =	sadd.s32 $0x100, s1;
	s2 =	sadd.s32 $0x20, s2;
	s3 =	sadd.s32 $0x20, s3;
	[tilespmem:s4+$0x700] =	vst.add.f32.msk $0xffff, v12  }
.LBB2_41:
0x408: {  	s10 =	rddreg [dreg:$0x13]  }
0x409: {  	s11 =	rddreg [dreg:$0x14];
	p1 =	sne.s32 s0, s10  }
0x40a: {  	p2 =	slt.s32 @!p1 s11, $0x1  }
0x40b: {  	p1 =	por p1, p2  }
.Ltmp31:
0x40c: {  	_ = 	snop;
	(pc) =	sbr.rel @p1 .LBB2_45-.Ltmp31, $4  }
0x40d: {  	_ = 	snop  }
0x40e: {  	s12 =	rddreg [dreg:$0x15]  }
0x40f: {  	s1 =	simm.s32 $0x0;
	s13 =	rddreg [dreg:$0x17]  }
0x410: {  	s9 =	simm.s32 $0x480;
	s8 =	rddreg [dreg:$0x18];
	s0 =	simm.s32 $0x0  }
.LBB2_42:
0x411: {  	s2 =	sshll.u32 s1, $0xA;
	s3 =	sshll.u32 s1, $0x7  }
0x412: {  	s2 =	sand.u32 $0xFFFFE000, s2;
	s3 =	sand.u32 $0x380, s3  }
0x413: {  	s29 =	sand.u32 $0x7000, s0;
	s2 =	sor.u32 s3, s2  }
0x414: {  	s3 =	sshrl.u32 s29, $0x2;
	s2 =	sadd.s32 $0x12B00, s2  }
0x415: {  	s4 =	sand.u32 $0x70, s0;
	s3 =	sadd.s32 s3, s2  }
0x416: {  	s3 =	sadd.s32 s4, s3  }
0x417: {  	v12 =	vld [tilespmem:s3+$0x0]  }
0x418: {  	s30 =	simm.s32 $0x200  }
0x419: {  	s3 =	sand.u32 $0x7000, s30  }
0x41a: {  	s31 =	simm.s32 $0x10;
	s5 =	sshrl.u32 s3, $0x2  }
0x41b: {  	s4 =	sand.u32 $0x70, s31;
	s3 =	simm.s32 $0x700;
	s5 =	sadd.s32 s5, s2  }
0x41c: {  	s5 =	sadd.s32 s4, s5;
	[tilespmem:s3+$0x0] =	vst.add.f32.msk $0xffff, v12  }
0x41d: {  	s4 =	simm.s32 $0x20;
	v12 =	vld [tilespmem:s5+$0x0];
	s5 =	simm.s32 $0x400  }
.LBB2_43:
0x41e: {  	s6 =	sand.u32 $0x7000, s5  }
0x41f: {  	p1 =	sne.s32 s4, $0x3F0;
	s7 =	smov.u32 s4;
	s4 =	sadd.s32 $0x10, s4  }
.Ltmp32:
0x420: {  	s6 =	sshrl.u32 s6, $0x2;
	(pc) =	sbr.rel @p1 .LBB2_43-.Ltmp32, $4  }
0x421: {  	s3 =	sadd.s32 $0x10, s3;
	s7 =	sand.u32 $0x70, s7;
	s6 =	sadd.s32 s6, s2  }
0x422: {  	s6 =	sadd.s32 s7, s6;
	[tilespmem:s3+$0x0] =	vst.add.f32.msk $0xffff, v12  }
0x423: {  	v12 =	vld [tilespmem:s6+$0x0]  }
0x424: {  	s5 =	sadd.s32 $0x200, s5  }
0x425: {  	s1 =	sadd.s32 $0x1, s1  }
0x426: {  	p1 =	sne.s32 s1, s11  }
.Ltmp33:
0x427: {  	_ = 	snop;
	(pc) =	sbr.rel @p1 .LBB2_42-.Ltmp33, $4  }
.Ltmp34:
0x428: {  	_ = 	snop;
	(pc) =	sbr.rel @!p1 .LBB2_45-.Ltmp34, $4  }
0x429: {  	_ = 	snop  }
0x42a: {  	s2 =	sadd.s32 $0x10, s3  }
0x42b: {  	[tilespmem:s2+$0x0] =	vst.add.f32.msk $0xffff, v12  }
0x42c: {  	_ = 	snop  }
.LBB2_51:
0x42d: {  	_ =	sfence.sel $0x180000  }
0x42e: {  	[bflag:$0x0] =	sbarrier.arrive $0xFFFF  }
0x42f: {  	_ =	strace $0x90000047  }
0x430: {  	s0 =	stileid.u32;
	[bflag:$0x2] =	sbarrier.arrive $0xFFFF  }
0x431: {  	p0 =	sne.s32 s0, $0x0;
	s0 =	rddreg [dreg:$0x2]  }
0x432: {  	s0 =	sadd.s32 @!p0 $0x100000, s0  }
0x433: {  	[sflag:s0] =	ssyncadd.tile.s32 @!p0 $0x1;
	_ =	shalt  }
.Lfunc_end2:
_tile_overlayer_lowered:
.L_overlay_start_2:
0x434: {  	(tag) =	ssettag $0x2  }
0x435: {  	s0 =	rddreg [dreg:$0x0];
	s2 =	stileid.u32  }
0x436: {  	s1 =	rddreg [dreg:$0x1];
	p0 =	sne.s32 s2, $0x0  }
0x437: {  	s3 =	rddreg [dreg:$0x2];
	[bflag:$0x3] =	sbarrier.arrive $0xFFFF;
	s2 =	simm.s32 @!p0 $0x1C05  }
0x438: {  	[timem:s3], [sflag:s2] =	dma.local @!p0 [hbm:s0], s1  }
0x439: {  	s0 =	simm.s32 @!p0 $0x5  }
0x43a: {  	_ =	swait.ge @!p0 [sflag:s0], s1  }
0x43b: {  	s1 =	ssub.s32 @!p0 $0x0, s1;
	[sflag:s0] =	ssyncset.done @!p0 $0x0  }
0x43c: {  	[sflag:s0] =	ssyncadd.s32 @!p0 s1  }
0x43d: {  	[bflag:$0x3] =	sbarrier.arrive $0xFFFF  }
0x43e: {  	_ =	shalt  }

</sc_bundles>
